<compile_context>
chip_gen: v7x
topology: tpu7x:2x2x1
jax: 0.10.2.dev20260603
libtpu: 0.0.44.dev20260713+nightly
codegen_flags: <defaults>
</compile_context>

<pallas_src>
import functools

import jax
import jax.numpy as jnp
from jax import lax
from jax.experimental import pallas as pl
from jax.experimental.pallas import tpu as pltpu
from jax.experimental.pallas import tpu_sc as plsc

N = 10000
E = 320000
SBIN = 64
D = 128

NC = 2
NS = 16
NW = NC * NS
EPT = E // NW
G = 50
CH = 200
NG = CH // G
NCH = EPT // CH
RPT = 624
RPT_LAST = N - 15 * RPT

_mesh = plsc.VectorSubcoreMesh(core_axis_name="c", subcore_axis_name="s")


def _prep_body(inv_ref, pos_ref, nrm_ref, w1_ref, w2_ref, a_ref, b_ref):
    inv = inv_ref[...]
    pos = pos_ref[...]
    nrm = nrm_ref[...]
    n2 = jnp.sum(nrm * nrm, axis=1, keepdims=True)
    blk = pos.shape[0]
    z = jnp.zeros((blk, D - 7), jnp.float32)
    p1 = jnp.dot(inv, w1_ref[...], preferred_element_type=jnp.float32)
    p2 = jnp.dot(inv, w2_ref[...], preferred_element_type=jnp.float32)
    a_ref[...] = jnp.concatenate([p1, -pos, -nrm, n2, z], axis=1)
    b_ref[...] = jnp.concatenate([p2, pos, nrm, n2, z], axis=1)


def _prep(inv_feat, pos, normal, W1, W2):
    blk = 2000
    return pl.pallas_call(
        _prep_body,
        grid=(N // blk,),
        in_specs=[
            pl.BlockSpec((blk, D), lambda i: (i, 0)),
            pl.BlockSpec((blk, 3), lambda i: (i, 0)),
            pl.BlockSpec((blk, 3), lambda i: (i, 0)),
            pl.BlockSpec((D, D), lambda i: (0, 0)),
            pl.BlockSpec((D, D), lambda i: (0, 0)),
        ],
        out_specs=[
            pl.BlockSpec((blk, 2 * D), lambda i: (i, 0)),
            pl.BlockSpec((blk, 2 * D), lambda i: (i, 0)),
        ],
        out_shape=[
            jax.ShapeDtypeStruct((N, 2 * D), jnp.float32),
            jax.ShapeDtypeStruct((N, 2 * D), jnp.float32),
        ],
    )(inv_feat, pos, normal, W1, W2)


CHG = 80
GG = 80
NCHG = EPT // CHG
DO = 160


@functools.partial(
    pl.kernel,
    mesh=_mesh,
    out_type=[
        jax.ShapeDtypeStruct((E, DO), jnp.float32),
    ],
    scratch_types=[
        pltpu.VMEM((2, GG), jnp.int32),
        pltpu.VMEM((2, GG), jnp.int32),
        pltpu.VMEM((CHG, 2 * D), jnp.float32),
        pltpu.VMEM((CHG, 2 * D), jnp.float32),
        pltpu.VMEM((CHG, 2 * D), jnp.float32),
        pltpu.VMEM((CHG, 2 * D), jnp.float32),
        pltpu.VMEM((CHG, DO), jnp.float32),
        pltpu.SemaphoreType.DMA,
        pltpu.SemaphoreType.DMA,
        pltpu.SemaphoreType.DMA,
    ],
)
def _sc_gather(a_hbm, b_hbm, srcm_hbm, dstm_hbm, srct_hbm, dstt_hbm, gpt_hbm,
               sidx, didx, bufa0, bufb0, bufa1, bufb1, bufo, semI, semA, semB):
    c = lax.axis_index("c")
    s = lax.axis_index("s")
    wid = s * NC + c
    ebase = wid * EPT

    def addrows(bufa, bufb):
        def addrow(r, _):
            for q in range(8):
                ql = pl.ds(q * 16, 16)
                bufo[r, ql] = bufa[r, ql] + bufb[r, ql]
            bufo[r, pl.ds(D, 16)] = bufa[r, pl.ds(D, 16)] + bufb[r, pl.ds(D, 16)]
            return 0

        lax.fori_loop(0, CHG, addrow, 0)

    def pair(k2, carry):
        kA = 2 * k2
        kB = kA + 1
        i1 = pltpu.async_copy(srcm_hbm.at[wid].at[k2], sidx, semI)
        i2 = pltpu.async_copy(dstm_hbm.at[wid].at[k2], didx, semI)
        i1.wait()
        i2.wait()
        dA1 = pltpu.async_copy(a_hbm.at[sidx.at[0]], bufa0, semA)
        dA2 = pltpu.async_copy(b_hbm.at[didx.at[0]], bufb0, semA)
        dB1 = pltpu.async_copy(a_hbm.at[sidx.at[1]], bufa1, semB)
        dB2 = pltpu.async_copy(b_hbm.at[didx.at[1]], bufb1, semB)
        dA1.wait()
        dA2.wait()
        addrows(bufa0, bufb0)
        pltpu.sync_copy(bufo, gpt_hbm.at[pl.ds(ebase + kA * CHG, CHG)])
        dB1.wait()
        dB2.wait()
        addrows(bufa1, bufb1)
        pltpu.sync_copy(bufo, gpt_hbm.at[pl.ds(ebase + kB * CHG, CHG)])
        return carry

    lax.fori_loop(0, NCHG // 2, pair, 0)
    kL = NCHG - 1
    pltpu.sync_copy(srct_hbm.at[wid].at[0], sidx.at[pl.ds(0, 1)])
    pltpu.sync_copy(dstt_hbm.at[wid].at[0], didx.at[pl.ds(0, 1)])
    dL1 = pltpu.async_copy(a_hbm.at[sidx.at[0]], bufa0, semA)
    dL2 = pltpu.async_copy(b_hbm.at[didx.at[0]], bufb0, semA)
    dL1.wait()
    dL2.wait()
    addrows(bufa0, bufb0)
    pltpu.sync_copy(bufo, gpt_hbm.at[pl.ds(ebase + kL * CHG, CHG)])


def _edge_body(gpt_ref, ef_ref, dst_ref, w3_ref, ruv_ref, rcos_ref,
               crow_ref, wpos_ref, wnorm_ref, geo_ref, small_ref):
    gpt = gpt_ref[...]
    gp = gpt[:, :D]
    gt = gpt[:, D:D + 16]
    psub = gt[:, 0:3]
    nsub = gt[:, 3:6]
    sn2 = gt[:, 6:7]
    uv = jnp.sqrt(jnp.sum(psub * psub, axis=1, keepdims=True))
    cosv = 0.5 * (sn2 - jnp.sum(nsub * nsub, axis=1, keepdims=True))
    geo = gp + jnp.dot(ef_ref[...], w3_ref[...],
                       preferred_element_type=jnp.float32)
    geo = geo + uv * ruv_ref[...] + cosv * rcos_ref[...] + crow_ref[...]
    geo = jnp.maximum(geo, 0.0)
    geo_ref[...] = geo
    pw = jnp.maximum(jnp.sum(geo * wpos_ref[...], axis=1, keepdims=True), 0.0)
    nw = jnp.maximum(jnp.sum(geo * wnorm_ref[...], axis=1, keepdims=True), 0.0)
    blk = gt.shape[0]
    one = jnp.ones((blk, 1), jnp.float32)
    small = jnp.concatenate(
        [psub * pw, nsub * nw, one, jnp.zeros((blk, 1), jnp.float32)], axis=1)
    lane = jax.lax.broadcasted_iota(jnp.int32, (blk, D), 1)
    t = (dst_ref[...] % 16) * 8
    acc = jnp.zeros((blk, D), jnp.float32)
    for ccol in range(8):
        acc = acc + jnp.where(lane == t + ccol, small[:, ccol:ccol + 1], 0.0)
    small_ref[...] = acc


def _edge(gpt, ef, dstc, W3, r_uv, r_cos, crow, wposT, wnormT):
    blk = 1000
    return pl.pallas_call(
        _edge_body,
        grid=(E // blk,),
        in_specs=[
            pl.BlockSpec((blk, DO), lambda i: (i, 0)),
            pl.BlockSpec((blk, 16), lambda i: (i, 0)),
            pl.BlockSpec((blk, 1), lambda i: (i, 0)),
            pl.BlockSpec((16, D), lambda i: (0, 0)),
            pl.BlockSpec((1, D), lambda i: (0, 0)),
            pl.BlockSpec((1, D), lambda i: (0, 0)),
            pl.BlockSpec((1, D), lambda i: (0, 0)),
            pl.BlockSpec((1, D), lambda i: (0, 0)),
            pl.BlockSpec((1, D), lambda i: (0, 0)),
        ],
        out_specs=[
            pl.BlockSpec((blk, D), lambda i: (i, 0)),
            pl.BlockSpec((blk, D), lambda i: (i, 0)),
        ],
        out_shape=[
            jax.ShapeDtypeStruct((E, D), jnp.float32),
            jax.ShapeDtypeStruct((E, D), jnp.float32),
        ],
    )(gpt, ef, dstc, W3, r_uv, r_cos, crow, wposT, wnormT)


CHS = 80
NCHS = EPT // CHS
NP = 632


@functools.partial(
    pl.kernel,
    mesh=_mesh,
    out_type=[
        jax.ShapeDtypeStruct((NC, N, D), jnp.float32),
        jax.ShapeDtypeStruct((NC, NP, D), jnp.float32),
    ],
    scratch_types=[
        pltpu.VMEM((1, CHS), jnp.int32),
        pltpu.VMEM((1, CHS), jnp.int32),
        pltpu.VMEM((CHS, D), jnp.float32),
        pltpu.VMEM((CHS, D), jnp.float32),
        pltpu.VMEM_SHARED((N, D), jnp.float32),
        pltpu.VMEM_SHARED((NP, D), jnp.float32),
        pltpu.SemaphoreType.DMA,
        pltpu.SemaphoreType.DMA,
        pltpu.SemaphoreType.DMA,
    ],
)
def _sc_scatter(geo_hbm, small_hbm, dst4_hbm, dst16_hbm, z1_hbm,
                agg_hbm, agg2_hbm, didx, didx2, geob, smallb, agg_sp, acc2_sp,
                semI, semA, semC):
    c = lax.axis_index("c")
    s = lax.axis_index("s")
    wid = s * NC + c
    ebase = wid * EPT

    @pl.when(s < 15)
    def _():
        pltpu.sync_copy(z1_hbm.at[pl.ds(0, RPT)], agg_sp.at[pl.ds(s * RPT, RPT)])

    @pl.when(s == 15)
    def _():
        pltpu.sync_copy(z1_hbm, agg_sp.at[pl.ds(15 * RPT, RPT_LAST)])

    @pl.when(s == 0)
    def _():
        pltpu.sync_copy(z1_hbm.at[pl.ds(0, 320)], acc2_sp.at[pl.ds(0, 320)])

    @pl.when(s == 1)
    def _():
        pltpu.sync_copy(z1_hbm.at[pl.ds(0, 312)], acc2_sp.at[pl.ds(320, 312)])

    plsc.subcore_barrier()

    def chunk(k, carry):
        erow = pl.ds(ebase + k * CHS, CHS)
        i1 = pltpu.async_copy(dst4_hbm.at[wid].at[k], didx, semI)
        i2 = pltpu.async_copy(dst16_hbm.at[wid].at[k], didx2, semI)
        g1 = pltpu.async_copy(geo_hbm.at[erow], geob, semA)
        g2 = pltpu.async_copy(small_hbm.at[erow], smallb, semA)
        i1.wait()
        i2.wait()
        g1.wait()
        g2.wait()
        a1 = pltpu.async_copy(geob, agg_sp.at[didx.at[0]], semC, add=True)
        a2 = pltpu.async_copy(smallb, acc2_sp.at[didx2.at[0]], semC, add=True)
        a1.wait()
        a2.wait()
        return carry

    lax.fori_loop(0, NCHS, chunk, 0)
    plsc.subcore_barrier()

    @pl.when(s < 15)
    def _():
        rows = pl.ds(s * RPT, RPT)
        pltpu.sync_copy(agg_sp.at[rows], agg_hbm.at[c].at[rows])

    @pl.when(s == 15)
    def _():
        rows = pl.ds(15 * RPT, RPT_LAST)
        pltpu.sync_copy(agg_sp.at[rows], agg_hbm.at[c].at[rows])

    @pl.when(s == 0)
    def _():
        half = pl.ds(0, 320)
        pltpu.sync_copy(acc2_sp.at[half], agg2_hbm.at[c].at[half])

    @pl.when(s == 1)
    def _():
        half = pl.ds(320, 312)
        pltpu.sync_copy(acc2_sp.at[half], agg2_hbm.at[c].at[half])

    @pl.when(s < 15)
    def _():
        rows = pl.ds(s * RPT, RPT)
        pltpu.sync_copy(agg_sp.at[rows], agg_hbm.at[c].at[rows])

    @pl.when(s == 15)
    def _():
        rows = pl.ds(15 * RPT, RPT_LAST)
        pltpu.sync_copy(agg_sp.at[rows], agg_hbm.at[c].at[rows])


def _node_body(aggp_ref, inv_ref, w1_ref, w2_ref, crow_ref, o_ref):
    agg = aggp_ref[0] + aggp_ref[1]
    acc = jnp.dot(inv_ref[...], w1_ref[...], preferred_element_type=jnp.float32)
    acc += jnp.dot(agg, w2_ref[...], preferred_element_type=jnp.float32)
    o_ref[...] = jnp.maximum(acc + crow_ref[...], 0.0)


def _node(aggp, inv_feat, Wh1, Wh2, crow):
    blk = 2000
    return pl.pallas_call(
        _node_body,
        grid=(N // blk,),
        in_specs=[
            pl.BlockSpec((NC, blk, D), lambda i: (0, i, 0)),
            pl.BlockSpec((blk, D), lambda i: (i, 0)),
            pl.BlockSpec((D, D), lambda i: (0, 0)),
            pl.BlockSpec((D, D), lambda i: (0, 0)),
            pl.BlockSpec((1, D), lambda i: (0, 0)),
        ],
        out_specs=pl.BlockSpec((blk, D), lambda i: (i, 0)),
        out_shape=jax.ShapeDtypeStruct((N, D), jnp.float32),
    )(aggp, inv_feat, Wh1, Wh2, crow)


def _gat(h, W, al, ar, Wres, b, heads, dout):
    n = h.shape[0]
    feat = (h @ W).reshape(n, heads, dout)
    el = jnp.sum(feat * al[None, :, :], axis=-1)
    er = jnp.sum(feat * ar[None, :, :], axis=-1)
    e = jax.nn.leaky_relu(el[:, None, :] + er[None, :, :], negative_slope=0.2)
    alpha = jax.nn.softmax(e, axis=0)
    rst = jnp.einsum('sdh,sho->dho', alpha, feat)
    rst = rst + (h @ Wres).reshape(n, heads, dout)
    rst = rst + b.reshape(1, heads, dout)
    return jax.nn.elu(rst)


def kernel(pos, normal, inv_feat, edge_index, edge_feat, node_bin, graph_feat,
           W_e, W_pos, W_norm, W_hn, W_graph, W_escore,
           Wg1, al1, ar1, res1, b1, Wg2, al2, ar2, res2, b2):
    srcf = edge_index[0].reshape(NW, EPT).astype(jnp.int32)
    dstf = edge_index[1].reshape(NW, EPT).astype(jnp.int32)
    srcm = srcf[:, :124 * GG].reshape(NW, 62, 2, GG)
    dstm = dstf[:, :124 * GG].reshape(NW, 62, 2, GG)
    srct = srcf[:, 124 * GG:].reshape(NW, 1, 1, GG)
    dstt = dstf[:, 124 * GG:].reshape(NW, 1, 1, GG)
    dst4s = edge_index[1].reshape(NW, NCHS, 1, CHS).astype(jnp.int32)

    W1 = W_e[:D]
    W2 = W_e[D:2 * D]
    r_uv = W_e[2 * D:2 * D + 1]
    r_cos = W_e[2 * D + 1:2 * D + 2]
    W3 = W_e[2 * D + 2:2 * D + 2 + 16]
    W4 = W_e[2 * D + 2 + 16:]
    crow = graph_feat @ W4

    atab, btab = _prep(inv_feat, pos, normal, W1, W2)
    (gpt,) = _sc_gather(atab, btab, srcm, dstm, srct, dstt)
    dstc = edge_index[1].reshape(E, 1).astype(jnp.int32)
    dst16s = (edge_index[1] // 16).reshape(NW, NCHS, 1, CHS).astype(jnp.int32)
    geo, small = _edge(gpt, edge_feat, dstc, W3, r_uv, r_cos, crow,
                       W_pos.reshape(1, D), W_norm.reshape(1, D))
    z1 = jnp.zeros((RPT_LAST, D), jnp.float32)
    aggp, smallpk = _sc_scatter(geo, small, dst4s, dst16s, z1)
    S = (smallpk[0] + smallpk[1]).reshape(NP * 16, 8)[:N]
    cnt = S[:, 6:7]
    inv_cnt = 1.0 / jnp.maximum(cnt, 1.0)
    pos_new = pos + S[:, 0:3] * inv_cnt
    nrm_new = normal + S[:, 3:6] * inv_cnt
    nrm_new = nrm_new / jnp.linalg.norm(nrm_new, axis=1, keepdims=True)

    Wh1 = W_hn[:D]
    Wh2 = W_hn[D:2 * D]
    Wh3 = W_hn[2 * D:]
    inv_new = _node(aggp, inv_feat, Wh1, Wh2, graph_feat @ Wh3)

    score = jnp.ones((E, 1), jnp.float32)

    bs = jax.ops.segment_sum(inv_new, node_bin, num_segments=SBIN)
    bc = jax.ops.segment_sum(jnp.ones((N, 1), jnp.float32), node_bin,
                             num_segments=SBIN)
    bin_mean = bs / jnp.maximum(bc, 1.0)
    h1 = _gat(bin_mean, Wg1, al1, ar1, res1, b1, 2, 128).reshape(SBIN, -1)
    h2 = _gat(h1, Wg2, al2, ar2, res2, b2, 2, 64).reshape(SBIN, -1)
    node_graph = jnp.mean(h2, axis=0, keepdims=True)
    edge_read = jnp.sum(aggp[0] + aggp[1], axis=0, keepdims=True) / float(E)
    gfeat = jnp.maximum(
        jnp.concatenate([node_graph, edge_read, graph_feat], axis=1) @ W_graph,
        0.0)
    return (pos_new, nrm_new, inv_new, geo, score, gfeat)

# --- scband reference (transcript-rebuilt; emitter-appended) ---
"""Pipeline reference for scband-mesh-conv-60533269070312 (READ-ONLY COPY).

The authoritative reference and input builder live on the scoring server;
editing this copy changes nothing except your own understanding.
"""

import jax, jax.numpy as jnp
import numpy as np

N = 10000
E = 320000
SBIN = 64
D_INV = 128
D_EDGE = 16
D_G = 64
D_EOUT = 128
D_NOUT = 128
D_GOUT = 128


def _segment_mean(data, ids, num_segments):
    s = jax.ops.segment_sum(data, ids, num_segments=num_segments)
    c = jax.ops.segment_sum(jnp.ones((data.shape[0], 1), data.dtype), ids, num_segments=num_segments)
    return s / jnp.maximum(c, 1.0)


def _gat(h, W, al, ar, Wres, b, heads, dout):
    # DGL GATConv (eval mode: dropouts are identity), complete bin graph with self-loops
    n = h.shape[0]
    feat = (h @ W).reshape(n, heads, dout)
    el = jnp.sum(feat * al[None, :, :], axis=-1)  # [n, heads]
    er = jnp.sum(feat * ar[None, :, :], axis=-1)  # [n, heads]
    e = jax.nn.leaky_relu(el[:, None, :] + er[None, :, :], negative_slope=0.2)  # [src, dst, heads]
    alpha = jax.nn.softmax(e, axis=0)  # edge softmax over sources for each dst
    rst = jnp.einsum('sdh,sho->dho', alpha, feat)
    rst = rst + (h @ Wres).reshape(n, heads, dout)  # residual projection
    rst = rst + b.reshape(1, heads, dout)
    return jax.nn.elu(rst)


def setup_inputs(seed: int = 0):
    key = jax.random.key(seed)
    ks = jax.random.split(key, 24)
    s = 0.05
    inp = {}
    inp['pos'] = jax.random.normal(ks[0], (N, 3), jnp.float32)
    inp['normal'] = jax.random.normal(ks[1], (N, 3), jnp.float32)
    inp['inv_feat'] = jax.random.normal(ks[2], (N, D_INV), jnp.float32)
    inp['edge_index'] = jax.random.randint(ks[3], (2, E), 0, N)
    inp['edge_feat'] = jax.random.normal(ks[4], (E, D_EDGE), jnp.float32)
    inp['node_bin'] = jax.random.randint(ks[5], (N,), 0, SBIN)
    inp['graph_feat'] = jax.random.normal(ks[6], (1, D_G), jnp.float32)
    # learned params
    inp['W_e'] = jax.random.normal(ks[7], (2 * D_INV + 2 + D_EDGE + D_G, D_EOUT), jnp.float32) * s
    inp['W_pos'] = jax.random.normal(ks[8], (D_EOUT, 1), jnp.float32) * s
    inp['W_norm'] = jax.random.normal(ks[9], (D_EOUT, 1), jnp.float32) * s
    inp['W_hn'] = jax.random.normal(ks[10], (D_INV + D_EOUT + D_G, D_NOUT), jnp.float32) * s
    inp['W_graph'] = jax.random.normal(ks[11], (D_NOUT + D_EOUT + D_G, D_GOUT), jnp.float32) * s
    inp['W_escore'] = jax.random.normal(ks[12], (D_EOUT, 1), jnp.float32) * s
    # GAT layer 1: in=128, out=128, heads=2
    inp['Wg1'] = jax.random.normal(ks[13], (D_NOUT, 2 * D_NOUT), jnp.float32) * s
    inp['al1'] = jax.random.normal(ks[14], (2, D_NOUT), jnp.float32) * s
    inp['ar1'] = jax.random.normal(ks[15], (2, D_NOUT), jnp.float32) * s
    inp['res1'] = jax.random.normal(ks[16], (D_NOUT, 2 * D_NOUT), jnp.float32) * s
    inp['b1'] = jnp.zeros((2 * D_NOUT,), jnp.float32)
    # GAT layer 2: in=256, out=64, heads=2
    inp['Wg2'] = jax.random.normal(ks[17], (2 * D_NOUT, D_NOUT), jnp.float32) * s
    inp['al2'] = jax.random.normal(ks[18], (2, D_NOUT // 2), jnp.float32) * s
    inp['ar2'] = jax.random.normal(ks[19], (2, D_NOUT // 2), jnp.float32) * s
    inp['res2'] = jax.random.normal(ks[20], (2 * D_NOUT, D_NOUT), jnp.float32) * s
    inp['b2'] = jnp.zeros((D_NOUT,), jnp.float32)
    return inp


def reference(pos, normal, inv_feat, edge_index, edge_feat, node_bin, graph_feat,
              W_e, W_pos, W_norm, W_hn, W_graph, W_escore,
              Wg1, al1, ar1, res1, b1, Wg2, al2, ar2, res2, b2):
    src = edge_index[0]
    dst = edge_index[1]
    e_cnt = src.shape[0]
    # apply_edges
    cos = jnp.sum(normal[dst] * normal[src], axis=1)            # v_dot_u
    pos_sub = pos[dst] - pos[src]                               # v_sub_u
    normal_sub = normal[dst] - normal[src]
    uv = jnp.linalg.norm(pos_sub, axis=1)
    gfe = jnp.broadcast_to(graph_feat, (e_cnt, graph_feat.shape[1]))
    temp = jnp.concatenate([inv_feat[src], inv_feat[dst], uv[:, None], cos[:, None], edge_feat, gfe], axis=1)
    geo = jax.nn.relu(temp @ W_e)
    # position update (mean over incoming edges)
    pw = jax.nn.relu(geo @ W_pos)
    pos_new = pos + _segment_mean(pos_sub * pw, dst, N)
    # normal update
    nw = jax.nn.relu(geo @ W_norm)
    normal_new = normal + _segment_mean(normal_sub * nw, dst, N)
    normal_new = normal_new / jnp.linalg.norm(normal_new, axis=1, keepdims=True)
    # node invariant feature update (sum aggregation of edge feats)
    agg = jax.ops.segment_sum(geo, dst, num_segments=N)
    gfn = jnp.broadcast_to(graph_feat, (N, graph_feat.shape[1]))
    inv_new = jax.nn.relu(jnp.concatenate([inv_feat, agg, gfn], axis=1) @ W_hn)
    # edge collapse score: softmax over dim 1 of [E,1] -> ones (matches nn.Softmax() legacy dim)
    score = jax.nn.softmax(geo @ W_escore, axis=1)
    # node_encoder: bin-pooled means, 2x GAT over complete sbin graph (batch_size=1)
    bin_mean = _segment_mean(inv_new, node_bin, SBIN)
    h1 = _gat(bin_mean, Wg1, al1, ar1, res1, b1, 2, D_NOUT).reshape(SBIN, -1)
    h2 = _gat(h1, Wg2, al2, ar2, res2, b2, 2, D_NOUT // 2).reshape(SBIN, -1)
    node_graph = jnp.mean(h2, axis=0, keepdims=True)
    edge_read = jnp.mean(geo, axis=0, keepdims=True)  # dgl.readout_edges mean
    gfeat = jax.nn.relu(jnp.concatenate([node_graph, edge_read, graph_feat], axis=1) @ W_graph)
    return (pos_new, normal_new, inv_new, geo, score, gfeat)

if __name__ == "__main__":
    import jax
    _d = setup_inputs()
    print(jax.jit(kernel)(*tuple(_d.values())))

</pallas_src>

<mosaic_0001>
#map = affine_map<(d0, d1) -> (0, 0)>
#map1 = affine_map<(d0, d1) -> (0, 0, 0, 0)>
module attributes {stable_mosaic.version = 14 : i64} {
  func.func @_sc_gather(%arg0: i32, %arg1: i32, %arg2: memref<10000x256xf32, #tpu.memory_space<hbm>>, %arg3: memref<10000x256xf32, #tpu.memory_space<hbm>>, %arg4: memref<32x62x2x80xi32, #tpu.memory_space<hbm>>, %arg5: memref<32x62x2x80xi32, #tpu.memory_space<hbm>>, %arg6: memref<32x1x1x80xi32, #tpu.memory_space<hbm>>, %arg7: memref<32x1x1x80xi32, #tpu.memory_space<hbm>>, %arg8: memref<320000x160xf32, #tpu.memory_space<hbm>>, %arg9: memref<2x80xi32, #tpu.memory_space<vmem>>, %arg10: memref<2x80xi32, #tpu.memory_space<vmem>>, %arg11: memref<80x256xf32, #tpu.memory_space<vmem>>, %arg12: memref<80x256xf32, #tpu.memory_space<vmem>>, %arg13: memref<80x256xf32, #tpu.memory_space<vmem>>, %arg14: memref<80x256xf32, #tpu.memory_space<vmem>>, %arg15: memref<80x160xf32, #tpu.memory_space<vmem>>, %arg16: memref<!tpu.dma_semaphore, #tpu.memory_space<semaphore_mem>>, %arg17: memref<!tpu.dma_semaphore, #tpu.memory_space<semaphore_mem>>, %arg18: memref<!tpu.dma_semaphore, #tpu.memory_space<semaphore_mem>>) attributes {dimension_semantics = [#tpu.dimension_semantics<core_parallel>, #tpu.dimension_semantics<subcore_parallel>], iteration_bounds = array<i64: 2, 16>, scalar_prefetch = 0 : i64, scratch_operands = 10 : i64, tpu.core_type = #tpu.core_type<sc_vector_subcore>, window_params = [{transform_indices = #map}, {transform_indices = #map}, {transform_indices = #map1}, {transform_indices = #map1}, {transform_indices = #map1}, {transform_indices = #map1}, {transform_indices = #map}]} {
    %mul3A = arith.constant 2 : i32
    %mul3A_0 = arith.muli %arg1, %mul3A : i32
    %add3A = arith.addi %mul3A_0, %arg0 : i32
    %mul3A_1 = arith.constant 10000 : i32
    %mul3A_2 = arith.muli %add3A, %mul3A_1 : i32
    %scan3A = arith.constant 0 : i32
    %scan3A_3 = arith.constant 0 : i32
    %scan3A_4 = arith.constant 62 : i32
    %scan3A_5 = arith.addi %scan3A_3, %scan3A_4 : i32
    %scan3A_6 = arith.constant 1 : i32
    scf.for %scan3A_44 = %scan3A_3 to %scan3A_5 step %scan3A_6  : i32 {
      %mul3A_45 = arith.constant 2 : i32
      %mul3A_46 = arith.muli %mul3A_45, %scan3A_44 : i32
      %add3A_47 = arith.constant 1 : i32
      %add3A_48 = arith.addi %mul3A_46, %add3A_47 : i32
      %dma_start3A_49 = arith.constant 0 : i32
      %dma_start3A_50 = arith.constant 0 : i32
      %dma_start3A_51 = arith.constant 0 : i32
      %dma_start3A_52 = tpu.memref_slice %arg4[%add3A, %dma_start3A_49, %dma_start3A_50, %dma_start3A_51] : memref<32x62x2x80xi32, #tpu.memory_space<hbm>> -> memref<1x62x2x80xi32, #tpu.memory_space<hbm>>
      %dma_start3A_53 = tpu.memref_squeeze %dma_start3A_52 : memref<1x62x2x80xi32, #tpu.memory_space<hbm>> -> memref<62x2x80xi32, #tpu.memory_space<hbm>>
      %dma_start3A_54 = arith.constant 0 : i32
      %dma_start3A_55 = arith.constant 0 : i32
      %dma_start3A_56 = tpu.memref_slice %dma_start3A_53[%scan3A_44, %dma_start3A_54, %dma_start3A_55] : memref<62x2x80xi32, #tpu.memory_space<hbm>> -> memref<1x2x80xi32, #tpu.memory_space<hbm>>
      %dma_start3A_57 = tpu.memref_squeeze %dma_start3A_56 : memref<1x2x80xi32, #tpu.memory_space<hbm>> -> memref<2x80xi32, #tpu.memory_space<hbm>>
      %dma_start3A_58 = arith.constant 0 : i32
      %dma_start3A_59 = arith.constant 0 : i32
      %dma_start3A_60 = arith.constant 0 : i32
      %dma_start3A_61 = tpu.memref_slice %arg4[%add3A, %dma_start3A_58, %dma_start3A_59, %dma_start3A_60] : memref<32x62x2x80xi32, #tpu.memory_space<hbm>> -> memref<1x62x2x80xi32, #tpu.memory_space<hbm>>
      %dma_start3A_62 = tpu.memref_squeeze %dma_start3A_61 : memref<1x62x2x80xi32, #tpu.memory_space<hbm>> -> memref<62x2x80xi32, #tpu.memory_space<hbm>>
      %dma_start3A_63 = arith.constant 0 : i32
      %dma_start3A_64 = arith.constant 0 : i32
      %dma_start3A_65 = tpu.memref_slice %dma_start3A_62[%scan3A_44, %dma_start3A_63, %dma_start3A_64] : memref<62x2x80xi32, #tpu.memory_space<hbm>> -> memref<1x2x80xi32, #tpu.memory_space<hbm>>
      %dma_start3A_66 = tpu.memref_squeeze %dma_start3A_65 : memref<1x2x80xi32, #tpu.memory_space<hbm>> -> memref<2x80xi32, #tpu.memory_space<hbm>>
      tpu.enqueue_dma source(%dma_start3A_66 : memref<2x80xi32, #tpu.memory_space<hbm>>) target(%arg9 : memref<2x80xi32, #tpu.memory_space<vmem>>) target_semaphore(%arg16 : memref<!tpu.dma_semaphore, #tpu.memory_space<semaphore_mem>>)
      %dma_start3A_67 = arith.constant 0 : i32
      %dma_start3A_68 = arith.constant 0 : i32
      %dma_start3A_69 = arith.constant 0 : i32
      %dma_start3A_70 = tpu.memref_slice %arg5[%add3A, %dma_start3A_67, %dma_start3A_68, %dma_start3A_69] : memref<32x62x2x80xi32, #tpu.memory_space<hbm>> -> memref<1x62x2x80xi32, #tpu.memory_space<hbm>>
      %dma_start3A_71 = tpu.memref_squeeze %dma_start3A_70 : memref<1x62x2x80xi32, #tpu.memory_space<hbm>> -> memref<62x2x80xi32, #tpu.memory_space<hbm>>
      %dma_start3A_72 = arith.constant 0 : i32
      %dma_start3A_73 = arith.constant 0 : i32
      %dma_start3A_74 = tpu.memref_slice %dma_start3A_71[%scan3A_44, %dma_start3A_72, %dma_start3A_73] : memref<62x2x80xi32, #tpu.memory_space<hbm>> -> memref<1x2x80xi32, #tpu.memory_space<hbm>>
      %dma_start3A_75 = tpu.memref_squeeze %dma_start3A_74 : memref<1x2x80xi32, #tpu.memory_space<hbm>> -> memref<2x80xi32, #tpu.memory_space<hbm>>
      %dma_start3A_76 = arith.constant 0 : i32
      %dma_start3A_77 = arith.constant 0 : i32
      %dma_start3A_78 = arith.constant 0 : i32
      %dma_start3A_79 = tpu.memref_slice %arg5[%add3A, %dma_start3A_76, %dma_start3A_77, %dma_start3A_78] : memref<32x62x2x80xi32, #tpu.memory_space<hbm>> -> memref<1x62x2x80xi32, #tpu.memory_space<hbm>>
      %dma_start3A_80 = tpu.memref_squeeze %dma_start3A_79 : memref<1x62x2x80xi32, #tpu.memory_space<hbm>> -> memref<62x2x80xi32, #tpu.memory_space<hbm>>
      %dma_start3A_81 = arith.constant 0 : i32
      %dma_start3A_82 = arith.constant 0 : i32
      %dma_start3A_83 = tpu.memref_slice %dma_start3A_80[%scan3A_44, %dma_start3A_81, %dma_start3A_82] : memref<62x2x80xi32, #tpu.memory_space<hbm>> -> memref<1x2x80xi32, #tpu.memory_space<hbm>>
      %dma_start3A_84 = tpu.memref_squeeze %dma_start3A_83 : memref<1x2x80xi32, #tpu.memory_space<hbm>> -> memref<2x80xi32, #tpu.memory_space<hbm>>
      tpu.enqueue_dma source(%dma_start3A_84 : memref<2x80xi32, #tpu.memory_space<hbm>>) target(%arg10 : memref<2x80xi32, #tpu.memory_space<vmem>>) target_semaphore(%arg16 : memref<!tpu.dma_semaphore, #tpu.memory_space<semaphore_mem>>)
      %dma_wait3A_85 = arith.constant 0 : i32
      %dma_wait3A_86 = arith.constant 0 : i32
      %dma_wait3A_87 = arith.constant 0 : i32
      %dma_wait3A_88 = tpu.memref_slice %arg4[%add3A, %dma_wait3A_85, %dma_wait3A_86, %dma_wait3A_87] : memref<32x62x2x80xi32, #tpu.memory_space<hbm>> -> memref<1x62x2x80xi32, #tpu.memory_space<hbm>>
      %dma_wait3A_89 = tpu.memref_squeeze %dma_wait3A_88 : memref<1x62x2x80xi32, #tpu.memory_space<hbm>> -> memref<62x2x80xi32, #tpu.memory_space<hbm>>
      %dma_wait3A_90 = arith.constant 0 : i32
      %dma_wait3A_91 = arith.constant 0 : i32
      %dma_wait3A_92 = tpu.memref_slice %dma_wait3A_89[%scan3A_44, %dma_wait3A_90, %dma_wait3A_91] : memref<62x2x80xi32, #tpu.memory_space<hbm>> -> memref<1x2x80xi32, #tpu.memory_space<hbm>>
      %dma_wait3A_93 = tpu.memref_squeeze %dma_wait3A_92 : memref<1x2x80xi32, #tpu.memory_space<hbm>> -> memref<2x80xi32, #tpu.memory_space<hbm>>
      %dma_wait3A_94 = arith.constant 0 : i32
      %dma_wait3A_95 = arith.constant 0 : i32
      %dma_wait3A_96 = arith.constant 0 : i32
      %dma_wait3A_97 = tpu.memref_slice %arg4[%add3A, %dma_wait3A_94, %dma_wait3A_95, %dma_wait3A_96] : memref<32x62x2x80xi32, #tpu.memory_space<hbm>> -> memref<1x62x2x80xi32, #tpu.memory_space<hbm>>
      %dma_wait3A_98 = tpu.memref_squeeze %dma_wait3A_97 : memref<1x62x2x80xi32, #tpu.memory_space<hbm>> -> memref<62x2x80xi32, #tpu.memory_space<hbm>>
      %dma_wait3A_99 = arith.constant 0 : i32
      %dma_wait3A_100 = arith.constant 0 : i32
      %dma_wait3A_101 = tpu.memref_slice %dma_wait3A_98[%scan3A_44, %dma_wait3A_99, %dma_wait3A_100] : memref<62x2x80xi32, #tpu.memory_space<hbm>> -> memref<1x2x80xi32, #tpu.memory_space<hbm>>
      %dma_wait3A_102 = tpu.memref_squeeze %dma_wait3A_101 : memref<1x2x80xi32, #tpu.memory_space<hbm>> -> memref<2x80xi32, #tpu.memory_space<hbm>>
      tpu.wait_dma2 semaphore(%arg16 : memref<!tpu.dma_semaphore, #tpu.memory_space<semaphore_mem>>) src(%dma_wait3A_102 : memref<2x80xi32, #tpu.memory_space<hbm>>) dst(%arg9 : memref<2x80xi32, #tpu.memory_space<vmem>>)
      %dma_wait3A_103 = arith.constant 0 : i32
      %dma_wait3A_104 = arith.constant 0 : i32
      %dma_wait3A_105 = arith.constant 0 : i32
      %dma_wait3A_106 = tpu.memref_slice %arg5[%add3A, %dma_wait3A_103, %dma_wait3A_104, %dma_wait3A_105] : memref<32x62x2x80xi32, #tpu.memory_space<hbm>> -> memref<1x62x2x80xi32, #tpu.memory_space<hbm>>
      %dma_wait3A_107 = tpu.memref_squeeze %dma_wait3A_106 : memref<1x62x2x80xi32, #tpu.memory_space<hbm>> -> memref<62x2x80xi32, #tpu.memory_space<hbm>>
      %dma_wait3A_108 = arith.constant 0 : i32
      %dma_wait3A_109 = arith.constant 0 : i32
      %dma_wait3A_110 = tpu.memref_slice %dma_wait3A_107[%scan3A_44, %dma_wait3A_108, %dma_wait3A_109] : memref<62x2x80xi32, #tpu.memory_space<hbm>> -> memref<1x2x80xi32, #tpu.memory_space<hbm>>
      %dma_wait3A_111 = tpu.memref_squeeze %dma_wait3A_110 : memref<1x2x80xi32, #tpu.memory_space<hbm>> -> memref<2x80xi32, #tpu.memory_space<hbm>>
      %dma_wait3A_112 = arith.constant 0 : i32
      %dma_wait3A_113 = arith.constant 0 : i32
      %dma_wait3A_114 = arith.constant 0 : i32
      %dma_wait3A_115 = tpu.memref_slice %arg5[%add3A, %dma_wait3A_112, %dma_wait3A_113, %dma_wait3A_114] : memref<32x62x2x80xi32, #tpu.memory_space<hbm>> -> memref<1x62x2x80xi32, #tpu.memory_space<hbm>>
      %dma_wait3A_116 = tpu.memref_squeeze %dma_wait3A_115 : memref<1x62x2x80xi32, #tpu.memory_space<hbm>> -> memref<62x2x80xi32, #tpu.memory_space<hbm>>
      %dma_wait3A_117 = arith.constant 0 : i32
      %dma_wait3A_118 = arith.constant 0 : i32
      %dma_wait3A_119 = tpu.memref_slice %dma_wait3A_116[%scan3A_44, %dma_wait3A_117, %dma_wait3A_118] : memref<62x2x80xi32, #tpu.memory_space<hbm>> -> memref<1x2x80xi32, #tpu.memory_space<hbm>>
      %dma_wait3A_120 = tpu.memref_squeeze %dma_wait3A_119 : memref<1x2x80xi32, #tpu.memory_space<hbm>> -> memref<2x80xi32, #tpu.memory_space<hbm>>
      tpu.wait_dma2 semaphore(%arg16 : memref<!tpu.dma_semaphore, #tpu.memory_space<semaphore_mem>>) src(%dma_wait3A_120 : memref<2x80xi32, #tpu.memory_space<hbm>>) dst(%arg10 : memref<2x80xi32, #tpu.memory_space<vmem>>)
      %dma_start3A_121 = arith.constant 0 : i32
      %dma_start3A_122 = arith.constant 0 : i32
      %dma_start3A_123 = tpu.memref_slice %arg9[%dma_start3A_121, %dma_start3A_122] : memref<2x80xi32, #tpu.memory_space<vmem>> -> memref<1x80xi32, #tpu.memory_space<vmem>>
      %dma_start3A_124 = tpu.memref_squeeze %dma_start3A_123 : memref<1x80xi32, #tpu.memory_space<vmem>> -> memref<80xi32, #tpu.memory_space<vmem>>
      %dma_start3A_125 = arith.constant 0 : i32
      %dma_start3A_126 = arith.constant 0 : i32
      %dma_start3A_127 = tpu.memref_slice %arg2[%dma_start3A_125, %dma_start3A_126] : memref<10000x256xf32, #tpu.memory_space<hbm>> -> memref<10000x256xf32, #tpu.memory_space<hbm>>
      tpu.enqueue_indirect_dma source(%dma_start3A_127 : memref<10000x256xf32, #tpu.memory_space<hbm>>) target(%arg11 : memref<80x256xf32, #tpu.memory_space<vmem>>) offsets(%dma_start3A_124 : memref<80xi32, #tpu.memory_space<vmem>>) semaphore(%arg17 : memref<!tpu.dma_semaphore, #tpu.memory_space<semaphore_mem>>)
      %dma_start3A_128 = arith.constant 0 : i32
      %dma_start3A_129 = arith.constant 0 : i32
      %dma_start3A_130 = tpu.memref_slice %arg10[%dma_start3A_128, %dma_start3A_129] : memref<2x80xi32, #tpu.memory_space<vmem>> -> memref<1x80xi32, #tpu.memory_space<vmem>>
      %dma_start3A_131 = tpu.memref_squeeze %dma_start3A_130 : memref<1x80xi32, #tpu.memory_space<vmem>> -> memref<80xi32, #tpu.memory_space<vmem>>
      %dma_start3A_132 = arith.constant 0 : i32
      %dma_start3A_133 = arith.constant 0 : i32
      %dma_start3A_134 = tpu.memref_slice %arg3[%dma_start3A_132, %dma_start3A_133] : memref<10000x256xf32, #tpu.memory_space<hbm>> -> memref<10000x256xf32, #tpu.memory_space<hbm>>
      tpu.enqueue_indirect_dma source(%dma_start3A_134 : memref<10000x256xf32, #tpu.memory_space<hbm>>) target(%arg12 : memref<80x256xf32, #tpu.memory_space<vmem>>) offsets(%dma_start3A_131 : memref<80xi32, #tpu.memory_space<vmem>>) semaphore(%arg17 : memref<!tpu.dma_semaphore, #tpu.memory_space<semaphore_mem>>)
      %dma_start3A_135 = arith.constant 1 : i32
      %dma_start3A_136 = arith.constant 0 : i32
      %dma_start3A_137 = tpu.memref_slice %arg9[%dma_start3A_135, %dma_start3A_136] : memref<2x80xi32, #tpu.memory_space<vmem>> -> memref<1x80xi32, #tpu.memory_space<vmem>>
      %dma_start3A_138 = tpu.memref_squeeze %dma_start3A_137 : memref<1x80xi32, #tpu.memory_space<vmem>> -> memref<80xi32, #tpu.memory_space<vmem>>
      %dma_start3A_139 = arith.constant 0 : i32
      %dma_start3A_140 = arith.constant 0 : i32
      %dma_start3A_141 = tpu.memref_slice %arg2[%dma_start3A_139, %dma_start3A_140] : memref<10000x256xf32, #tpu.memory_space<hbm>> -> memref<10000x256xf32, #tpu.memory_space<hbm>>
      tpu.enqueue_indirect_dma source(%dma_start3A_141 : memref<10000x256xf32, #tpu.memory_space<hbm>>) target(%arg13 : memref<80x256xf32, #tpu.memory_space<vmem>>) offsets(%dma_start3A_138 : memref<80xi32, #tpu.memory_space<vmem>>) semaphore(%arg18 : memref<!tpu.dma_semaphore, #tpu.memory_space<semaphore_mem>>)
      %dma_start3A_142 = arith.constant 1 : i32
      %dma_start3A_143 = arith.constant 0 : i32
      %dma_start3A_144 = tpu.memref_slice %arg10[%dma_start3A_142, %dma_start3A_143] : memref<2x80xi32, #tpu.memory_space<vmem>> -> memref<1x80xi32, #tpu.memory_space<vmem>>
      %dma_start3A_145 = tpu.memref_squeeze %dma_start3A_144 : memref<1x80xi32, #tpu.memory_space<vmem>> -> memref<80xi32, #tpu.memory_space<vmem>>
      %dma_start3A_146 = arith.constant 0 : i32
      %dma_start3A_147 = arith.constant 0 : i32
      %dma_start3A_148 = tpu.memref_slice %arg3[%dma_start3A_146, %dma_start3A_147] : memref<10000x256xf32, #tpu.memory_space<hbm>> -> memref<10000x256xf32, #tpu.memory_space<hbm>>
      tpu.enqueue_indirect_dma source(%dma_start3A_148 : memref<10000x256xf32, #tpu.memory_space<hbm>>) target(%arg14 : memref<80x256xf32, #tpu.memory_space<vmem>>) offsets(%dma_start3A_145 : memref<80xi32, #tpu.memory_space<vmem>>) semaphore(%arg18 : memref<!tpu.dma_semaphore, #tpu.memory_space<semaphore_mem>>)
      %dma_wait3A_149 = arith.constant 0 : i32
      %dma_wait3A_150 = arith.constant 0 : i32
      %dma_wait3A_151 = tpu.memref_slice %arg9[%dma_wait3A_149, %dma_wait3A_150] : memref<2x80xi32, #tpu.memory_space<vmem>> -> memref<1x80xi32, #tpu.memory_space<vmem>>
      %dma_wait3A_152 = tpu.memref_squeeze %dma_wait3A_151 : memref<1x80xi32, #tpu.memory_space<vmem>> -> memref<80xi32, #tpu.memory_space<vmem>>
      %dma_wait3A_153 = arith.constant 0 : i32
      %dma_wait3A_154 = arith.constant 0 : i32
      %dma_wait3A_155 = tpu.memref_slice %arg2[%dma_wait3A_153, %dma_wait3A_154] : memref<10000x256xf32, #tpu.memory_space<hbm>> -> memref<10000x256xf32, #tpu.memory_space<hbm>>
      tpu.wait_indirect_dma semaphore(%arg17 : memref<!tpu.dma_semaphore, #tpu.memory_space<semaphore_mem>>) src(%dma_wait3A_155 : memref<10000x256xf32, #tpu.memory_space<hbm>>) dst(%arg11 : memref<80x256xf32, #tpu.memory_space<vmem>>)
      %dma_wait3A_156 = arith.constant 0 : i32
      %dma_wait3A_157 = arith.constant 0 : i32
      %dma_wait3A_158 = tpu.memref_slice %arg10[%dma_wait3A_156, %dma_wait3A_157] : memref<2x80xi32, #tpu.memory_space<vmem>> -> memref<1x80xi32, #tpu.memory_space<vmem>>
      %dma_wait3A_159 = tpu.memref_squeeze %dma_wait3A_158 : memref<1x80xi32, #tpu.memory_space<vmem>> -> memref<80xi32, #tpu.memory_space<vmem>>
      %dma_wait3A_160 = arith.constant 0 : i32
      %dma_wait3A_161 = arith.constant 0 : i32
      %dma_wait3A_162 = tpu.memref_slice %arg3[%dma_wait3A_160, %dma_wait3A_161] : memref<10000x256xf32, #tpu.memory_space<hbm>> -> memref<10000x256xf32, #tpu.memory_space<hbm>>
      tpu.wait_indirect_dma semaphore(%arg17 : memref<!tpu.dma_semaphore, #tpu.memory_space<semaphore_mem>>) src(%dma_wait3A_162 : memref<10000x256xf32, #tpu.memory_space<hbm>>) dst(%arg12 : memref<80x256xf32, #tpu.memory_space<vmem>>)
      %scan3A_163 = arith.constant 0 : i32
      %scan3A_164 = arith.constant 0 : i32
      %scan3A_165 = arith.constant 80 : i32
      %scan3A_166 = arith.addi %scan3A_164, %scan3A_165 : i32
      %scan3A_167 = arith.constant 1 : i32
      %scan3A_168 = scf.for %scan3A_197 = %scan3A_164 to %scan3A_166 step %scan3A_167 iter_args(%scan3A_198 = %scan3A_163) -> (i32)  : i32 {
        %get3A = arith.index_cast %scan3A_197 : i32 to index
        %get3A_199 = arith.constant 0 : index
        %get3A_200 = tpu.vector_load %arg11[%get3A, %get3A_199] {strides = array<i32>} : memref<80x256xf32, #tpu.memory_space<vmem>>, vector<1x16xf32>,
        %get3A_201 = vector.shape_cast %get3A_200 : vector<1x16xf32> to vector<16xf32>
        %get3A_202 = arith.index_cast %scan3A_197 : i32 to index
        %get3A_203 = arith.constant 0 : index
        %get3A_204 = tpu.vector_load %arg12[%get3A_202, %get3A_203] {strides = array<i32>} : memref<80x256xf32, #tpu.memory_space<vmem>>, vector<1x16xf32>,
        %get3A_205 = vector.shape_cast %get3A_204 : vector<1x16xf32> to vector<16xf32>
        %add3A_206 = arith.addf %get3A_201, %get3A_205 : vector<16xf32>
        %swap3A = arith.index_cast %scan3A_197 : i32 to index
        %swap3A_207 = arith.constant 0 : index
        %swap3A_208 = tpu.vector_load %arg15[%swap3A, %swap3A_207] {strides = array<i32>} : memref<80x160xf32, #tpu.memory_space<vmem>>, vector<1x16xf32>,
        %swap3A_209 = vector.shape_cast %swap3A_208 : vector<1x16xf32> to vector<16xf32>
        %swap3A_210 = vector.shape_cast %add3A_206 : vector<16xf32> to vector<1x16xf32>
        tpu.vector_store %arg15[%swap3A, %swap3A_207], %swap3A_210 {strides = array<i32>} : memref<80x160xf32, #tpu.memory_space<vmem>>, vector<1x16xf32>,
        %get3A_211 = arith.index_cast %scan3A_197 : i32 to index
        %get3A_212 = arith.constant 16 : index
        %get3A_213 = tpu.vector_load %arg11[%get3A_211, %get3A_212] {strides = array<i32>} : memref<80x256xf32, #tpu.memory_space<vmem>>, vector<1x16xf32>,
        %get3A_214 = vector.shape_cast %get3A_213 : vector<1x16xf32> to vector<16xf32>
        %get3A_215 = arith.index_cast %scan3A_197 : i32 to index
        %get3A_216 = arith.constant 16 : index
        %get3A_217 = tpu.vector_load %arg12[%get3A_215, %get3A_216] {strides = array<i32>} : memref<80x256xf32, #tpu.memory_space<vmem>>, vector<1x16xf32>,
        %get3A_218 = vector.shape_cast %get3A_217 : vector<1x16xf32> to vector<16xf32>
        %add3A_219 = arith.addf %get3A_214, %get3A_218 : vector<16xf32>
        %swap3A_220 = arith.index_cast %scan3A_197 : i32 to index
        %swap3A_221 = arith.constant 16 : index
        %swap3A_222 = tpu.vector_load %arg15[%swap3A_220, %swap3A_221] {strides = array<i32>} : memref<80x160xf32, #tpu.memory_space<vmem>>, vector<1x16xf32>,
        %swap3A_223 = vector.shape_cast %swap3A_222 : vector<1x16xf32> to vector<16xf32>
        %swap3A_224 = vector.shape_cast %add3A_219 : vector<16xf32> to vector<1x16xf32>
        tpu.vector_store %arg15[%swap3A_220, %swap3A_221], %swap3A_224 {strides = array<i32>} : memref<80x160xf32, #tpu.memory_space<vmem>>, vector<1x16xf32>,
        %get3A_225 = arith.index_cast %scan3A_197 : i32 to index
        %get3A_226 = arith.constant 32 : index
        %get3A_227 = tpu.vector_load %arg11[%get3A_225, %get3A_226] {strides = array<i32>} : memref<80x256xf32, #tpu.memory_space<vmem>>, vector<1x16xf32>,
        %get3A_228 = vector.shape_cast %get3A_227 : vector<1x16xf32> to vector<16xf32>
        %get3A_229 = arith.index_cast %scan3A_197 : i32 to index
        %get3A_230 = arith.constant 32 : index
        %get3A_231 = tpu.vector_load %arg12[%get3A_229, %get3A_230] {strides = array<i32>} : memref<80x256xf32, #tpu.memory_space<vmem>>, vector<1x16xf32>,
        %get3A_232 = vector.shape_cast %get3A_231 : vector<1x16xf32> to vector<16xf32>
        %add3A_233 = arith.addf %get3A_228, %get3A_232 : vector<16xf32>
        %swap3A_234 = arith.index_cast %scan3A_197 : i32 to index
        %swap3A_235 = arith.constant 32 : index
        %swap3A_236 = tpu.vector_load %arg15[%swap3A_234, %swap3A_235] {strides = array<i32>} : memref<80x160xf32, #tpu.memory_space<vmem>>, vector<1x16xf32>,
        %swap3A_237 = vector.shape_cast %swap3A_236 : vector<1x16xf32> to vector<16xf32>
        %swap3A_238 = vector.shape_cast %add3A_233 : vector<16xf32> to vector<1x16xf32>
        tpu.vector_store %arg15[%swap3A_234, %swap3A_235], %swap3A_238 {strides = array<i32>} : memref<80x160xf32, #tpu.memory_space<vmem>>, vector<1x16xf32>,
        %get3A_239 = arith.index_cast %scan3A_197 : i32 to index
        %get3A_240 = arith.constant 48 : index
        %get3A_241 = tpu.vector_load %arg11[%get3A_239, %get3A_240] {strides = array<i32>} : memref<80x256xf32, #tpu.memory_space<vmem>>, vector<1x16xf32>,
        %get3A_242 = vector.shape_cast %get3A_241 : vector<1x16xf32> to vector<16xf32>
        %get3A_243 = arith.index_cast %scan3A_197 : i32 to index
        %get3A_244 = arith.constant 48 : index
        %get3A_245 = tpu.vector_load %arg12[%get3A_243, %get3A_244] {strides = array<i32>} : memref<80x256xf32, #tpu.memory_space<vmem>>, vector<1x16xf32>,
        %get3A_246 = vector.shape_cast %get3A_245 : vector<1x16xf32> to vector<16xf32>
        %add3A_247 = arith.addf %get3A_242, %get3A_246 : vector<16xf32>
        %swap3A_248 = arith.index_cast %scan3A_197 : i32 to index
        %swap3A_249 = arith.constant 48 : index
        %swap3A_250 = tpu.vector_load %arg15[%swap3A_248, %swap3A_249] {strides = array<i32>} : memref<80x160xf32, #tpu.memory_space<vmem>>, vector<1x16xf32>,
        %swap3A_251 = vector.shape_cast %swap3A_250 : vector<1x16xf32> to vector<16xf32>
        %swap3A_252 = vector.shape_cast %add3A_247 : vector<16xf32> to vector<1x16xf32>
        tpu.vector_store %arg15[%swap3A_248, %swap3A_249], %swap3A_252 {strides = array<i32>} : memref<80x160xf32, #tpu.memory_space<vmem>>, vector<1x16xf32>,
        %get3A_253 = arith.index_cast %scan3A_197 : i32 to index
        %get3A_254 = arith.constant 64 : index
        %get3A_255 = tpu.vector_load %arg11[%get3A_253, %get3A_254] {strides = array<i32>} : memref<80x256xf32, #tpu.memory_space<vmem>>, vector<1x16xf32>,
        %get3A_256 = vector.shape_cast %get3A_255 : vector<1x16xf32> to vector<16xf32>
        %get3A_257 = arith.index_cast %scan3A_197 : i32 to index
        %get3A_258 = arith.constant 64 : index
        %get3A_259 = tpu.vector_load %arg12[%get3A_257, %get3A_258] {strides = array<i32>} : memref<80x256xf32, #tpu.memory_space<vmem>>, vector<1x16xf32>,
        %get3A_260 = vector.shape_cast %get3A_259 : vector<1x16xf32> to vector<16xf32>
        %add3A_261 = arith.addf %get3A_256, %get3A_260 : vector<16xf32>
        %swap3A_262 = arith.index_cast %scan3A_197 : i32 to index
        %swap3A_263 = arith.constant 64 : index
        %swap3A_264 = tpu.vector_load %arg15[%swap3A_262, %swap3A_263] {strides = array<i32>} : memref<80x160xf32, #tpu.memory_space<vmem>>, vector<1x16xf32>,
        %swap3A_265 = vector.shape_cast %swap3A_264 : vector<1x16xf32> to vector<16xf32>
        %swap3A_266 = vector.shape_cast %add3A_261 : vector<16xf32> to vector<1x16xf32>
        tpu.vector_store %arg15[%swap3A_262, %swap3A_263], %swap3A_266 {strides = array<i32>} : memref<80x160xf32, #tpu.memory_space<vmem>>, vector<1x16xf32>,
        %get3A_267 = arith.index_cast %scan3A_197 : i32 to index
        %get3A_268 = arith.constant 80 : index
        %get3A_269 = tpu.vector_load %arg11[%get3A_267, %get3A_268] {strides = array<i32>} : memref<80x256xf32, #tpu.memory_space<vmem>>, vector<1x16xf32>,
        %get3A_270 = vector.shape_cast %get3A_269 : vector<1x16xf32> to vector<16xf32>
        %get3A_271 = arith.index_cast %scan3A_197 : i32 to index
        %get3A_272 = arith.constant 80 : index
        %get3A_273 = tpu.vector_load %arg12[%get3A_271, %get3A_272] {strides = array<i32>} : memref<80x256xf32, #tpu.memory_space<vmem>>, vector<1x16xf32>,
        %get3A_274 = vector.shape_cast %get3A_273 : vector<1x16xf32> to vector<16xf32>
        %add3A_275 = arith.addf %get3A_270, %get3A_274 : vector<16xf32>
        %swap3A_276 = arith.index_cast %scan3A_197 : i32 to index
        %swap3A_277 = arith.constant 80 : index
        %swap3A_278 = tpu.vector_load %arg15[%swap3A_276, %swap3A_277] {strides = array<i32>} : memref<80x160xf32, #tpu.memory_space<vmem>>, vector<1x16xf32>,
        %swap3A_279 = vector.shape_cast %swap3A_278 : vector<1x16xf32> to vector<16xf32>
        %swap3A_280 = vector.shape_cast %add3A_275 : vector<16xf32> to vector<1x16xf32>
        tpu.vector_store %arg15[%swap3A_276, %swap3A_277], %swap3A_280 {strides = array<i32>} : memref<80x160xf32, #tpu.memory_space<vmem>>, vector<1x16xf32>,
        %get3A_281 = arith.index_cast %scan3A_197 : i32 to index
        %get3A_282 = arith.constant 96 : index
        %get3A_283 = tpu.vector_load %arg11[%get3A_281, %get3A_282] {strides = array<i32>} : memref<80x256xf32, #tpu.memory_space<vmem>>, vector<1x16xf32>,
        %get3A_284 = vector.shape_cast %get3A_283 : vector<1x16xf32> to vector<16xf32>
        %get3A_285 = arith.index_cast %scan3A_197 : i32 to index
        %get3A_286 = arith.constant 96 : index
        %get3A_287 = tpu.vector_load %arg12[%get3A_285, %get3A_286] {strides = array<i32>} : memref<80x256xf32, #tpu.memory_space<vmem>>, vector<1x16xf32>,
        %get3A_288 = vector.shape_cast %get3A_287 : vector<1x16xf32> to vector<16xf32>
        %add3A_289 = arith.addf %get3A_284, %get3A_288 : vector<16xf32>
        %swap3A_290 = arith.index_cast %scan3A_197 : i32 to index
        %swap3A_291 = arith.constant 96 : index
        %swap3A_292 = tpu.vector_load %arg15[%swap3A_290, %swap3A_291] {strides = array<i32>} : memref<80x160xf32, #tpu.memory_space<vmem>>, vector<1x16xf32>,
        %swap3A_293 = vector.shape_cast %swap3A_292 : vector<1x16xf32> to vector<16xf32>
        %swap3A_294 = vector.shape_cast %add3A_289 : vector<16xf32> to vector<1x16xf32>
        tpu.vector_store %arg15[%swap3A_290, %swap3A_291], %swap3A_294 {strides = array<i32>} : memref<80x160xf32, #tpu.memory_space<vmem>>, vector<1x16xf32>,
        %get3A_295 = arith.index_cast %scan3A_197 : i32 to index
        %get3A_296 = arith.constant 112 : index
        %get3A_297 = tpu.vector_load %arg11[%get3A_295, %get3A_296] {strides = array<i32>} : memref<80x256xf32, #tpu.memory_space<vmem>>, vector<1x16xf32>,
        %get3A_298 = vector.shape_cast %get3A_297 : vector<1x16xf32> to vector<16xf32>
        %get3A_299 = arith.index_cast %scan3A_197 : i32 to index
        %get3A_300 = arith.constant 112 : index
        %get3A_301 = tpu.vector_load %arg12[%get3A_299, %get3A_300] {strides = array<i32>} : memref<80x256xf32, #tpu.memory_space<vmem>>, vector<1x16xf32>,
        %get3A_302 = vector.shape_cast %get3A_301 : vector<1x16xf32> to vector<16xf32>
        %add3A_303 = arith.addf %get3A_298, %get3A_302 : vector<16xf32>
        %swap3A_304 = arith.index_cast %scan3A_197 : i32 to index
        %swap3A_305 = arith.constant 112 : index
        %swap3A_306 = tpu.vector_load %arg15[%swap3A_304, %swap3A_305] {strides = array<i32>} : memref<80x160xf32, #tpu.memory_space<vmem>>, vector<1x16xf32>,
        %swap3A_307 = vector.shape_cast %swap3A_306 : vector<1x16xf32> to vector<16xf32>
        %swap3A_308 = vector.shape_cast %add3A_303 : vector<16xf32> to vector<1x16xf32>
        tpu.vector_store %arg15[%swap3A_304, %swap3A_305], %swap3A_308 {strides = array<i32>} : memref<80x160xf32, #tpu.memory_space<vmem>>, vector<1x16xf32>,
        %get3A_309 = arith.index_cast %scan3A_197 : i32 to index
        %get3A_310 = arith.constant 128 : index
        %get3A_311 = tpu.vector_load %arg11[%get3A_309, %get3A_310] {strides = array<i32>} : memref<80x256xf32, #tpu.memory_space<vmem>>, vector<1x16xf32>,
        %get3A_312 = vector.shape_cast %get3A_311 : vector<1x16xf32> to vector<16xf32>
        %get3A_313 = arith.index_cast %scan3A_197 : i32 to index
        %get3A_314 = arith.constant 128 : index
        %get3A_315 = tpu.vector_load %arg12[%get3A_313, %get3A_314] {strides = array<i32>} : memref<80x256xf32, #tpu.memory_space<vmem>>, vector<1x16xf32>,
        %get3A_316 = vector.shape_cast %get3A_315 : vector<1x16xf32> to vector<16xf32>
        %add3A_317 = arith.addf %get3A_312, %get3A_316 : vector<16xf32>
        %swap3A_318 = arith.index_cast %scan3A_197 : i32 to index
        %swap3A_319 = arith.constant 128 : index
        %swap3A_320 = tpu.vector_load %arg15[%swap3A_318, %swap3A_319] {strides = array<i32>} : memref<80x160xf32, #tpu.memory_space<vmem>>, vector<1x16xf32>,
        %swap3A_321 = vector.shape_cast %swap3A_320 : vector<1x16xf32> to vector<16xf32>
        %swap3A_322 = vector.shape_cast %add3A_317 : vector<16xf32> to vector<1x16xf32>
        tpu.vector_store %arg15[%swap3A_318, %swap3A_319], %swap3A_322 {strides = array<i32>} : memref<80x160xf32, #tpu.memory_space<vmem>>, vector<1x16xf32>,
        %scan3A_323 = arith.constant 0 : i32
        scf.yield %scan3A_323 : i32
      }
      %scan3A_169 = arith.constant 80 : i32
      %mul3A_170 = arith.constant 80 : i32
      %mul3A_171 = arith.muli %mul3A_46, %mul3A_170 : i32
      %add3A_172 = arith.addi %mul3A_2, %mul3A_171 : i32
      "tpu.region"() ({
        %run_scoped3A_197 = tpu.sem_alloc : memref<!tpu.dma_semaphore, #tpu.memory_space<semaphore_mem>>
        %dma_start3A_198 = arith.constant 0 : i32
        %dma_start3A_199 = tpu.memref_slice %arg8[%add3A_172, %dma_start3A_198] : memref<320000x160xf32, #tpu.memory_space<hbm>> -> memref<80x160xf32, #tpu.memory_space<hbm>>
        %dma_start3A_200 = arith.constant 0 : i32
        %dma_start3A_201 = tpu.memref_slice %arg8[%add3A_172, %dma_start3A_200] : memref<320000x160xf32, #tpu.memory_space<hbm>> -> memref<80x160xf32, #tpu.memory_space<hbm>>
        tpu.enqueue_dma source(%arg15 : memref<80x160xf32, #tpu.memory_space<vmem>>) target(%dma_start3A_201 : memref<80x160xf32, #tpu.memory_space<hbm>>) target_semaphore(%run_scoped3A_197 : memref<!tpu.dma_semaphore, #tpu.memory_space<semaphore_mem>>)
        %dma_wait3A_202 = arith.constant 0 : i32
        %dma_wait3A_203 = tpu.memref_slice %arg8[%add3A_172, %dma_wait3A_202] : memref<320000x160xf32, #tpu.memory_space<hbm>> -> memref<80x160xf32, #tpu.memory_space<hbm>>
        %dma_wait3A_204 = arith.constant 0 : i32
        %dma_wait3A_205 = tpu.memref_slice %arg8[%add3A_172, %dma_wait3A_204] : memref<320000x160xf32, #tpu.memory_space<hbm>> -> memref<80x160xf32, #tpu.memory_space<hbm>>
        tpu.wait_dma2 semaphore(%run_scoped3A_197 : memref<!tpu.dma_semaphore, #tpu.memory_space<semaphore_mem>>) src(%arg15 : memref<80x160xf32, #tpu.memory_space<vmem>>) dst(%dma_wait3A_205 : memref<80x160xf32, #tpu.memory_space<hbm>>)
        tpu.yield
      }) : () -> ()
      %dma_wait3A_173 = arith.constant 1 : i32
      %dma_wait3A_174 = arith.constant 0 : i32
      %dma_wait3A_175 = tpu.memref_slice %arg9[%dma_wait3A_173, %dma_wait3A_174] : memref<2x80xi32, #tpu.memory_space<vmem>> -> memref<1x80xi32, #tpu.memory_space<vmem>>
      %dma_wait3A_176 = tpu.memref_squeeze %dma_wait3A_175 : memref<1x80xi32, #tpu.memory_space<vmem>> -> memref<80xi32, #tpu.memory_space<vmem>>
      %dma_wait3A_177 = arith.constant 0 : i32
      %dma_wait3A_178 = arith.constant 0 : i32
      %dma_wait3A_179 = tpu.memref_slice %arg2[%dma_wait3A_177, %dma_wait3A_178] : memref<10000x256xf32, #tpu.memory_space<hbm>> -> memref<10000x256xf32, #tpu.memory_space<hbm>>
      tpu.wait_indirect_dma semaphore(%arg18 : memref<!tpu.dma_semaphore, #tpu.memory_space<semaphore_mem>>) src(%dma_wait3A_179 : memref<10000x256xf32, #tpu.memory_space<hbm>>) dst(%arg13 : memref<80x256xf32, #tpu.memory_space<vmem>>)
      %dma_wait3A_180 = arith.constant 1 : i32
      %dma_wait3A_181 = arith.constant 0 : i32
      %dma_wait3A_182 = tpu.memref_slice %arg10[%dma_wait3A_180, %dma_wait3A_181] : memref<2x80xi32, #tpu.memory_space<vmem>> -> memref<1x80xi32, #tpu.memory_space<vmem>>
      %dma_wait3A_183 = tpu.memref_squeeze %dma_wait3A_182 : memref<1x80xi32, #tpu.memory_space<vmem>> -> memref<80xi32, #tpu.memory_space<vmem>>
      %dma_wait3A_184 = arith.constant 0 : i32
      %dma_wait3A_185 = arith.constant 0 : i32
      %dma_wait3A_186 = tpu.memref_slice %arg3[%dma_wait3A_184, %dma_wait3A_185] : memref<10000x256xf32, #tpu.memory_space<hbm>> -> memref<10000x256xf32, #tpu.memory_space<hbm>>
      tpu.wait_indirect_dma semaphore(%arg18 : memref<!tpu.dma_semaphore, #tpu.memory_space<semaphore_mem>>) src(%dma_wait3A_186 : memref<10000x256xf32, #tpu.memory_space<hbm>>) dst(%arg14 : memref<80x256xf32, #tpu.memory_space<vmem>>)
      %scan3A_187 = arith.constant 0 : i32
      %scan3A_188 = arith.constant 0 : i32
      %scan3A_189 = arith.constant 80 : i32
      %scan3A_190 = arith.addi %scan3A_188, %scan3A_189 : i32
      %scan3A_191 = arith.constant 1 : i32
      %scan3A_192 = scf.for %scan3A_197 = %scan3A_188 to %scan3A_190 step %scan3A_191 iter_args(%scan3A_198 = %scan3A_187) -> (i32)  : i32 {
        %get3A = arith.index_cast %scan3A_197 : i32 to index
        %get3A_199 = arith.constant 0 : index
        %get3A_200 = tpu.vector_load %arg13[%get3A, %get3A_199] {strides = array<i32>} : memref<80x256xf32, #tpu.memory_space<vmem>>, vector<1x16xf32>,
        %get3A_201 = vector.shape_cast %get3A_200 : vector<1x16xf32> to vector<16xf32>
        %get3A_202 = arith.index_cast %scan3A_197 : i32 to index
        %get3A_203 = arith.constant 0 : index
        %get3A_204 = tpu.vector_load %arg14[%get3A_202, %get3A_203] {strides = array<i32>} : memref<80x256xf32, #tpu.memory_space<vmem>>, vector<1x16xf32>,
        %get3A_205 = vector.shape_cast %get3A_204 : vector<1x16xf32> to vector<16xf32>
        %add3A_206 = arith.addf %get3A_201, %get3A_205 : vector<16xf32>
        %swap3A = arith.index_cast %scan3A_197 : i32 to index
        %swap3A_207 = arith.constant 0 : index
        %swap3A_208 = tpu.vector_load %arg15[%swap3A, %swap3A_207] {strides = array<i32>} : memref<80x160xf32, #tpu.memory_space<vmem>>, vector<1x16xf32>,
        %swap3A_209 = vector.shape_cast %swap3A_208 : vector<1x16xf32> to vector<16xf32>
        %swap3A_210 = vector.shape_cast %add3A_206 : vector<16xf32> to vector<1x16xf32>
        tpu.vector_store %arg15[%swap3A, %swap3A_207], %swap3A_210 {strides = array<i32>} : memref<80x160xf32, #tpu.memory_space<vmem>>, vector<1x16xf32>,
        %get3A_211 = arith.index_cast %scan3A_197 : i32 to index
        %get3A_212 = arith.constant 16 : index
        %get3A_213 = tpu.vector_load %arg13[%get3A_211, %get3A_212] {strides = array<i32>} : memref<80x256xf32, #tpu.memory_space<vmem>>, vector<1x16xf32>,
        %get3A_214 = vector.shape_cast %get3A_213 : vector<1x16xf32> to vector<16xf32>
        %get3A_215 = arith.index_cast %scan3A_197 : i32 to index
        %get3A_216 = arith.constant 16 : index
        %get3A_217 = tpu.vector_load %arg14[%get3A_215, %get3A_216] {strides = array<i32>} : memref<80x256xf32, #tpu.memory_space<vmem>>, vector<1x16xf32>,
        %get3A_218 = vector.shape_cast %get3A_217 : vector<1x16xf32> to vector<16xf32>
        %add3A_219 = arith.addf %get3A_214, %get3A_218 : vector<16xf32>
        %swap3A_220 = arith.index_cast %scan3A_197 : i32 to index
        %swap3A_221 = arith.constant 16 : index
        %swap3A_222 = tpu.vector_load %arg15[%swap3A_220, %swap3A_221] {strides = array<i32>} : memref<80x160xf32, #tpu.memory_space<vmem>>, vector<1x16xf32>,
        %swap3A_223 = vector.shape_cast %swap3A_222 : vector<1x16xf32> to vector<16xf32>
        %swap3A_224 = vector.shape_cast %add3A_219 : vector<16xf32> to vector<1x16xf32>
        tpu.vector_store %arg15[%swap3A_220, %swap3A_221], %swap3A_224 {strides = array<i32>} : memref<80x160xf32, #tpu.memory_space<vmem>>, vector<1x16xf32>,
        %get3A_225 = arith.index_cast %scan3A_197 : i32 to index
        %get3A_226 = arith.constant 32 : index
        %get3A_227 = tpu.vector_load %arg13[%get3A_225, %get3A_226] {strides = array<i32>} : memref<80x256xf32, #tpu.memory_space<vmem>>, vector<1x16xf32>,
        %get3A_228 = vector.shape_cast %get3A_227 : vector<1x16xf32> to vector<16xf32>
        %get3A_229 = arith.index_cast %scan3A_197 : i32 to index
        %get3A_230 = arith.constant 32 : index
        %get3A_231 = tpu.vector_load %arg14[%get3A_229, %get3A_230] {strides = array<i32>} : memref<80x256xf32, #tpu.memory_space<vmem>>, vector<1x16xf32>,
        %get3A_232 = vector.shape_cast %get3A_231 : vector<1x16xf32> to vector<16xf32>
        %add3A_233 = arith.addf %get3A_228, %get3A_232 : vector<16xf32>
        %swap3A_234 = arith.index_cast %scan3A_197 : i32 to index
        %swap3A_235 = arith.constant 32 : index
        %swap3A_236 = tpu.vector_load %arg15[%swap3A_234, %swap3A_235] {strides = array<i32>} : memref<80x160xf32, #tpu.memory_space<vmem>>, vector<1x16xf32>,
        %swap3A_237 = vector.shape_cast %swap3A_236 : vector<1x16xf32> to vector<16xf32>
        %swap3A_238 = vector.shape_cast %add3A_233 : vector<16xf32> to vector<1x16xf32>
        tpu.vector_store %arg15[%swap3A_234, %swap3A_235], %swap3A_238 {strides = array<i32>} : memref<80x160xf32, #tpu.memory_space<vmem>>, vector<1x16xf32>,
        %get3A_239 = arith.index_cast %scan3A_197 : i32 to index
        %get3A_240 = arith.constant 48 : index
        %get3A_241 = tpu.vector_load %arg13[%get3A_239, %get3A_240] {strides = array<i32>} : memref<80x256xf32, #tpu.memory_space<vmem>>, vector<1x16xf32>,
        %get3A_242 = vector.shape_cast %get3A_241 : vector<1x16xf32> to vector<16xf32>
        %get3A_243 = arith.index_cast %scan3A_197 : i32 to index
        %get3A_244 = arith.constant 48 : index
        %get3A_245 = tpu.vector_load %arg14[%get3A_243, %get3A_244] {strides = array<i32>} : memref<80x256xf32, #tpu.memory_space<vmem>>, vector<1x16xf32>,
        %get3A_246 = vector.shape_cast %get3A_245 : vector<1x16xf32> to vector<16xf32>
        %add3A_247 = arith.addf %get3A_242, %get3A_246 : vector<16xf32>
        %swap3A_248 = arith.index_cast %scan3A_197 : i32 to index
        %swap3A_249 = arith.constant 48 : index
        %swap3A_250 = tpu.vector_load %arg15[%swap3A_248, %swap3A_249] {strides = array<i32>} : memref<80x160xf32, #tpu.memory_space<vmem>>, vector<1x16xf32>,
        %swap3A_251 = vector.shape_cast %swap3A_250 : vector<1x16xf32> to vector<16xf32>
        %swap3A_252 = vector.shape_cast %add3A_247 : vector<16xf32> to vector<1x16xf32>
        tpu.vector_store %arg15[%swap3A_248, %swap3A_249], %swap3A_252 {strides = array<i32>} : memref<80x160xf32, #tpu.memory_space<vmem>>, vector<1x16xf32>,
        %get3A_253 = arith.index_cast %scan3A_197 : i32 to index
        %get3A_254 = arith.constant 64 : index
        %get3A_255 = tpu.vector_load %arg13[%get3A_253, %get3A_254] {strides = array<i32>} : memref<80x256xf32, #tpu.memory_space<vmem>>, vector<1x16xf32>,
        %get3A_256 = vector.shape_cast %get3A_255 : vector<1x16xf32> to vector<16xf32>
        %get3A_257 = arith.index_cast %scan3A_197 : i32 to index
        %get3A_258 = arith.constant 64 : index
        %get3A_259 = tpu.vector_load %arg14[%get3A_257, %get3A_258] {strides = array<i32>} : memref<80x256xf32, #tpu.memory_space<vmem>>, vector<1x16xf32>,
        %get3A_260 = vector.shape_cast %get3A_259 : vector<1x16xf32> to vector<16xf32>
        %add3A_261 = arith.addf %get3A_256, %get3A_260 : vector<16xf32>
        %swap3A_262 = arith.index_cast %scan3A_197 : i32 to index
        %swap3A_263 = arith.constant 64 : index
        %swap3A_264 = tpu.vector_load %arg15[%swap3A_262, %swap3A_263] {strides = array<i32>} : memref<80x160xf32, #tpu.memory_space<vmem>>, vector<1x16xf32>,
        %swap3A_265 = vector.shape_cast %swap3A_264 : vector<1x16xf32> to vector<16xf32>
        %swap3A_266 = vector.shape_cast %add3A_261 : vector<16xf32> to vector<1x16xf32>
        tpu.vector_store %arg15[%swap3A_262, %swap3A_263], %swap3A_266 {strides = array<i32>} : memref<80x160xf32, #tpu.memory_space<vmem>>, vector<1x16xf32>,
        %get3A_267 = arith.index_cast %scan3A_197 : i32 to index
        %get3A_268 = arith.constant 80 : index
        %get3A_269 = tpu.vector_load %arg13[%get3A_267, %get3A_268] {strides = array<i32>} : memref<80x256xf32, #tpu.memory_space<vmem>>, vector<1x16xf32>,
        %get3A_270 = vector.shape_cast %get3A_269 : vector<1x16xf32> to vector<16xf32>
        %get3A_271 = arith.index_cast %scan3A_197 : i32 to index
        %get3A_272 = arith.constant 80 : index
        %get3A_273 = tpu.vector_load %arg14[%get3A_271, %get3A_272] {strides = array<i32>} : memref<80x256xf32, #tpu.memory_space<vmem>>, vector<1x16xf32>,
        %get3A_274 = vector.shape_cast %get3A_273 : vector<1x16xf32> to vector<16xf32>
        %add3A_275 = arith.addf %get3A_270, %get3A_274 : vector<16xf32>
        %swap3A_276 = arith.index_cast %scan3A_197 : i32 to index
        %swap3A_277 = arith.constant 80 : index
        %swap3A_278 = tpu.vector_load %arg15[%swap3A_276, %swap3A_277] {strides = array<i32>} : memref<80x160xf32, #tpu.memory_space<vmem>>, vector<1x16xf32>,
        %swap3A_279 = vector.shape_cast %swap3A_278 : vector<1x16xf32> to vector<16xf32>
        %swap3A_280 = vector.shape_cast %add3A_275 : vector<16xf32> to vector<1x16xf32>
        tpu.vector_store %arg15[%swap3A_276, %swap3A_277], %swap3A_280 {strides = array<i32>} : memref<80x160xf32, #tpu.memory_space<vmem>>, vector<1x16xf32>,
        %get3A_281 = arith.index_cast %scan3A_197 : i32 to index
        %get3A_282 = arith.constant 96 : index
        %get3A_283 = tpu.vector_load %arg13[%get3A_281, %get3A_282] {strides = array<i32>} : memref<80x256xf32, #tpu.memory_space<vmem>>, vector<1x16xf32>,
        %get3A_284 = vector.shape_cast %get3A_283 : vector<1x16xf32> to vector<16xf32>
        %get3A_285 = arith.index_cast %scan3A_197 : i32 to index
        %get3A_286 = arith.constant 96 : index
        %get3A_287 = tpu.vector_load %arg14[%get3A_285, %get3A_286] {strides = array<i32>} : memref<80x256xf32, #tpu.memory_space<vmem>>, vector<1x16xf32>,
        %get3A_288 = vector.shape_cast %get3A_287 : vector<1x16xf32> to vector<16xf32>
        %add3A_289 = arith.addf %get3A_284, %get3A_288 : vector<16xf32>
        %swap3A_290 = arith.index_cast %scan3A_197 : i32 to index
        %swap3A_291 = arith.constant 96 : index
        %swap3A_292 = tpu.vector_load %arg15[%swap3A_290, %swap3A_291] {strides = array<i32>} : memref<80x160xf32, #tpu.memory_space<vmem>>, vector<1x16xf32>,
        %swap3A_293 = vector.shape_cast %swap3A_292 : vector<1x16xf32> to vector<16xf32>
        %swap3A_294 = vector.shape_cast %add3A_289 : vector<16xf32> to vector<1x16xf32>
        tpu.vector_store %arg15[%swap3A_290, %swap3A_291], %swap3A_294 {strides = array<i32>} : memref<80x160xf32, #tpu.memory_space<vmem>>, vector<1x16xf32>,
        %get3A_295 = arith.index_cast %scan3A_197 : i32 to index
        %get3A_296 = arith.constant 112 : index
        %get3A_297 = tpu.vector_load %arg13[%get3A_295, %get3A_296] {strides = array<i32>} : memref<80x256xf32, #tpu.memory_space<vmem>>, vector<1x16xf32>,
        %get3A_298 = vector.shape_cast %get3A_297 : vector<1x16xf32> to vector<16xf32>
        %get3A_299 = arith.index_cast %scan3A_197 : i32 to index
        %get3A_300 = arith.constant 112 : index
        %get3A_301 = tpu.vector_load %arg14[%get3A_299, %get3A_300] {strides = array<i32>} : memref<80x256xf32, #tpu.memory_space<vmem>>, vector<1x16xf32>,
        %get3A_302 = vector.shape_cast %get3A_301 : vector<1x16xf32> to vector<16xf32>
        %add3A_303 = arith.addf %get3A_298, %get3A_302 : vector<16xf32>
        %swap3A_304 = arith.index_cast %scan3A_197 : i32 to index
        %swap3A_305 = arith.constant 112 : index
        %swap3A_306 = tpu.vector_load %arg15[%swap3A_304, %swap3A_305] {strides = array<i32>} : memref<80x160xf32, #tpu.memory_space<vmem>>, vector<1x16xf32>,
        %swap3A_307 = vector.shape_cast %swap3A_306 : vector<1x16xf32> to vector<16xf32>
        %swap3A_308 = vector.shape_cast %add3A_303 : vector<16xf32> to vector<1x16xf32>
        tpu.vector_store %arg15[%swap3A_304, %swap3A_305], %swap3A_308 {strides = array<i32>} : memref<80x160xf32, #tpu.memory_space<vmem>>, vector<1x16xf32>,
        %get3A_309 = arith.index_cast %scan3A_197 : i32 to index
        %get3A_310 = arith.constant 128 : index
        %get3A_311 = tpu.vector_load %arg13[%get3A_309, %get3A_310] {strides = array<i32>} : memref<80x256xf32, #tpu.memory_space<vmem>>, vector<1x16xf32>,
        %get3A_312 = vector.shape_cast %get3A_311 : vector<1x16xf32> to vector<16xf32>
        %get3A_313 = arith.index_cast %scan3A_197 : i32 to index
        %get3A_314 = arith.constant 128 : index
        %get3A_315 = tpu.vector_load %arg14[%get3A_313, %get3A_314] {strides = array<i32>} : memref<80x256xf32, #tpu.memory_space<vmem>>, vector<1x16xf32>,
        %get3A_316 = vector.shape_cast %get3A_315 : vector<1x16xf32> to vector<16xf32>
        %add3A_317 = arith.addf %get3A_312, %get3A_316 : vector<16xf32>
        %swap3A_318 = arith.index_cast %scan3A_197 : i32 to index
        %swap3A_319 = arith.constant 128 : index
        %swap3A_320 = tpu.vector_load %arg15[%swap3A_318, %swap3A_319] {strides = array<i32>} : memref<80x160xf32, #tpu.memory_space<vmem>>, vector<1x16xf32>,
        %swap3A_321 = vector.shape_cast %swap3A_320 : vector<1x16xf32> to vector<16xf32>
        %swap3A_322 = vector.shape_cast %add3A_317 : vector<16xf32> to vector<1x16xf32>
        tpu.vector_store %arg15[%swap3A_318, %swap3A_319], %swap3A_322 {strides = array<i32>} : memref<80x160xf32, #tpu.memory_space<vmem>>, vector<1x16xf32>,
        %scan3A_323 = arith.constant 0 : i32
        scf.yield %scan3A_323 : i32
      }
      %scan3A_193 = arith.constant 80 : i32
      %mul3A_194 = arith.constant 80 : i32
      %mul3A_195 = arith.muli %add3A_48, %mul3A_194 : i32
      %add3A_196 = arith.addi %mul3A_2, %mul3A_195 : i32
      "tpu.region"() ({
        %run_scoped3A_197 = tpu.sem_alloc : memref<!tpu.dma_semaphore, #tpu.memory_space<semaphore_mem>>
        %dma_start3A_198 = arith.constant 0 : i32
        %dma_start3A_199 = tpu.memref_slice %arg8[%add3A_196, %dma_start3A_198] : memref<320000x160xf32, #tpu.memory_space<hbm>> -> memref<80x160xf32, #tpu.memory_space<hbm>>
        %dma_start3A_200 = arith.constant 0 : i32
        %dma_start3A_201 = tpu.memref_slice %arg8[%add3A_196, %dma_start3A_200] : memref<320000x160xf32, #tpu.memory_space<hbm>> -> memref<80x160xf32, #tpu.memory_space<hbm>>
        tpu.enqueue_dma source(%arg15 : memref<80x160xf32, #tpu.memory_space<vmem>>) target(%dma_start3A_201 : memref<80x160xf32, #tpu.memory_space<hbm>>) target_semaphore(%run_scoped3A_197 : memref<!tpu.dma_semaphore, #tpu.memory_space<semaphore_mem>>)
        %dma_wait3A_202 = arith.constant 0 : i32
        %dma_wait3A_203 = tpu.memref_slice %arg8[%add3A_196, %dma_wait3A_202] : memref<320000x160xf32, #tpu.memory_space<hbm>> -> memref<80x160xf32, #tpu.memory_space<hbm>>
        %dma_wait3A_204 = arith.constant 0 : i32
        %dma_wait3A_205 = tpu.memref_slice %arg8[%add3A_196, %dma_wait3A_204] : memref<320000x160xf32, #tpu.memory_space<hbm>> -> memref<80x160xf32, #tpu.memory_space<hbm>>
        tpu.wait_dma2 semaphore(%run_scoped3A_197 : memref<!tpu.dma_semaphore, #tpu.memory_space<semaphore_mem>>) src(%arg15 : memref<80x160xf32, #tpu.memory_space<vmem>>) dst(%dma_wait3A_205 : memref<80x160xf32, #tpu.memory_space<hbm>>)
        tpu.yield
      }) : () -> ()
    }
    %scan3A_7 = arith.constant 62 : i32
    %run_scoped3A = arith.constant 0 : i32
    "tpu.region"() ({
      %run_scoped3A_44 = tpu.sem_alloc : memref<!tpu.dma_semaphore, #tpu.memory_space<semaphore_mem>>
      %dma_start3A_45 = arith.constant 0 : i32
      %dma_start3A_46 = arith.constant 0 : i32
      %dma_start3A_47 = tpu.memref_slice %arg9[%dma_start3A_45, %dma_start3A_46] : memref<2x80xi32, #tpu.memory_space<vmem>> -> memref<1x80xi32, #tpu.memory_space<vmem>>
      %dma_start3A_48 = arith.constant 0 : i32
      %dma_start3A_49 = arith.constant 0 : i32
      %dma_start3A_50 = arith.constant 0 : i32
      %dma_start3A_51 = tpu.memref_slice %arg6[%add3A, %dma_start3A_48, %dma_start3A_49, %dma_start3A_50] : memref<32x1x1x80xi32, #tpu.memory_space<hbm>> -> memref<1x1x1x80xi32, #tpu.memory_space<hbm>>
      %dma_start3A_52 = tpu.memref_squeeze %dma_start3A_51 : memref<1x1x1x80xi32, #tpu.memory_space<hbm>> -> memref<1x1x80xi32, #tpu.memory_space<hbm>>
      %dma_start3A_53 = arith.constant 0 : i32
      %dma_start3A_54 = arith.constant 0 : i32
      %dma_start3A_55 = tpu.memref_slice %dma_start3A_52[%run_scoped3A, %dma_start3A_53, %dma_start3A_54] : memref<1x1x80xi32, #tpu.memory_space<hbm>> -> memref<1x1x80xi32, #tpu.memory_space<hbm>>
      %dma_start3A_56 = tpu.memref_squeeze %dma_start3A_55 : memref<1x1x80xi32, #tpu.memory_space<hbm>> -> memref<1x80xi32, #tpu.memory_space<hbm>>
      %dma_start3A_57 = arith.constant 0 : i32
      %dma_start3A_58 = arith.constant 0 : i32
      %dma_start3A_59 = tpu.memref_slice %arg9[%dma_start3A_57, %dma_start3A_58] : memref<2x80xi32, #tpu.memory_space<vmem>> -> memref<1x80xi32, #tpu.memory_space<vmem>>
      %dma_start3A_60 = arith.constant 0 : i32
      %dma_start3A_61 = arith.constant 0 : i32
      %dma_start3A_62 = arith.constant 0 : i32
      %dma_start3A_63 = tpu.memref_slice %arg6[%add3A, %dma_start3A_60, %dma_start3A_61, %dma_start3A_62] : memref<32x1x1x80xi32, #tpu.memory_space<hbm>> -> memref<1x1x1x80xi32, #tpu.memory_space<hbm>>
      %dma_start3A_64 = tpu.memref_squeeze %dma_start3A_63 : memref<1x1x1x80xi32, #tpu.memory_space<hbm>> -> memref<1x1x80xi32, #tpu.memory_space<hbm>>
      %dma_start3A_65 = arith.constant 0 : i32
      %dma_start3A_66 = arith.constant 0 : i32
      %dma_start3A_67 = tpu.memref_slice %dma_start3A_64[%run_scoped3A, %dma_start3A_65, %dma_start3A_66] : memref<1x1x80xi32, #tpu.memory_space<hbm>> -> memref<1x1x80xi32, #tpu.memory_space<hbm>>
      %dma_start3A_68 = tpu.memref_squeeze %dma_start3A_67 : memref<1x1x80xi32, #tpu.memory_space<hbm>> -> memref<1x80xi32, #tpu.memory_space<hbm>>
      tpu.enqueue_dma source(%dma_start3A_68 : memref<1x80xi32, #tpu.memory_space<hbm>>) target(%dma_start3A_59 : memref<1x80xi32, #tpu.memory_space<vmem>>) target_semaphore(%run_scoped3A_44 : memref<!tpu.dma_semaphore, #tpu.memory_space<semaphore_mem>>)
      %dma_wait3A_69 = arith.constant 0 : i32
      %dma_wait3A_70 = arith.constant 0 : i32
      %dma_wait3A_71 = tpu.memref_slice %arg9[%dma_wait3A_69, %dma_wait3A_70] : memref<2x80xi32, #tpu.memory_space<vmem>> -> memref<1x80xi32, #tpu.memory_space<vmem>>
      %dma_wait3A_72 = arith.constant 0 : i32
      %dma_wait3A_73 = arith.constant 0 : i32
      %dma_wait3A_74 = arith.constant 0 : i32
      %dma_wait3A_75 = tpu.memref_slice %arg6[%add3A, %dma_wait3A_72, %dma_wait3A_73, %dma_wait3A_74] : memref<32x1x1x80xi32, #tpu.memory_space<hbm>> -> memref<1x1x1x80xi32, #tpu.memory_space<hbm>>
      %dma_wait3A_76 = tpu.memref_squeeze %dma_wait3A_75 : memref<1x1x1x80xi32, #tpu.memory_space<hbm>> -> memref<1x1x80xi32, #tpu.memory_space<hbm>>
      %dma_wait3A_77 = arith.constant 0 : i32
      %dma_wait3A_78 = arith.constant 0 : i32
      %dma_wait3A_79 = tpu.memref_slice %dma_wait3A_76[%run_scoped3A, %dma_wait3A_77, %dma_wait3A_78] : memref<1x1x80xi32, #tpu.memory_space<hbm>> -> memref<1x1x80xi32, #tpu.memory_space<hbm>>
      %dma_wait3A_80 = tpu.memref_squeeze %dma_wait3A_79 : memref<1x1x80xi32, #tpu.memory_space<hbm>> -> memref<1x80xi32, #tpu.memory_space<hbm>>
      %dma_wait3A_81 = arith.constant 0 : i32
      %dma_wait3A_82 = arith.constant 0 : i32
      %dma_wait3A_83 = tpu.memref_slice %arg9[%dma_wait3A_81, %dma_wait3A_82] : memref<2x80xi32, #tpu.memory_space<vmem>> -> memref<1x80xi32, #tpu.memory_space<vmem>>
      %dma_wait3A_84 = arith.constant 0 : i32
      %dma_wait3A_85 = arith.constant 0 : i32
      %dma_wait3A_86 = arith.constant 0 : i32
      %dma_wait3A_87 = tpu.memref_slice %arg6[%add3A, %dma_wait3A_84, %dma_wait3A_85, %dma_wait3A_86] : memref<32x1x1x80xi32, #tpu.memory_space<hbm>> -> memref<1x1x1x80xi32, #tpu.memory_space<hbm>>
      %dma_wait3A_88 = tpu.memref_squeeze %dma_wait3A_87 : memref<1x1x1x80xi32, #tpu.memory_space<hbm>> -> memref<1x1x80xi32, #tpu.memory_space<hbm>>
      %dma_wait3A_89 = arith.constant 0 : i32
      %dma_wait3A_90 = arith.constant 0 : i32
      %dma_wait3A_91 = tpu.memref_slice %dma_wait3A_88[%run_scoped3A, %dma_wait3A_89, %dma_wait3A_90] : memref<1x1x80xi32, #tpu.memory_space<hbm>> -> memref<1x1x80xi32, #tpu.memory_space<hbm>>
      %dma_wait3A_92 = tpu.memref_squeeze %dma_wait3A_91 : memref<1x1x80xi32, #tpu.memory_space<hbm>> -> memref<1x80xi32, #tpu.memory_space<hbm>>
      tpu.wait_dma2 semaphore(%run_scoped3A_44 : memref<!tpu.dma_semaphore, #tpu.memory_space<semaphore_mem>>) src(%dma_wait3A_92 : memref<1x80xi32, #tpu.memory_space<hbm>>) dst(%dma_wait3A_83 : memref<1x80xi32, #tpu.memory_space<vmem>>)
      tpu.yield
    }) : () -> ()
    %run_scoped3A_8 = arith.constant 0 : i32
    "tpu.region"() ({
      %run_scoped3A_44 = tpu.sem_alloc : memref<!tpu.dma_semaphore, #tpu.memory_space<semaphore_mem>>
      %dma_start3A_45 = arith.constant 0 : i32
      %dma_start3A_46 = arith.constant 0 : i32
      %dma_start3A_47 = tpu.memref_slice %arg10[%dma_start3A_45, %dma_start3A_46] : memref<2x80xi32, #tpu.memory_space<vmem>> -> memref<1x80xi32, #tpu.memory_space<vmem>>
      %dma_start3A_48 = arith.constant 0 : i32
      %dma_start3A_49 = arith.constant 0 : i32
      %dma_start3A_50 = arith.constant 0 : i32
      %dma_start3A_51 = tpu.memref_slice %arg7[%add3A, %dma_start3A_48, %dma_start3A_49, %dma_start3A_50] : memref<32x1x1x80xi32, #tpu.memory_space<hbm>> -> memref<1x1x1x80xi32, #tpu.memory_space<hbm>>
      %dma_start3A_52 = tpu.memref_squeeze %dma_start3A_51 : memref<1x1x1x80xi32, #tpu.memory_space<hbm>> -> memref<1x1x80xi32, #tpu.memory_space<hbm>>
      %dma_start3A_53 = arith.constant 0 : i32
      %dma_start3A_54 = arith.constant 0 : i32
      %dma_start3A_55 = tpu.memref_slice %dma_start3A_52[%run_scoped3A_8, %dma_start3A_53, %dma_start3A_54] : memref<1x1x80xi32, #tpu.memory_space<hbm>> -> memref<1x1x80xi32, #tpu.memory_space<hbm>>
      %dma_start3A_56 = tpu.memref_squeeze %dma_start3A_55 : memref<1x1x80xi32, #tpu.memory_space<hbm>> -> memref<1x80xi32, #tpu.memory_space<hbm>>
      %dma_start3A_57 = arith.constant 0 : i32
      %dma_start3A_58 = arith.constant 0 : i32
      %dma_start3A_59 = tpu.memref_slice %arg10[%dma_start3A_57, %dma_start3A_58] : memref<2x80xi32, #tpu.memory_space<vmem>> -> memref<1x80xi32, #tpu.memory_space<vmem>>
      %dma_start3A_60 = arith.constant 0 : i32
      %dma_start3A_61 = arith.constant 0 : i32
      %dma_start3A_62 = arith.constant 0 : i32
      %dma_start3A_63 = tpu.memref_slice %arg7[%add3A, %dma_start3A_60, %dma_start3A_61, %dma_start3A_62] : memref<32x1x1x80xi32, #tpu.memory_space<hbm>> -> memref<1x1x1x80xi32, #tpu.memory_space<hbm>>
      %dma_start3A_64 = tpu.memref_squeeze %dma_start3A_63 : memref<1x1x1x80xi32, #tpu.memory_space<hbm>> -> memref<1x1x80xi32, #tpu.memory_space<hbm>>
      %dma_start3A_65 = arith.constant 0 : i32
      %dma_start3A_66 = arith.constant 0 : i32
      %dma_start3A_67 = tpu.memref_slice %dma_start3A_64[%run_scoped3A_8, %dma_start3A_65, %dma_start3A_66] : memref<1x1x80xi32, #tpu.memory_space<hbm>> -> memref<1x1x80xi32, #tpu.memory_space<hbm>>
      %dma_start3A_68 = tpu.memref_squeeze %dma_start3A_67 : memref<1x1x80xi32, #tpu.memory_space<hbm>> -> memref<1x80xi32, #tpu.memory_space<hbm>>
      tpu.enqueue_dma source(%dma_start3A_68 : memref<1x80xi32, #tpu.memory_space<hbm>>) target(%dma_start3A_59 : memref<1x80xi32, #tpu.memory_space<vmem>>) target_semaphore(%run_scoped3A_44 : memref<!tpu.dma_semaphore, #tpu.memory_space<semaphore_mem>>)
      %dma_wait3A_69 = arith.constant 0 : i32
      %dma_wait3A_70 = arith.constant 0 : i32
      %dma_wait3A_71 = tpu.memref_slice %arg10[%dma_wait3A_69, %dma_wait3A_70] : memref<2x80xi32, #tpu.memory_space<vmem>> -> memref<1x80xi32, #tpu.memory_space<vmem>>
      %dma_wait3A_72 = arith.constant 0 : i32
      %dma_wait3A_73 = arith.constant 0 : i32
      %dma_wait3A_74 = arith.constant 0 : i32
      %dma_wait3A_75 = tpu.memref_slice %arg7[%add3A, %dma_wait3A_72, %dma_wait3A_73, %dma_wait3A_74] : memref<32x1x1x80xi32, #tpu.memory_space<hbm>> -> memref<1x1x1x80xi32, #tpu.memory_space<hbm>>
      %dma_wait3A_76 = tpu.memref_squeeze %dma_wait3A_75 : memref<1x1x1x80xi32, #tpu.memory_space<hbm>> -> memref<1x1x80xi32, #tpu.memory_space<hbm>>
      %dma_wait3A_77 = arith.constant 0 : i32
      %dma_wait3A_78 = arith.constant 0 : i32
      %dma_wait3A_79 = tpu.memref_slice %dma_wait3A_76[%run_scoped3A_8, %dma_wait3A_77, %dma_wait3A_78] : memref<1x1x80xi32, #tpu.memory_space<hbm>> -> memref<1x1x80xi32, #tpu.memory_space<hbm>>
      %dma_wait3A_80 = tpu.memref_squeeze %dma_wait3A_79 : memref<1x1x80xi32, #tpu.memory_space<hbm>> -> memref<1x80xi32, #tpu.memory_space<hbm>>
      %dma_wait3A_81 = arith.constant 0 : i32
      %dma_wait3A_82 = arith.constant 0 : i32
      %dma_wait3A_83 = tpu.memref_slice %arg10[%dma_wait3A_81, %dma_wait3A_82] : memref<2x80xi32, #tpu.memory_space<vmem>> -> memref<1x80xi32, #tpu.memory_space<vmem>>
      %dma_wait3A_84 = arith.constant 0 : i32
      %dma_wait3A_85 = arith.constant 0 : i32
      %dma_wait3A_86 = arith.constant 0 : i32
      %dma_wait3A_87 = tpu.memref_slice %arg7[%add3A, %dma_wait3A_84, %dma_wait3A_85, %dma_wait3A_86] : memref<32x1x1x80xi32, #tpu.memory_space<hbm>> -> memref<1x1x1x80xi32, #tpu.memory_space<hbm>>
      %dma_wait3A_88 = tpu.memref_squeeze %dma_wait3A_87 : memref<1x1x1x80xi32, #tpu.memory_space<hbm>> -> memref<1x1x80xi32, #tpu.memory_space<hbm>>
      %dma_wait3A_89 = arith.constant 0 : i32
      %dma_wait3A_90 = arith.constant 0 : i32
      %dma_wait3A_91 = tpu.memref_slice %dma_wait3A_88[%run_scoped3A_8, %dma_wait3A_89, %dma_wait3A_90] : memref<1x1x80xi32, #tpu.memory_space<hbm>> -> memref<1x1x80xi32, #tpu.memory_space<hbm>>
      %dma_wait3A_92 = tpu.memref_squeeze %dma_wait3A_91 : memref<1x1x80xi32, #tpu.memory_space<hbm>> -> memref<1x80xi32, #tpu.memory_space<hbm>>
      tpu.wait_dma2 semaphore(%run_scoped3A_44 : memref<!tpu.dma_semaphore, #tpu.memory_space<semaphore_mem>>) src(%dma_wait3A_92 : memref<1x80xi32, #tpu.memory_space<hbm>>) dst(%dma_wait3A_83 : memref<1x80xi32, #tpu.memory_space<vmem>>)
      tpu.yield
    }) : () -> ()
    %dma_start3A = arith.constant 0 : i32
    %dma_start3A_9 = arith.constant 0 : i32
    %dma_start3A_10 = tpu.memref_slice %arg9[%dma_start3A, %dma_start3A_9] : memref<2x80xi32, #tpu.memory_space<vmem>> -> memref<1x80xi32, #tpu.memory_space<vmem>>
    %dma_start3A_11 = tpu.memref_squeeze %dma_start3A_10 : memref<1x80xi32, #tpu.memory_space<vmem>> -> memref<80xi32, #tpu.memory_space<vmem>>
    %dma_start3A_12 = arith.constant 0 : i32
    %dma_start3A_13 = arith.constant 0 : i32
    %dma_start3A_14 = tpu.memref_slice %arg2[%dma_start3A_12, %dma_start3A_13] : memref<10000x256xf32, #tpu.memory_space<hbm>> -> memref<10000x256xf32, #tpu.memory_space<hbm>>
    tpu.enqueue_indirect_dma source(%dma_start3A_14 : memref<10000x256xf32, #tpu.memory_space<hbm>>) target(%arg11 : memref<80x256xf32, #tpu.memory_space<vmem>>) offsets(%dma_start3A_11 : memref<80xi32, #tpu.memory_space<vmem>>) semaphore(%arg17 : memref<!tpu.dma_semaphore, #tpu.memory_space<semaphore_mem>>)
    %dma_start3A_15 = arith.constant 0 : i32
    %dma_start3A_16 = arith.constant 0 : i32
    %dma_start3A_17 = tpu.memref_slice %arg10[%dma_start3A_15, %dma_start3A_16] : memref<2x80xi32, #tpu.memory_space<vmem>> -> memref<1x80xi32, #tpu.memory_space<vmem>>
    %dma_start3A_18 = tpu.memref_squeeze %dma_start3A_17 : memref<1x80xi32, #tpu.memory_space<vmem>> -> memref<80xi32, #tpu.memory_space<vmem>>
    %dma_start3A_19 = arith.constant 0 : i32
    %dma_start3A_20 = arith.constant 0 : i32
    %dma_start3A_21 = tpu.memref_slice %arg3[%dma_start3A_19, %dma_start3A_20] : memref<10000x256xf32, #tpu.memory_space<hbm>> -> memref<10000x256xf32, #tpu.memory_space<hbm>>
    tpu.enqueue_indirect_dma source(%dma_start3A_21 : memref<10000x256xf32, #tpu.memory_space<hbm>>) target(%arg12 : memref<80x256xf32, #tpu.memory_space<vmem>>) offsets(%dma_start3A_18 : memref<80xi32, #tpu.memory_space<vmem>>) semaphore(%arg17 : memref<!tpu.dma_semaphore, #tpu.memory_space<semaphore_mem>>)
    %dma_wait3A = arith.constant 0 : i32
    %dma_wait3A_22 = arith.constant 0 : i32
    %dma_wait3A_23 = tpu.memref_slice %arg9[%dma_wait3A, %dma_wait3A_22] : memref<2x80xi32, #tpu.memory_space<vmem>> -> memref<1x80xi32, #tpu.memory_space<vmem>>
    %dma_wait3A_24 = tpu.memref_squeeze %dma_wait3A_23 : memref<1x80xi32, #tpu.memory_space<vmem>> -> memref<80xi32, #tpu.memory_space<vmem>>
    %dma_wait3A_25 = arith.constant 0 : i32
    %dma_wait3A_26 = arith.constant 0 : i32
    %dma_wait3A_27 = tpu.memref_slice %arg2[%dma_wait3A_25, %dma_wait3A_26] : memref<10000x256xf32, #tpu.memory_space<hbm>> -> memref<10000x256xf32, #tpu.memory_space<hbm>>
    tpu.wait_indirect_dma semaphore(%arg17 : memref<!tpu.dma_semaphore, #tpu.memory_space<semaphore_mem>>) src(%dma_wait3A_27 : memref<10000x256xf32, #tpu.memory_space<hbm>>) dst(%arg11 : memref<80x256xf32, #tpu.memory_space<vmem>>)
    %dma_wait3A_28 = arith.constant 0 : i32
    %dma_wait3A_29 = arith.constant 0 : i32
    %dma_wait3A_30 = tpu.memref_slice %arg10[%dma_wait3A_28, %dma_wait3A_29] : memref<2x80xi32, #tpu.memory_space<vmem>> -> memref<1x80xi32, #tpu.memory_space<vmem>>
    %dma_wait3A_31 = tpu.memref_squeeze %dma_wait3A_30 : memref<1x80xi32, #tpu.memory_space<vmem>> -> memref<80xi32, #tpu.memory_space<vmem>>
    %dma_wait3A_32 = arith.constant 0 : i32
    %dma_wait3A_33 = arith.constant 0 : i32
    %dma_wait3A_34 = tpu.memref_slice %arg3[%dma_wait3A_32, %dma_wait3A_33] : memref<10000x256xf32, #tpu.memory_space<hbm>> -> memref<10000x256xf32, #tpu.memory_space<hbm>>
    tpu.wait_indirect_dma semaphore(%arg17 : memref<!tpu.dma_semaphore, #tpu.memory_space<semaphore_mem>>) src(%dma_wait3A_34 : memref<10000x256xf32, #tpu.memory_space<hbm>>) dst(%arg12 : memref<80x256xf32, #tpu.memory_space<vmem>>)
    %scan3A_35 = arith.constant 0 : i32
    %scan3A_36 = arith.constant 0 : i32
    %scan3A_37 = arith.constant 80 : i32
    %scan3A_38 = arith.addi %scan3A_36, %scan3A_37 : i32
    %scan3A_39 = arith.constant 1 : i32
    %scan3A_40 = scf.for %scan3A_44 = %scan3A_36 to %scan3A_38 step %scan3A_39 iter_args(%scan3A_45 = %scan3A_35) -> (i32)  : i32 {
      %get3A = arith.index_cast %scan3A_44 : i32 to index
      %get3A_46 = arith.constant 0 : index
      %get3A_47 = tpu.vector_load %arg11[%get3A, %get3A_46] {strides = array<i32>} : memref<80x256xf32, #tpu.memory_space<vmem>>, vector<1x16xf32>,
      %get3A_48 = vector.shape_cast %get3A_47 : vector<1x16xf32> to vector<16xf32>
      %get3A_49 = arith.index_cast %scan3A_44 : i32 to index
      %get3A_50 = arith.constant 0 : index
      %get3A_51 = tpu.vector_load %arg12[%get3A_49, %get3A_50] {strides = array<i32>} : memref<80x256xf32, #tpu.memory_space<vmem>>, vector<1x16xf32>,
      %get3A_52 = vector.shape_cast %get3A_51 : vector<1x16xf32> to vector<16xf32>
      %add3A_53 = arith.addf %get3A_48, %get3A_52 : vector<16xf32>
      %swap3A = arith.index_cast %scan3A_44 : i32 to index
      %swap3A_54 = arith.constant 0 : index
      %swap3A_55 = tpu.vector_load %arg15[%swap3A, %swap3A_54] {strides = array<i32>} : memref<80x160xf32, #tpu.memory_space<vmem>>, vector<1x16xf32>,
      %swap3A_56 = vector.shape_cast %swap3A_55 : vector<1x16xf32> to vector<16xf32>
      %swap3A_57 = vector.shape_cast %add3A_53 : vector<16xf32> to vector<1x16xf32>
      tpu.vector_store %arg15[%swap3A, %swap3A_54], %swap3A_57 {strides = array<i32>} : memref<80x160xf32, #tpu.memory_space<vmem>>, vector<1x16xf32>,
      %get3A_58 = arith.index_cast %scan3A_44 : i32 to index
      %get3A_59 = arith.constant 16 : index
      %get3A_60 = tpu.vector_load %arg11[%get3A_58, %get3A_59] {strides = array<i32>} : memref<80x256xf32, #tpu.memory_space<vmem>>, vector<1x16xf32>,
      %get3A_61 = vector.shape_cast %get3A_60 : vector<1x16xf32> to vector<16xf32>
      %get3A_62 = arith.index_cast %scan3A_44 : i32 to index
      %get3A_63 = arith.constant 16 : index
      %get3A_64 = tpu.vector_load %arg12[%get3A_62, %get3A_63] {strides = array<i32>} : memref<80x256xf32, #tpu.memory_space<vmem>>, vector<1x16xf32>,
      %get3A_65 = vector.shape_cast %get3A_64 : vector<1x16xf32> to vector<16xf32>
      %add3A_66 = arith.addf %get3A_61, %get3A_65 : vector<16xf32>
      %swap3A_67 = arith.index_cast %scan3A_44 : i32 to index
      %swap3A_68 = arith.constant 16 : index
      %swap3A_69 = tpu.vector_load %arg15[%swap3A_67, %swap3A_68] {strides = array<i32>} : memref<80x160xf32, #tpu.memory_space<vmem>>, vector<1x16xf32>,
      %swap3A_70 = vector.shape_cast %swap3A_69 : vector<1x16xf32> to vector<16xf32>
      %swap3A_71 = vector.shape_cast %add3A_66 : vector<16xf32> to vector<1x16xf32>
      tpu.vector_store %arg15[%swap3A_67, %swap3A_68], %swap3A_71 {strides = array<i32>} : memref<80x160xf32, #tpu.memory_space<vmem>>, vector<1x16xf32>,
      %get3A_72 = arith.index_cast %scan3A_44 : i32 to index
      %get3A_73 = arith.constant 32 : index
      %get3A_74 = tpu.vector_load %arg11[%get3A_72, %get3A_73] {strides = array<i32>} : memref<80x256xf32, #tpu.memory_space<vmem>>, vector<1x16xf32>,
      %get3A_75 = vector.shape_cast %get3A_74 : vector<1x16xf32> to vector<16xf32>
      %get3A_76 = arith.index_cast %scan3A_44 : i32 to index
      %get3A_77 = arith.constant 32 : index
      %get3A_78 = tpu.vector_load %arg12[%get3A_76, %get3A_77] {strides = array<i32>} : memref<80x256xf32, #tpu.memory_space<vmem>>, vector<1x16xf32>,
      %get3A_79 = vector.shape_cast %get3A_78 : vector<1x16xf32> to vector<16xf32>
      %add3A_80 = arith.addf %get3A_75, %get3A_79 : vector<16xf32>
      %swap3A_81 = arith.index_cast %scan3A_44 : i32 to index
      %swap3A_82 = arith.constant 32 : index
      %swap3A_83 = tpu.vector_load %arg15[%swap3A_81, %swap3A_82] {strides = array<i32>} : memref<80x160xf32, #tpu.memory_space<vmem>>, vector<1x16xf32>,
      %swap3A_84 = vector.shape_cast %swap3A_83 : vector<1x16xf32> to vector<16xf32>
      %swap3A_85 = vector.shape_cast %add3A_80 : vector<16xf32> to vector<1x16xf32>
      tpu.vector_store %arg15[%swap3A_81, %swap3A_82], %swap3A_85 {strides = array<i32>} : memref<80x160xf32, #tpu.memory_space<vmem>>, vector<1x16xf32>,
      %get3A_86 = arith.index_cast %scan3A_44 : i32 to index
      %get3A_87 = arith.constant 48 : index
      %get3A_88 = tpu.vector_load %arg11[%get3A_86, %get3A_87] {strides = array<i32>} : memref<80x256xf32, #tpu.memory_space<vmem>>, vector<1x16xf32>,
      %get3A_89 = vector.shape_cast %get3A_88 : vector<1x16xf32> to vector<16xf32>
      %get3A_90 = arith.index_cast %scan3A_44 : i32 to index
      %get3A_91 = arith.constant 48 : index
      %get3A_92 = tpu.vector_load %arg12[%get3A_90, %get3A_91] {strides = array<i32>} : memref<80x256xf32, #tpu.memory_space<vmem>>, vector<1x16xf32>,
      %get3A_93 = vector.shape_cast %get3A_92 : vector<1x16xf32> to vector<16xf32>
      %add3A_94 = arith.addf %get3A_89, %get3A_93 : vector<16xf32>
      %swap3A_95 = arith.index_cast %scan3A_44 : i32 to index
      %swap3A_96 = arith.constant 48 : index
      %swap3A_97 = tpu.vector_load %arg15[%swap3A_95, %swap3A_96] {strides = array<i32>} : memref<80x160xf32, #tpu.memory_space<vmem>>, vector<1x16xf32>,
      %swap3A_98 = vector.shape_cast %swap3A_97 : vector<1x16xf32> to vector<16xf32>
      %swap3A_99 = vector.shape_cast %add3A_94 : vector<16xf32> to vector<1x16xf32>
      tpu.vector_store %arg15[%swap3A_95, %swap3A_96], %swap3A_99 {strides = array<i32>} : memref<80x160xf32, #tpu.memory_space<vmem>>, vector<1x16xf32>,
      %get3A_100 = arith.index_cast %scan3A_44 : i32 to index
      %get3A_101 = arith.constant 64 : index
      %get3A_102 = tpu.vector_load %arg11[%get3A_100, %get3A_101] {strides = array<i32>} : memref<80x256xf32, #tpu.memory_space<vmem>>, vector<1x16xf32>,
      %get3A_103 = vector.shape_cast %get3A_102 : vector<1x16xf32> to vector<16xf32>
      %get3A_104 = arith.index_cast %scan3A_44 : i32 to index
      %get3A_105 = arith.constant 64 : index
      %get3A_106 = tpu.vector_load %arg12[%get3A_104, %get3A_105] {strides = array<i32>} : memref<80x256xf32, #tpu.memory_space<vmem>>, vector<1x16xf32>,
      %get3A_107 = vector.shape_cast %get3A_106 : vector<1x16xf32> to vector<16xf32>
      %add3A_108 = arith.addf %get3A_103, %get3A_107 : vector<16xf32>
      %swap3A_109 = arith.index_cast %scan3A_44 : i32 to index
      %swap3A_110 = arith.constant 64 : index
      %swap3A_111 = tpu.vector_load %arg15[%swap3A_109, %swap3A_110] {strides = array<i32>} : memref<80x160xf32, #tpu.memory_space<vmem>>, vector<1x16xf32>,
      %swap3A_112 = vector.shape_cast %swap3A_111 : vector<1x16xf32> to vector<16xf32>
      %swap3A_113 = vector.shape_cast %add3A_108 : vector<16xf32> to vector<1x16xf32>
      tpu.vector_store %arg15[%swap3A_109, %swap3A_110], %swap3A_113 {strides = array<i32>} : memref<80x160xf32, #tpu.memory_space<vmem>>, vector<1x16xf32>,
      %get3A_114 = arith.index_cast %scan3A_44 : i32 to index
      %get3A_115 = arith.constant 80 : index
      %get3A_116 = tpu.vector_load %arg11[%get3A_114, %get3A_115] {strides = array<i32>} : memref<80x256xf32, #tpu.memory_space<vmem>>, vector<1x16xf32>,
      %get3A_117 = vector.shape_cast %get3A_116 : vector<1x16xf32> to vector<16xf32>
      %get3A_118 = arith.index_cast %scan3A_44 : i32 to index
      %get3A_119 = arith.constant 80 : index
      %get3A_120 = tpu.vector_load %arg12[%get3A_118, %get3A_119] {strides = array<i32>} : memref<80x256xf32, #tpu.memory_space<vmem>>, vector<1x16xf32>,
      %get3A_121 = vector.shape_cast %get3A_120 : vector<1x16xf32> to vector<16xf32>
      %add3A_122 = arith.addf %get3A_117, %get3A_121 : vector<16xf32>
      %swap3A_123 = arith.index_cast %scan3A_44 : i32 to index
      %swap3A_124 = arith.constant 80 : index
      %swap3A_125 = tpu.vector_load %arg15[%swap3A_123, %swap3A_124] {strides = array<i32>} : memref<80x160xf32, #tpu.memory_space<vmem>>, vector<1x16xf32>,
      %swap3A_126 = vector.shape_cast %swap3A_125 : vector<1x16xf32> to vector<16xf32>
      %swap3A_127 = vector.shape_cast %add3A_122 : vector<16xf32> to vector<1x16xf32>
      tpu.vector_store %arg15[%swap3A_123, %swap3A_124], %swap3A_127 {strides = array<i32>} : memref<80x160xf32, #tpu.memory_space<vmem>>, vector<1x16xf32>,
      %get3A_128 = arith.index_cast %scan3A_44 : i32 to index
      %get3A_129 = arith.constant 96 : index
      %get3A_130 = tpu.vector_load %arg11[%get3A_128, %get3A_129] {strides = array<i32>} : memref<80x256xf32, #tpu.memory_space<vmem>>, vector<1x16xf32>,
      %get3A_131 = vector.shape_cast %get3A_130 : vector<1x16xf32> to vector<16xf32>
      %get3A_132 = arith.index_cast %scan3A_44 : i32 to index
      %get3A_133 = arith.constant 96 : index
      %get3A_134 = tpu.vector_load %arg12[%get3A_132, %get3A_133] {strides = array<i32>} : memref<80x256xf32, #tpu.memory_space<vmem>>, vector<1x16xf32>,
      %get3A_135 = vector.shape_cast %get3A_134 : vector<1x16xf32> to vector<16xf32>
      %add3A_136 = arith.addf %get3A_131, %get3A_135 : vector<16xf32>
      %swap3A_137 = arith.index_cast %scan3A_44 : i32 to index
      %swap3A_138 = arith.constant 96 : index
      %swap3A_139 = tpu.vector_load %arg15[%swap3A_137, %swap3A_138] {strides = array<i32>} : memref<80x160xf32, #tpu.memory_space<vmem>>, vector<1x16xf32>,
      %swap3A_140 = vector.shape_cast %swap3A_139 : vector<1x16xf32> to vector<16xf32>
      %swap3A_141 = vector.shape_cast %add3A_136 : vector<16xf32> to vector<1x16xf32>
      tpu.vector_store %arg15[%swap3A_137, %swap3A_138], %swap3A_141 {strides = array<i32>} : memref<80x160xf32, #tpu.memory_space<vmem>>, vector<1x16xf32>,
      %get3A_142 = arith.index_cast %scan3A_44 : i32 to index
      %get3A_143 = arith.constant 112 : index
      %get3A_144 = tpu.vector_load %arg11[%get3A_142, %get3A_143] {strides = array<i32>} : memref<80x256xf32, #tpu.memory_space<vmem>>, vector<1x16xf32>,
      %get3A_145 = vector.shape_cast %get3A_144 : vector<1x16xf32> to vector<16xf32>
      %get3A_146 = arith.index_cast %scan3A_44 : i32 to index
      %get3A_147 = arith.constant 112 : index
      %get3A_148 = tpu.vector_load %arg12[%get3A_146, %get3A_147] {strides = array<i32>} : memref<80x256xf32, #tpu.memory_space<vmem>>, vector<1x16xf32>,
      %get3A_149 = vector.shape_cast %get3A_148 : vector<1x16xf32> to vector<16xf32>
      %add3A_150 = arith.addf %get3A_145, %get3A_149 : vector<16xf32>
      %swap3A_151 = arith.index_cast %scan3A_44 : i32 to index
      %swap3A_152 = arith.constant 112 : index
      %swap3A_153 = tpu.vector_load %arg15[%swap3A_151, %swap3A_152] {strides = array<i32>} : memref<80x160xf32, #tpu.memory_space<vmem>>, vector<1x16xf32>,
      %swap3A_154 = vector.shape_cast %swap3A_153 : vector<1x16xf32> to vector<16xf32>
      %swap3A_155 = vector.shape_cast %add3A_150 : vector<16xf32> to vector<1x16xf32>
      tpu.vector_store %arg15[%swap3A_151, %swap3A_152], %swap3A_155 {strides = array<i32>} : memref<80x160xf32, #tpu.memory_space<vmem>>, vector<1x16xf32>,
      %get3A_156 = arith.index_cast %scan3A_44 : i32 to index
      %get3A_157 = arith.constant 128 : index
      %get3A_158 = tpu.vector_load %arg11[%get3A_156, %get3A_157] {strides = array<i32>} : memref<80x256xf32, #tpu.memory_space<vmem>>, vector<1x16xf32>,
      %get3A_159 = vector.shape_cast %get3A_158 : vector<1x16xf32> to vector<16xf32>
      %get3A_160 = arith.index_cast %scan3A_44 : i32 to index
      %get3A_161 = arith.constant 128 : index
      %get3A_162 = tpu.vector_load %arg12[%get3A_160, %get3A_161] {strides = array<i32>} : memref<80x256xf32, #tpu.memory_space<vmem>>, vector<1x16xf32>,
      %get3A_163 = vector.shape_cast %get3A_162 : vector<1x16xf32> to vector<16xf32>
      %add3A_164 = arith.addf %get3A_159, %get3A_163 : vector<16xf32>
      %swap3A_165 = arith.index_cast %scan3A_44 : i32 to index
      %swap3A_166 = arith.constant 128 : index
      %swap3A_167 = tpu.vector_load %arg15[%swap3A_165, %swap3A_166] {strides = array<i32>} : memref<80x160xf32, #tpu.memory_space<vmem>>, vector<1x16xf32>,
      %swap3A_168 = vector.shape_cast %swap3A_167 : vector<1x16xf32> to vector<16xf32>
      %swap3A_169 = vector.shape_cast %add3A_164 : vector<16xf32> to vector<1x16xf32>
      tpu.vector_store %arg15[%swap3A_165, %swap3A_166], %swap3A_169 {strides = array<i32>} : memref<80x160xf32, #tpu.memory_space<vmem>>, vector<1x16xf32>,
      %scan3A_170 = arith.constant 0 : i32
      scf.yield %scan3A_170 : i32
    }
    %scan3A_41 = arith.constant 80 : i32
    %add3A_42 = arith.constant 9920 : i32
    %add3A_43 = arith.addi %mul3A_2, %add3A_42 : i32
    "tpu.region"() ({
      %run_scoped3A_44 = tpu.sem_alloc : memref<!tpu.dma_semaphore, #tpu.memory_space<semaphore_mem>>
      %dma_start3A_45 = arith.constant 0 : i32
      %dma_start3A_46 = tpu.memref_slice %arg8[%add3A_43, %dma_start3A_45] : memref<320000x160xf32, #tpu.memory_space<hbm>> -> memref<80x160xf32, #tpu.memory_space<hbm>>
      %dma_start3A_47 = arith.constant 0 : i32
      %dma_start3A_48 = tpu.memref_slice %arg8[%add3A_43, %dma_start3A_47] : memref<320000x160xf32, #tpu.memory_space<hbm>> -> memref<80x160xf32, #tpu.memory_space<hbm>>
      tpu.enqueue_dma source(%arg15 : memref<80x160xf32, #tpu.memory_space<vmem>>) target(%dma_start3A_48 : memref<80x160xf32, #tpu.memory_space<hbm>>) target_semaphore(%run_scoped3A_44 : memref<!tpu.dma_semaphore, #tpu.memory_space<semaphore_mem>>)
      %dma_wait3A_49 = arith.constant 0 : i32
      %dma_wait3A_50 = tpu.memref_slice %arg8[%add3A_43, %dma_wait3A_49] : memref<320000x160xf32, #tpu.memory_space<hbm>> -> memref<80x160xf32, #tpu.memory_space<hbm>>
      %dma_wait3A_51 = arith.constant 0 : i32
      %dma_wait3A_52 = tpu.memref_slice %arg8[%add3A_43, %dma_wait3A_51] : memref<320000x160xf32, #tpu.memory_space<hbm>> -> memref<80x160xf32, #tpu.memory_space<hbm>>
      tpu.wait_dma2 semaphore(%run_scoped3A_44 : memref<!tpu.dma_semaphore, #tpu.memory_space<semaphore_mem>>) src(%arg15 : memref<80x160xf32, #tpu.memory_space<vmem>>) dst(%dma_wait3A_52 : memref<80x160xf32, #tpu.memory_space<hbm>>)
      tpu.yield
    }) : () -> ()
    return
  }
}

#map = affine_map<(d0, d1) -> (0, 0)>
#map1 = affine_map<(d0, d1) -> (0, 0, 0, 0)>
#map2 = affine_map<(d0, d1) -> (0, 0, 0)>
module attributes {stable_mosaic.version = 14 : i64} {
  func.func @_sc_scatter(%arg0: i32, %arg1: i32, %arg2: memref<320000x128xf32, #tpu.memory_space<hbm>>, %arg3: memref<320000x128xf32, #tpu.memory_space<hbm>>, %arg4: memref<32x125x1x80xi32, #tpu.memory_space<hbm>>, %arg5: memref<32x125x1x80xi32, #tpu.memory_space<hbm>>, %arg6: memref<640x128xf32, #tpu.memory_space<hbm>>, %arg7: memref<2x10000x128xf32, #tpu.memory_space<hbm>>, %arg8: memref<2x632x128xf32, #tpu.memory_space<hbm>>, %arg9: memref<1x80xi32, #tpu.memory_space<vmem>>, %arg10: memref<1x80xi32, #tpu.memory_space<vmem>>, %arg11: memref<80x128xf32, #tpu.memory_space<vmem>>, %arg12: memref<80x128xf32, #tpu.memory_space<vmem>>, %arg13: memref<10000x128xf32, #tpu.memory_space<vmem_shared>>, %arg14: memref<632x128xf32, #tpu.memory_space<vmem_shared>>, %arg15: memref<!tpu.dma_semaphore, #tpu.memory_space<semaphore_mem>>, %arg16: memref<!tpu.dma_semaphore, #tpu.memory_space<semaphore_mem>>, %arg17: memref<!tpu.dma_semaphore, #tpu.memory_space<semaphore_mem>>) attributes {dimension_semantics = [#tpu.dimension_semantics<core_parallel>, #tpu.dimension_semantics<subcore_parallel>], iteration_bounds = array<i64: 2, 16>, scalar_prefetch = 0 : i64, scratch_operands = 9 : i64, tpu.core_type = #tpu.core_type<sc_vector_subcore>, window_params = [{transform_indices = #map}, {transform_indices = #map}, {transform_indices = #map1}, {transform_indices = #map1}, {transform_indices = #map}, {transform_indices = #map2}, {transform_indices = #map2}]} {
    %mul3A = arith.constant 2 : i32
    %mul3A_0 = arith.muli %arg1, %mul3A : i32
    %add3A = arith.addi %mul3A_0, %arg0 : i32
    %mul3A_1 = arith.constant 10000 : i32
    %mul3A_2 = arith.muli %add3A, %mul3A_1 : i32
    %lt3A = arith.constant 15 : i32
    %lt3A_3 = arith.cmpi slt, %arg1, %lt3A : i32
    %convert_element_type3A = arith.extui %lt3A_3 : i1 to i32
    %cond3A = arith.constant 0 : i32
    %cond3A_4 = arith.cmpi ne, %convert_element_type3A, %cond3A : i32
    scf.if %cond3A_4 {
      %mul3A_55 = arith.constant 624 : i32
      %mul3A_56 = arith.muli %arg1, %mul3A_55 : i32
      "tpu.region"() ({
        %run_scoped3A = tpu.sem_alloc : memref<!tpu.dma_semaphore, #tpu.memory_space<semaphore_mem>>
        %dma_start3A = arith.constant 0 : i32
        %dma_start3A_57 = tpu.memref_slice %arg13[%mul3A_56, %dma_start3A] : memref<10000x128xf32, #tpu.memory_space<vmem_shared>> -> memref<624x128xf32, #tpu.memory_space<vmem_shared>>
        %dma_start3A_58 = arith.constant 0 : i32
        %dma_start3A_59 = arith.constant 0 : i32
        %dma_start3A_60 = tpu.memref_slice %arg6[%dma_start3A_58, %dma_start3A_59] : memref<640x128xf32, #tpu.memory_space<hbm>> -> memref<624x128xf32, #tpu.memory_space<hbm>>
        tpu.enqueue_dma source(%dma_start3A_60 : memref<624x128xf32, #tpu.memory_space<hbm>>) target(%dma_start3A_57 : memref<624x128xf32, #tpu.memory_space<vmem_shared>>) target_semaphore(%run_scoped3A : memref<!tpu.dma_semaphore, #tpu.memory_space<semaphore_mem>>)
        %dma_wait3A = arith.constant 0 : i32
        %dma_wait3A_61 = tpu.memref_slice %arg13[%mul3A_56, %dma_wait3A] : memref<10000x128xf32, #tpu.memory_space<vmem_shared>> -> memref<624x128xf32, #tpu.memory_space<vmem_shared>>
        %dma_wait3A_62 = arith.constant 0 : i32
        %dma_wait3A_63 = arith.constant 0 : i32
        %dma_wait3A_64 = tpu.memref_slice %arg6[%dma_wait3A_62, %dma_wait3A_63] : memref<640x128xf32, #tpu.memory_space<hbm>> -> memref<624x128xf32, #tpu.memory_space<hbm>>
        tpu.wait_dma2 semaphore(%run_scoped3A : memref<!tpu.dma_semaphore, #tpu.memory_space<semaphore_mem>>) src(%dma_wait3A_64 : memref<624x128xf32, #tpu.memory_space<hbm>>) dst(%dma_wait3A_61 : memref<624x128xf32, #tpu.memory_space<vmem_shared>>)
        tpu.yield
      }) : () -> ()
    } else {
    }
    %eq3A = arith.constant 15 : i32
    %eq3A_5 = arith.cmpi eq, %arg1, %eq3A : i32
    %convert_element_type3A_6 = arith.extui %eq3A_5 : i1 to i32
    %cond3A_7 = arith.constant 0 : i32
    %cond3A_8 = arith.cmpi ne, %convert_element_type3A_6, %cond3A_7 : i32
    scf.if %cond3A_8 {
      "tpu.region"() ({
        %run_scoped3A = tpu.sem_alloc : memref<!tpu.dma_semaphore, #tpu.memory_space<semaphore_mem>>
        %dma_start3A = arith.constant 9360 : i32
        %dma_start3A_55 = arith.constant 0 : i32
        %dma_start3A_56 = tpu.memref_slice %arg13[%dma_start3A, %dma_start3A_55] : memref<10000x128xf32, #tpu.memory_space<vmem_shared>> -> memref<640x128xf32, #tpu.memory_space<vmem_shared>>
        tpu.enqueue_dma source(%arg6 : memref<640x128xf32, #tpu.memory_space<hbm>>) target(%dma_start3A_56 : memref<640x128xf32, #tpu.memory_space<vmem_shared>>) target_semaphore(%run_scoped3A : memref<!tpu.dma_semaphore, #tpu.memory_space<semaphore_mem>>)
        %dma_wait3A = arith.constant 9360 : i32
        %dma_wait3A_57 = arith.constant 0 : i32
        %dma_wait3A_58 = tpu.memref_slice %arg13[%dma_wait3A, %dma_wait3A_57] : memref<10000x128xf32, #tpu.memory_space<vmem_shared>> -> memref<640x128xf32, #tpu.memory_space<vmem_shared>>
        tpu.wait_dma2 semaphore(%run_scoped3A : memref<!tpu.dma_semaphore, #tpu.memory_space<semaphore_mem>>) src(%arg6 : memref<640x128xf32, #tpu.memory_space<hbm>>) dst(%dma_wait3A_58 : memref<640x128xf32, #tpu.memory_space<vmem_shared>>)
        tpu.yield
      }) : () -> ()
    } else {
    }
    %eq3A_9 = arith.constant 0 : i32
    %eq3A_10 = arith.cmpi eq, %arg1, %eq3A_9 : i32
    %convert_element_type3A_11 = arith.extui %eq3A_10 : i1 to i32
    %cond3A_12 = arith.constant 0 : i32
    %cond3A_13 = arith.cmpi ne, %convert_element_type3A_11, %cond3A_12 : i32
    scf.if %cond3A_13 {
      "tpu.region"() ({
        %run_scoped3A = tpu.sem_alloc : memref<!tpu.dma_semaphore, #tpu.memory_space<semaphore_mem>>
        %dma_start3A = arith.constant 0 : i32
        %dma_start3A_55 = arith.constant 0 : i32
        %dma_start3A_56 = tpu.memref_slice %arg14[%dma_start3A, %dma_start3A_55] : memref<632x128xf32, #tpu.memory_space<vmem_shared>> -> memref<320x128xf32, #tpu.memory_space<vmem_shared>>
        %dma_start3A_57 = arith.constant 0 : i32
        %dma_start3A_58 = arith.constant 0 : i32
        %dma_start3A_59 = tpu.memref_slice %arg6[%dma_start3A_57, %dma_start3A_58] : memref<640x128xf32, #tpu.memory_space<hbm>> -> memref<320x128xf32, #tpu.memory_space<hbm>>
        tpu.enqueue_dma source(%dma_start3A_59 : memref<320x128xf32, #tpu.memory_space<hbm>>) target(%dma_start3A_56 : memref<320x128xf32, #tpu.memory_space<vmem_shared>>) target_semaphore(%run_scoped3A : memref<!tpu.dma_semaphore, #tpu.memory_space<semaphore_mem>>)
        %dma_wait3A = arith.constant 0 : i32
        %dma_wait3A_60 = arith.constant 0 : i32
        %dma_wait3A_61 = tpu.memref_slice %arg14[%dma_wait3A, %dma_wait3A_60] : memref<632x128xf32, #tpu.memory_space<vmem_shared>> -> memref<320x128xf32, #tpu.memory_space<vmem_shared>>
        %dma_wait3A_62 = arith.constant 0 : i32
        %dma_wait3A_63 = arith.constant 0 : i32
        %dma_wait3A_64 = tpu.memref_slice %arg6[%dma_wait3A_62, %dma_wait3A_63] : memref<640x128xf32, #tpu.memory_space<hbm>> -> memref<320x128xf32, #tpu.memory_space<hbm>>
        tpu.wait_dma2 semaphore(%run_scoped3A : memref<!tpu.dma_semaphore, #tpu.memory_space<semaphore_mem>>) src(%dma_wait3A_64 : memref<320x128xf32, #tpu.memory_space<hbm>>) dst(%dma_wait3A_61 : memref<320x128xf32, #tpu.memory_space<vmem_shared>>)
        tpu.yield
      }) : () -> ()
    } else {
    }
    %eq3A_14 = arith.constant 1 : i32
    %eq3A_15 = arith.cmpi eq, %arg1, %eq3A_14 : i32
    %convert_element_type3A_16 = arith.extui %eq3A_15 : i1 to i32
    %cond3A_17 = arith.constant 0 : i32
    %cond3A_18 = arith.cmpi ne, %convert_element_type3A_16, %cond3A_17 : i32
    scf.if %cond3A_18 {
      "tpu.region"() ({
        %run_scoped3A = tpu.sem_alloc : memref<!tpu.dma_semaphore, #tpu.memory_space<semaphore_mem>>
        %dma_start3A = arith.constant 320 : i32
        %dma_start3A_55 = arith.constant 0 : i32
        %dma_start3A_56 = tpu.memref_slice %arg14[%dma_start3A, %dma_start3A_55] : memref<632x128xf32, #tpu.memory_space<vmem_shared>> -> memref<312x128xf32, #tpu.memory_space<vmem_shared>>
        %dma_start3A_57 = arith.constant 0 : i32
        %dma_start3A_58 = arith.constant 0 : i32
        %dma_start3A_59 = tpu.memref_slice %arg6[%dma_start3A_57, %dma_start3A_58] : memref<640x128xf32, #tpu.memory_space<hbm>> -> memref<312x128xf32, #tpu.memory_space<hbm>>
        tpu.enqueue_dma source(%dma_start3A_59 : memref<312x128xf32, #tpu.memory_space<hbm>>) target(%dma_start3A_56 : memref<312x128xf32, #tpu.memory_space<vmem_shared>>) target_semaphore(%run_scoped3A : memref<!tpu.dma_semaphore, #tpu.memory_space<semaphore_mem>>)
        %dma_wait3A = arith.constant 320 : i32
        %dma_wait3A_60 = arith.constant 0 : i32
        %dma_wait3A_61 = tpu.memref_slice %arg14[%dma_wait3A, %dma_wait3A_60] : memref<632x128xf32, #tpu.memory_space<vmem_shared>> -> memref<312x128xf32, #tpu.memory_space<vmem_shared>>
        %dma_wait3A_62 = arith.constant 0 : i32
        %dma_wait3A_63 = arith.constant 0 : i32
        %dma_wait3A_64 = tpu.memref_slice %arg6[%dma_wait3A_62, %dma_wait3A_63] : memref<640x128xf32, #tpu.memory_space<hbm>> -> memref<312x128xf32, #tpu.memory_space<hbm>>
        tpu.wait_dma2 semaphore(%run_scoped3A : memref<!tpu.dma_semaphore, #tpu.memory_space<semaphore_mem>>) src(%dma_wait3A_64 : memref<312x128xf32, #tpu.memory_space<hbm>>) dst(%dma_wait3A_61 : memref<312x128xf32, #tpu.memory_space<vmem_shared>>)
        tpu.yield
      }) : () -> ()
    } else {
    }
    %barrier3A = arith.constant 0 : index
    tpu.barrier barrier_id(%barrier3A)
    %scan3A = arith.constant 0 : i32
    %scan3A_19 = arith.constant 0 : i32
    %scan3A_20 = arith.constant 125 : i32
    %scan3A_21 = arith.addi %scan3A_19, %scan3A_20 : i32
    %scan3A_22 = arith.constant 1 : i32
    scf.for %scan3A_55 = %scan3A_19 to %scan3A_21 step %scan3A_22  : i32 {
      %mul3A_56 = arith.constant 80 : i32
      %mul3A_57 = arith.muli %scan3A_55, %mul3A_56 : i32
      %add3A_58 = arith.addi %mul3A_2, %mul3A_57 : i32
      %dma_start3A = arith.constant 0 : i32
      %dma_start3A_59 = arith.constant 0 : i32
      %dma_start3A_60 = arith.constant 0 : i32
      %dma_start3A_61 = tpu.memref_slice %arg4[%add3A, %dma_start3A, %dma_start3A_59, %dma_start3A_60] : memref<32x125x1x80xi32, #tpu.memory_space<hbm>> -> memref<1x125x1x80xi32, #tpu.memory_space<hbm>>
      %dma_start3A_62 = tpu.memref_squeeze %dma_start3A_61 : memref<1x125x1x80xi32, #tpu.memory_space<hbm>> -> memref<125x1x80xi32, #tpu.memory_space<hbm>>
      %dma_start3A_63 = arith.constant 0 : i32
      %dma_start3A_64 = arith.constant 0 : i32
      %dma_start3A_65 = tpu.memref_slice %dma_start3A_62[%scan3A_55, %dma_start3A_63, %dma_start3A_64] : memref<125x1x80xi32, #tpu.memory_space<hbm>> -> memref<1x1x80xi32, #tpu.memory_space<hbm>>
      %dma_start3A_66 = tpu.memref_squeeze %dma_start3A_65 : memref<1x1x80xi32, #tpu.memory_space<hbm>> -> memref<1x80xi32, #tpu.memory_space<hbm>>
      %dma_start3A_67 = arith.constant 0 : i32
      %dma_start3A_68 = arith.constant 0 : i32
      %dma_start3A_69 = arith.constant 0 : i32
      %dma_start3A_70 = tpu.memref_slice %arg4[%add3A, %dma_start3A_67, %dma_start3A_68, %dma_start3A_69] : memref<32x125x1x80xi32, #tpu.memory_space<hbm>> -> memref<1x125x1x80xi32, #tpu.memory_space<hbm>>
      %dma_start3A_71 = tpu.memref_squeeze %dma_start3A_70 : memref<1x125x1x80xi32, #tpu.memory_space<hbm>> -> memref<125x1x80xi32, #tpu.memory_space<hbm>>
      %dma_start3A_72 = arith.constant 0 : i32
      %dma_start3A_73 = arith.constant 0 : i32
      %dma_start3A_74 = tpu.memref_slice %dma_start3A_71[%scan3A_55, %dma_start3A_72, %dma_start3A_73] : memref<125x1x80xi32, #tpu.memory_space<hbm>> -> memref<1x1x80xi32, #tpu.memory_space<hbm>>
      %dma_start3A_75 = tpu.memref_squeeze %dma_start3A_74 : memref<1x1x80xi32, #tpu.memory_space<hbm>> -> memref<1x80xi32, #tpu.memory_space<hbm>>
      tpu.enqueue_dma source(%dma_start3A_75 : memref<1x80xi32, #tpu.memory_space<hbm>>) target(%arg9 : memref<1x80xi32, #tpu.memory_space<vmem>>) target_semaphore(%arg15 : memref<!tpu.dma_semaphore, #tpu.memory_space<semaphore_mem>>)
      %dma_start3A_76 = arith.constant 0 : i32
      %dma_start3A_77 = arith.constant 0 : i32
      %dma_start3A_78 = arith.constant 0 : i32
      %dma_start3A_79 = tpu.memref_slice %arg5[%add3A, %dma_start3A_76, %dma_start3A_77, %dma_start3A_78] : memref<32x125x1x80xi32, #tpu.memory_space<hbm>> -> memref<1x125x1x80xi32, #tpu.memory_space<hbm>>
      %dma_start3A_80 = tpu.memref_squeeze %dma_start3A_79 : memref<1x125x1x80xi32, #tpu.memory_space<hbm>> -> memref<125x1x80xi32, #tpu.memory_space<hbm>>
      %dma_start3A_81 = arith.constant 0 : i32
      %dma_start3A_82 = arith.constant 0 : i32
      %dma_start3A_83 = tpu.memref_slice %dma_start3A_80[%scan3A_55, %dma_start3A_81, %dma_start3A_82] : memref<125x1x80xi32, #tpu.memory_space<hbm>> -> memref<1x1x80xi32, #tpu.memory_space<hbm>>
      %dma_start3A_84 = tpu.memref_squeeze %dma_start3A_83 : memref<1x1x80xi32, #tpu.memory_space<hbm>> -> memref<1x80xi32, #tpu.memory_space<hbm>>
      %dma_start3A_85 = arith.constant 0 : i32
      %dma_start3A_86 = arith.constant 0 : i32
      %dma_start3A_87 = arith.constant 0 : i32
      %dma_start3A_88 = tpu.memref_slice %arg5[%add3A, %dma_start3A_85, %dma_start3A_86, %dma_start3A_87] : memref<32x125x1x80xi32, #tpu.memory_space<hbm>> -> memref<1x125x1x80xi32, #tpu.memory_space<hbm>>
      %dma_start3A_89 = tpu.memref_squeeze %dma_start3A_88 : memref<1x125x1x80xi32, #tpu.memory_space<hbm>> -> memref<125x1x80xi32, #tpu.memory_space<hbm>>
      %dma_start3A_90 = arith.constant 0 : i32
      %dma_start3A_91 = arith.constant 0 : i32
      %dma_start3A_92 = tpu.memref_slice %dma_start3A_89[%scan3A_55, %dma_start3A_90, %dma_start3A_91] : memref<125x1x80xi32, #tpu.memory_space<hbm>> -> memref<1x1x80xi32, #tpu.memory_space<hbm>>
      %dma_start3A_93 = tpu.memref_squeeze %dma_start3A_92 : memref<1x1x80xi32, #tpu.memory_space<hbm>> -> memref<1x80xi32, #tpu.memory_space<hbm>>
      tpu.enqueue_dma source(%dma_start3A_93 : memref<1x80xi32, #tpu.memory_space<hbm>>) target(%arg10 : memref<1x80xi32, #tpu.memory_space<vmem>>) target_semaphore(%arg15 : memref<!tpu.dma_semaphore, #tpu.memory_space<semaphore_mem>>)
      %dma_start3A_94 = arith.constant 0 : i32
      %dma_start3A_95 = tpu.memref_slice %arg2[%add3A_58, %dma_start3A_94] : memref<320000x128xf32, #tpu.memory_space<hbm>> -> memref<80x128xf32, #tpu.memory_space<hbm>>
      %dma_start3A_96 = arith.constant 0 : i32
      %dma_start3A_97 = tpu.memref_slice %arg2[%add3A_58, %dma_start3A_96] : memref<320000x128xf32, #tpu.memory_space<hbm>> -> memref<80x128xf32, #tpu.memory_space<hbm>>
      tpu.enqueue_dma source(%dma_start3A_97 : memref<80x128xf32, #tpu.memory_space<hbm>>) target(%arg11 : memref<80x128xf32, #tpu.memory_space<vmem>>) target_semaphore(%arg16 : memref<!tpu.dma_semaphore, #tpu.memory_space<semaphore_mem>>)
      %dma_start3A_98 = arith.constant 0 : i32
      %dma_start3A_99 = tpu.memref_slice %arg3[%add3A_58, %dma_start3A_98] : memref<320000x128xf32, #tpu.memory_space<hbm>> -> memref<80x128xf32, #tpu.memory_space<hbm>>
      %dma_start3A_100 = arith.constant 0 : i32
      %dma_start3A_101 = tpu.memref_slice %arg3[%add3A_58, %dma_start3A_100] : memref<320000x128xf32, #tpu.memory_space<hbm>> -> memref<80x128xf32, #tpu.memory_space<hbm>>
      tpu.enqueue_dma source(%dma_start3A_101 : memref<80x128xf32, #tpu.memory_space<hbm>>) target(%arg12 : memref<80x128xf32, #tpu.memory_space<vmem>>) target_semaphore(%arg16 : memref<!tpu.dma_semaphore, #tpu.memory_space<semaphore_mem>>)
      %dma_wait3A = arith.constant 0 : i32
      %dma_wait3A_102 = arith.constant 0 : i32
      %dma_wait3A_103 = arith.constant 0 : i32
      %dma_wait3A_104 = tpu.memref_slice %arg4[%add3A, %dma_wait3A, %dma_wait3A_102, %dma_wait3A_103] : memref<32x125x1x80xi32, #tpu.memory_space<hbm>> -> memref<1x125x1x80xi32, #tpu.memory_space<hbm>>
      %dma_wait3A_105 = tpu.memref_squeeze %dma_wait3A_104 : memref<1x125x1x80xi32, #tpu.memory_space<hbm>> -> memref<125x1x80xi32, #tpu.memory_space<hbm>>
      %dma_wait3A_106 = arith.constant 0 : i32
      %dma_wait3A_107 = arith.constant 0 : i32
      %dma_wait3A_108 = tpu.memref_slice %dma_wait3A_105[%scan3A_55, %dma_wait3A_106, %dma_wait3A_107] : memref<125x1x80xi32, #tpu.memory_space<hbm>> -> memref<1x1x80xi32, #tpu.memory_space<hbm>>
      %dma_wait3A_109 = tpu.memref_squeeze %dma_wait3A_108 : memref<1x1x80xi32, #tpu.memory_space<hbm>> -> memref<1x80xi32, #tpu.memory_space<hbm>>
      %dma_wait3A_110 = arith.constant 0 : i32
      %dma_wait3A_111 = arith.constant 0 : i32
      %dma_wait3A_112 = arith.constant 0 : i32
      %dma_wait3A_113 = tpu.memref_slice %arg4[%add3A, %dma_wait3A_110, %dma_wait3A_111, %dma_wait3A_112] : memref<32x125x1x80xi32, #tpu.memory_space<hbm>> -> memref<1x125x1x80xi32, #tpu.memory_space<hbm>>
      %dma_wait3A_114 = tpu.memref_squeeze %dma_wait3A_113 : memref<1x125x1x80xi32, #tpu.memory_space<hbm>> -> memref<125x1x80xi32, #tpu.memory_space<hbm>>
      %dma_wait3A_115 = arith.constant 0 : i32
      %dma_wait3A_116 = arith.constant 0 : i32
      %dma_wait3A_117 = tpu.memref_slice %dma_wait3A_114[%scan3A_55, %dma_wait3A_115, %dma_wait3A_116] : memref<125x1x80xi32, #tpu.memory_space<hbm>> -> memref<1x1x80xi32, #tpu.memory_space<hbm>>
      %dma_wait3A_118 = tpu.memref_squeeze %dma_wait3A_117 : memref<1x1x80xi32, #tpu.memory_space<hbm>> -> memref<1x80xi32, #tpu.memory_space<hbm>>
      tpu.wait_dma2 semaphore(%arg15 : memref<!tpu.dma_semaphore, #tpu.memory_space<semaphore_mem>>) src(%dma_wait3A_118 : memref<1x80xi32, #tpu.memory_space<hbm>>) dst(%arg9 : memref<1x80xi32, #tpu.memory_space<vmem>>)
      %dma_wait3A_119 = arith.constant 0 : i32
      %dma_wait3A_120 = arith.constant 0 : i32
      %dma_wait3A_121 = arith.constant 0 : i32
      %dma_wait3A_122 = tpu.memref_slice %arg5[%add3A, %dma_wait3A_119, %dma_wait3A_120, %dma_wait3A_121] : memref<32x125x1x80xi32, #tpu.memory_space<hbm>> -> memref<1x125x1x80xi32, #tpu.memory_space<hbm>>
      %dma_wait3A_123 = tpu.memref_squeeze %dma_wait3A_122 : memref<1x125x1x80xi32, #tpu.memory_space<hbm>> -> memref<125x1x80xi32, #tpu.memory_space<hbm>>
      %dma_wait3A_124 = arith.constant 0 : i32
      %dma_wait3A_125 = arith.constant 0 : i32
      %dma_wait3A_126 = tpu.memref_slice %dma_wait3A_123[%scan3A_55, %dma_wait3A_124, %dma_wait3A_125] : memref<125x1x80xi32, #tpu.memory_space<hbm>> -> memref<1x1x80xi32, #tpu.memory_space<hbm>>
      %dma_wait3A_127 = tpu.memref_squeeze %dma_wait3A_126 : memref<1x1x80xi32, #tpu.memory_space<hbm>> -> memref<1x80xi32, #tpu.memory_space<hbm>>
      %dma_wait3A_128 = arith.constant 0 : i32
      %dma_wait3A_129 = arith.constant 0 : i32
      %dma_wait3A_130 = arith.constant 0 : i32
      %dma_wait3A_131 = tpu.memref_slice %arg5[%add3A, %dma_wait3A_128, %dma_wait3A_129, %dma_wait3A_130] : memref<32x125x1x80xi32, #tpu.memory_space<hbm>> -> memref<1x125x1x80xi32, #tpu.memory_space<hbm>>
      %dma_wait3A_132 = tpu.memref_squeeze %dma_wait3A_131 : memref<1x125x1x80xi32, #tpu.memory_space<hbm>> -> memref<125x1x80xi32, #tpu.memory_space<hbm>>
      %dma_wait3A_133 = arith.constant 0 : i32
      %dma_wait3A_134 = arith.constant 0 : i32
      %dma_wait3A_135 = tpu.memref_slice %dma_wait3A_132[%scan3A_55, %dma_wait3A_133, %dma_wait3A_134] : memref<125x1x80xi32, #tpu.memory_space<hbm>> -> memref<1x1x80xi32, #tpu.memory_space<hbm>>
      %dma_wait3A_136 = tpu.memref_squeeze %dma_wait3A_135 : memref<1x1x80xi32, #tpu.memory_space<hbm>> -> memref<1x80xi32, #tpu.memory_space<hbm>>
      tpu.wait_dma2 semaphore(%arg15 : memref<!tpu.dma_semaphore, #tpu.memory_space<semaphore_mem>>) src(%dma_wait3A_136 : memref<1x80xi32, #tpu.memory_space<hbm>>) dst(%arg10 : memref<1x80xi32, #tpu.memory_space<vmem>>)
      %dma_wait3A_137 = arith.constant 0 : i32
      %dma_wait3A_138 = tpu.memref_slice %arg2[%add3A_58, %dma_wait3A_137] : memref<320000x128xf32, #tpu.memory_space<hbm>> -> memref<80x128xf32, #tpu.memory_space<hbm>>
      %dma_wait3A_139 = arith.constant 0 : i32
      %dma_wait3A_140 = tpu.memref_slice %arg2[%add3A_58, %dma_wait3A_139] : memref<320000x128xf32, #tpu.memory_space<hbm>> -> memref<80x128xf32, #tpu.memory_space<hbm>>
      tpu.wait_dma2 semaphore(%arg16 : memref<!tpu.dma_semaphore, #tpu.memory_space<semaphore_mem>>) src(%dma_wait3A_140 : memref<80x128xf32, #tpu.memory_space<hbm>>) dst(%arg11 : memref<80x128xf32, #tpu.memory_space<vmem>>)
      %dma_wait3A_141 = arith.constant 0 : i32
      %dma_wait3A_142 = tpu.memref_slice %arg3[%add3A_58, %dma_wait3A_141] : memref<320000x128xf32, #tpu.memory_space<hbm>> -> memref<80x128xf32, #tpu.memory_space<hbm>>
      %dma_wait3A_143 = arith.constant 0 : i32
      %dma_wait3A_144 = tpu.memref_slice %arg3[%add3A_58, %dma_wait3A_143] : memref<320000x128xf32, #tpu.memory_space<hbm>> -> memref<80x128xf32, #tpu.memory_space<hbm>>
      tpu.wait_dma2 semaphore(%arg16 : memref<!tpu.dma_semaphore, #tpu.memory_space<semaphore_mem>>) src(%dma_wait3A_144 : memref<80x128xf32, #tpu.memory_space<hbm>>) dst(%arg12 : memref<80x128xf32, #tpu.memory_space<vmem>>)
      %dma_start3A_145 = arith.constant 0 : i32
      %dma_start3A_146 = arith.constant 0 : i32
      %dma_start3A_147 = tpu.memref_slice %arg9[%dma_start3A_145, %dma_start3A_146] : memref<1x80xi32, #tpu.memory_space<vmem>> -> memref<1x80xi32, #tpu.memory_space<vmem>>
      %dma_start3A_148 = tpu.memref_squeeze %dma_start3A_147 : memref<1x80xi32, #tpu.memory_space<vmem>> -> memref<80xi32, #tpu.memory_space<vmem>>
      %dma_start3A_149 = arith.constant 0 : i32
      %dma_start3A_150 = arith.constant 0 : i32
      %dma_start3A_151 = tpu.memref_slice %arg13[%dma_start3A_149, %dma_start3A_150] : memref<10000x128xf32, #tpu.memory_space<vmem_shared>> -> memref<10000x128xf32, #tpu.memory_space<vmem_shared>>
      tpu.enqueue_indirect_dma source(%arg11 : memref<80x128xf32, #tpu.memory_space<vmem>>) target(%dma_start3A_151 : memref<10000x128xf32, #tpu.memory_space<vmem_shared>>) offsets(%dma_start3A_148 : memref<80xi32, #tpu.memory_space<vmem>>) semaphore(%arg17 : memref<!tpu.dma_semaphore, #tpu.memory_space<semaphore_mem>>) {add = true}
      %dma_start3A_152 = arith.constant 0 : i32
      %dma_start3A_153 = arith.constant 0 : i32
      %dma_start3A_154 = tpu.memref_slice %arg10[%dma_start3A_152, %dma_start3A_153] : memref<1x80xi32, #tpu.memory_space<vmem>> -> memref<1x80xi32, #tpu.memory_space<vmem>>
      %dma_start3A_155 = tpu.memref_squeeze %dma_start3A_154 : memref<1x80xi32, #tpu.memory_space<vmem>> -> memref<80xi32, #tpu.memory_space<vmem>>
      %dma_start3A_156 = arith.constant 0 : i32
      %dma_start3A_157 = arith.constant 0 : i32
      %dma_start3A_158 = tpu.memref_slice %arg14[%dma_start3A_156, %dma_start3A_157] : memref<632x128xf32, #tpu.memory_space<vmem_shared>> -> memref<632x128xf32, #tpu.memory_space<vmem_shared>>
      tpu.enqueue_indirect_dma source(%arg12 : memref<80x128xf32, #tpu.memory_space<vmem>>) target(%dma_start3A_158 : memref<632x128xf32, #tpu.memory_space<vmem_shared>>) offsets(%dma_start3A_155 : memref<80xi32, #tpu.memory_space<vmem>>) semaphore(%arg17 : memref<!tpu.dma_semaphore, #tpu.memory_space<semaphore_mem>>) {add = true}
      %dma_wait3A_159 = arith.constant 0 : i32
      %dma_wait3A_160 = arith.constant 0 : i32
      %dma_wait3A_161 = tpu.memref_slice %arg9[%dma_wait3A_159, %dma_wait3A_160] : memref<1x80xi32, #tpu.memory_space<vmem>> -> memref<1x80xi32, #tpu.memory_space<vmem>>
      %dma_wait3A_162 = tpu.memref_squeeze %dma_wait3A_161 : memref<1x80xi32, #tpu.memory_space<vmem>> -> memref<80xi32, #tpu.memory_space<vmem>>
      %dma_wait3A_163 = arith.constant 0 : i32
      %dma_wait3A_164 = arith.constant 0 : i32
      %dma_wait3A_165 = tpu.memref_slice %arg13[%dma_wait3A_163, %dma_wait3A_164] : memref<10000x128xf32, #tpu.memory_space<vmem_shared>> -> memref<10000x128xf32, #tpu.memory_space<vmem_shared>>
      tpu.wait_indirect_dma semaphore(%arg17 : memref<!tpu.dma_semaphore, #tpu.memory_space<semaphore_mem>>) src(%arg11 : memref<80x128xf32, #tpu.memory_space<vmem>>) dst(%dma_wait3A_165 : memref<10000x128xf32, #tpu.memory_space<vmem_shared>>)
      %dma_wait3A_166 = arith.constant 0 : i32
      %dma_wait3A_167 = arith.constant 0 : i32
      %dma_wait3A_168 = tpu.memref_slice %arg10[%dma_wait3A_166, %dma_wait3A_167] : memref<1x80xi32, #tpu.memory_space<vmem>> -> memref<1x80xi32, #tpu.memory_space<vmem>>
      %dma_wait3A_169 = tpu.memref_squeeze %dma_wait3A_168 : memref<1x80xi32, #tpu.memory_space<vmem>> -> memref<80xi32, #tpu.memory_space<vmem>>
      %dma_wait3A_170 = arith.constant 0 : i32
      %dma_wait3A_171 = arith.constant 0 : i32
      %dma_wait3A_172 = tpu.memref_slice %arg14[%dma_wait3A_170, %dma_wait3A_171] : memref<632x128xf32, #tpu.memory_space<vmem_shared>> -> memref<632x128xf32, #tpu.memory_space<vmem_shared>>
      tpu.wait_indirect_dma semaphore(%arg17 : memref<!tpu.dma_semaphore, #tpu.memory_space<semaphore_mem>>) src(%arg12 : memref<80x128xf32, #tpu.memory_space<vmem>>) dst(%dma_wait3A_172 : memref<632x128xf32, #tpu.memory_space<vmem_shared>>)
    }
    %scan3A_23 = arith.constant 125 : i32
    %barrier3A_24 = arith.constant 0 : index
    tpu.barrier barrier_id(%barrier3A_24)
    %lt3A_25 = arith.constant 15 : i32
    %lt3A_26 = arith.cmpi slt, %arg1, %lt3A_25 : i32
    %convert_element_type3A_27 = arith.extui %lt3A_26 : i1 to i32
    %cond3A_28 = arith.constant 0 : i32
    %cond3A_29 = arith.cmpi ne, %convert_element_type3A_27, %cond3A_28 : i32
    scf.if %cond3A_29 {
      %mul3A_55 = arith.constant 624 : i32
      %mul3A_56 = arith.muli %arg1, %mul3A_55 : i32
      "tpu.region"() ({
        %run_scoped3A = tpu.sem_alloc : memref<!tpu.dma_semaphore, #tpu.memory_space<semaphore_mem>>
        %dma_start3A = arith.constant 0 : i32
        %dma_start3A_57 = arith.constant 0 : i32
        %dma_start3A_58 = tpu.memref_slice %arg7[%arg0, %dma_start3A, %dma_start3A_57] : memref<2x10000x128xf32, #tpu.memory_space<hbm>> -> memref<1x10000x128xf32, #tpu.memory_space<hbm>>
        %dma_start3A_59 = tpu.memref_squeeze %dma_start3A_58 : memref<1x10000x128xf32, #tpu.memory_space<hbm>> -> memref<10000x128xf32, #tpu.memory_space<hbm>>
        %dma_start3A_60 = arith.constant 0 : i32
        %dma_start3A_61 = tpu.memref_slice %dma_start3A_59[%mul3A_56, %dma_start3A_60] : memref<10000x128xf32, #tpu.memory_space<hbm>> -> memref<624x128xf32, #tpu.memory_space<hbm>>
        %dma_start3A_62 = arith.constant 0 : i32
        %dma_start3A_63 = tpu.memref_slice %arg13[%mul3A_56, %dma_start3A_62] : memref<10000x128xf32, #tpu.memory_space<vmem_shared>> -> memref<624x128xf32, #tpu.memory_space<vmem_shared>>
        tpu.enqueue_dma source(%dma_start3A_63 : memref<624x128xf32, #tpu.memory_space<vmem_shared>>) target(%dma_start3A_61 : memref<624x128xf32, #tpu.memory_space<hbm>>) target_semaphore(%run_scoped3A : memref<!tpu.dma_semaphore, #tpu.memory_space<semaphore_mem>>)
        %dma_wait3A = arith.constant 0 : i32
        %dma_wait3A_64 = arith.constant 0 : i32
        %dma_wait3A_65 = tpu.memref_slice %arg7[%arg0, %dma_wait3A, %dma_wait3A_64] : memref<2x10000x128xf32, #tpu.memory_space<hbm>> -> memref<1x10000x128xf32, #tpu.memory_space<hbm>>
        %dma_wait3A_66 = tpu.memref_squeeze %dma_wait3A_65 : memref<1x10000x128xf32, #tpu.memory_space<hbm>> -> memref<10000x128xf32, #tpu.memory_space<hbm>>
        %dma_wait3A_67 = arith.constant 0 : i32
        %dma_wait3A_68 = tpu.memref_slice %dma_wait3A_66[%mul3A_56, %dma_wait3A_67] : memref<10000x128xf32, #tpu.memory_space<hbm>> -> memref<624x128xf32, #tpu.memory_space<hbm>>
        %dma_wait3A_69 = arith.constant 0 : i32
        %dma_wait3A_70 = tpu.memref_slice %arg13[%mul3A_56, %dma_wait3A_69] : memref<10000x128xf32, #tpu.memory_space<vmem_shared>> -> memref<624x128xf32, #tpu.memory_space<vmem_shared>>
        tpu.wait_dma2 semaphore(%run_scoped3A : memref<!tpu.dma_semaphore, #tpu.memory_space<semaphore_mem>>) src(%dma_wait3A_70 : memref<624x128xf32, #tpu.memory_space<vmem_shared>>) dst(%dma_wait3A_68 : memref<624x128xf32, #tpu.memory_space<hbm>>)
        tpu.yield
      }) : () -> ()
    } else {
    }
    %eq3A_30 = arith.constant 15 : i32
    %eq3A_31 = arith.cmpi eq, %arg1, %eq3A_30 : i32
    %convert_element_type3A_32 = arith.extui %eq3A_31 : i1 to i32
    %cond3A_33 = arith.constant 0 : i32
    %cond3A_34 = arith.cmpi ne, %convert_element_type3A_32, %cond3A_33 : i32
    scf.if %cond3A_34 {
      "tpu.region"() ({
        %run_scoped3A = tpu.sem_alloc : memref<!tpu.dma_semaphore, #tpu.memory_space<semaphore_mem>>
        %dma_start3A = arith.constant 0 : i32
        %dma_start3A_55 = arith.constant 0 : i32
        %dma_start3A_56 = tpu.memref_slice %arg7[%arg0, %dma_start3A, %dma_start3A_55] : memref<2x10000x128xf32, #tpu.memory_space<hbm>> -> memref<1x10000x128xf32, #tpu.memory_space<hbm>>
        %dma_start3A_57 = tpu.memref_squeeze %dma_start3A_56 : memref<1x10000x128xf32, #tpu.memory_space<hbm>> -> memref<10000x128xf32, #tpu.memory_space<hbm>>
        %dma_start3A_58 = arith.constant 9360 : i32
        %dma_start3A_59 = arith.constant 0 : i32
        %dma_start3A_60 = tpu.memref_slice %dma_start3A_57[%dma_start3A_58, %dma_start3A_59] : memref<10000x128xf32, #tpu.memory_space<hbm>> -> memref<640x128xf32, #tpu.memory_space<hbm>>
        %dma_start3A_61 = arith.constant 9360 : i32
        %dma_start3A_62 = arith.constant 0 : i32
        %dma_start3A_63 = tpu.memref_slice %arg13[%dma_start3A_61, %dma_start3A_62] : memref<10000x128xf32, #tpu.memory_space<vmem_shared>> -> memref<640x128xf32, #tpu.memory_space<vmem_shared>>
        tpu.enqueue_dma source(%dma_start3A_63 : memref<640x128xf32, #tpu.memory_space<vmem_shared>>) target(%dma_start3A_60 : memref<640x128xf32, #tpu.memory_space<hbm>>) target_semaphore(%run_scoped3A : memref<!tpu.dma_semaphore, #tpu.memory_space<semaphore_mem>>)
        %dma_wait3A = arith.constant 0 : i32
        %dma_wait3A_64 = arith.constant 0 : i32
        %dma_wait3A_65 = tpu.memref_slice %arg7[%arg0, %dma_wait3A, %dma_wait3A_64] : memref<2x10000x128xf32, #tpu.memory_space<hbm>> -> memref<1x10000x128xf32, #tpu.memory_space<hbm>>
        %dma_wait3A_66 = tpu.memref_squeeze %dma_wait3A_65 : memref<1x10000x128xf32, #tpu.memory_space<hbm>> -> memref<10000x128xf32, #tpu.memory_space<hbm>>
        %dma_wait3A_67 = arith.constant 9360 : i32
        %dma_wait3A_68 = arith.constant 0 : i32
        %dma_wait3A_69 = tpu.memref_slice %dma_wait3A_66[%dma_wait3A_67, %dma_wait3A_68] : memref<10000x128xf32, #tpu.memory_space<hbm>> -> memref<640x128xf32, #tpu.memory_space<hbm>>
        %dma_wait3A_70 = arith.constant 9360 : i32
        %dma_wait3A_71 = arith.constant 0 : i32
        %dma_wait3A_72 = tpu.memref_slice %arg13[%dma_wait3A_70, %dma_wait3A_71] : memref<10000x128xf32, #tpu.memory_space<vmem_shared>> -> memref<640x128xf32, #tpu.memory_space<vmem_shared>>
        tpu.wait_dma2 semaphore(%run_scoped3A : memref<!tpu.dma_semaphore, #tpu.memory_space<semaphore_mem>>) src(%dma_wait3A_72 : memref<640x128xf32, #tpu.memory_space<vmem_shared>>) dst(%dma_wait3A_69 : memref<640x128xf32, #tpu.memory_space<hbm>>)
        tpu.yield
      }) : () -> ()
    } else {
    }
    %eq3A_35 = arith.constant 0 : i32
    %eq3A_36 = arith.cmpi eq, %arg1, %eq3A_35 : i32
    %convert_element_type3A_37 = arith.extui %eq3A_36 : i1 to i32
    %cond3A_38 = arith.constant 0 : i32
    %cond3A_39 = arith.cmpi ne, %convert_element_type3A_37, %cond3A_38 : i32
    scf.if %cond3A_39 {
      "tpu.region"() ({
        %run_scoped3A = tpu.sem_alloc : memref<!tpu.dma_semaphore, #tpu.memory_space<semaphore_mem>>
        %dma_start3A = arith.constant 0 : i32
        %dma_start3A_55 = arith.constant 0 : i32
        %dma_start3A_56 = tpu.memref_slice %arg8[%arg0, %dma_start3A, %dma_start3A_55] : memref<2x632x128xf32, #tpu.memory_space<hbm>> -> memref<1x632x128xf32, #tpu.memory_space<hbm>>
        %dma_start3A_57 = tpu.memref_squeeze %dma_start3A_56 : memref<1x632x128xf32, #tpu.memory_space<hbm>> -> memref<632x128xf32, #tpu.memory_space<hbm>>
        %dma_start3A_58 = arith.constant 0 : i32
        %dma_start3A_59 = arith.constant 0 : i32
        %dma_start3A_60 = tpu.memref_slice %dma_start3A_57[%dma_start3A_58, %dma_start3A_59] : memref<632x128xf32, #tpu.memory_space<hbm>> -> memref<320x128xf32, #tpu.memory_space<hbm>>
        %dma_start3A_61 = arith.constant 0 : i32
        %dma_start3A_62 = arith.constant 0 : i32
        %dma_start3A_63 = tpu.memref_slice %arg14[%dma_start3A_61, %dma_start3A_62] : memref<632x128xf32, #tpu.memory_space<vmem_shared>> -> memref<320x128xf32, #tpu.memory_space<vmem_shared>>
        tpu.enqueue_dma source(%dma_start3A_63 : memref<320x128xf32, #tpu.memory_space<vmem_shared>>) target(%dma_start3A_60 : memref<320x128xf32, #tpu.memory_space<hbm>>) target_semaphore(%run_scoped3A : memref<!tpu.dma_semaphore, #tpu.memory_space<semaphore_mem>>)
        %dma_wait3A = arith.constant 0 : i32
        %dma_wait3A_64 = arith.constant 0 : i32
        %dma_wait3A_65 = tpu.memref_slice %arg8[%arg0, %dma_wait3A, %dma_wait3A_64] : memref<2x632x128xf32, #tpu.memory_space<hbm>> -> memref<1x632x128xf32, #tpu.memory_space<hbm>>
        %dma_wait3A_66 = tpu.memref_squeeze %dma_wait3A_65 : memref<1x632x128xf32, #tpu.memory_space<hbm>> -> memref<632x128xf32, #tpu.memory_space<hbm>>
        %dma_wait3A_67 = arith.constant 0 : i32
        %dma_wait3A_68 = arith.constant 0 : i32
        %dma_wait3A_69 = tpu.memref_slice %dma_wait3A_66[%dma_wait3A_67, %dma_wait3A_68] : memref<632x128xf32, #tpu.memory_space<hbm>> -> memref<320x128xf32, #tpu.memory_space<hbm>>
        %dma_wait3A_70 = arith.constant 0 : i32
        %dma_wait3A_71 = arith.constant 0 : i32
        %dma_wait3A_72 = tpu.memref_slice %arg14[%dma_wait3A_70, %dma_wait3A_71] : memref<632x128xf32, #tpu.memory_space<vmem_shared>> -> memref<320x128xf32, #tpu.memory_space<vmem_shared>>
        tpu.wait_dma2 semaphore(%run_scoped3A : memref<!tpu.dma_semaphore, #tpu.memory_space<semaphore_mem>>) src(%dma_wait3A_72 : memref<320x128xf32, #tpu.memory_space<vmem_shared>>) dst(%dma_wait3A_69 : memref<320x128xf32, #tpu.memory_space<hbm>>)
        tpu.yield
      }) : () -> ()
    } else {
    }
    %eq3A_40 = arith.constant 1 : i32
    %eq3A_41 = arith.cmpi eq, %arg1, %eq3A_40 : i32
    %convert_element_type3A_42 = arith.extui %eq3A_41 : i1 to i32
    %cond3A_43 = arith.constant 0 : i32
    %cond3A_44 = arith.cmpi ne, %convert_element_type3A_42, %cond3A_43 : i32
    scf.if %cond3A_44 {
      "tpu.region"() ({
        %run_scoped3A = tpu.sem_alloc : memref<!tpu.dma_semaphore, #tpu.memory_space<semaphore_mem>>
        %dma_start3A = arith.constant 0 : i32
        %dma_start3A_55 = arith.constant 0 : i32
        %dma_start3A_56 = tpu.memref_slice %arg8[%arg0, %dma_start3A, %dma_start3A_55] : memref<2x632x128xf32, #tpu.memory_space<hbm>> -> memref<1x632x128xf32, #tpu.memory_space<hbm>>
        %dma_start3A_57 = tpu.memref_squeeze %dma_start3A_56 : memref<1x632x128xf32, #tpu.memory_space<hbm>> -> memref<632x128xf32, #tpu.memory_space<hbm>>
        %dma_start3A_58 = arith.constant 320 : i32
        %dma_start3A_59 = arith.constant 0 : i32
        %dma_start3A_60 = tpu.memref_slice %dma_start3A_57[%dma_start3A_58, %dma_start3A_59] : memref<632x128xf32, #tpu.memory_space<hbm>> -> memref<312x128xf32, #tpu.memory_space<hbm>>
        %dma_start3A_61 = arith.constant 320 : i32
        %dma_start3A_62 = arith.constant 0 : i32
        %dma_start3A_63 = tpu.memref_slice %arg14[%dma_start3A_61, %dma_start3A_62] : memref<632x128xf32, #tpu.memory_space<vmem_shared>> -> memref<312x128xf32, #tpu.memory_space<vmem_shared>>
        tpu.enqueue_dma source(%dma_start3A_63 : memref<312x128xf32, #tpu.memory_space<vmem_shared>>) target(%dma_start3A_60 : memref<312x128xf32, #tpu.memory_space<hbm>>) target_semaphore(%run_scoped3A : memref<!tpu.dma_semaphore, #tpu.memory_space<semaphore_mem>>)
        %dma_wait3A = arith.constant 0 : i32
        %dma_wait3A_64 = arith.constant 0 : i32
        %dma_wait3A_65 = tpu.memref_slice %arg8[%arg0, %dma_wait3A, %dma_wait3A_64] : memref<2x632x128xf32, #tpu.memory_space<hbm>> -> memref<1x632x128xf32, #tpu.memory_space<hbm>>
        %dma_wait3A_66 = tpu.memref_squeeze %dma_wait3A_65 : memref<1x632x128xf32, #tpu.memory_space<hbm>> -> memref<632x128xf32, #tpu.memory_space<hbm>>
        %dma_wait3A_67 = arith.constant 320 : i32
        %dma_wait3A_68 = arith.constant 0 : i32
        %dma_wait3A_69 = tpu.memref_slice %dma_wait3A_66[%dma_wait3A_67, %dma_wait3A_68] : memref<632x128xf32, #tpu.memory_space<hbm>> -> memref<312x128xf32, #tpu.memory_space<hbm>>
        %dma_wait3A_70 = arith.constant 320 : i32
        %dma_wait3A_71 = arith.constant 0 : i32
        %dma_wait3A_72 = tpu.memref_slice %arg14[%dma_wait3A_70, %dma_wait3A_71] : memref<632x128xf32, #tpu.memory_space<vmem_shared>> -> memref<312x128xf32, #tpu.memory_space<vmem_shared>>
        tpu.wait_dma2 semaphore(%run_scoped3A : memref<!tpu.dma_semaphore, #tpu.memory_space<semaphore_mem>>) src(%dma_wait3A_72 : memref<312x128xf32, #tpu.memory_space<vmem_shared>>) dst(%dma_wait3A_69 : memref<312x128xf32, #tpu.memory_space<hbm>>)
        tpu.yield
      }) : () -> ()
    } else {
    }
    %lt3A_45 = arith.constant 15 : i32
    %lt3A_46 = arith.cmpi slt, %arg1, %lt3A_45 : i32
    %convert_element_type3A_47 = arith.extui %lt3A_46 : i1 to i32
    %cond3A_48 = arith.constant 0 : i32
    %cond3A_49 = arith.cmpi ne, %convert_element_type3A_47, %cond3A_48 : i32
    scf.if %cond3A_49 {
      %mul3A_55 = arith.constant 624 : i32
      %mul3A_56 = arith.muli %arg1, %mul3A_55 : i32
      "tpu.region"() ({
        %run_scoped3A = tpu.sem_alloc : memref<!tpu.dma_semaphore, #tpu.memory_space<semaphore_mem>>
        %dma_start3A = arith.constant 0 : i32
        %dma_start3A_57 = arith.constant 0 : i32
        %dma_start3A_58 = tpu.memref_slice %arg7[%arg0, %dma_start3A, %dma_start3A_57] : memref<2x10000x128xf32, #tpu.memory_space<hbm>> -> memref<1x10000x128xf32, #tpu.memory_space<hbm>>
        %dma_start3A_59 = tpu.memref_squeeze %dma_start3A_58 : memref<1x10000x128xf32, #tpu.memory_space<hbm>> -> memref<10000x128xf32, #tpu.memory_space<hbm>>
        %dma_start3A_60 = arith.constant 0 : i32
        %dma_start3A_61 = tpu.memref_slice %dma_start3A_59[%mul3A_56, %dma_start3A_60] : memref<10000x128xf32, #tpu.memory_space<hbm>> -> memref<624x128xf32, #tpu.memory_space<hbm>>
        %dma_start3A_62 = arith.constant 0 : i32
        %dma_start3A_63 = tpu.memref_slice %arg13[%mul3A_56, %dma_start3A_62] : memref<10000x128xf32, #tpu.memory_space<vmem_shared>> -> memref<624x128xf32, #tpu.memory_space<vmem_shared>>
        tpu.enqueue_dma source(%dma_start3A_63 : memref<624x128xf32, #tpu.memory_space<vmem_shared>>) target(%dma_start3A_61 : memref<624x128xf32, #tpu.memory_space<hbm>>) target_semaphore(%run_scoped3A : memref<!tpu.dma_semaphore, #tpu.memory_space<semaphore_mem>>)
        %dma_wait3A = arith.constant 0 : i32
        %dma_wait3A_64 = arith.constant 0 : i32
        %dma_wait3A_65 = tpu.memref_slice %arg7[%arg0, %dma_wait3A, %dma_wait3A_64] : memref<2x10000x128xf32, #tpu.memory_space<hbm>> -> memref<1x10000x128xf32, #tpu.memory_space<hbm>>
        %dma_wait3A_66 = tpu.memref_squeeze %dma_wait3A_65 : memref<1x10000x128xf32, #tpu.memory_space<hbm>> -> memref<10000x128xf32, #tpu.memory_space<hbm>>
        %dma_wait3A_67 = arith.constant 0 : i32
        %dma_wait3A_68 = tpu.memref_slice %dma_wait3A_66[%mul3A_56, %dma_wait3A_67] : memref<10000x128xf32, #tpu.memory_space<hbm>> -> memref<624x128xf32, #tpu.memory_space<hbm>>
        %dma_wait3A_69 = arith.constant 0 : i32
        %dma_wait3A_70 = tpu.memref_slice %arg13[%mul3A_56, %dma_wait3A_69] : memref<10000x128xf32, #tpu.memory_space<vmem_shared>> -> memref<624x128xf32, #tpu.memory_space<vmem_shared>>
        tpu.wait_dma2 semaphore(%run_scoped3A : memref<!tpu.dma_semaphore, #tpu.memory_space<semaphore_mem>>) src(%dma_wait3A_70 : memref<624x128xf32, #tpu.memory_space<vmem_shared>>) dst(%dma_wait3A_68 : memref<624x128xf32, #tpu.memory_space<hbm>>)
        tpu.yield
      }) : () -> ()
    } else {
    }
    %eq3A_50 = arith.constant 15 : i32
    %eq3A_51 = arith.cmpi eq, %arg1, %eq3A_50 : i32
    %convert_element_type3A_52 = arith.extui %eq3A_51 : i1 to i32
    %cond3A_53 = arith.constant 0 : i32
    %cond3A_54 = arith.cmpi ne, %convert_element_type3A_52, %cond3A_53 : i32
    scf.if %cond3A_54 {
      "tpu.region"() ({
        %run_scoped3A = tpu.sem_alloc : memref<!tpu.dma_semaphore, #tpu.memory_space<semaphore_mem>>
        %dma_start3A = arith.constant 0 : i32
        %dma_start3A_55 = arith.constant 0 : i32
        %dma_start3A_56 = tpu.memref_slice %arg7[%arg0, %dma_start3A, %dma_start3A_55] : memref<2x10000x128xf32, #tpu.memory_space<hbm>> -> memref<1x10000x128xf32, #tpu.memory_space<hbm>>
        %dma_start3A_57 = tpu.memref_squeeze %dma_start3A_56 : memref<1x10000x128xf32, #tpu.memory_space<hbm>> -> memref<10000x128xf32, #tpu.memory_space<hbm>>
        %dma_start3A_58 = arith.constant 9360 : i32
        %dma_start3A_59 = arith.constant 0 : i32
        %dma_start3A_60 = tpu.memref_slice %dma_start3A_57[%dma_start3A_58, %dma_start3A_59] : memref<10000x128xf32, #tpu.memory_space<hbm>> -> memref<640x128xf32, #tpu.memory_space<hbm>>
        %dma_start3A_61 = arith.constant 9360 : i32
        %dma_start3A_62 = arith.constant 0 : i32
        %dma_start3A_63 = tpu.memref_slice %arg13[%dma_start3A_61, %dma_start3A_62] : memref<10000x128xf32, #tpu.memory_space<vmem_shared>> -> memref<640x128xf32, #tpu.memory_space<vmem_shared>>
        tpu.enqueue_dma source(%dma_start3A_63 : memref<640x128xf32, #tpu.memory_space<vmem_shared>>) target(%dma_start3A_60 : memref<640x128xf32, #tpu.memory_space<hbm>>) target_semaphore(%run_scoped3A : memref<!tpu.dma_semaphore, #tpu.memory_space<semaphore_mem>>)
        %dma_wait3A = arith.constant 0 : i32
        %dma_wait3A_64 = arith.constant 0 : i32
        %dma_wait3A_65 = tpu.memref_slice %arg7[%arg0, %dma_wait3A, %dma_wait3A_64] : memref<2x10000x128xf32, #tpu.memory_space<hbm>> -> memref<1x10000x128xf32, #tpu.memory_space<hbm>>
        %dma_wait3A_66 = tpu.memref_squeeze %dma_wait3A_65 : memref<1x10000x128xf32, #tpu.memory_space<hbm>> -> memref<10000x128xf32, #tpu.memory_space<hbm>>
        %dma_wait3A_67 = arith.constant 9360 : i32
        %dma_wait3A_68 = arith.constant 0 : i32
        %dma_wait3A_69 = tpu.memref_slice %dma_wait3A_66[%dma_wait3A_67, %dma_wait3A_68] : memref<10000x128xf32, #tpu.memory_space<hbm>> -> memref<640x128xf32, #tpu.memory_space<hbm>>
        %dma_wait3A_70 = arith.constant 9360 : i32
        %dma_wait3A_71 = arith.constant 0 : i32
        %dma_wait3A_72 = tpu.memref_slice %arg13[%dma_wait3A_70, %dma_wait3A_71] : memref<10000x128xf32, #tpu.memory_space<vmem_shared>> -> memref<640x128xf32, #tpu.memory_space<vmem_shared>>
        tpu.wait_dma2 semaphore(%run_scoped3A : memref<!tpu.dma_semaphore, #tpu.memory_space<semaphore_mem>>) src(%dma_wait3A_72 : memref<640x128xf32, #tpu.memory_space<vmem_shared>>) dst(%dma_wait3A_69 : memref<640x128xf32, #tpu.memory_space<hbm>>)
        tpu.yield
      }) : () -> ()
    } else {
    }
    return
  }
}

module attributes {stable_mosaic.version = 14 : i64} {
  func.func @_prep_body(%arg0: i32, %arg1: memref<2000x128xf32, #tpu.memory_space<vmem>>, %arg2: memref<2000x3xf32, #tpu.memory_space<vmem>>, %arg3: memref<2000x3xf32, #tpu.memory_space<vmem>>, %arg4: memref<128x128xf32, #tpu.memory_space<vmem>>, %arg5: memref<128x128xf32, #tpu.memory_space<vmem>>, %arg6: memref<2000x256xf32, #tpu.memory_space<vmem>>, %arg7: memref<2000x256xf32, #tpu.memory_space<vmem>>) attributes {dimension_semantics = [#tpu.dimension_semantics<arbitrary>], iteration_bounds = array<i64: 5>, scalar_prefetch = 0 : i64, scratch_operands = 0 : i64, tpu.core_type = #tpu.core_type<tc>, window_params = [{transform_indices = @transform_0, window_bounds = array<i64: 2000, 128>}, {transform_indices = @transform_1, window_bounds = array<i64: 2000, 3>}, {transform_indices = @transform_2, window_bounds = array<i64: 2000, 3>}, {pipeline_mode = #tpu.pipeline_mode<synchronous>, transform_indices = @transform_3, window_bounds = array<i64: 128, 128>}, {pipeline_mode = #tpu.pipeline_mode<synchronous>, transform_indices = @transform_4, window_bounds = array<i64: 128, 128>}, {transform_indices = @transform_5, window_bounds = array<i64: 2000, 256>}, {transform_indices = @transform_6, window_bounds = array<i64: 2000, 256>}]} {
    %get3A = arith.constant 0 : index
    %get3A_0 = arith.constant 0 : index
    %get3A_1 = vector.load %arg1[%get3A, %get3A_0] : memref<2000x128xf32, #tpu.memory_space<vmem>>, vector<2000x128xf32>
    %get3A_2 = arith.constant 0 : index
    %get3A_3 = arith.constant 0 : index
    %get3A_4 = vector.load %arg2[%get3A_2, %get3A_3] : memref<2000x3xf32, #tpu.memory_space<vmem>>, vector<2000x3xf32>
    %get3A_5 = arith.constant 0 : index
    %get3A_6 = arith.constant 0 : index
    %get3A_7 = vector.load %arg3[%get3A_5, %get3A_6] : memref<2000x3xf32, #tpu.memory_space<vmem>>, vector<2000x3xf32>
    %mul3A = arith.mulf %get3A_7, %get3A_7 : vector<2000x3xf32>
    %reduce_sum3A = arith.constant dense<0.000000e+00> : vector<2000xf32>
    %reduce_sum3A_8 = vector.multi_reduction <add>, %mul3A, %reduce_sum3A [1] : vector<2000x3xf32> to vector<2000xf32>
    %broadcast_in_dim3A = vector.shape_cast %reduce_sum3A_8 : vector<2000xf32> to vector<2000x1xf32>
    %broadcast_in_dim3A_9 = arith.constant 0.000000e+00 : f32
    %broadcast_in_dim3A_10 = vector.broadcast %broadcast_in_dim3A_9 : f32 to vector<2000x121xf32>
    %get3A_11 = arith.constant 0 : index
    %get3A_12 = arith.constant 0 : index
    %get3A_13 = vector.load %arg4[%get3A_11, %get3A_12] : memref<128x128xf32, #tpu.memory_space<vmem>>, vector<128x128xf32>
    %dot_general3A = arith.constant dense<0.000000e+00> : vector<2000x128xf32>
    %dot_general3A_14 = tpu.matmul %get3A_1, %get3A_13, %dot_general3A {dimension_numbers = #tpu.dot_dimension_numbers<[1], [0], [0], [1], [0, 0, 1, 1], [], []>, transpose_lhs_hint = false} : vector<2000x128xf32>, vector<128x128xf32>, vector<2000x128xf32> -> vector<2000x128xf32>
    %get3A_15 = arith.constant 0 : index
    %get3A_16 = arith.constant 0 : index
    %get3A_17 = vector.load %arg5[%get3A_15, %get3A_16] : memref<128x128xf32, #tpu.memory_space<vmem>>, vector<128x128xf32>
    %dot_general3A_18 = arith.constant dense<0.000000e+00> : vector<2000x128xf32>
    %dot_general3A_19 = tpu.matmul %get3A_1, %get3A_17, %dot_general3A_18 {dimension_numbers = #tpu.dot_dimension_numbers<[1], [0], [0], [1], [0, 0, 1, 1], [], []>, transpose_lhs_hint = false} : vector<2000x128xf32>, vector<128x128xf32>, vector<2000x128xf32> -> vector<2000x128xf32>
    %neg3A = arith.constant 0.000000e+00 : f32
    %neg3A_20 = vector.broadcast %neg3A : f32 to vector<2000x3xf32>
    %neg3A_21 = arith.subf %neg3A_20, %get3A_4 : vector<2000x3xf32>
    %neg3A_22 = arith.constant 0.000000e+00 : f32
    %neg3A_23 = vector.broadcast %neg3A_22 : f32 to vector<2000x3xf32>
    %neg3A_24 = arith.subf %neg3A_23, %get3A_7 : vector<2000x3xf32>
    %concatenate3A = tpu.concatenate %dot_general3A_14, %neg3A_21, %neg3A_24, %broadcast_in_dim3A, %broadcast_in_dim3A_10 in 1 : vector<2000x128xf32>, vector<2000x3xf32>, vector<2000x3xf32>, vector<2000x1xf32>, vector<2000x121xf32> -> vector<2000x256xf32>
    %swap3A = arith.constant 0 : index
    %swap3A_25 = arith.constant 0 : index
    %swap3A_26 = vector.load %arg6[%swap3A, %swap3A_25] : memref<2000x256xf32, #tpu.memory_space<vmem>>, vector<2000x256xf32>
    tpu.vector_store %arg6[%swap3A, %swap3A_25], %concatenate3A {strides = array<i32>} : memref<2000x256xf32, #tpu.memory_space<vmem>>, vector<2000x256xf32>,
    %concatenate3A_27 = tpu.concatenate %dot_general3A_19, %get3A_4, %get3A_7, %broadcast_in_dim3A, %broadcast_in_dim3A_10 in 1 : vector<2000x128xf32>, vector<2000x3xf32>, vector<2000x3xf32>, vector<2000x1xf32>, vector<2000x121xf32> -> vector<2000x256xf32>
    %swap3A_28 = arith.constant 0 : index
    %swap3A_29 = arith.constant 0 : index
    %swap3A_30 = vector.load %arg7[%swap3A_28, %swap3A_29] : memref<2000x256xf32, #tpu.memory_space<vmem>>, vector<2000x256xf32>
    tpu.vector_store %arg7[%swap3A_28, %swap3A_29], %concatenate3A_27 {strides = array<i32>} : memref<2000x256xf32, #tpu.memory_space<vmem>>, vector<2000x256xf32>,
    return
  }
  func.func @transform_0(%arg0: i32) -> (i32, i32) {
    %c0_i32 = arith.constant 0 : i32
    %c0_i32_0 = arith.constant 0 : i32
    return %arg0, %c0_i32 : i32, i32
  }
  func.func @transform_1(%arg0: i32) -> (i32, i32) {
    %c0_i32 = arith.constant 0 : i32
    %c0_i32_0 = arith.constant 0 : i32
    return %arg0, %c0_i32 : i32, i32
  }
  func.func @transform_2(%arg0: i32) -> (i32, i32) {
    %c0_i32 = arith.constant 0 : i32
    %c0_i32_0 = arith.constant 0 : i32
    return %arg0, %c0_i32 : i32, i32
  }
  func.func @transform_3(%arg0: i32) -> (i32, i32) {
    %c0_i32 = arith.constant 0 : i32
    %c0_i32_0 = arith.constant 0 : i32
    %c0_i32_1 = arith.constant 0 : i32
    return %c0_i32, %c0_i32_0 : i32, i32
  }
  func.func @transform_4(%arg0: i32) -> (i32, i32) {
    %c0_i32 = arith.constant 0 : i32
    %c0_i32_0 = arith.constant 0 : i32
    %c0_i32_1 = arith.constant 0 : i32
    return %c0_i32, %c0_i32_0 : i32, i32
  }
  func.func @transform_5(%arg0: i32) -> (i32, i32) {
    %c0_i32 = arith.constant 0 : i32
    %c0_i32_0 = arith.constant 0 : i32
    return %arg0, %c0_i32 : i32, i32
  }
  func.func @transform_6(%arg0: i32) -> (i32, i32) {
    %c0_i32 = arith.constant 0 : i32
    %c0_i32_0 = arith.constant 0 : i32
    return %arg0, %c0_i32 : i32, i32
  }
}

module attributes {stable_mosaic.version = 14 : i64} {
  func.func @_edge_body(%arg0: i32, %arg1: memref<1000x160xf32, #tpu.memory_space<vmem>>, %arg2: memref<1000x16xf32, #tpu.memory_space<vmem>>, %arg3: memref<1000x1xi32, #tpu.memory_space<vmem>>, %arg4: memref<16x128xf32, #tpu.memory_space<vmem>>, %arg5: memref<1x128xf32, #tpu.memory_space<vmem>>, %arg6: memref<1x128xf32, #tpu.memory_space<vmem>>, %arg7: memref<1x128xf32, #tpu.memory_space<vmem>>, %arg8: memref<1x128xf32, #tpu.memory_space<vmem>>, %arg9: memref<1x128xf32, #tpu.memory_space<vmem>>, %arg10: memref<1000x128xf32, #tpu.memory_space<vmem>>, %arg11: memref<1000x128xf32, #tpu.memory_space<vmem>>) attributes {dimension_semantics = [#tpu.dimension_semantics<arbitrary>], iteration_bounds = array<i64: 320>, scalar_prefetch = 0 : i64, scratch_operands = 0 : i64, tpu.core_type = #tpu.core_type<tc>, window_params = [{transform_indices = @transform_0, window_bounds = array<i64: 1000, 160>}, {transform_indices = @transform_1, window_bounds = array<i64: 1000, 16>}, {transform_indices = @transform_2, window_bounds = array<i64: 1000, 1>}, {pipeline_mode = #tpu.pipeline_mode<synchronous>, transform_indices = @transform_3, window_bounds = array<i64: 16, 128>}, {pipeline_mode = #tpu.pipeline_mode<synchronous>, transform_indices = @transform_4, window_bounds = array<i64: 1, 128>}, {pipeline_mode = #tpu.pipeline_mode<synchronous>, transform_indices = @transform_5, window_bounds = array<i64: 1, 128>}, {pipeline_mode = #tpu.pipeline_mode<synchronous>, transform_indices = @transform_6, window_bounds = array<i64: 1, 128>}, {pipeline_mode = #tpu.pipeline_mode<synchronous>, transform_indices = @transform_7, window_bounds = array<i64: 1, 128>}, {pipeline_mode = #tpu.pipeline_mode<synchronous>, transform_indices = @transform_8, window_bounds = array<i64: 1, 128>}, {transform_indices = @transform_9, window_bounds = array<i64: 1000, 128>}, {transform_indices = @transform_10, window_bounds = array<i64: 1000, 128>}]} {
    %get3A = arith.constant 0 : index
    %get3A_0 = arith.constant 0 : index
    %get3A_1 = vector.load %arg1[%get3A, %get3A_0] : memref<1000x160xf32, #tpu.memory_space<vmem>>, vector<1000x160xf32>
    %slice3A = vector.extract_strided_slice %get3A_1 {offsets = [0, 0], sizes = [1000, 128], strides = [1, 1]} : vector<1000x160xf32> to vector<1000x128xf32>
    %slice3A_2 = vector.extract_strided_slice %get3A_1 {offsets = [0, 128], sizes = [1000, 16], strides = [1, 1]} : vector<1000x160xf32> to vector<1000x16xf32>
    %slice3A_3 = vector.extract_strided_slice %slice3A_2 {offsets = [0, 0], sizes = [1000, 3], strides = [1, 1]} : vector<1000x16xf32> to vector<1000x3xf32>
    %slice3A_4 = vector.extract_strided_slice %slice3A_2 {offsets = [0, 3], sizes = [1000, 3], strides = [1, 1]} : vector<1000x16xf32> to vector<1000x3xf32>
    %slice3A_5 = vector.extract_strided_slice %slice3A_2 {offsets = [0, 6], sizes = [1000, 1], strides = [1, 1]} : vector<1000x16xf32> to vector<1000x1xf32>
    %mul3A = arith.mulf %slice3A_3, %slice3A_3 : vector<1000x3xf32>
    %reduce_sum3A = arith.constant dense<0.000000e+00> : vector<1000xf32>
    %reduce_sum3A_6 = vector.multi_reduction <add>, %mul3A, %reduce_sum3A [1] : vector<1000x3xf32> to vector<1000xf32>
    %broadcast_in_dim3A = vector.shape_cast %reduce_sum3A_6 : vector<1000xf32> to vector<1000x1xf32>
    %sqrt3A = math.sqrt %broadcast_in_dim3A : vector<1000x1xf32>
    %mul3A_7 = arith.mulf %slice3A_4, %slice3A_4 : vector<1000x3xf32>
    %reduce_sum3A_8 = arith.constant dense<0.000000e+00> : vector<1000xf32>
    %reduce_sum3A_9 = vector.multi_reduction <add>, %mul3A_7, %reduce_sum3A_8 [1] : vector<1000x3xf32> to vector<1000xf32>
    %broadcast_in_dim3A_10 = vector.shape_cast %reduce_sum3A_9 : vector<1000xf32> to vector<1000x1xf32>
    %sub3A = arith.subf %slice3A_5, %broadcast_in_dim3A_10 : vector<1000x1xf32>
    %mul3A_11 = arith.constant 5.000000e-01 : f32
    %mul3A_12 = vector.broadcast %mul3A_11 : f32 to vector<1000x1xf32>
    %mul3A_13 = arith.mulf %mul3A_12, %sub3A : vector<1000x1xf32>
    %get3A_14 = arith.constant 0 : index
    %get3A_15 = arith.constant 0 : index
    %get3A_16 = vector.load %arg2[%get3A_14, %get3A_15] : memref<1000x16xf32, #tpu.memory_space<vmem>>, vector<1000x16xf32>
    %get3A_17 = arith.constant 0 : index
    %get3A_18 = arith.constant 0 : index
    %get3A_19 = vector.load %arg4[%get3A_17, %get3A_18] : memref<16x128xf32, #tpu.memory_space<vmem>>, vector<16x128xf32>
    %dot_general3A = arith.constant dense<0.000000e+00> : vector<1000x128xf32>
    %dot_general3A_20 = tpu.matmul %get3A_16, %get3A_19, %dot_general3A {dimension_numbers = #tpu.dot_dimension_numbers<[1], [0], [0], [1], [0, 0, 1, 1], [], []>, transpose_lhs_hint = false} : vector<1000x16xf32>, vector<16x128xf32>, vector<1000x128xf32> -> vector<1000x128xf32>
    %add3A = arith.addf %slice3A, %dot_general3A_20 : vector<1000x128xf32>
    %get3A_21 = arith.constant 0 : index
    %get3A_22 = arith.constant 0 : index
    %get3A_23 = vector.load %arg5[%get3A_21, %get3A_22] : memref<1x128xf32, #tpu.memory_space<vmem>>, vector<1x128xf32>
    %mul3A_24 = vector.broadcast %sqrt3A : vector<1000x1xf32> to vector<1000x128xf32>
    %mul3A_25 = vector.broadcast %get3A_23 : vector<1x128xf32> to vector<1000x128xf32>
    %mul3A_26 = arith.mulf %mul3A_24, %mul3A_25 : vector<1000x128xf32>
    %add3A_27 = arith.addf %add3A, %mul3A_26 : vector<1000x128xf32>
    %get3A_28 = arith.constant 0 : index
    %get3A_29 = arith.constant 0 : index
    %get3A_30 = vector.load %arg6[%get3A_28, %get3A_29] : memref<1x128xf32, #tpu.memory_space<vmem>>, vector<1x128xf32>
    %mul3A_31 = vector.broadcast %mul3A_13 : vector<1000x1xf32> to vector<1000x128xf32>
    %mul3A_32 = vector.broadcast %get3A_30 : vector<1x128xf32> to vector<1000x128xf32>
    %mul3A_33 = arith.mulf %mul3A_31, %mul3A_32 : vector<1000x128xf32>
    %add3A_34 = arith.addf %add3A_27, %mul3A_33 : vector<1000x128xf32>
    %get3A_35 = arith.constant 0 : index
    %get3A_36 = arith.constant 0 : index
    %get3A_37 = vector.load %arg7[%get3A_35, %get3A_36] : memref<1x128xf32, #tpu.memory_space<vmem>>, vector<1x128xf32>
    %add3A_38 = vector.broadcast %get3A_37 : vector<1x128xf32> to vector<1000x128xf32>
    %add3A_39 = arith.addf %add3A_34, %add3A_38 : vector<1000x128xf32>
    %max3A = arith.constant 0.000000e+00 : f32
    %max3A_40 = vector.broadcast %max3A : f32 to vector<1000x128xf32>
    %max3A_41 = arith.maximumf %add3A_39, %max3A_40 : vector<1000x128xf32>
    %swap3A = arith.constant 0 : index
    %swap3A_42 = arith.constant 0 : index
    %swap3A_43 = vector.load %arg10[%swap3A, %swap3A_42] : memref<1000x128xf32, #tpu.memory_space<vmem>>, vector<1000x128xf32>
    tpu.vector_store %arg10[%swap3A, %swap3A_42], %max3A_41 {strides = array<i32>} : memref<1000x128xf32, #tpu.memory_space<vmem>>, vector<1000x128xf32>,
    %get3A_44 = arith.constant 0 : index
    %get3A_45 = arith.constant 0 : index
    %get3A_46 = vector.load %arg8[%get3A_44, %get3A_45] : memref<1x128xf32, #tpu.memory_space<vmem>>, vector<1x128xf32>
    %mul3A_47 = vector.broadcast %get3A_46 : vector<1x128xf32> to vector<1000x128xf32>
    %mul3A_48 = arith.mulf %max3A_41, %mul3A_47 : vector<1000x128xf32>
    %reduce_sum3A_49 = arith.constant dense<0.000000e+00> : vector<1000xf32>
    %reduce_sum3A_50 = vector.multi_reduction <add>, %mul3A_48, %reduce_sum3A_49 [1] : vector<1000x128xf32> to vector<1000xf32>
    %broadcast_in_dim3A_51 = vector.shape_cast %reduce_sum3A_50 : vector<1000xf32> to vector<1000x1xf32>
    %max3A_52 = arith.constant 0.000000e+00 : f32
    %max3A_53 = vector.broadcast %max3A_52 : f32 to vector<1000x1xf32>
    %max3A_54 = arith.maximumf %broadcast_in_dim3A_51, %max3A_53 : vector<1000x1xf32>
    %get3A_55 = arith.constant 0 : index
    %get3A_56 = arith.constant 0 : index
    %get3A_57 = vector.load %arg9[%get3A_55, %get3A_56] : memref<1x128xf32, #tpu.memory_space<vmem>>, vector<1x128xf32>
    %mul3A_58 = vector.broadcast %get3A_57 : vector<1x128xf32> to vector<1000x128xf32>
    %mul3A_59 = arith.mulf %max3A_41, %mul3A_58 : vector<1000x128xf32>
    %reduce_sum3A_60 = arith.constant dense<0.000000e+00> : vector<1000xf32>
    %reduce_sum3A_61 = vector.multi_reduction <add>, %mul3A_59, %reduce_sum3A_60 [1] : vector<1000x128xf32> to vector<1000xf32>
    %broadcast_in_dim3A_62 = vector.shape_cast %reduce_sum3A_61 : vector<1000xf32> to vector<1000x1xf32>
    %max3A_63 = arith.constant 0.000000e+00 : f32
    %max3A_64 = vector.broadcast %max3A_63 : f32 to vector<1000x1xf32>
    %max3A_65 = arith.maximumf %broadcast_in_dim3A_62, %max3A_64 : vector<1000x1xf32>
    %broadcast_in_dim3A_66 = arith.constant 1.000000e+00 : f32
    %broadcast_in_dim3A_67 = vector.broadcast %broadcast_in_dim3A_66 : f32 to vector<1000x1xf32>
    %mul3A_68 = vector.broadcast %max3A_54 : vector<1000x1xf32> to vector<1000x3xf32>
    %mul3A_69 = arith.mulf %slice3A_3, %mul3A_68 : vector<1000x3xf32>
    %mul3A_70 = vector.broadcast %max3A_65 : vector<1000x1xf32> to vector<1000x3xf32>
    %mul3A_71 = arith.mulf %slice3A_4, %mul3A_70 : vector<1000x3xf32>
    %broadcast_in_dim3A_72 = arith.constant 0.000000e+00 : f32
    %broadcast_in_dim3A_73 = vector.broadcast %broadcast_in_dim3A_72 : f32 to vector<1000x1xf32>
    %concatenate3A = tpu.concatenate %mul3A_69, %mul3A_71, %broadcast_in_dim3A_67, %broadcast_in_dim3A_73 in 1 : vector<1000x3xf32>, vector<1000x3xf32>, vector<1000x1xf32>, vector<1000x1xf32> -> vector<1000x8xf32>
    %iota3A = tpu.iota {dimensions = array<i32: 1>} : vector<1000x128xi32>
    %get3A_74 = arith.constant 0 : index
    %get3A_75 = arith.constant 0 : index
    %get3A_76 = vector.load %arg3[%get3A_74, %get3A_75] : memref<1000x1xi32, #tpu.memory_space<vmem>>, vector<1000x1xi32>
    %jit3A = arith.constant 16 : i32
    %eq3A = arith.constant 0 : i32
    %eq3A_77 = arith.cmpi eq, %jit3A, %eq3A : i32
    %jit3A_78 = arith.constant 1 : i32
    %select_n3A = arith.select %eq3A_77, %jit3A_78, %jit3A : i32
    %rem3A = vector.broadcast %select_n3A : i32 to vector<1000x1xi32>
    %rem3A_79 = arith.remsi %get3A_76, %rem3A : vector<1000x1xi32>
    %ne3A = arith.constant 0 : i32
    %ne3A_80 = vector.broadcast %ne3A : i32 to vector<1000x1xi32>
    %ne3A_81 = arith.cmpi ne, %rem3A_79, %ne3A_80 : vector<1000x1xi32>
    %lt3A = arith.constant 0 : i32
    %lt3A_82 = vector.broadcast %lt3A : i32 to vector<1000x1xi32>
    %lt3A_83 = arith.cmpi slt, %rem3A_79, %lt3A_82 : vector<1000x1xi32>
    %lt3A_84 = arith.constant 0 : i32
    %lt3A_85 = arith.cmpi slt, %select_n3A, %lt3A_84 : i32
    %ne3A_86 = vector.broadcast %lt3A_85 : i1 to vector<1000x1xi1>
    %ne3A_87 = vector.broadcast %ne3A_86 : vector<1000x1xi1> to vector<1000x1xi1>
    %ne3A_88 = arith.xori %lt3A_83, %ne3A_87 : vector<1000x1xi1>
    %and3A = arith.andi %ne3A_88, %ne3A_81 : vector<1000x1xi1>
    %add3A_89 = vector.broadcast %select_n3A : i32 to vector<1000x1xi32>
    %add3A_90 = arith.addi %rem3A_79, %add3A_89 : vector<1000x1xi32>
    %select_n3A_91 = arith.select %and3A, %add3A_90, %rem3A_79 : vector<1000x1xi1>, vector<1000x1xi32>
    %mul3A_92 = arith.constant 8 : i32
    %mul3A_93 = vector.broadcast %mul3A_92 : i32 to vector<1000x1xi32>
    %mul3A_94 = arith.muli %select_n3A_91, %mul3A_93 : vector<1000x1xi32>
    %broadcast_in_dim3A_95 = arith.constant 0.000000e+00 : f32
    %broadcast_in_dim3A_96 = vector.broadcast %broadcast_in_dim3A_95 : f32 to vector<1000x128xf32>
    %add3A_97 = arith.constant 0 : i32
    %add3A_98 = vector.broadcast %add3A_97 : i32 to vector<1000x1xi32>
    %add3A_99 = arith.addi %mul3A_94, %add3A_98 : vector<1000x1xi32>
    %eq3A_100 = vector.broadcast %add3A_99 : vector<1000x1xi32> to vector<1000x128xi32>
    %eq3A_101 = arith.cmpi eq, %iota3A, %eq3A_100 : vector<1000x128xi32>
    %slice3A_102 = vector.extract_strided_slice %concatenate3A {offsets = [0, 0], sizes = [1000, 1], strides = [1, 1]} : vector<1000x8xf32> to vector<1000x1xf32>
    %jit3A_103 = arith.constant 0.000000e+00 : f32
    %broadcast_in_dim3A_104 = vector.shape_cast %slice3A_102 : vector<1000x1xf32> to vector<1000x1xf32>
    %broadcast_in_dim3A_105 = vector.broadcast %broadcast_in_dim3A_104 : vector<1000x1xf32> to vector<1000x128xf32>
    %broadcast_in_dim3A_106 = vector.broadcast %jit3A_103 : f32 to vector<1000x128xf32>
    %select_n3A_107 = arith.select %eq3A_101, %broadcast_in_dim3A_105, %broadcast_in_dim3A_106 : vector<1000x128xi1>, vector<1000x128xf32>
    %add3A_108 = arith.addf %broadcast_in_dim3A_96, %select_n3A_107 : vector<1000x128xf32>
    %add3A_109 = arith.constant 1 : i32
    %add3A_110 = vector.broadcast %add3A_109 : i32 to vector<1000x1xi32>
    %add3A_111 = arith.addi %mul3A_94, %add3A_110 : vector<1000x1xi32>
    %eq3A_112 = vector.broadcast %add3A_111 : vector<1000x1xi32> to vector<1000x128xi32>
    %eq3A_113 = arith.cmpi eq, %iota3A, %eq3A_112 : vector<1000x128xi32>
    %slice3A_114 = vector.extract_strided_slice %concatenate3A {offsets = [0, 1], sizes = [1000, 1], strides = [1, 1]} : vector<1000x8xf32> to vector<1000x1xf32>
    %jit3A_115 = arith.constant 0.000000e+00 : f32
    %broadcast_in_dim3A_116 = vector.shape_cast %slice3A_114 : vector<1000x1xf32> to vector<1000x1xf32>
    %broadcast_in_dim3A_117 = vector.broadcast %broadcast_in_dim3A_116 : vector<1000x1xf32> to vector<1000x128xf32>
    %broadcast_in_dim3A_118 = vector.broadcast %jit3A_115 : f32 to vector<1000x128xf32>
    %select_n3A_119 = arith.select %eq3A_113, %broadcast_in_dim3A_117, %broadcast_in_dim3A_118 : vector<1000x128xi1>, vector<1000x128xf32>
    %add3A_120 = arith.addf %add3A_108, %select_n3A_119 : vector<1000x128xf32>
    %add3A_121 = arith.constant 2 : i32
    %add3A_122 = vector.broadcast %add3A_121 : i32 to vector<1000x1xi32>
    %add3A_123 = arith.addi %mul3A_94, %add3A_122 : vector<1000x1xi32>
    %eq3A_124 = vector.broadcast %add3A_123 : vector<1000x1xi32> to vector<1000x128xi32>
    %eq3A_125 = arith.cmpi eq, %iota3A, %eq3A_124 : vector<1000x128xi32>
    %slice3A_126 = vector.extract_strided_slice %concatenate3A {offsets = [0, 2], sizes = [1000, 1], strides = [1, 1]} : vector<1000x8xf32> to vector<1000x1xf32>
    %jit3A_127 = arith.constant 0.000000e+00 : f32
    %broadcast_in_dim3A_128 = vector.shape_cast %slice3A_126 : vector<1000x1xf32> to vector<1000x1xf32>
    %broadcast_in_dim3A_129 = vector.broadcast %broadcast_in_dim3A_128 : vector<1000x1xf32> to vector<1000x128xf32>
    %broadcast_in_dim3A_130 = vector.broadcast %jit3A_127 : f32 to vector<1000x128xf32>
    %select_n3A_131 = arith.select %eq3A_125, %broadcast_in_dim3A_129, %broadcast_in_dim3A_130 : vector<1000x128xi1>, vector<1000x128xf32>
    %add3A_132 = arith.addf %add3A_120, %select_n3A_131 : vector<1000x128xf32>
    %add3A_133 = arith.constant 3 : i32
    %add3A_134 = vector.broadcast %add3A_133 : i32 to vector<1000x1xi32>
    %add3A_135 = arith.addi %mul3A_94, %add3A_134 : vector<1000x1xi32>
    %eq3A_136 = vector.broadcast %add3A_135 : vector<1000x1xi32> to vector<1000x128xi32>
    %eq3A_137 = arith.cmpi eq, %iota3A, %eq3A_136 : vector<1000x128xi32>
    %slice3A_138 = vector.extract_strided_slice %concatenate3A {offsets = [0, 3], sizes = [1000, 1], strides = [1, 1]} : vector<1000x8xf32> to vector<1000x1xf32>
    %jit3A_139 = arith.constant 0.000000e+00 : f32
    %broadcast_in_dim3A_140 = vector.shape_cast %slice3A_138 : vector<1000x1xf32> to vector<1000x1xf32>
    %broadcast_in_dim3A_141 = vector.broadcast %broadcast_in_dim3A_140 : vector<1000x1xf32> to vector<1000x128xf32>
    %broadcast_in_dim3A_142 = vector.broadcast %jit3A_139 : f32 to vector<1000x128xf32>
    %select_n3A_143 = arith.select %eq3A_137, %broadcast_in_dim3A_141, %broadcast_in_dim3A_142 : vector<1000x128xi1>, vector<1000x128xf32>
    %add3A_144 = arith.addf %add3A_132, %select_n3A_143 : vector<1000x128xf32>
    %add3A_145 = arith.constant 4 : i32
    %add3A_146 = vector.broadcast %add3A_145 : i32 to vector<1000x1xi32>
    %add3A_147 = arith.addi %mul3A_94, %add3A_146 : vector<1000x1xi32>
    %eq3A_148 = vector.broadcast %add3A_147 : vector<1000x1xi32> to vector<1000x128xi32>
    %eq3A_149 = arith.cmpi eq, %iota3A, %eq3A_148 : vector<1000x128xi32>
    %slice3A_150 = vector.extract_strided_slice %concatenate3A {offsets = [0, 4], sizes = [1000, 1], strides = [1, 1]} : vector<1000x8xf32> to vector<1000x1xf32>
    %jit3A_151 = arith.constant 0.000000e+00 : f32
    %broadcast_in_dim3A_152 = vector.shape_cast %slice3A_150 : vector<1000x1xf32> to vector<1000x1xf32>
    %broadcast_in_dim3A_153 = vector.broadcast %broadcast_in_dim3A_152 : vector<1000x1xf32> to vector<1000x128xf32>
    %broadcast_in_dim3A_154 = vector.broadcast %jit3A_151 : f32 to vector<1000x128xf32>
    %select_n3A_155 = arith.select %eq3A_149, %broadcast_in_dim3A_153, %broadcast_in_dim3A_154 : vector<1000x128xi1>, vector<1000x128xf32>
    %add3A_156 = arith.addf %add3A_144, %select_n3A_155 : vector<1000x128xf32>
    %add3A_157 = arith.constant 5 : i32
    %add3A_158 = vector.broadcast %add3A_157 : i32 to vector<1000x1xi32>
    %add3A_159 = arith.addi %mul3A_94, %add3A_158 : vector<1000x1xi32>
    %eq3A_160 = vector.broadcast %add3A_159 : vector<1000x1xi32> to vector<1000x128xi32>
    %eq3A_161 = arith.cmpi eq, %iota3A, %eq3A_160 : vector<1000x128xi32>
    %slice3A_162 = vector.extract_strided_slice %concatenate3A {offsets = [0, 5], sizes = [1000, 1], strides = [1, 1]} : vector<1000x8xf32> to vector<1000x1xf32>
    %jit3A_163 = arith.constant 0.000000e+00 : f32
    %broadcast_in_dim3A_164 = vector.shape_cast %slice3A_162 : vector<1000x1xf32> to vector<1000x1xf32>
    %broadcast_in_dim3A_165 = vector.broadcast %broadcast_in_dim3A_164 : vector<1000x1xf32> to vector<1000x128xf32>
    %broadcast_in_dim3A_166 = vector.broadcast %jit3A_163 : f32 to vector<1000x128xf32>
    %select_n3A_167 = arith.select %eq3A_161, %broadcast_in_dim3A_165, %broadcast_in_dim3A_166 : vector<1000x128xi1>, vector<1000x128xf32>
    %add3A_168 = arith.addf %add3A_156, %select_n3A_167 : vector<1000x128xf32>
    %add3A_169 = arith.constant 6 : i32
    %add3A_170 = vector.broadcast %add3A_169 : i32 to vector<1000x1xi32>
    %add3A_171 = arith.addi %mul3A_94, %add3A_170 : vector<1000x1xi32>
    %eq3A_172 = vector.broadcast %add3A_171 : vector<1000x1xi32> to vector<1000x128xi32>
    %eq3A_173 = arith.cmpi eq, %iota3A, %eq3A_172 : vector<1000x128xi32>
    %slice3A_174 = vector.extract_strided_slice %concatenate3A {offsets = [0, 6], sizes = [1000, 1], strides = [1, 1]} : vector<1000x8xf32> to vector<1000x1xf32>
    %jit3A_175 = arith.constant 0.000000e+00 : f32
    %broadcast_in_dim3A_176 = vector.shape_cast %slice3A_174 : vector<1000x1xf32> to vector<1000x1xf32>
    %broadcast_in_dim3A_177 = vector.broadcast %broadcast_in_dim3A_176 : vector<1000x1xf32> to vector<1000x128xf32>
    %broadcast_in_dim3A_178 = vector.broadcast %jit3A_175 : f32 to vector<1000x128xf32>
    %select_n3A_179 = arith.select %eq3A_173, %broadcast_in_dim3A_177, %broadcast_in_dim3A_178 : vector<1000x128xi1>, vector<1000x128xf32>
    %add3A_180 = arith.addf %add3A_168, %select_n3A_179 : vector<1000x128xf32>
    %add3A_181 = arith.constant 7 : i32
    %add3A_182 = vector.broadcast %add3A_181 : i32 to vector<1000x1xi32>
    %add3A_183 = arith.addi %mul3A_94, %add3A_182 : vector<1000x1xi32>
    %eq3A_184 = vector.broadcast %add3A_183 : vector<1000x1xi32> to vector<1000x128xi32>
    %eq3A_185 = arith.cmpi eq, %iota3A, %eq3A_184 : vector<1000x128xi32>
    %slice3A_186 = vector.extract_strided_slice %concatenate3A {offsets = [0, 7], sizes = [1000, 1], strides = [1, 1]} : vector<1000x8xf32> to vector<1000x1xf32>
    %jit3A_187 = arith.constant 0.000000e+00 : f32
    %broadcast_in_dim3A_188 = vector.shape_cast %slice3A_186 : vector<1000x1xf32> to vector<1000x1xf32>
    %broadcast_in_dim3A_189 = vector.broadcast %broadcast_in_dim3A_188 : vector<1000x1xf32> to vector<1000x128xf32>
    %broadcast_in_dim3A_190 = vector.broadcast %jit3A_187 : f32 to vector<1000x128xf32>
    %select_n3A_191 = arith.select %eq3A_185, %broadcast_in_dim3A_189, %broadcast_in_dim3A_190 : vector<1000x128xi1>, vector<1000x128xf32>
    %add3A_192 = arith.addf %add3A_180, %select_n3A_191 : vector<1000x128xf32>
    %swap3A_193 = arith.constant 0 : index
    %swap3A_194 = arith.constant 0 : index
    %swap3A_195 = vector.load %arg11[%swap3A_193, %swap3A_194] : memref<1000x128xf32, #tpu.memory_space<vmem>>, vector<1000x128xf32>
    tpu.vector_store %arg11[%swap3A_193, %swap3A_194], %add3A_192 {strides = array<i32>} : memref<1000x128xf32, #tpu.memory_space<vmem>>, vector<1000x128xf32>,
    return
  }
  func.func @transform_0(%arg0: i32) -> (i32, i32) {
    %c0_i32 = arith.constant 0 : i32
    %c0_i32_0 = arith.constant 0 : i32
    return %arg0, %c0_i32 : i32, i32
  }
  func.func @transform_1(%arg0: i32) -> (i32, i32) {
    %c0_i32 = arith.constant 0 : i32
    %c0_i32_0 = arith.constant 0 : i32
    return %arg0, %c0_i32 : i32, i32
  }
  func.func @transform_2(%arg0: i32) -> (i32, i32) {
    %c0_i32 = arith.constant 0 : i32
    %c0_i32_0 = arith.constant 0 : i32
    return %arg0, %c0_i32 : i32, i32
  }
  func.func @transform_3(%arg0: i32) -> (i32, i32) {
    %c0_i32 = arith.constant 0 : i32
    %c0_i32_0 = arith.constant 0 : i32
    %c0_i32_1 = arith.constant 0 : i32
    return %c0_i32, %c0_i32_0 : i32, i32
  }
  func.func @transform_4(%arg0: i32) -> (i32, i32) {
    %c0_i32 = arith.constant 0 : i32
    %c0_i32_0 = arith.constant 0 : i32
    %c0_i32_1 = arith.constant 0 : i32
    return %c0_i32, %c0_i32_0 : i32, i32
  }
  func.func @transform_5(%arg0: i32) -> (i32, i32) {
    %c0_i32 = arith.constant 0 : i32
    %c0_i32_0 = arith.constant 0 : i32
    %c0_i32_1 = arith.constant 0 : i32
    return %c0_i32, %c0_i32_0 : i32, i32
  }
  func.func @transform_6(%arg0: i32) -> (i32, i32) {
    %c0_i32 = arith.constant 0 : i32
    %c0_i32_0 = arith.constant 0 : i32
    %c0_i32_1 = arith.constant 0 : i32
    return %c0_i32, %c0_i32_0 : i32, i32
  }
  func.func @transform_7(%arg0: i32) -> (i32, i32) {
    %c0_i32 = arith.constant 0 : i32
    %c0_i32_0 = arith.constant 0 : i32
    %c0_i32_1 = arith.constant 0 : i32
    return %c0_i32, %c0_i32_0 : i32, i32
  }
  func.func @transform_8(%arg0: i32) -> (i32, i32) {
    %c0_i32 = arith.constant 0 : i32
    %c0_i32_0 = arith.constant 0 : i32
    %c0_i32_1 = arith.constant 0 : i32
    return %c0_i32, %c0_i32_0 : i32, i32
  }
  func.func @transform_9(%arg0: i32) -> (i32, i32) {
    %c0_i32 = arith.constant 0 : i32
    %c0_i32_0 = arith.constant 0 : i32
    return %arg0, %c0_i32 : i32, i32
  }
  func.func @transform_10(%arg0: i32) -> (i32, i32) {
    %c0_i32 = arith.constant 0 : i32
    %c0_i32_0 = arith.constant 0 : i32
    return %arg0, %c0_i32 : i32, i32
  }
}

module attributes {stable_mosaic.version = 14 : i64} {
  func.func @_node_body(%arg0: i32, %arg1: memref<2x2000x128xf32, #tpu.memory_space<vmem>>, %arg2: memref<2000x128xf32, #tpu.memory_space<vmem>>, %arg3: memref<128x128xf32, #tpu.memory_space<vmem>>, %arg4: memref<128x128xf32, #tpu.memory_space<vmem>>, %arg5: memref<1x128xf32, #tpu.memory_space<vmem>>, %arg6: memref<2000x128xf32, #tpu.memory_space<vmem>>) attributes {dimension_semantics = [#tpu.dimension_semantics<arbitrary>], iteration_bounds = array<i64: 5>, scalar_prefetch = 0 : i64, scratch_operands = 0 : i64, tpu.core_type = #tpu.core_type<tc>, window_params = [{transform_indices = @transform_0, window_bounds = array<i64: 2, 2000, 128>}, {transform_indices = @transform_1, window_bounds = array<i64: 2000, 128>}, {pipeline_mode = #tpu.pipeline_mode<synchronous>, transform_indices = @transform_2, window_bounds = array<i64: 128, 128>}, {pipeline_mode = #tpu.pipeline_mode<synchronous>, transform_indices = @transform_3, window_bounds = array<i64: 128, 128>}, {pipeline_mode = #tpu.pipeline_mode<synchronous>, transform_indices = @transform_4, window_bounds = array<i64: 1, 128>}, {transform_indices = @transform_5, window_bounds = array<i64: 2000, 128>}]} {
    %get3A = arith.constant 0 : index
    %get3A_0 = arith.constant 0 : index
    %get3A_1 = arith.constant 0 : index
    %get3A_2 = vector.load %arg1[%get3A, %get3A_0, %get3A_1] : memref<2x2000x128xf32, #tpu.memory_space<vmem>>, vector<1x2000x128xf32>
    %get3A_3 = vector.shape_cast %get3A_2 : vector<1x2000x128xf32> to vector<2000x128xf32>
    %get3A_4 = arith.constant 1 : index
    %get3A_5 = arith.constant 0 : index
    %get3A_6 = arith.constant 0 : index
    %get3A_7 = vector.load %arg1[%get3A_4, %get3A_5, %get3A_6] : memref<2x2000x128xf32, #tpu.memory_space<vmem>>, vector<1x2000x128xf32>
    %get3A_8 = vector.shape_cast %get3A_7 : vector<1x2000x128xf32> to vector<2000x128xf32>
    %add3A = arith.addf %get3A_3, %get3A_8 : vector<2000x128xf32>
    %get3A_9 = arith.constant 0 : index
    %get3A_10 = arith.constant 0 : index
    %get3A_11 = vector.load %arg2[%get3A_9, %get3A_10] : memref<2000x128xf32, #tpu.memory_space<vmem>>, vector<2000x128xf32>
    %get3A_12 = arith.constant 0 : index
    %get3A_13 = arith.constant 0 : index
    %get3A_14 = vector.load %arg3[%get3A_12, %get3A_13] : memref<128x128xf32, #tpu.memory_space<vmem>>, vector<128x128xf32>
    %dot_general3A = arith.constant dense<0.000000e+00> : vector<2000x128xf32>
    %dot_general3A_15 = tpu.matmul %get3A_11, %get3A_14, %dot_general3A {dimension_numbers = #tpu.dot_dimension_numbers<[1], [0], [0], [1], [0, 0, 1, 1], [], []>, transpose_lhs_hint = false} : vector<2000x128xf32>, vector<128x128xf32>, vector<2000x128xf32> -> vector<2000x128xf32>
    %get3A_16 = arith.constant 0 : index
    %get3A_17 = arith.constant 0 : index
    %get3A_18 = vector.load %arg4[%get3A_16, %get3A_17] : memref<128x128xf32, #tpu.memory_space<vmem>>, vector<128x128xf32>
    %dot_general3A_19 = arith.constant dense<0.000000e+00> : vector<2000x128xf32>
    %dot_general3A_20 = tpu.matmul %add3A, %get3A_18, %dot_general3A_19 {dimension_numbers = #tpu.dot_dimension_numbers<[1], [0], [0], [1], [0, 0, 1, 1], [], []>, transpose_lhs_hint = false} : vector<2000x128xf32>, vector<128x128xf32>, vector<2000x128xf32> -> vector<2000x128xf32>
    %add3A_21 = arith.addf %dot_general3A_15, %dot_general3A_20 : vector<2000x128xf32>
    %get3A_22 = arith.constant 0 : index
    %get3A_23 = arith.constant 0 : index
    %get3A_24 = vector.load %arg5[%get3A_22, %get3A_23] : memref<1x128xf32, #tpu.memory_space<vmem>>, vector<1x128xf32>
    %add3A_25 = vector.broadcast %get3A_24 : vector<1x128xf32> to vector<2000x128xf32>
    %add3A_26 = arith.addf %add3A_21, %add3A_25 : vector<2000x128xf32>
    %max3A = arith.constant 0.000000e+00 : f32
    %max3A_27 = vector.broadcast %max3A : f32 to vector<2000x128xf32>
    %max3A_28 = arith.maximumf %add3A_26, %max3A_27 : vector<2000x128xf32>
    %swap3A = arith.constant 0 : index
    %swap3A_29 = arith.constant 0 : index
    %swap3A_30 = vector.load %arg6[%swap3A, %swap3A_29] : memref<2000x128xf32, #tpu.memory_space<vmem>>, vector<2000x128xf32>
    tpu.vector_store %arg6[%swap3A, %swap3A_29], %max3A_28 {strides = array<i32>} : memref<2000x128xf32, #tpu.memory_space<vmem>>, vector<2000x128xf32>,
    return
  }
  func.func @transform_0(%arg0: i32) -> (i32, i32, i32) {
    %c0_i32 = arith.constant 0 : i32
    %c0_i32_0 = arith.constant 0 : i32
    %c0_i32_1 = arith.constant 0 : i32
    return %c0_i32, %arg0, %c0_i32_0 : i32, i32, i32
  }
  func.func @transform_1(%arg0: i32) -> (i32, i32) {
    %c0_i32 = arith.constant 0 : i32
    %c0_i32_0 = arith.constant 0 : i32
    return %arg0, %c0_i32 : i32, i32
  }
  func.func @transform_2(%arg0: i32) -> (i32, i32) {
    %c0_i32 = arith.constant 0 : i32
    %c0_i32_0 = arith.constant 0 : i32
    %c0_i32_1 = arith.constant 0 : i32
    return %c0_i32, %c0_i32_0 : i32, i32
  }
  func.func @transform_3(%arg0: i32) -> (i32, i32) {
    %c0_i32 = arith.constant 0 : i32
    %c0_i32_0 = arith.constant 0 : i32
    %c0_i32_1 = arith.constant 0 : i32
    return %c0_i32, %c0_i32_0 : i32, i32
  }
  func.func @transform_4(%arg0: i32) -> (i32, i32) {
    %c0_i32 = arith.constant 0 : i32
    %c0_i32_0 = arith.constant 0 : i32
    %c0_i32_1 = arith.constant 0 : i32
    return %c0_i32, %c0_i32_0 : i32, i32
  }
  func.func @transform_5(%arg0: i32) -> (i32, i32) {
    %c0_i32 = arith.constant 0 : i32
    %c0_i32_0 = arith.constant 0 : i32
    return %arg0, %c0_i32 : i32, i32
  }
}

</mosaic_0001>

<sc_bundles>
// kernel: kernel.10.cloned.1.call-start
scs
__scs_entry_jumppad:
0x0: {  	(pc) =	sbr.rel $0x88, $3  }
0x1: {  	(tag) =	ssettag $0x0;
	lr =	simm.s32 $0x1  }
0x2: {  	[smem:$0x3F8B] =	sst lr;
	_ =	strace $0xD0000000  }
0x3: {  	_ = 	snop  }
0x4: {  	_ = 	snop  }
0x5: {  	_ = 	snop  }
0x6: {  	_ = 	snop  }
0x7: {  	_ = 	snop  }
__scs_overlays_trampoline_lowered:
0x8: {  	[smem:$0x3F9A] =	sst s0  }
0x9: {  	[smem:$0x3F9B] =	sst s1  }
0xa: {  	[smem:$0x3F9C] =	sst s2  }
0xb: {  	[smem:$0x3F9D] =	sst s3  }
0xc: {  	[smem:$0x3F9E] =	sst s4  }
0xd: {  	[smem:$0x3F9F] =	sst s5  }
0xe: {  	[smem:$0x3FA0] =	sst s6  }
0xf: {  	[smem:$0x3FA1] =	sst s7  }
0x10: {  	[smem:$0x3FA2] =	sst s8  }
0x11: {  	[smem:$0x3FA3] =	sst s9;
	s0 =	simm.s32 @!p0 $0x0  }
0x12: {  	s1 =	sld [smem:$0x3F89];
	s0 =	simm.s32 @p0 $0x1  }
0x13: {  	[smem:$0x3FA4] =	sst s0;
	s0 =	simm.s32 @!p1 $0x0  }
0x14: {  	s2 =	sld [smem:$0x3F88];
	s0 =	simm.s32 @p1 $0x1  }
0x15: {  	[smem:$0x3FA5] =	sst s0;
	s0 =	simm.s32 @!p2 $0x0  }
0x16: {  	s3 =	sld [smem:$0x3FDB];
	s0 =	simm.s32 @p2 $0x1  }
0x17: {  	s4 =	simm.s32 $0x1BF5;
	[smem:$0x3FA7] =	sst s0  }
0x18: {  	s0 =	sld [smem:$0x3F8A];
	_ =	swait.ge [sflag:s4], $0x0  }
0x19: {  	s7 =	sld [smem:$0x3F8B]  }
0x1a: {  	s8 =	sadd.s32 $0xFFFFE003, lr  }
0x1b: {  	s9 =	sadd.s32 $0xFFFFFEF7, lr;
	s5 =	simm.s32 $0xFFFFFFFF;
	p2 =	slt.u32 s8, $0xFFFFF086  }
0x1c: {  	p1 =	slt.u32 s9, $0xF7A;
	s5 =	simm.s32 @!p2 $0x0  }
0x1d: {  	s5 =	simm.s32 @p1 $0x1;
	p0 =	seq.s32 s7, s2  }
0x1e: {  	s7 =	smul.u32 @!p0 $0xF7A, s2;
	p2 =	seq.s32 @!p0 s5, $0x0  }
0x1f: {  	s9 =	smul.u32 $0xF7A, s1;
	s8 =	simm.s32 @!p0 $0x1BF5;
	p2 =	por !p2, p0  }
0x20: {  	[sflag:s8] =	ssyncset.s32 @!p0 $0xFFFFF086;
	s6 =	sadd.s32 @!p0 s3, s7;
	s7 =	simm.s32 @!p0 $0x108  }
0x21: {  	s3 =	sadd.s32 s3, s9;
	s6 =	sadd.s32 @!p0 $0x88, s6;
	s7 =	simm.s32 @p2 $0x1082  }
0x22: {  	[simem:s7], [sflag:s8] =	dma.local @!p0 [hbm:s6], $0xF7A  }
0x23: {  	s9 =	sor.u32 $0xD0000000, s2;
	s6 =	simm.s32 $0x108;
	_ =	swait.ge @!p0 [sflag:s8], $0x0  }
0x24: {  	s3 =	sadd.s32 $0x88, s3;
	s6 =	simm.s32 @!p1 $0x1082;
	[sflag:s4] =	ssyncset.s32 $0xFFFFF086  }
0x25: {  	[simem:s6], [sflag:s4] =	dma.local [hbm:s3], $0xF7A  }
0x26: {  	[smem:$0x3F8B] =	sst s1;
	(tag) =	ssettag s2;
	_ =	strace s9  }
0x27: {  	s1 =	sld [smem:$0x3F9B]  }
0x28: {  	s2 =	sld [smem:$0x3F9C]  }
0x29: {  	s4 =	sld [smem:$0x3F9E]  }
0x2a: {  	p0 =	seq.s32 s5, $0x0;
	s5 =	sld [smem:$0x3F9F]  }
0x2b: {  	s6 =	sld [smem:$0x3FA0]  }
0x2c: {  	s7 =	sld [smem:$0x3FA1]  }
0x2d: {  	s3 =	simm.s32 $0x108;
	s8 =	sld [smem:$0x3FA2]  }
0x2e: {  	s3 =	simm.s32 @!p0 $0x1082;
	s9 =	sld [smem:$0x3FA3]  }
0x2f: {  	lr =	sadd.s32 s0, s3;
	s0 =	sld [smem:$0x3F9A]  }
0x30: {  	s3 =	sld [smem:$0x3F9D]  }
0x31: {  	[smem:$0x3FA6] =	sst s10  }
0x32: {  	s10 =	sld [smem:$0x3FA4];
	_ =	sdelay $0x3  }
0x33: {  	p0 =	seq.s32 s10, $0x1;
	s10 =	sld [smem:$0x3FA6];
	_ =	sdelay $0x3  }
0x34: {  	[smem:$0x3FA6] =	sst s10  }
0x35: {  	s10 =	sld [smem:$0x3FA5];
	_ =	sdelay $0x3  }
0x36: {  	p1 =	seq.s32 s10, $0x1;
	s10 =	sld [smem:$0x3FA6];
	_ =	sdelay $0x3  }
0x37: {  	[smem:$0x3FA6] =	sst s10  }
0x38: {  	s10 =	sld [smem:$0x3FA7]  }
0x39: {  	_ = 	snop;
	(pc) =	sbr.ind lr, $3  }
0x3a: {  	_ = 	snop  }
0x3b: {  	_ = 	snop  }
0x3c: {  	p2 =	seq.s32 s10, $0x1;
	s10 =	sld [smem:$0x3FA6]  }
0x3d: {  	_ =	shalt  }
0x3e: {  	_ =	shalt  }
0x3f: {  	_ =	shalt  }
0x40: {  	_ =	shalt  }
0x41: {  	_ =	shalt  }
0x42: {  	_ =	shalt  }
0x43: {  	_ =	shalt  }
0x44: {  	_ =	shalt  }
0x45: {  	_ =	shalt  }
0x46: {  	_ =	shalt  }
0x47: {  	_ =	shalt  }
0x48: {  	_ =	shalt  }
0x49: {  	_ =	shalt  }
0x4a: {  	_ =	shalt  }
0x4b: {  	_ =	shalt  }
0x4c: {  	_ =	shalt  }
0x4d: {  	_ =	shalt  }
0x4e: {  	_ =	shalt  }
0x4f: {  	_ =	shalt  }
0x50: {  	_ =	shalt  }
0x51: {  	_ =	shalt  }
0x52: {  	_ =	shalt  }
0x53: {  	_ =	shalt  }
0x54: {  	_ =	shalt  }
0x55: {  	_ =	shalt  }
0x56: {  	_ =	shalt  }
0x57: {  	_ =	shalt  }
0x58: {  	_ =	shalt  }
0x59: {  	_ =	shalt  }
0x5a: {  	_ =	shalt  }
0x5b: {  	_ =	shalt  }
0x5c: {  	_ =	shalt  }
0x5d: {  	_ =	shalt  }
0x5e: {  	_ =	shalt  }
0x5f: {  	_ =	shalt  }
0x60: {  	_ =	shalt  }
0x61: {  	_ =	shalt  }
0x62: {  	_ =	shalt  }
0x63: {  	_ =	shalt  }
0x64: {  	_ =	shalt  }
0x65: {  	_ =	shalt  }
0x66: {  	_ =	shalt  }
0x67: {  	_ =	shalt  }
0x68: {  	_ =	shalt  }
0x69: {  	_ =	shalt  }
0x6a: {  	_ =	shalt  }
0x6b: {  	_ =	shalt  }
0x6c: {  	_ =	shalt  }
0x6d: {  	_ =	shalt  }
0x6e: {  	_ =	shalt  }
0x6f: {  	_ =	shalt  }
0x70: {  	_ =	shalt  }
0x71: {  	_ =	shalt  }
0x72: {  	_ =	shalt  }
0x73: {  	_ =	shalt  }
0x74: {  	_ =	shalt  }
0x75: {  	_ =	shalt  }
0x76: {  	_ =	shalt  }
0x77: {  	_ =	shalt  }
0x78: {  	_ =	shalt  }
0x79: {  	_ =	shalt  }
0x7a: {  	_ =	shalt  }
0x7b: {  	_ =	shalt  }
0x7c: {  	_ =	shalt  }
0x7d: {  	_ =	shalt  }
0x7e: {  	_ =	shalt  }
0x7f: {  	_ =	shalt  }
0x80: {  	_ =	shalt  }
0x81: {  	_ =	shalt  }
0x82: {  	_ =	shalt  }
0x83: {  	_ =	shalt  }
0x84: {  	_ =	shalt  }
0x85: {  	_ =	shalt  }
0x86: {  	_ =	shalt  }
0x87: {  	_ =	shalt  }
.Lfunc_end0:
.L_simem_size_0:
called_computation.3_lowered:
.L_overlay_start_0:
0x88: {  	s2 =	sld [smem:$0x3FD9]  }
0x89: {  	s3 =	sld [smem:$0x3FFE];
	_ =	sdelay $0x1  }
0x8a: {  	s1 =	srdreg.scid  }
0x8b: {  	s0 =	sand.u32 $0x1, s1  }
0x8c: {  	s14 =	sshll.u32 s0, $0xA;
	s2 =	sadd.s32 s3, s2  }
0x8d: {  	s2 =	sadd.s32 s2, s14  }
0x8e: {  	[smem:$0x3FB2] =	sst s2  }
0x8f: {  	_ = 	snop  }
0x90: {  	s2 =	sld [smem:$0x3FD0];
	_ =	sdelay $0x2  }
0x91: {  	s15 =	simm.s32 $0xB;
	s4 =	simm.s32 $0x10  }
0x92: {  	[smem:s4], [sflag:s15] =	dma.local [hbm:s2], $0x1  }
0x93: {  	_ =	swait.eq [sflag:s15], $0x1  }
0x94: {  	s16 =	sld [smem:$0x12];
	[sflag:s15] =	ssyncset.done $0x0  }
0x95: {  	s17 =	sld [smem:$0x13];
	[sflag:s15] =	ssyncadd.s32 $0xFFFFFFFF  }
0x96: {  	s18 =	sld [smem:$0x14];
	(tm) =	ssettm $0x1  }
0x97: {  	s5 =	sld [smem:$0x3FFB];
	_ =	sdelay $0x3  }
0x98: {  	_ =	strace s5  }
0x99: {  	s5 =	sld [smem:$0x3FFC];
	_ =	sdelay $0x3  }
0x9a: {  	_ =	strace s5  }
0x9b: {  	s5 =	sld [smem:$0x3FFD];
	_ =	sdelay $0x3  }
0x9c: {  	_ =	strace s5  }
0x9d: {  	_ =	strace $0x8FFFFFFF  }
0x9e: {  	s19 =	sld [smem:$0x3FDB];
	_ =	sdelay $0x1  }
0x9f: {  	s6 =	simm.s32 $_scs_section_size  }
0xa0: {  	s7 =	simm.s32 $_size__tile_overlayer_lowered;
	s8 =	simm.s32 $_tile_overlayer_lowered  }
0xa1: {  	s22 =	simm.s32 $0x1BFF;
	s21 =	sshll.u32 s8, $0x1;
	s5 =	sadd.s32 s6, s19  }
0xa2: {  	s9 =	simm.s32 $0x0;
	s20 =	sshll.u32 s7, $0x1;
	s7 =	sadd.s32 s21, s5  }
0xa3: {  	[timem:s9], [sflag:s22] =	dma.local [hbm:s7], s20  }
0xa4: {  	_ =	swait.ge [sflag:s22], s20  }
0xa5: {  	s6 =	ssub.s32 $0x0, s20;
	[sflag:s22] =	ssyncset.done $0x0  }
0xa6: {  	[sflag:s22] =	ssyncadd.s32 s6;
	_ =	sdelay $0x1  }
0xa7: {  	s23 =	simm.s32 $0x1B8B  }
0xa8: {  	_ =	swait.ge [sflag:s23], $0x1  }
0xa9: {  	[sflag:s23] =	ssyncset.done $0x0  }
0xaa: {  	s25 =	simm.s32 $0x1B8E;
	s24 =	sld [smem:$0x3FFE];
	[sflag:s23] =	ssyncadd.s32 $0xFFFFFFFF  }
0xab: {  	s26 =	simm.s32 $execute0_lowered;
	[smem:$0x3FD2] =	sst s25  }
0xac: {  	s7 =	sshll.u32 s26, $0x1;
	_ =	strace $0x80000049;
	[dreg:$0x1] =	wrdreg $0xFFFFFFFF  }
0xad: {  	s28 =	simm.s32 $_size_execute0_lowered;
	s5 =	sadd.s32 s5, s7;
	[dreg:$0x0] =	wrdreg $0x0  }
0xae: {  	s7 =	sshll.u32 s28, $0x1;
	[dreg:$0x2] =	wrdreg s5  }
0xaf: {  	[dreg:$0x3] =	wrdreg s7  }
0xb0: {  	[dreg:$0x4] =	wrdreg $0xC0  }
0xb1: {  	_ =	task [dreg:s9], $0x5FFFF  }
0xb2: {  	[dreg:$0x1] =	wrdreg $0xFFFFFFFF  }
0xb3: {  	[dreg:$0x0] =	wrdreg $0x60  }
0xb4: {  	[dreg:$0x2] =	wrdreg s17  }
0xb5: {  	[dreg:$0x3] =	wrdreg s24  }
0xb6: {  	[dreg:$0x4] =	wrdreg s16  }
0xb7: {  	[dreg:$0x5] =	wrdreg s18  }
0xb8: {  	[dreg:$0x6] =	wrdreg $0x51000  }
0xb9: {  	[dreg:$0x7] =	wrdreg $0x189800  }
0xba: {  	[dreg:$0x8] =	wrdreg $0x9  }
0xbb: {  	_ =	task.clear_ibuf [dreg:s9], $0x9FFFF;
	_ =	strace $0x90000049  }
0xbc: {  	s29 =	simm.s32 $0x9;
	_ =	strace $0x8000004B  }
0xbd: {  	_ =	swait.ge [sflag:s29], $0x1  }
0xbe: {  	[sflag:s29] =	ssyncadd.s32 $0xFFFFFFFF  }
0xbf: {  	_ =	strace $0x9000004B  }
0xc0: {  	_ =	sfence  }
0xc1: {  	s30 =	sld [smem:$0x0];
	_ =	sdelay $0x2  }
0xc2: {  	s31 =	sshll.u32 s1, $0xD;
	s1 =	sshrl.u32 s1, $0x2  }
0xc3: {  	s3 =	sand.u32 $0x4000, s31;
	s1 =	sadd.s32 s1, s30  }
0xc4: {  	s0 =	sor.u32 s3, s0;
	s1 =	sshll.u32 s1, $0x11  }
0xc5: {  	s0 =	sor.u32 s1, s0  }
0xc6: {  	s0 =	sadd.s32 $0x8F2B, s0  }
0xc7: {  	[sflag:s0] =	ssyncadd.remote.s32 $0x1  }
0xc8: {  	_ =	sfence.sel $0xFFFF  }
0xc9: {  	[dreg:$0x0] =	wrdreg $0xFFFFFFFF;
	(pc) =	sbr.abs _section_cstart, $3  }
0xca: {  	[dreg:$0x1] =	wrdreg $0xFFFFFFFF  }
0xcb: {  	_ =	task.clear_ibuf [dreg:s9], $0x2FFFF;
	_ =	strace $0x9FFFFFFF  }
0xcc: {  	(tm) =	ssettm $0x7FFFFFFF  }
0xcd: {  	_ =	shalt  }
tec
execute0_lowered:
.L_overlay_start_1:
0x0: {  	(tag) =	ssettag $0x1  }
0x1: {  	s1 =	rddreg [dreg:$0x0]  }
0x2: {  	s6 =	rddreg [dreg:$0x1]  }
0x3: {  	s7 =	rddreg [dreg:$0x2]  }
0x4: {  	s13 =	rddreg [dreg:$0x3];
	s3 =	srdreg.scid  }
0x5: {  	s0 =	stileid.u32;
	s2 =	rddreg [dreg:$0x4];
	s22 =	simm.s32 $0x80  }
0x6: {  	s23 =	simm.s32 $0x100;
	s28 =	simm.s32 $0x50;
	s29 =	simm.s32 $0x3  }
0x7: {  	s30 =	simm.s32 $0x4;
	s10 =	sand.u32 $0x1, s3;
	s8 =	smul.u32 $0x4E000, s0  }
0x8: {  	s4 =	sshll.u32 s0, $0x1;
	s3 =	rddreg [dreg:$0x5];
	s17 =	smul.u32 $0x4E200, s0  }
0x9: {  	p0 =	sne.s32 s0, $0xF;
	s5 =	sor.u32 s10, s4;
	s14 =	smul.u32 $0x27100, s10  }
0xa: {  	s4 =	simm.s32 $0x0;
	s12 =	ssub.s32 $0x2, s10;
	s25 =	smul.u32 $0x2780, s10  }
0xb: {  	s18 =	sadd.s32 $0xA000, s3;
	p3 =	seq.s32 @p0 s0, $0x1;
	s9 =	smul.u32 $0x7D0, s5  }
0xc: {  	[smem:$0x7FF] =	sst s4;
	s5 =	sadd.s32 $0x2200, s6;
	s24 =	sshrl.u32 s12, $0x1  }
0xd: {  	s8 =	sshrl.u32 s8, $0x2;
	s1 =	sadd.s32 s17, s1;
	p1 =	por p3, !p0  }
0xe: {  	_ =	strace $0x8000004A;
	s16 =	sadd.s32 s14, s6;
	s15 =	ssub.s32 s12, s24  }
0xf: {  	s12 =	smul.u32 $0x2700, s0;
	p4 =	sne.s32 @!p1 s0, $0x0;
	[dreg:$0x7] =	wrdreg s18  }
0x10: {  	s26 =	smax.u32 s15, $0x1;
	s15 =	sadd.s32 s14, s1;
	s1 =	sshll.u32 @p0 s0, $0x6  }
0x11: {  	s11 =	sadd.s32 s9, s6;
	s6 =	sadd.s32 s8, s2;
	s1 =	sor.u32 @p0 $0x1C04, s1  }
0x12: {  	p1 =	por !p3, !p0;
	[dreg:$0x9] =	wrdreg s1;
	s1 =	sshrl.u32 @p0 s6, $0x3  }
0x13: {  	s13 =	sadd.s32 s13, s25;
	[dreg:$0xa] =	wrdreg s1;
	s1 =	simm.s32 @!p1 $0x0  }
0x14: {  	s24 =	simm.s32 $0x2900;
	p2 =	por @p0 p4, p3;
	s1 =	simm.s32 @p1 $0x1  }
0x15: {  	p2 =	por p2, !p0;
	[smem:$0x7F9] =	sst s1;
	s1 =	sshrl.u32 @!p1 s18, $0x3  }
0x16: {  	s25 =	simm.s32 $0x1;
	[dreg:$0xb] =	wrdreg s1;
	s1 =	simm.s32 @!p2 $0x0  }
0x17: {  	s8 =	sadd.s32 $0x124800, s2;
	p3 =	por @p0 !p4, p3;
	s1 =	simm.s32 @p2 $0x1  }
0x18: {  	[smem:$0x7FA] =	sst s1;
	s1 =	sshrl.u32 @!p2 s3, $0x3;
	p2 =	por !p3, !p0  }
0x19: {  	s9 =	sadd.s32 s7, s9;
	[dreg:$0xc] =	wrdreg s1;
	s1 =	simm.s32 @!p2 $0x0  }
0x1a: {  	s31 =	sadd.s32 s17, s16;
	s10 =	sadd.s32 $0x1428400, s11;
	s1 =	simm.s32 @p2 $0x1  }
.Ltmp0:
0x1b: {  	[smem:$0x7FB] =	sst s1;
	s1 =	simm.s32 @!p0 $0x0;
	(pc) =	sbr.rel .LBB2_1-.Ltmp0, $4  }
0x1c: {  	s21 =	sshrl.u32 @!p0 s8, $0x3;
	s1 =	simm.s32 @p0 $0x1;
	p0 =	seq.s32 s0, $0xF  }
0x1d: {  	s11 =	sadd.s32 $0x33200, s16;
	[dreg:$0x8] =	wrdreg s26;
	s7 =	simm.s32 @!p0 $0x0  }
0x1e: {  	s16 =	sadd.s32 $0x1437E00, s31;
	[smem:$0x7FC] =	sst s1;
	s7 =	simm.s32 @p0 $0x1  }
0x1f: {  	s26 =	simm.s32 $0x2;
	s1 =	simm.s32 $0x0;
	[smem:$0x7FD] =	sst s7  }
.LBB2_7:
0x20: {  	s7 =	sadd.s32 $0x24900, s11;
	s14 =	sshrl.u32 s8, $0x3;
	s17 =	simm.s32 $0x1FC4  }
0x21: {  	[hbm:s7], [sflag:s17] =	dma.local [spmem:s14], $0x2800  }
0x22: {  	_ =	swait.ge [sflag:s30], $0x2800  }
0x23: {  	[sflag:s30] =	ssyncset.done $0x0  }
0x24: {  	[sflag:s30] =	ssyncadd.s32 $0xFFFFD800  }
.LBB2_8:
0x25: {  	s1 =	sadd.s32 $0x1, s1;
	s7 =	rddreg [dreg:$0x8]  }
0x26: {  	p2 =	sne.s32 s1, s7  }
.Ltmp1:
0x27: {  	_ = 	snop;
	(pc) =	sbr.rel @!p2 .LBB2_9-.Ltmp1, $1  }
0x28: {  	_ =	sdelay $0x3  }
.LBB2_1:
0x29: {  	s17 =	sld [smem:$0x7FC];
	_ =	sdelay $0x1  }
0x2a: {  	s7 =	rddreg [dreg:$0x9]  }
0x2b: {  	s14 =	rddreg [dreg:$0xa];
	p4 =	seq.s32 s17, $0x1  }
0x2c: {  	[spmem:s14], [sflag:s7] =	dma.local @p4 [hbm:s5], $0x2700  }
0x2d: {  	s7 =	simm.s32 @p4 $0x4  }
0x2e: {  	_ =	swait.ge @p4 [sflag:s7], $0x2700  }
0x2f: {  	s14 =	sld [smem:$0x7F9];
	_ =	sdelay $0x2  }
0x30: {  	[sflag:s7] =	ssyncset.done @p4 $0x0;
	p6 =	seq.s32 s14, $0x1  }
0x31: {  	[sflag:s7] =	ssyncadd.s32 @p4 $0xFFFFD900;
	s14 =	rddreg [dreg:$0xb];
	s7 =	simm.s32 @!p6 $0x1C44  }
0x32: {  	[spmem:s14], [sflag:s7] =	dma.local @!p6 [hbm:s5], $0x1380  }
0x33: {  	s7 =	simm.s32 @!p6 $0x4  }
0x34: {  	_ =	swait.ge @!p6 [sflag:s7], $0x1380  }
0x35: {  	s17 =	sld [smem:$0x7FA];
	_ =	sdelay $0x2  }
0x36: {  	[sflag:s7] =	ssyncset.done @!p6 $0x0;
	p2 =	seq.s32 s17, $0x1  }
0x37: {  	s14 =	rddreg [dreg:$0xc];
	[sflag:s7] =	ssyncadd.s32 @!p6 $0xFFFFEC80;
	s7 =	simm.s32 @!p2 $0x1C04  }
0x38: {  	[spmem:s14], [sflag:s7] =	dma.local @!p2 [hbm:s5], $0x1400  }
0x39: {  	s7 =	simm.s32 @!p2 $0x4  }
0x3a: {  	_ =	swait.ge @!p2 [sflag:s7], $0x1400  }
0x3b: {  	[sflag:s7] =	ssyncset.done @!p2 $0x0  }
0x3c: {  	[sflag:s7] =	ssyncadd.s32 @!p2 $0xFFFFEC00;
	s7 =	simm.s32 @!p4 $0x1FC4  }
0x3d: {  	[spmem:s21], [sflag:s7] =	dma.local @!p4 [hbm:s5], $0x2800  }
0x3e: {  	s7 =	simm.s32 @!p4 $0x4  }
0x3f: {  	_ =	swait.ge @!p4 [sflag:s7], $0x2800  }
0x40: {  	[sflag:s7] =	ssyncset.done @!p4 $0x0  }
0x41: {  	[sflag:s7] =	ssyncadd.s32 @!p4 $0xFFFFD800  }
0x42: {  	s18 =	sadd.s32 $0x0, s9;
	[bflag:$0x0] =	sbarrier.arrive $0xFFFF  }
0x43: {  	[tilespmem:s4], [sflag:$0x1] =	stream.linear.gather [hbm4b:s18+s4], $0x80, $0x38;
	[tilespmem:$0x19D40] =	vst v63  }
0x44: {  	s19 =	sadd.s32 $0x0, s10  }
0x45: {  	[tilespmem:s22], [sflag:$0x1] =	stream.linear.gather [hbm4b:s19+s4], $0x80, $0x38;
	[tilespmem:$0x19D40] =	vst v63  }
0x46: {  	_ = 	snop  }
0x47: {  	[tilespmem:s23], [sflag:$0x2] =	stream.linear.gather [hbm4b:s15+s4], $0x2800, $0x38;
	[tilespmem:$0x19D40] =	vst v63  }
0x48: {  	_ = 	snop  }
0x49: {  	[tilespmem:s24], [sflag:$0x2] =	stream.linear.gather [hbm4b:s16+s4], $0x2800, $0x38;
	[tilespmem:$0x19D40] =	vst v63  }
0x4a: {  	_ =	swait.ge [sflag:s25], $0x80  }
0x4b: {  	[sflag:s25] =	ssyncset.done $0x0  }
0x4c: {  	[sflag:s25] =	ssyncadd.s32 $0xFFFFFF80  }
0x4d: {  	_ =	swait.ge [sflag:s25], $0x80  }
0x4e: {  	[sflag:s25] =	ssyncset.done $0x0  }
0x4f: {  	[sflag:s25] =	ssyncadd.s32 $0xFFFFFF80  }
0x50: {  	_ =	swait.ge [sflag:s26], $0x2800  }
0x51: {  	[sflag:s26] =	ssyncset.done $0x0  }
0x52: {  	[sflag:s26] =	ssyncadd.s32 $0xFFFFD800  }
0x53: {  	s31 =	simm.s32 $0x10;
	p5 =	por @p4 $0x0, $0x0;
	_ =	swait.ge [sflag:s26], $0x2800  }
0x54: {  	p1 =	por @p4 $0x0, $0x0;
	[sflag:s26] =	ssyncset.done $0x0;
	s20 =	sld [smem:$0x7FB]  }
0x55: {  	s17 =	simm.s32 $0x20;
	p3 =	por @!p2 $0x1, $0x1;
	[sflag:s26] =	ssyncadd.s32 $0xFFFFD800  }
0x56: {  	[spmem:s2] =	stream.indirect.scatter.add.f32 [tilespmem:s23], [sflag:$0x3], $0x80, s4, s28, $0xb8;
	[tilespmem:$0x19D40] =	vst v63  }
0x57: {  	s14 =	sadd.s32 $0x500, s16;
	p2 =	por @!p2 $0x0, $0x0;
	p0 =	seq.s32 s20, $0x1  }
0x58: {  	[spmem:s3] =	stream.indirect.scatter.add.f32 [tilespmem:s24], [sflag:$0x3], $0x80, s22, s28, $0xb8;
	[tilespmem:$0x19D40] =	vst v63  }
0x59: {  	s7 =	sadd.s32 $0x500, s15;
	p1 =	por @!p0 p2, p2;
	_ =	swait.ge [sflag:s29], $0x2800  }
0x5a: {  	p5 =	por @!p0 p3, p3;
	p2 =	por @!p6 $0x1, $0x1;
	[sflag:s29] =	ssyncset.done $0x0  }
0x5b: {  	p1 =	por @!p6 p2, p2;
	p2 =	por @!p6 $0x0, $0x0;
	[sflag:s29] =	ssyncadd.s32 $0xFFFFD800  }
0x5c: {  	p5 =	por @!p6 p2, p2;
	p2 =	por @!p4 $0x0, $0x0;
	_ =	swait.ge [sflag:s29], $0x2800  }
0x5d: {  	p1 =	por @!p4 p2, p2;
	p5 =	por @!p4 p2, p2;
	[sflag:s29] =	ssyncset.done $0x0  }
.LBB2_2:
0x5e: {  	s18 =	sadd.s32 s31, s9  }
0x5f: {  	[sflag:s29] =	ssyncadd.s32 $0xFFFFD800;
	s19 =	smov.u32 s17;
	s20 =	sadd.s32 $0x10, s17  }
0x60: {  	[tilespmem:s4], [sflag:$0x1] =	stream.linear.gather [hbm4b:s18+s4], $0x80, $0x38;
	[tilespmem:$0x19D40] =	vst v63  }
0x61: {  	p3 =	sne.s32 s17, $0x7C0;
	s17 =	sadd.s32 s31, s10;
	s31 =	smov.u32 s19  }
0x62: {  	[tilespmem:s22], [sflag:$0x1] =	stream.linear.gather [hbm4b:s17+s4], $0x80, $0x38;
	[tilespmem:$0x19D40] =	vst v63  }
0x63: {  	_ = 	snop  }
0x64: {  	[tilespmem:s23], [sflag:$0x2] =	stream.linear.gather [hbm4b:s7+s4], $0x2800, $0x38;
	[tilespmem:$0x19D40] =	vst v63  }
0x65: {  	_ = 	snop  }
0x66: {  	[tilespmem:s24], [sflag:$0x2] =	stream.linear.gather [hbm4b:s14+s4], $0x2800, $0x38;
	[tilespmem:$0x19D40] =	vst v63  }
0x67: {  	_ =	swait.ge [sflag:s25], $0x80  }
0x68: {  	[sflag:s25] =	ssyncset.done $0x0  }
0x69: {  	[sflag:s25] =	ssyncadd.s32 $0xFFFFFF80  }
0x6a: {  	_ =	swait.ge [sflag:s25], $0x80  }
0x6b: {  	[sflag:s25] =	ssyncset.done $0x0  }
0x6c: {  	[sflag:s25] =	ssyncadd.s32 $0xFFFFFF80  }
0x6d: {  	_ =	swait.ge [sflag:s26], $0x2800  }
0x6e: {  	[sflag:s26] =	ssyncset.done $0x0  }
0x6f: {  	[sflag:s26] =	ssyncadd.s32 $0xFFFFD800  }
0x70: {  	_ =	swait.ge [sflag:s26], $0x2800  }
0x71: {  	[sflag:s26] =	ssyncset.done $0x0  }
0x72: {  	[sflag:s26] =	ssyncadd.s32 $0xFFFFD800  }
0x73: {  	[spmem:s2] =	stream.indirect.scatter.add.f32 [tilespmem:s23], [sflag:$0x3], $0x80, s4, s28, $0xb8;
	[tilespmem:$0x19D40] =	vst v63  }
0x74: {  	_ = 	snop  }
0x75: {  	[spmem:s3] =	stream.indirect.scatter.add.f32 [tilespmem:s24], [sflag:$0x3], $0x80, s22, s28, $0xb8;
	[tilespmem:$0x19D40] =	vst v63  }
.Ltmp2:
0x76: {  	_ =	swait.ge [sflag:s29], $0x2800;
	(pc) =	sbr.rel @p3 .LBB2_2-.Ltmp2, $4  }
0x77: {  	[sflag:s29] =	ssyncset.done $0x0  }
0x78: {  	[sflag:s29] =	ssyncadd.s32 $0xFFFFD800  }
0x79: {  	s17 =	smov.u32 s20;
	_ =	swait.ge [sflag:s29], $0x2800  }
0x7a: {  	s7 =	sadd.s32 $0x500, s7;
	s14 =	sadd.s32 $0x500, s14;
	[sflag:s29] =	ssyncset.done $0x0  }
0x7b: {  	s17 =	sadd.s32 s31, s9;
	[sflag:s29] =	ssyncadd.s32 $0xFFFFD800  }
0x7c: {  	[tilespmem:s4], [sflag:$0x1] =	stream.linear.gather [hbm4b:s17+s4], $0x80, $0x38;
	[tilespmem:$0x19D40] =	vst v63  }
0x7d: {  	s19 =	sadd.s32 s31, s10  }
0x7e: {  	[tilespmem:s22], [sflag:$0x1] =	stream.linear.gather [hbm4b:s19+s4], $0x80, $0x38;
	[tilespmem:$0x19D40] =	vst v63  }
0x7f: {  	_ = 	snop  }
0x80: {  	[tilespmem:s23], [sflag:$0x2] =	stream.linear.gather [hbm4b:s7+s4], $0x2800, $0x38;
	[tilespmem:$0x19D40] =	vst v63  }
0x81: {  	_ = 	snop  }
0x82: {  	[tilespmem:s24], [sflag:$0x2] =	stream.linear.gather [hbm4b:s14+s4], $0x2800, $0x38;
	[tilespmem:$0x19D40] =	vst v63  }
0x83: {  	_ =	swait.ge [sflag:s25], $0x80  }
0x84: {  	[sflag:s25] =	ssyncset.done $0x0  }
0x85: {  	[sflag:s25] =	ssyncadd.s32 $0xFFFFFF80  }
0x86: {  	_ =	swait.ge [sflag:s25], $0x80  }
0x87: {  	[sflag:s25] =	ssyncset.done $0x0  }
0x88: {  	[sflag:s25] =	ssyncadd.s32 $0xFFFFFF80  }
0x89: {  	_ =	swait.ge [sflag:s26], $0x2800  }
0x8a: {  	[sflag:s26] =	ssyncset.done $0x0  }
0x8b: {  	[sflag:s26] =	ssyncadd.s32 $0xFFFFD800  }
0x8c: {  	_ =	swait.ge [sflag:s26], $0x2800  }
0x8d: {  	[sflag:s26] =	ssyncset.done $0x0  }
0x8e: {  	[sflag:s26] =	ssyncadd.s32 $0xFFFFD800  }
0x8f: {  	[spmem:s2] =	stream.indirect.scatter.add.f32 [tilespmem:s23], [sflag:$0x3], $0x80, s4, s28, $0xb8;
	[tilespmem:$0x19D40] =	vst v63  }
0x90: {  	_ = 	snop  }
0x91: {  	[spmem:s3] =	stream.indirect.scatter.add.f32 [tilespmem:s24], [sflag:$0x3], $0x80, s22, s28, $0xb8;
	[tilespmem:$0x19D40] =	vst v63  }
0x92: {  	_ =	swait.ge [sflag:s29], $0x2800  }
0x93: {  	[sflag:s29] =	ssyncset.done $0x0  }
0x94: {  	[sflag:s29] =	ssyncadd.s32 $0xFFFFD800  }
0x95: {  	_ =	swait.ge [sflag:s29], $0x2800  }
0x96: {  	[sflag:s29] =	ssyncset.done $0x0  }
0x97: {  	[sflag:s29] =	ssyncadd.s32 $0xFFFFD800  }
0x98: {  	[bflag:$0x0] =	sbarrier.arrive $0xFFFF  }
0x99: {  	s20 =	sld [smem:$0x7FD];
	_ =	sdelay $0x2  }
0x9a: {  	p0 =	seq.s32 s20, $0x1  }
0x9b: {  	s7 =	sadd.s32 @p0 $0x24900, s11;
	s14 =	sshrl.u32 @p0 s8, $0x3;
	s17 =	simm.s32 @p0 $0x1FC4  }
0x9c: {  	[hbm:s7], [sflag:s17] =	dma.local @p0 [spmem:s14], $0x2800  }
0x9d: {  	s7 =	simm.s32 @p0 $0x4  }
0x9e: {  	_ =	swait.ge @p0 [sflag:s7], $0x2800  }
0x9f: {  	[sflag:s7] =	ssyncset.done @p0 $0x0  }
0xa0: {  	[sflag:s7] =	ssyncadd.s32 @p0 $0xFFFFD800;
	s7 =	sshll.u32 @!p0 s0, $0x6  }
0xa1: {  	s14 =	sadd.s32 @!p0 s12, s11;
	s17 =	sshrl.u32 @!p0 s6, $0x3;
	s7 =	sor.u32 @!p0 $0x1C04, s7  }
0xa2: {  	[hbm:s14], [sflag:s7] =	dma.local @!p0 [spmem:s17], $0x2700  }
0xa3: {  	s7 =	simm.s32 @!p0 $0x4  }
0xa4: {  	_ =	swait.ge @!p0 [sflag:s7], $0x2700  }
0xa5: {  	s14 =	sshll.u32 @p5 s0, $0x6;
	[sflag:s7] =	ssyncset.done @!p0 $0x0  }
0xa6: {  	[sflag:s7] =	ssyncadd.s32 @!p0 $0xFFFFD900;
	s7 =	sor.u32 @p5 $0x1C04, s14;
	s14 =	sshrl.u32 @p5 s3, $0x3  }
0xa7: {  	[hbm:s13], [sflag:s7] =	dma.local @p5 [spmem:s14], $0x1400  }
.Ltmp3:
0xa8: {  	_ = 	snop;
	(pc) =	sbr.rel @!p1 .LBB2_5-.Ltmp3, $4  }
0xa9: {  	s7 =	simm.s32 @p5 $0x4  }
0xaa: {  	_ =	swait.ge @p5 [sflag:s7], $0x1400  }
0xab: {  	s31 =	sshll.u32 s0, $0x6;
	[sflag:s7] =	ssyncset.done @p5 $0x0  }
0xac: {  	[sflag:s7] =	ssyncadd.s32 @p5 $0xFFFFEC00;
	s7 =	sor.u32 $0x1C04, s31  }
0xad: {  	s17 =	rddreg [dreg:$0x7]  }
.Ltmp4:
0xae: {  	s14 =	sadd.s32 $0x1400, s13;
	s17 =	sshrl.u32 s17, $0x3;
	(pc) =	sbr.rel .LBB2_6-.Ltmp4, $4  }
0xaf: {  	[hbm:s14], [sflag:s7] =	dma.local [spmem:s17], $0x1380  }
0xb0: {  	_ =	swait.ge [sflag:s30], $0x1380  }
0xb1: {  	[sflag:s30] =	ssyncset.done $0x0  }
0xb2: {  	[sflag:s30] =	ssyncadd.s32 $0xFFFFEC80  }
.LBB2_5:
.Ltmp5:
0xb3: {  	(pc) =	sbr.rel @p0 .LBB2_7-.Ltmp5, $1  }
0xb4: {  	_ =	sdelay $0x3  }
.LBB2_6:
.Ltmp6:
0xb5: {  	s14 =	sadd.s32 s12, s11;
	s17 =	sshrl.u32 s6, $0x3;
	(pc) =	sbr.rel .LBB2_8-.Ltmp6, $4  }
0xb6: {  	[hbm:s14], [sflag:s7] =	dma.local [spmem:s17], $0x2700  }
0xb7: {  	_ =	swait.ge [sflag:s30], $0x2700  }
0xb8: {  	[sflag:s30] =	ssyncset.done $0x0  }
0xb9: {  	[sflag:s30] =	ssyncadd.s32 $0xFFFFD900  }
.LBB2_9:
0xba: {  	_ =	sfence.sel $0x180000  }
0xbb: {  	[bflag:$0x0] =	sbarrier.arrive $0xFFFF  }
0xbc: {  	_ =	strace $0x9000004A  }
0xbd: {  	[bflag:$0x2] =	sbarrier.arrive $0xFFFF  }
0xbe: {  	p0 =	sne.s32 s0, $0x0;
	s0 =	rddreg [dreg:$0x6]  }
0xbf: {  	s0 =	sadd.s32 @!p0 $0x100000, s0  }
0xc0: {  	[sflag:s0] =	ssyncadd.tile.s32 @!p0 $0x1;
	_ =	shalt  }
.Lfunc_end2:
_tile_overlayer_lowered:
.L_overlay_start_2:
0xc1: {  	(tag) =	ssettag $0x2  }
0xc2: {  	s0 =	rddreg [dreg:$0x0];
	s2 =	stileid.u32  }
0xc3: {  	s1 =	rddreg [dreg:$0x1];
	p0 =	sne.s32 s2, $0x0  }
0xc4: {  	s3 =	rddreg [dreg:$0x2];
	[bflag:$0x3] =	sbarrier.arrive $0xFFFF;
	s2 =	simm.s32 @!p0 $0x1C04  }
0xc5: {  	[timem:s3], [sflag:s2] =	dma.local @!p0 [hbm:s0], s1  }
0xc6: {  	s0 =	simm.s32 @!p0 $0x4  }
0xc7: {  	_ =	swait.ge @!p0 [sflag:s0], s1  }
0xc8: {  	s1 =	ssub.s32 @!p0 $0x0, s1;
	[sflag:s0] =	ssyncset.done @!p0 $0x0  }
0xc9: {  	[sflag:s0] =	ssyncadd.s32 @!p0 s1  }
0xca: {  	[bflag:$0x3] =	sbarrier.arrive $0xFFFF  }
0xcb: {  	_ =	shalt  }

// kernel: kernel.7.cloned.1.call-start
scs
__scs_entry_jumppad:
0x0: {  	(pc) =	sbr.rel $0x88, $3  }
0x1: {  	(tag) =	ssettag $0x0;
	lr =	simm.s32 $0x1  }
0x2: {  	[smem:$0x3F8B] =	sst lr;
	_ =	strace $0xD0000000  }
0x3: {  	_ = 	snop  }
0x4: {  	_ = 	snop  }
0x5: {  	_ = 	snop  }
0x6: {  	_ = 	snop  }
0x7: {  	_ = 	snop  }
__scs_overlays_trampoline_lowered:
0x8: {  	[smem:$0x3F9A] =	sst s0  }
0x9: {  	[smem:$0x3F9B] =	sst s1  }
0xa: {  	[smem:$0x3F9C] =	sst s2  }
0xb: {  	[smem:$0x3F9D] =	sst s3  }
0xc: {  	[smem:$0x3F9E] =	sst s4  }
0xd: {  	[smem:$0x3F9F] =	sst s5  }
0xe: {  	[smem:$0x3FA0] =	sst s6  }
0xf: {  	[smem:$0x3FA1] =	sst s7  }
0x10: {  	[smem:$0x3FA2] =	sst s8  }
0x11: {  	[smem:$0x3FA3] =	sst s9;
	s0 =	simm.s32 @!p0 $0x0  }
0x12: {  	s1 =	sld [smem:$0x3F89];
	s0 =	simm.s32 @p0 $0x1  }
0x13: {  	[smem:$0x3FA4] =	sst s0;
	s0 =	simm.s32 @!p1 $0x0  }
0x14: {  	s2 =	sld [smem:$0x3F88];
	s0 =	simm.s32 @p1 $0x1  }
0x15: {  	[smem:$0x3FA5] =	sst s0;
	s0 =	simm.s32 @!p2 $0x0  }
0x16: {  	s3 =	sld [smem:$0x3FDB];
	s0 =	simm.s32 @p2 $0x1  }
0x17: {  	s4 =	simm.s32 $0x1BF5;
	[smem:$0x3FA7] =	sst s0  }
0x18: {  	s0 =	sld [smem:$0x3F8A];
	_ =	swait.ge [sflag:s4], $0x0  }
0x19: {  	s7 =	sld [smem:$0x3F8B]  }
0x1a: {  	s8 =	sadd.s32 $0xFFFFE003, lr  }
0x1b: {  	s9 =	sadd.s32 $0xFFFFFEF7, lr;
	s5 =	simm.s32 $0xFFFFFFFF;
	p2 =	slt.u32 s8, $0xFFFFF086  }
0x1c: {  	p1 =	slt.u32 s9, $0xF7A;
	s5 =	simm.s32 @!p2 $0x0  }
0x1d: {  	s5 =	simm.s32 @p1 $0x1;
	p0 =	seq.s32 s7, s2  }
0x1e: {  	s7 =	smul.u32 @!p0 $0xF7A, s2;
	p2 =	seq.s32 @!p0 s5, $0x0  }
0x1f: {  	s9 =	smul.u32 $0xF7A, s1;
	s8 =	simm.s32 @!p0 $0x1BF5;
	p2 =	por !p2, p0  }
0x20: {  	[sflag:s8] =	ssyncset.s32 @!p0 $0xFFFFF086;
	s6 =	sadd.s32 @!p0 s3, s7;
	s7 =	simm.s32 @!p0 $0x108  }
0x21: {  	s3 =	sadd.s32 s3, s9;
	s6 =	sadd.s32 @!p0 $0x88, s6;
	s7 =	simm.s32 @p2 $0x1082  }
0x22: {  	[simem:s7], [sflag:s8] =	dma.local @!p0 [hbm:s6], $0xF7A  }
0x23: {  	s9 =	sor.u32 $0xD0000000, s2;
	s6 =	simm.s32 $0x108;
	_ =	swait.ge @!p0 [sflag:s8], $0x0  }
0x24: {  	s3 =	sadd.s32 $0x88, s3;
	s6 =	simm.s32 @!p1 $0x1082;
	[sflag:s4] =	ssyncset.s32 $0xFFFFF086  }
0x25: {  	[simem:s6], [sflag:s4] =	dma.local [hbm:s3], $0xF7A  }
0x26: {  	[smem:$0x3F8B] =	sst s1;
	(tag) =	ssettag s2;
	_ =	strace s9  }
0x27: {  	s1 =	sld [smem:$0x3F9B]  }
0x28: {  	s2 =	sld [smem:$0x3F9C]  }
0x29: {  	s4 =	sld [smem:$0x3F9E]  }
0x2a: {  	p0 =	seq.s32 s5, $0x0;
	s5 =	sld [smem:$0x3F9F]  }
0x2b: {  	s6 =	sld [smem:$0x3FA0]  }
0x2c: {  	s7 =	sld [smem:$0x3FA1]  }
0x2d: {  	s3 =	simm.s32 $0x108;
	s8 =	sld [smem:$0x3FA2]  }
0x2e: {  	s3 =	simm.s32 @!p0 $0x1082;
	s9 =	sld [smem:$0x3FA3]  }
0x2f: {  	lr =	sadd.s32 s0, s3;
	s0 =	sld [smem:$0x3F9A]  }
0x30: {  	s3 =	sld [smem:$0x3F9D]  }
0x31: {  	[smem:$0x3FA6] =	sst s10  }
0x32: {  	s10 =	sld [smem:$0x3FA4];
	_ =	sdelay $0x3  }
0x33: {  	p0 =	seq.s32 s10, $0x1;
	s10 =	sld [smem:$0x3FA6];
	_ =	sdelay $0x3  }
0x34: {  	[smem:$0x3FA6] =	sst s10  }
0x35: {  	s10 =	sld [smem:$0x3FA5];
	_ =	sdelay $0x3  }
0x36: {  	p1 =	seq.s32 s10, $0x1;
	s10 =	sld [smem:$0x3FA6];
	_ =	sdelay $0x3  }
0x37: {  	[smem:$0x3FA6] =	sst s10  }
0x38: {  	s10 =	sld [smem:$0x3FA7]  }
0x39: {  	_ = 	snop;
	(pc) =	sbr.ind lr, $3  }
0x3a: {  	_ = 	snop  }
0x3b: {  	_ = 	snop  }
0x3c: {  	p2 =	seq.s32 s10, $0x1;
	s10 =	sld [smem:$0x3FA6]  }
0x3d: {  	_ =	shalt  }
0x3e: {  	_ =	shalt  }
0x3f: {  	_ =	shalt  }
0x40: {  	_ =	shalt  }
0x41: {  	_ =	shalt  }
0x42: {  	_ =	shalt  }
0x43: {  	_ =	shalt  }
0x44: {  	_ =	shalt  }
0x45: {  	_ =	shalt  }
0x46: {  	_ =	shalt  }
0x47: {  	_ =	shalt  }
0x48: {  	_ =	shalt  }
0x49: {  	_ =	shalt  }
0x4a: {  	_ =	shalt  }
0x4b: {  	_ =	shalt  }
0x4c: {  	_ =	shalt  }
0x4d: {  	_ =	shalt  }
0x4e: {  	_ =	shalt  }
0x4f: {  	_ =	shalt  }
0x50: {  	_ =	shalt  }
0x51: {  	_ =	shalt  }
0x52: {  	_ =	shalt  }
0x53: {  	_ =	shalt  }
0x54: {  	_ =	shalt  }
0x55: {  	_ =	shalt  }
0x56: {  	_ =	shalt  }
0x57: {  	_ =	shalt  }
0x58: {  	_ =	shalt  }
0x59: {  	_ =	shalt  }
0x5a: {  	_ =	shalt  }
0x5b: {  	_ =	shalt  }
0x5c: {  	_ =	shalt  }
0x5d: {  	_ =	shalt  }
0x5e: {  	_ =	shalt  }
0x5f: {  	_ =	shalt  }
0x60: {  	_ =	shalt  }
0x61: {  	_ =	shalt  }
0x62: {  	_ =	shalt  }
0x63: {  	_ =	shalt  }
0x64: {  	_ =	shalt  }
0x65: {  	_ =	shalt  }
0x66: {  	_ =	shalt  }
0x67: {  	_ =	shalt  }
0x68: {  	_ =	shalt  }
0x69: {  	_ =	shalt  }
0x6a: {  	_ =	shalt  }
0x6b: {  	_ =	shalt  }
0x6c: {  	_ =	shalt  }
0x6d: {  	_ =	shalt  }
0x6e: {  	_ =	shalt  }
0x6f: {  	_ =	shalt  }
0x70: {  	_ =	shalt  }
0x71: {  	_ =	shalt  }
0x72: {  	_ =	shalt  }
0x73: {  	_ =	shalt  }
0x74: {  	_ =	shalt  }
0x75: {  	_ =	shalt  }
0x76: {  	_ =	shalt  }
0x77: {  	_ =	shalt  }
0x78: {  	_ =	shalt  }
0x79: {  	_ =	shalt  }
0x7a: {  	_ =	shalt  }
0x7b: {  	_ =	shalt  }
0x7c: {  	_ =	shalt  }
0x7d: {  	_ =	shalt  }
0x7e: {  	_ =	shalt  }
0x7f: {  	_ =	shalt  }
0x80: {  	_ =	shalt  }
0x81: {  	_ =	shalt  }
0x82: {  	_ =	shalt  }
0x83: {  	_ =	shalt  }
0x84: {  	_ =	shalt  }
0x85: {  	_ =	shalt  }
0x86: {  	_ =	shalt  }
0x87: {  	_ =	shalt  }
.Lfunc_end0:
.L_simem_size_0:
called_computation.2_lowered:
.L_overlay_start_0:
0x88: {  	s2 =	sld [smem:$0x3FD9]  }
0x89: {  	s3 =	sld [smem:$0x3FFE];
	_ =	sdelay $0x1  }
0x8a: {  	s1 =	srdreg.scid  }
0x8b: {  	s0 =	sand.u32 $0x1, s1  }
0x8c: {  	s14 =	sshll.u32 s0, $0xA;
	s2 =	sadd.s32 s3, s2  }
0x8d: {  	s2 =	sadd.s32 s2, s14  }
0x8e: {  	[smem:$0x3FB2] =	sst s2  }
0x8f: {  	_ = 	snop  }
0x90: {  	s2 =	sld [smem:$0x3FD0];
	_ =	sdelay $0x2  }
0x91: {  	s15 =	simm.s32 $0xB;
	s4 =	simm.s32 $0x10  }
0x92: {  	[smem:s4], [sflag:s15] =	dma.local [hbm:s2], $0x1  }
0x93: {  	_ =	swait.eq [sflag:s15], $0x1  }
0x94: {  	s16 =	sld [smem:$0x10];
	[sflag:s15] =	ssyncset.done $0x0  }
0x95: {  	s17 =	sld [smem:$0x11];
	[sflag:s15] =	ssyncadd.s32 $0xFFFFFFFF  }
0x96: {  	s18 =	sld [smem:$0x13];
	(tm) =	ssettm $0x1  }
0x97: {  	s5 =	sld [smem:$0x3FFB];
	_ =	sdelay $0x3  }
0x98: {  	_ =	strace s5  }
0x99: {  	s5 =	sld [smem:$0x3FFC];
	_ =	sdelay $0x3  }
0x9a: {  	_ =	strace s5  }
0x9b: {  	s5 =	sld [smem:$0x3FFD];
	_ =	sdelay $0x3  }
0x9c: {  	_ =	strace s5  }
0x9d: {  	_ =	strace $0x8FFFFFFF  }
0x9e: {  	s19 =	sld [smem:$0x3FDB];
	_ =	sdelay $0x1  }
0x9f: {  	s6 =	simm.s32 $_scs_section_size  }
0xa0: {  	s7 =	simm.s32 $_size__tile_overlayer_lowered;
	s8 =	simm.s32 $_tile_overlayer_lowered  }
0xa1: {  	s22 =	simm.s32 $0x1BFF;
	s21 =	sshll.u32 s8, $0x1;
	s5 =	sadd.s32 s6, s19  }
0xa2: {  	s9 =	simm.s32 $0x0;
	s20 =	sshll.u32 s7, $0x1;
	s7 =	sadd.s32 s21, s5  }
0xa3: {  	[timem:s9], [sflag:s22] =	dma.local [hbm:s7], s20  }
0xa4: {  	_ =	swait.ge [sflag:s22], s20  }
0xa5: {  	s6 =	ssub.s32 $0x0, s20;
	[sflag:s22] =	ssyncset.done $0x0  }
0xa6: {  	[sflag:s22] =	ssyncadd.s32 s6;
	_ =	sdelay $0x1  }
0xa7: {  	s23 =	simm.s32 $0x1B8B  }
0xa8: {  	_ =	swait.ge [sflag:s23], $0x1  }
0xa9: {  	[sflag:s23] =	ssyncset.done $0x0  }
0xaa: {  	s25 =	simm.s32 $0x1B8E;
	s24 =	sld [smem:$0x3FFE];
	[sflag:s23] =	ssyncadd.s32 $0xFFFFFFFF  }
0xab: {  	s26 =	simm.s32 $execute0_lowered;
	[smem:$0x3FD2] =	sst s25  }
0xac: {  	s7 =	sshll.u32 s26, $0x1;
	_ =	strace $0x80000046;
	[dreg:$0x1] =	wrdreg $0xFFFFFFFF  }
0xad: {  	s28 =	simm.s32 $_size_execute0_lowered;
	s5 =	sadd.s32 s5, s7;
	[dreg:$0x0] =	wrdreg $0x0  }
0xae: {  	s7 =	sshll.u32 s28, $0x1;
	[dreg:$0x2] =	wrdreg s5  }
0xaf: {  	[dreg:$0x3] =	wrdreg s7  }
0xb0: {  	[dreg:$0x4] =	wrdreg $0xC0  }
0xb1: {  	_ =	task [dreg:s9], $0x5FFFF  }
0xb2: {  	[dreg:$0x1] =	wrdreg $0xFFFFFFFF  }
0xb3: {  	[dreg:$0x0] =	wrdreg $0x60  }
0xb4: {  	[dreg:$0x2] =	wrdreg s18  }
0xb5: {  	[dreg:$0x3] =	wrdreg s24  }
0xb6: {  	[dreg:$0x4] =	wrdreg s17  }
0xb7: {  	[dreg:$0x5] =	wrdreg s16  }
0xb8: {  	[dreg:$0x6] =	wrdreg $0x9  }
0xb9: {  	_ =	task.clear_ibuf [dreg:s9], $0x7FFFF;
	_ =	strace $0x90000046  }
0xba: {  	s29 =	simm.s32 $0x9;
	_ =	strace $0x80000048  }
0xbb: {  	_ =	swait.ge [sflag:s29], $0x1  }
0xbc: {  	[sflag:s29] =	ssyncadd.s32 $0xFFFFFFFF  }
0xbd: {  	_ =	strace $0x90000048  }
0xbe: {  	_ =	sfence  }
0xbf: {  	s30 =	sld [smem:$0x0];
	_ =	sdelay $0x2  }
0xc0: {  	s31 =	sshll.u32 s1, $0xD;
	s1 =	sshrl.u32 s1, $0x2  }
0xc1: {  	s3 =	sand.u32 $0x4000, s31;
	s1 =	sadd.s32 s1, s30  }
0xc2: {  	s0 =	sor.u32 s3, s0;
	s1 =	sshll.u32 s1, $0x11  }
0xc3: {  	s0 =	sor.u32 s1, s0  }
0xc4: {  	s0 =	sadd.s32 $0x8F2B, s0  }
0xc5: {  	[sflag:s0] =	ssyncadd.remote.s32 $0x1  }
0xc6: {  	_ =	sfence.sel $0xFFFF  }
0xc7: {  	[dreg:$0x0] =	wrdreg $0xFFFFFFFF;
	(pc) =	sbr.abs _section_cstart, $3  }
0xc8: {  	[dreg:$0x1] =	wrdreg $0xFFFFFFFF  }
0xc9: {  	_ =	task.clear_ibuf [dreg:s9], $0x2FFFF;
	_ =	strace $0x9FFFFFFF  }
0xca: {  	(tm) =	ssettm $0x7FFFFFFF  }
0xcb: {  	_ =	shalt  }
tec
execute0_lowered:
.L_overlay_start_1:
0x0: {  	(tag) =	ssettag $0x1  }
0x1: {  	s1 =	rddreg [dreg:$0x0]  }
0x2: {  	s0 =	rddreg [dreg:$0x1]  }
0x3: {  	s2 =	rddreg [dreg:$0x2]  }
0x4: {  	s3 =	srdreg.scid;
	s4 =	stileid.u32  }
0x5: {  	s10 =	rddreg [dreg:$0x3];
	s5 =	simm.s32 $0x0;
	s15 =	simm.s32 $0x1  }
0x6: {  	s28 =	simm.s32 $0x5A00;
	s29 =	simm.s32 $0x6200;
	s30 =	simm.s32 $0x6A00  }
0x7: {  	s31 =	simm.s32 $0x7200;
	s12 =	simm.s32 $0x9A00;
	s19 =	simm.s32 $0x12A00  }
0x8: {  	s16 =	simm.s32 $0x13200;
	s20 =	simm.s32 $0x13A00;
	s14 =	simm.s32 $0x2  }
0x9: {  	s21 =	simm.s32 $0x14200;
	s17 =	simm.s32 $0x4;
	s13 =	simm.s32 $0x0  }
0xa: {  	s3 =	sand.u32 $0x1, s3;
	s4 =	sshll.u32 s4, $0x1;
	[smem:$0x7FF] =	sst s5  }
0xb: {  	s5 =	sadd.s32 $0xA0400, s0;
	s11 =	sor.u32 s3, s4;
	s3 =	ssub.s32 $0x2, s3  }
0xc: {  	_ =	strace $0x80000047;
	s22 =	smul.u32 $0x7C0, s11;
	s6 =	sshrl.u32 s3, $0x1  }
0xd: {  	s4 =	sadd.s32 $0x52200, s0;
	s9 =	smul.u32 $0x271000, s11;
	s23 =	ssub.s32 s3, s6  }
0xe: {  	s6 =	smul.u32 $0x2710, s11;
	s11 =	sshll.u32 s11, $0x4;
	s8 =	sadd.s32 s22, s0  }
0xf: {  	s24 =	sshrl.u32 s9, $0x3;
	s2 =	sadd.s32 s2, s11;
	s25 =	sadd.s32 s10, s11  }
0x10: {  	s0 =	smax.u32 s23, $0x1;
	s10 =	simm.s32 $0x8A00;
	s11 =	simm.s32 $0x9200  }
0x11: {  	s22 =	simm.s32 $0x3;
	s7 =	sadd.s32 $0x42A00, s8;
	[dreg:$0x5] =	wrdreg s2  }
0x12: {  	v2 =	vlaneseq.u32;
	s8 =	sadd.s32 $0x33200, s8;
	s3 =	sadd.s32 s5, s24;
	[dreg:$0x6] =	wrdreg s25  }
0x13: {  	vm0 =	vmmov $0xffff;
	v1 =	vshrl.u32 v2, $0x3;
	s9 =	sadd.s32 $0x50, s6;
	[dreg:$0x8] =	wrdreg s0;
	s26 =	sadd.s32 $0x4D800, s3  }
0x14: {  	v0 =	vand.u32 $0x7, v2;
	v2 =	vor.u32 $0x8, v2;
	v1 =	vmul.u32 $0x8, v1;
	s2 =	simm.s32 $0x7A00;
	s0 =	simm.s32 $0x8200;
	[dreg:$0x7] =	wrdreg s26  }
.LBB2_1:
0x15: {  	[dreg:$0x9] =	wrdreg s13;
	s13 =	simm.s32 $0x0  }
.LBB2_2:
0x16: {  	s3 =	sshll.u32 s13, $0x5  }
0x17: {  	s23 =	simm.s32 $0x0;
	s18 =	sadd.s32 s3, s7  }
0x18: {  	[tilespmem:s23], [sflag:$0x1] =	stream.linear.gather [hbm4b:s18+s23], $0x100, $0x38;
	[tilespmem:$0x19200] =	vst v63  }
0x19: {  	s26 =	simm.s32 $0x100;
	s3 =	sadd.s32 s3, s8  }
0x1a: {  	[tilespmem:s26], [sflag:$0x1] =	stream.linear.gather [hbm4b:s3+s23], $0x100, $0x38;
	[tilespmem:$0x19200] =	vst v63  }
0x1b: {  	_ =	swait.ge [sflag:s15], $0x100  }
0x1c: {  	[sflag:s15] =	ssyncset.done $0x0  }
0x1d: {  	[sflag:s15] =	ssyncadd.s32 $0xFFFFFF00  }
0x1e: {  	_ =	swait.ge [sflag:s15], $0x100  }
0x1f: {  	[sflag:s15] =	ssyncset.done $0x0  }
0x20: {  	[sflag:s15] =	ssyncadd.s32 $0xFFFFFF00  }
0x21: {  	v3 =	vld [tilespmem:$0x0];
	_ =	sdelay $0x4  }
0x22: {  	v4 =	vshll.u32 v3, $0x1  }
0x23: {  	v3 =	vand.u32 $0x7, v3;
	v4 =	vand.u32 $0xFFFFFFF0, v4  }
0x24: {  	v3 =	vor.u32 v3, v4  }
0x25: {  	v4 =	vperm.xlane v3, v0;
	_ =	sdelay $0x1  }
0x26: {  	v3 =	vperm.xlane v3, v2;
	v4 =	vadd.s32 v1, v4;
	_ =	sdelay $0x1  }
0x27: {  	v3 =	vadd.s32 v1, v3;
	_ =	sdelay $0x1  }
0x28: {  	s18 =	simm.s32 $0x200  }
0x29: {  	[tilespmem:s18], [sflag:$0x2] =	stream.indirect_vreg.gather [hbm4b:s1+s23], $0x80, v4, vm0, $0xb8;
	[tilespmem:$0x19200] =	vst v63  }
0x2a: {  	s24 =	simm.s32 $0xA00  }
0x2b: {  	[tilespmem:s24], [sflag:$0x2] =	stream.indirect_vreg.gather [hbm4b:s1+s23], $0x80, v3, vm0, $0xb8;
	[tilespmem:$0x19200] =	vst v63  }
0x2c: {  	v3 =	vld [tilespmem:$0x10];
	_ =	sdelay $0x4  }
0x2d: {  	v4 =	vshll.u32 v3, $0x1  }
0x2e: {  	v3 =	vand.u32 $0x7, v3;
	v4 =	vand.u32 $0xFFFFFFF0, v4  }
0x2f: {  	v3 =	vor.u32 v3, v4  }
0x30: {  	v4 =	vperm.xlane v3, v0;
	_ =	sdelay $0x1  }
0x31: {  	v3 =	vperm.xlane v3, v2;
	v4 =	vadd.s32 v1, v4;
	_ =	sdelay $0x1  }
0x32: {  	v3 =	vadd.s32 v1, v3;
	_ =	sdelay $0x1  }
0x33: {  	s25 =	simm.s32 $0x1200  }
0x34: {  	[tilespmem:s25], [sflag:$0x2] =	stream.indirect_vreg.gather [hbm4b:s1+s23], $0x80, v4, vm0, $0xb8;
	[tilespmem:$0x19200] =	vst v63  }
0x35: {  	s26 =	simm.s32 $0x1A00  }
0x36: {  	[tilespmem:s26], [sflag:$0x2] =	stream.indirect_vreg.gather [hbm4b:s1+s23], $0x80, v3, vm0, $0xb8;
	[tilespmem:$0x19200] =	vst v63  }
0x37: {  	v3 =	vld [tilespmem:$0x20];
	_ =	sdelay $0x4  }
0x38: {  	v4 =	vshll.u32 v3, $0x1  }
0x39: {  	v3 =	vand.u32 $0x7, v3;
	v4 =	vand.u32 $0xFFFFFFF0, v4  }
0x3a: {  	v3 =	vor.u32 v3, v4  }
0x3b: {  	v4 =	vperm.xlane v3, v0;
	_ =	sdelay $0x1  }
0x3c: {  	v3 =	vperm.xlane v3, v2;
	v4 =	vadd.s32 v1, v4;
	_ =	sdelay $0x1  }
0x3d: {  	v3 =	vadd.s32 v1, v3;
	_ =	sdelay $0x1  }
0x3e: {  	s18 =	simm.s32 $0x2200  }
0x3f: {  	[tilespmem:s18], [sflag:$0x2] =	stream.indirect_vreg.gather [hbm4b:s1+s23], $0x80, v4, vm0, $0xb8;
	[tilespmem:$0x19200] =	vst v63  }
0x40: {  	s24 =	simm.s32 $0x2A00  }
0x41: {  	[tilespmem:s24], [sflag:$0x2] =	stream.indirect_vreg.gather [hbm4b:s1+s23], $0x80, v3, vm0, $0xb8;
	[tilespmem:$0x19200] =	vst v63  }
0x42: {  	v3 =	vld [tilespmem:$0x30];
	_ =	sdelay $0x4  }
0x43: {  	v4 =	vshll.u32 v3, $0x1  }
0x44: {  	v3 =	vand.u32 $0x7, v3;
	v4 =	vand.u32 $0xFFFFFFF0, v4  }
0x45: {  	v3 =	vor.u32 v3, v4  }
0x46: {  	v4 =	vperm.xlane v3, v0;
	_ =	sdelay $0x1  }
0x47: {  	v3 =	vperm.xlane v3, v2;
	v4 =	vadd.s32 v1, v4;
	_ =	sdelay $0x1  }
0x48: {  	v3 =	vadd.s32 v1, v3;
	_ =	sdelay $0x1  }
0x49: {  	s25 =	simm.s32 $0x3200  }
0x4a: {  	[tilespmem:s25], [sflag:$0x2] =	stream.indirect_vreg.gather [hbm4b:s1+s23], $0x80, v4, vm0, $0xb8;
	[tilespmem:$0x19200] =	vst v63  }
0x4b: {  	s26 =	simm.s32 $0x3A00  }
0x4c: {  	[tilespmem:s26], [sflag:$0x2] =	stream.indirect_vreg.gather [hbm4b:s1+s23], $0x80, v3, vm0, $0xb8;
	[tilespmem:$0x19200] =	vst v63  }
0x4d: {  	v3 =	vld [tilespmem:$0x40];
	_ =	sdelay $0x4  }
0x4e: {  	v4 =	vshll.u32 v3, $0x1  }
0x4f: {  	v3 =	vand.u32 $0x7, v3;
	v4 =	vand.u32 $0xFFFFFFF0, v4  }
0x50: {  	v3 =	vor.u32 v3, v4  }
0x51: {  	v4 =	vperm.xlane v3, v0;
	_ =	sdelay $0x1  }
0x52: {  	v3 =	vperm.xlane v3, v2;
	v4 =	vadd.s32 v1, v4;
	_ =	sdelay $0x1  }
0x53: {  	v3 =	vadd.s32 v1, v3;
	_ =	sdelay $0x1  }
0x54: {  	s18 =	simm.s32 $0x4200  }
0x55: {  	[tilespmem:s18], [sflag:$0x2] =	stream.indirect_vreg.gather [hbm4b:s1+s23], $0x80, v4, vm0, $0xb8;
	[tilespmem:$0x19200] =	vst v63  }
0x56: {  	s24 =	simm.s32 $0x4A00  }
0x57: {  	[tilespmem:s24], [sflag:$0x2] =	stream.indirect_vreg.gather [hbm4b:s1+s23], $0x80, v3, vm0, $0xb8;
	[tilespmem:$0x19200] =	vst v63  }
0x58: {  	v3 =	vld [tilespmem:$0x100];
	_ =	sdelay $0x4  }
0x59: {  	v4 =	vshll.u32 v3, $0x1  }
0x5a: {  	v3 =	vand.u32 $0x7, v3;
	v4 =	vand.u32 $0xFFFFFFF0, v4  }
0x5b: {  	v3 =	vor.u32 v3, v4  }
0x5c: {  	v4 =	vperm.xlane v3, v0;
	_ =	sdelay $0x1  }
0x5d: {  	v3 =	vperm.xlane v3, v2;
	v4 =	vadd.s32 v1, v4;
	_ =	sdelay $0x1  }
0x5e: {  	v3 =	vadd.s32 v1, v3;
	_ =	sdelay $0x1  }
0x5f: {  	s25 =	simm.s32 $0x5200  }
0x60: {  	[tilespmem:s25], [sflag:$0x2] =	stream.indirect_vreg.gather [hbm4b:s4+s23], $0x80, v4, vm0, $0xb8;
	[tilespmem:$0x19200] =	vst v63  }
0x61: {  	_ = 	snop  }
0x62: {  	[tilespmem:s28], [sflag:$0x2] =	stream.indirect_vreg.gather [hbm4b:s4+s23], $0x80, v3, vm0, $0xb8;
	[tilespmem:$0x19200] =	vst v63  }
0x63: {  	v3 =	vld [tilespmem:$0x110];
	_ =	sdelay $0x4  }
0x64: {  	v4 =	vshll.u32 v3, $0x1  }
0x65: {  	v3 =	vand.u32 $0x7, v3;
	v4 =	vand.u32 $0xFFFFFFF0, v4  }
0x66: {  	v3 =	vor.u32 v3, v4  }
0x67: {  	v4 =	vperm.xlane v3, v0;
	_ =	sdelay $0x1  }
0x68: {  	v3 =	vperm.xlane v3, v2;
	v4 =	vadd.s32 v1, v4;
	_ =	sdelay $0x1  }
0x69: {  	v3 =	vadd.s32 v1, v3;
	_ =	sdelay $0x2  }
0x6a: {  	[tilespmem:s29], [sflag:$0x2] =	stream.indirect_vreg.gather [hbm4b:s4+s23], $0x80, v4, vm0, $0xb8;
	[tilespmem:$0x19200] =	vst v63  }
0x6b: {  	_ = 	snop  }
0x6c: {  	[tilespmem:s30], [sflag:$0x2] =	stream.indirect_vreg.gather [hbm4b:s4+s23], $0x80, v3, vm0, $0xb8;
	[tilespmem:$0x19200] =	vst v63  }
0x6d: {  	v3 =	vld [tilespmem:$0x120];
	_ =	sdelay $0x4  }
0x6e: {  	v4 =	vshll.u32 v3, $0x1  }
0x6f: {  	v3 =	vand.u32 $0x7, v3;
	v4 =	vand.u32 $0xFFFFFFF0, v4  }
0x70: {  	v3 =	vor.u32 v3, v4  }
0x71: {  	v4 =	vperm.xlane v3, v0;
	_ =	sdelay $0x1  }
0x72: {  	v3 =	vperm.xlane v3, v2;
	v4 =	vadd.s32 v1, v4;
	_ =	sdelay $0x1  }
0x73: {  	v3 =	vadd.s32 v1, v3;
	_ =	sdelay $0x2  }
0x74: {  	[tilespmem:s31], [sflag:$0x2] =	stream.indirect_vreg.gather [hbm4b:s4+s23], $0x80, v4, vm0, $0xb8;
	[tilespmem:$0x19200] =	vst v63  }
0x75: {  	_ = 	snop  }
0x76: {  	[tilespmem:s2], [sflag:$0x2] =	stream.indirect_vreg.gather [hbm4b:s4+s23], $0x80, v3, vm0, $0xb8;
	[tilespmem:$0x19200] =	vst v63  }
0x77: {  	v3 =	vld [tilespmem:$0x130];
	_ =	sdelay $0x4  }
0x78: {  	v4 =	vshll.u32 v3, $0x1  }
0x79: {  	v3 =	vand.u32 $0x7, v3;
	v4 =	vand.u32 $0xFFFFFFF0, v4  }
0x7a: {  	v3 =	vor.u32 v3, v4  }
0x7b: {  	v4 =	vperm.xlane v3, v0;
	_ =	sdelay $0x1  }
0x7c: {  	v3 =	vperm.xlane v3, v2;
	v4 =	vadd.s32 v1, v4;
	_ =	sdelay $0x1  }
0x7d: {  	v3 =	vadd.s32 v1, v3;
	_ =	sdelay $0x2  }
0x7e: {  	[tilespmem:s0], [sflag:$0x2] =	stream.indirect_vreg.gather [hbm4b:s4+s23], $0x80, v4, vm0, $0xb8;
	[tilespmem:$0x19200] =	vst v63  }
0x7f: {  	_ = 	snop  }
0x80: {  	[tilespmem:s10], [sflag:$0x2] =	stream.indirect_vreg.gather [hbm4b:s4+s23], $0x80, v3, vm0, $0xb8;
	[tilespmem:$0x19200] =	vst v63  }
0x81: {  	v3 =	vld [tilespmem:$0x140];
	_ =	sdelay $0x4  }
0x82: {  	v4 =	vshll.u32 v3, $0x1  }
0x83: {  	v3 =	vand.u32 $0x7, v3;
	v4 =	vand.u32 $0xFFFFFFF0, v4  }
0x84: {  	v3 =	vor.u32 v3, v4  }
0x85: {  	v4 =	vperm.xlane v3, v0;
	_ =	sdelay $0x1  }
0x86: {  	v3 =	vperm.xlane v3, v2;
	v4 =	vadd.s32 v1, v4;
	_ =	sdelay $0x1  }
0x87: {  	v3 =	vadd.s32 v1, v3;
	_ =	sdelay $0x2  }
0x88: {  	[tilespmem:s11], [sflag:$0x2] =	stream.indirect_vreg.gather [hbm4b:s4+s23], $0x80, v4, vm0, $0xb8;
	[tilespmem:$0x19200] =	vst v63  }
0x89: {  	_ = 	snop  }
0x8a: {  	[tilespmem:s12], [sflag:$0x2] =	stream.indirect_vreg.gather [hbm4b:s4+s23], $0x80, v3, vm0, $0xb8;
	[tilespmem:$0x19200] =	vst v63  }
0x8b: {  	v3 =	vld [tilespmem:$0x80];
	_ =	sdelay $0x4  }
0x8c: {  	v4 =	vshll.u32 v3, $0x1  }
0x8d: {  	v3 =	vand.u32 $0x7, v3;
	v4 =	vand.u32 $0xFFFFFFF0, v4  }
0x8e: {  	v3 =	vor.u32 v3, v4  }
0x8f: {  	v4 =	vperm.xlane v3, v0;
	_ =	sdelay $0x1  }
0x90: {  	v3 =	vperm.xlane v3, v2;
	v4 =	vadd.s32 v1, v4;
	_ =	sdelay $0x1  }
0x91: {  	v3 =	vadd.s32 v1, v3;
	_ =	sdelay $0x1  }
0x92: {  	s26 =	simm.s32 $0xA200  }
0x93: {  	[tilespmem:s26], [sflag:$0x3] =	stream.indirect_vreg.gather [hbm4b:s1+s23], $0x80, v4, vm0, $0xb8;
	[tilespmem:$0x19200] =	vst v63  }
0x94: {  	s18 =	simm.s32 $0xAA00  }
0x95: {  	[tilespmem:s18], [sflag:$0x3] =	stream.indirect_vreg.gather [hbm4b:s1+s23], $0x80, v3, vm0, $0xb8;
	[tilespmem:$0x19200] =	vst v63  }
0x96: {  	v3 =	vld [tilespmem:$0x90];
	_ =	sdelay $0x4  }
0x97: {  	v4 =	vshll.u32 v3, $0x1  }
0x98: {  	v3 =	vand.u32 $0x7, v3;
	v4 =	vand.u32 $0xFFFFFFF0, v4  }
0x99: {  	v3 =	vor.u32 v3, v4  }
0x9a: {  	v4 =	vperm.xlane v3, v0;
	_ =	sdelay $0x1  }
0x9b: {  	v3 =	vperm.xlane v3, v2;
	v4 =	vadd.s32 v1, v4;
	_ =	sdelay $0x1  }
0x9c: {  	v3 =	vadd.s32 v1, v3;
	_ =	sdelay $0x1  }
0x9d: {  	s24 =	simm.s32 $0xB200  }
0x9e: {  	[tilespmem:s24], [sflag:$0x3] =	stream.indirect_vreg.gather [hbm4b:s1+s23], $0x80, v4, vm0, $0xb8;
	[tilespmem:$0x19200] =	vst v63  }
0x9f: {  	s25 =	simm.s32 $0xBA00  }
0xa0: {  	[tilespmem:s25], [sflag:$0x3] =	stream.indirect_vreg.gather [hbm4b:s1+s23], $0x80, v3, vm0, $0xb8;
	[tilespmem:$0x19200] =	vst v63  }
0xa1: {  	v3 =	vld [tilespmem:$0xA0];
	_ =	sdelay $0x4  }
0xa2: {  	v4 =	vshll.u32 v3, $0x1  }
0xa3: {  	v3 =	vand.u32 $0x7, v3;
	v4 =	vand.u32 $0xFFFFFFF0, v4  }
0xa4: {  	v3 =	vor.u32 v3, v4  }
0xa5: {  	v4 =	vperm.xlane v3, v0;
	_ =	sdelay $0x1  }
0xa6: {  	v3 =	vperm.xlane v3, v2;
	v4 =	vadd.s32 v1, v4;
	_ =	sdelay $0x1  }
0xa7: {  	v3 =	vadd.s32 v1, v3;
	_ =	sdelay $0x1  }
0xa8: {  	s26 =	simm.s32 $0xC200  }
0xa9: {  	[tilespmem:s26], [sflag:$0x3] =	stream.indirect_vreg.gather [hbm4b:s1+s23], $0x80, v4, vm0, $0xb8;
	[tilespmem:$0x19200] =	vst v63  }
0xaa: {  	s18 =	simm.s32 $0xCA00  }
0xab: {  	[tilespmem:s18], [sflag:$0x3] =	stream.indirect_vreg.gather [hbm4b:s1+s23], $0x80, v3, vm0, $0xb8;
	[tilespmem:$0x19200] =	vst v63  }
0xac: {  	v3 =	vld [tilespmem:$0xB0];
	_ =	sdelay $0x4  }
0xad: {  	v4 =	vshll.u32 v3, $0x1  }
0xae: {  	v3 =	vand.u32 $0x7, v3;
	v4 =	vand.u32 $0xFFFFFFF0, v4  }
0xaf: {  	v3 =	vor.u32 v3, v4  }
0xb0: {  	v4 =	vperm.xlane v3, v0;
	_ =	sdelay $0x1  }
0xb1: {  	v3 =	vperm.xlane v3, v2;
	v4 =	vadd.s32 v1, v4;
	_ =	sdelay $0x1  }
0xb2: {  	v3 =	vadd.s32 v1, v3;
	_ =	sdelay $0x1  }
0xb3: {  	s24 =	simm.s32 $0xD200  }
0xb4: {  	[tilespmem:s24], [sflag:$0x3] =	stream.indirect_vreg.gather [hbm4b:s1+s23], $0x80, v4, vm0, $0xb8;
	[tilespmem:$0x19200] =	vst v63  }
0xb5: {  	s25 =	simm.s32 $0xDA00  }
0xb6: {  	[tilespmem:s25], [sflag:$0x3] =	stream.indirect_vreg.gather [hbm4b:s1+s23], $0x80, v3, vm0, $0xb8;
	[tilespmem:$0x19200] =	vst v63  }
0xb7: {  	v3 =	vld [tilespmem:$0xC0];
	_ =	sdelay $0x4  }
0xb8: {  	v4 =	vshll.u32 v3, $0x1  }
0xb9: {  	v3 =	vand.u32 $0x7, v3;
	v4 =	vand.u32 $0xFFFFFFF0, v4  }
0xba: {  	v3 =	vor.u32 v3, v4  }
0xbb: {  	v4 =	vperm.xlane v3, v0;
	_ =	sdelay $0x1  }
0xbc: {  	v3 =	vperm.xlane v3, v2;
	v4 =	vadd.s32 v1, v4;
	_ =	sdelay $0x1  }
0xbd: {  	v3 =	vadd.s32 v1, v3;
	_ =	sdelay $0x1  }
0xbe: {  	s26 =	simm.s32 $0xE200  }
0xbf: {  	[tilespmem:s26], [sflag:$0x3] =	stream.indirect_vreg.gather [hbm4b:s1+s23], $0x80, v4, vm0, $0xb8;
	[tilespmem:$0x19200] =	vst v63  }
0xc0: {  	s18 =	simm.s32 $0xEA00  }
0xc1: {  	[tilespmem:s18], [sflag:$0x3] =	stream.indirect_vreg.gather [hbm4b:s1+s23], $0x80, v3, vm0, $0xb8;
	[tilespmem:$0x19200] =	vst v63  }
0xc2: {  	v3 =	vld [tilespmem:$0x180];
	_ =	sdelay $0x4  }
0xc3: {  	v4 =	vshll.u32 v3, $0x1  }
0xc4: {  	v3 =	vand.u32 $0x7, v3;
	v4 =	vand.u32 $0xFFFFFFF0, v4  }
0xc5: {  	v3 =	vor.u32 v3, v4  }
0xc6: {  	v4 =	vperm.xlane v3, v0;
	_ =	sdelay $0x1  }
0xc7: {  	v3 =	vperm.xlane v3, v2;
	v4 =	vadd.s32 v1, v4;
	_ =	sdelay $0x1  }
0xc8: {  	v3 =	vadd.s32 v1, v3;
	_ =	sdelay $0x1  }
0xc9: {  	s24 =	simm.s32 $0xF200  }
0xca: {  	[tilespmem:s24], [sflag:$0x3] =	stream.indirect_vreg.gather [hbm4b:s4+s23], $0x80, v4, vm0, $0xb8;
	[tilespmem:$0x19200] =	vst v63  }
0xcb: {  	s25 =	simm.s32 $0xFA00  }
0xcc: {  	[tilespmem:s25], [sflag:$0x3] =	stream.indirect_vreg.gather [hbm4b:s4+s23], $0x80, v3, vm0, $0xb8;
	[tilespmem:$0x19200] =	vst v63  }
0xcd: {  	v3 =	vld [tilespmem:$0x190];
	_ =	sdelay $0x4  }
0xce: {  	v4 =	vshll.u32 v3, $0x1  }
0xcf: {  	v3 =	vand.u32 $0x7, v3;
	v4 =	vand.u32 $0xFFFFFFF0, v4  }
0xd0: {  	v3 =	vor.u32 v3, v4  }
0xd1: {  	v4 =	vperm.xlane v3, v0;
	_ =	sdelay $0x1  }
0xd2: {  	v3 =	vperm.xlane v3, v2;
	v4 =	vadd.s32 v1, v4;
	_ =	sdelay $0x1  }
0xd3: {  	v3 =	vadd.s32 v1, v3;
	_ =	sdelay $0x1  }
0xd4: {  	s26 =	simm.s32 $0x10200  }
0xd5: {  	[tilespmem:s26], [sflag:$0x3] =	stream.indirect_vreg.gather [hbm4b:s4+s23], $0x80, v4, vm0, $0xb8;
	[tilespmem:$0x19200] =	vst v63  }
0xd6: {  	s18 =	simm.s32 $0x10A00  }
0xd7: {  	[tilespmem:s18], [sflag:$0x3] =	stream.indirect_vreg.gather [hbm4b:s4+s23], $0x80, v3, vm0, $0xb8;
	[tilespmem:$0x19200] =	vst v63  }
0xd8: {  	v3 =	vld [tilespmem:$0x1A0];
	_ =	sdelay $0x4  }
0xd9: {  	v4 =	vshll.u32 v3, $0x1  }
0xda: {  	v3 =	vand.u32 $0x7, v3;
	v4 =	vand.u32 $0xFFFFFFF0, v4  }
0xdb: {  	v3 =	vor.u32 v3, v4  }
0xdc: {  	v4 =	vperm.xlane v3, v0;
	_ =	sdelay $0x1  }
0xdd: {  	v3 =	vperm.xlane v3, v2;
	v4 =	vadd.s32 v1, v4;
	_ =	sdelay $0x1  }
0xde: {  	v3 =	vadd.s32 v1, v3;
	_ =	sdelay $0x1  }
0xdf: {  	s24 =	simm.s32 $0x11200  }
0xe0: {  	[tilespmem:s24], [sflag:$0x3] =	stream.indirect_vreg.gather [hbm4b:s4+s23], $0x80, v4, vm0, $0xb8;
	[tilespmem:$0x19200] =	vst v63  }
0xe1: {  	s25 =	simm.s32 $0x11A00  }
0xe2: {  	[tilespmem:s25], [sflag:$0x3] =	stream.indirect_vreg.gather [hbm4b:s4+s23], $0x80, v3, vm0, $0xb8;
	[tilespmem:$0x19200] =	vst v63  }
0xe3: {  	v3 =	vld [tilespmem:$0x1B0];
	_ =	sdelay $0x4  }
0xe4: {  	v4 =	vshll.u32 v3, $0x1  }
0xe5: {  	v3 =	vand.u32 $0x7, v3;
	v4 =	vand.u32 $0xFFFFFFF0, v4  }
0xe6: {  	v3 =	vor.u32 v3, v4  }
0xe7: {  	v4 =	vperm.xlane v3, v0;
	_ =	sdelay $0x1  }
0xe8: {  	v3 =	vperm.xlane v3, v2;
	v4 =	vadd.s32 v1, v4;
	_ =	sdelay $0x1  }
0xe9: {  	v3 =	vadd.s32 v1, v3;
	_ =	sdelay $0x1  }
0xea: {  	s26 =	simm.s32 $0x12200  }
0xeb: {  	[tilespmem:s26], [sflag:$0x3] =	stream.indirect_vreg.gather [hbm4b:s4+s23], $0x80, v4, vm0, $0xb8;
	[tilespmem:$0x19200] =	vst v63  }
0xec: {  	_ = 	snop  }
0xed: {  	[tilespmem:s19], [sflag:$0x3] =	stream.indirect_vreg.gather [hbm4b:s4+s23], $0x80, v3, vm0, $0xb8;
	[tilespmem:$0x19200] =	vst v63  }
0xee: {  	v3 =	vld [tilespmem:$0x1C0];
	_ =	sdelay $0x4  }
0xef: {  	v4 =	vshll.u32 v3, $0x1  }
0xf0: {  	v3 =	vand.u32 $0x7, v3;
	v4 =	vand.u32 $0xFFFFFFF0, v4  }
0xf1: {  	v3 =	vor.u32 v3, v4  }
0xf2: {  	v4 =	vperm.xlane v3, v0;
	_ =	sdelay $0x1  }
0xf3: {  	v3 =	vperm.xlane v3, v2;
	v4 =	vadd.s32 v1, v4;
	_ =	sdelay $0x1  }
0xf4: {  	v3 =	vadd.s32 v1, v3;
	_ =	sdelay $0x2  }
0xf5: {  	[tilespmem:s16], [sflag:$0x3] =	stream.indirect_vreg.gather [hbm4b:s4+s23], $0x80, v4, vm0, $0xb8;
	[tilespmem:$0x19200] =	vst v63  }
0xf6: {  	_ = 	snop  }
0xf7: {  	[tilespmem:s20], [sflag:$0x3] =	stream.indirect_vreg.gather [hbm4b:s4+s23], $0x80, v3, vm0, $0xb8;
	[tilespmem:$0x19200] =	vst v63  }
0xf8: {  	_ =	swait.ge [sflag:s14], $0x5000  }
0xf9: {  	[sflag:s14] =	ssyncset.done $0x0  }
0xfa: {  	[sflag:s14] =	ssyncadd.s32 $0xFFFFB000  }
0xfb: {  	_ =	swait.ge [sflag:s14], $0x5000  }
0xfc: {  	s18 =	sand.u32 $0x7800, s23;
	s24 =	sand.u32 $0x380, s23;
	[sflag:s14] =	ssyncset.done $0x0  }
0xfd: {  	s23 =	sor.u32 s24, s18;
	[sflag:s14] =	ssyncadd.s32 $0xFFFFB000  }
0xfe: {  	v3 =	vld [tilespmem:s23+$0x600]  }
0xff: {  	v4 =	vld [tilespmem:s23+$0x5600]  }
0x100: {  	v5 =	vld [tilespmem:s23+$0x200]  }
0x101: {  	v6 =	vld [tilespmem:s23+$0x5200]  }
0x102: {  	v7 =	vld [tilespmem:s23+$0x210]  }
0x103: {  	v8 =	vld [tilespmem:s23+$0x5210]  }
0x104: {  	v9 =	vld [tilespmem:s23+$0x220]  }
0x105: {  	v10 =	vld [tilespmem:s23+$0x230]  }
0x106: {  	v3 =	vadd.f32 v4, v3;
	v4 =	vld [tilespmem:s23+$0x5220]  }
0x107: {  	v5 =	vadd.f32 v6, v5;
	v6 =	vld [tilespmem:s23+$0x5230]  }
0x108: {  	v11 =	vld [tilespmem:s23+$0x5240]  }
0x109: {  	[tilespmem:s23+$0x14600] =	vst v3;
	v3 =	vadd.f32 v8, v7;
	v8 =	vld [tilespmem:s23+$0x240]  }
0x10a: {  	[tilespmem:s23+$0x14200] =	vst v5;
	v5 =	vld [tilespmem:s23+$0x5250]  }
0x10b: {  	[tilespmem:s23+$0x14210] =	vst v3;
	v3 =	vld [tilespmem:s23+$0x250];
	v4 =	vadd.f32 v4, v9  }
0x10c: {  	v7 =	vadd.f32 v6, v10;
	v6 =	vld [tilespmem:s23+$0x5260]  }
0x10d: {  	s25 =	simm.s32 $0x100;
	s24 =	simm.s32 $0x80;
	[tilespmem:s23+$0x14220] =	vst v4;
	v4 =	vld [tilespmem:s23+$0x260]  }
0x10e: {  	s3 =	sand.u32 $0x7800, s25;
	s26 =	sand.u32 $0x380, s24;
	[tilespmem:s23+$0x14230] =	vst v7;
	v7 =	vld [tilespmem:s23+$0x270];
	v9 =	vadd.f32 v11, v8  }
0x10f: {  	s25 =	simm.s32 $0x200;
	s18 =	sor.u32 s26, s3;
	v8 =	vld [tilespmem:s23+$0x5270]  }
.LBB2_3:
0x110: {  	p0 =	sne.s32 s25, $0x4F00;
	v10 =	vld [tilespmem:s18+$0x600];
	[tilespmem:s23+$0x14240] =	vst v9;
	v3 =	vadd.f32 v5, v3  }
0x111: {  	v5 =	vld [tilespmem:s18+$0x5600]  }
0x112: {  	v9 =	vld [tilespmem:s18+$0x200];
	[tilespmem:s23+$0x14250] =	vst v3;
	v3 =	vadd.f32 v6, v4  }
0x113: {  	v4 =	vld [tilespmem:s18+$0x5200]  }
0x114: {  	v6 =	vld [tilespmem:s18+$0x210];
	[tilespmem:s23+$0x14260] =	vst v3;
	v3 =	vadd.f32 v8, v7  }
0x115: {  	v7 =	vld [tilespmem:s18+$0x5210]  }
0x116: {  	v8 =	vld [tilespmem:s18+$0x220];
	v5 =	vadd.f32 v5, v10;
	[tilespmem:s23+$0x14270] =	vst v3;
	s23 =	smov.u32 s18  }
0x117: {  	v3 =	vld [tilespmem:s23+$0x5220]  }
0x118: {  	v4 =	vadd.f32 v4, v9;
	v9 =	vld [tilespmem:s23+$0x230];
	[tilespmem:s23+$0x14600] =	vst v5  }
0x119: {  	v10 =	vld [tilespmem:s23+$0x5230]  }
0x11a: {  	[tilespmem:s23+$0x14200] =	vst v4;
	v4 =	vadd.f32 v7, v6;
	v7 =	vld [tilespmem:s23+$0x240]  }
0x11b: {  	v11 =	vld [tilespmem:s23+$0x5240]  }
0x11c: {  	[tilespmem:s23+$0x14210] =	vst v4;
	v4 =	vadd.f32 v3, v8;
	v3 =	vld [tilespmem:s23+$0x250]  }
.Ltmp0:
0x11d: {  	v5 =	vld [tilespmem:s23+$0x5250];
	(pc) =	sbr.rel @p0 .LBB2_3-.Ltmp0, $4  }
0x11e: {  	[tilespmem:s23+$0x14220] =	vst v4;
	v8 =	vadd.f32 v10, v9;
	v4 =	vld [tilespmem:s23+$0x260]  }
0x11f: {  	s24 =	sadd.s32 $0x80, s24;
	v6 =	vld [tilespmem:s23+$0x5260]  }
0x120: {  	s3 =	sand.u32 $0x7800, s25;
	s18 =	sand.u32 $0x380, s24;
	[tilespmem:s23+$0x14230] =	vst v8;
	v9 =	vadd.f32 v11, v7;
	v7 =	vld [tilespmem:s23+$0x270]  }
0x121: {  	s25 =	sadd.s32 $0x100, s25;
	s18 =	sor.u32 s18, s3;
	v8 =	vld [tilespmem:s23+$0x5270]  }
0x122: {  	v10 =	vld [tilespmem:s18+$0x600];
	[tilespmem:s23+$0x14240] =	vst v9;
	v3 =	vadd.f32 v5, v3  }
0x123: {  	v5 =	vld [tilespmem:s18+$0x5600]  }
0x124: {  	v9 =	vld [tilespmem:s18+$0x200];
	[tilespmem:s23+$0x14250] =	vst v3;
	v3 =	vadd.f32 v6, v4  }
0x125: {  	v4 =	vld [tilespmem:s18+$0x5200]  }
0x126: {  	v6 =	vld [tilespmem:s18+$0x210];
	[tilespmem:s23+$0x14260] =	vst v3;
	v3 =	vadd.f32 v8, v7  }
0x127: {  	v7 =	vld [tilespmem:s18+$0x5210]  }
0x128: {  	v8 =	vld [tilespmem:s18+$0x220];
	[tilespmem:s23+$0x14270] =	vst v3  }
0x129: {  	v3 =	vadd.f32 v5, v10;
	v5 =	vld [tilespmem:s18+$0x5220]  }
0x12a: {  	v10 =	vld [tilespmem:s18+$0x230]  }
0x12b: {  	v4 =	vadd.f32 v4, v9;
	[tilespmem:s18+$0x14600] =	vst v3;
	v3 =	vld [tilespmem:s18+$0x5230]  }
0x12c: {  	v9 =	vld [tilespmem:s18+$0x5260]  }
0x12d: {  	[tilespmem:s18+$0x14200] =	vst v4;
	v4 =	vadd.f32 v7, v6;
	v6 =	vld [tilespmem:s18+$0x240]  }
0x12e: {  	v7 =	vld [tilespmem:s18+$0x5240]  }
0x12f: {  	[tilespmem:s18+$0x14210] =	vst v4;
	v4 =	vadd.f32 v5, v8;
	v5 =	vld [tilespmem:s18+$0x250]  }
0x130: {  	v8 =	vld [tilespmem:s18+$0x5250]  }
0x131: {  	v3 =	vadd.f32 v3, v10;
	v10 =	vld [tilespmem:s18+$0x5270]  }
0x132: {  	[tilespmem:s18+$0x14220] =	vst v4;
	v4 =	vld [tilespmem:s18+$0x260]  }
0x133: {  	[tilespmem:s18+$0x14230] =	vst v3;
	v3 =	vld [tilespmem:s18+$0x270];
	_ =	sdelay $0x1  }
0x134: {  	v6 =	vadd.f32 v7, v6  }
0x135: {  	s23 =	smul.u32 $0xA0, s13;
	v5 =	vadd.f32 v8, v5  }
0x136: {  	[tilespmem:s18+$0x14240] =	vst v6;
	v4 =	vadd.f32 v9, v4  }
0x137: {  	s3 =	sadd.s32 s6, s23;
	[tilespmem:s18+$0x14250] =	vst v5;
	v3 =	vadd.f32 v10, v3  }
0x138: {  	s3 =	sshll.u32 s3, $0x5;
	[tilespmem:s18+$0x14260] =	vst v4  }
0x139: {  	s24 =	simm.s32 $0x0;
	s3 =	sadd.s32 s5, s3;
	[tilespmem:s18+$0x14270] =	vst v3  }
0x13a: {  	[hbm4b:s3+s24] =	stream.linear.scatter [tilespmem:s21], [sflag:$0x4], $0x5000, $0x38;
	[tilespmem:$0x19200] =	vst v63  }
0x13b: {  	_ =	swait.ge [sflag:s17], $0x5000  }
0x13c: {  	[sflag:s17] =	ssyncset.done $0x0  }
0x13d: {  	[sflag:s17] =	ssyncadd.s32 $0xFFFFB000  }
0x13e: {  	_ =	swait.ge [sflag:s22], $0x5000  }
0x13f: {  	[sflag:s22] =	ssyncset.done $0x0  }
0x140: {  	[sflag:s22] =	ssyncadd.s32 $0xFFFFB000  }
0x141: {  	_ =	swait.ge [sflag:s22], $0x5000  }
0x142: {  	s25 =	sand.u32 $0x7800, s24;
	s18 =	sand.u32 $0x380, s24;
	[sflag:s22] =	ssyncset.done $0x0  }
0x143: {  	s18 =	sor.u32 s18, s25;
	[sflag:s22] =	ssyncadd.s32 $0xFFFFB000  }
0x144: {  	v3 =	vld [tilespmem:s18+$0xA600]  }
0x145: {  	v4 =	vld [tilespmem:s18+$0xF600]  }
0x146: {  	v5 =	vld [tilespmem:s18+$0xA200]  }
0x147: {  	v6 =	vld [tilespmem:s18+$0xF200]  }
0x148: {  	v7 =	vld [tilespmem:s18+$0xA210]  }
0x149: {  	v8 =	vld [tilespmem:s18+$0xF210]  }
0x14a: {  	v9 =	vld [tilespmem:s18+$0xA220]  }
0x14b: {  	v10 =	vld [tilespmem:s18+$0xA230]  }
0x14c: {  	v3 =	vadd.f32 v4, v3;
	v4 =	vld [tilespmem:s18+$0xF220]  }
0x14d: {  	v5 =	vadd.f32 v6, v5;
	v6 =	vld [tilespmem:s18+$0xF230]  }
0x14e: {  	v11 =	vld [tilespmem:s18+$0xF240]  }
0x14f: {  	[tilespmem:s18+$0x14600] =	vst v3;
	v3 =	vadd.f32 v8, v7;
	v8 =	vld [tilespmem:s18+$0xA240]  }
0x150: {  	[tilespmem:s18+$0x14200] =	vst v5;
	v5 =	vld [tilespmem:s18+$0xF250]  }
0x151: {  	[tilespmem:s18+$0x14210] =	vst v3;
	v3 =	vld [tilespmem:s18+$0xA250];
	v4 =	vadd.f32 v4, v9  }
0x152: {  	v7 =	vadd.f32 v6, v10;
	v6 =	vld [tilespmem:s18+$0xF260]  }
0x153: {  	s26 =	simm.s32 $0x100;
	s25 =	simm.s32 $0x80;
	[tilespmem:s18+$0x14220] =	vst v4;
	v4 =	vld [tilespmem:s18+$0xA260]  }
0x154: {  	s3 =	sand.u32 $0x7800, s26;
	s24 =	sand.u32 $0x380, s25;
	[tilespmem:s18+$0x14230] =	vst v7;
	v7 =	vld [tilespmem:s18+$0xA270];
	v9 =	vadd.f32 v11, v8  }
0x155: {  	s24 =	sor.u32 s24, s3;
	s3 =	simm.s32 $0x200;
	v8 =	vld [tilespmem:s18+$0xF270]  }
.LBB2_5:
0x156: {  	p0 =	sne.s32 s3, $0x4F00;
	v10 =	vld [tilespmem:s24+$0xA600];
	[tilespmem:s18+$0x14240] =	vst v9;
	v3 =	vadd.f32 v5, v3  }
0x157: {  	v5 =	vld [tilespmem:s24+$0xF600]  }
0x158: {  	v9 =	vld [tilespmem:s24+$0xA200];
	[tilespmem:s18+$0x14250] =	vst v3;
	v3 =	vadd.f32 v6, v4  }
0x159: {  	v4 =	vld [tilespmem:s24+$0xF200]  }
0x15a: {  	v6 =	vld [tilespmem:s24+$0xA210];
	[tilespmem:s18+$0x14260] =	vst v3;
	v3 =	vadd.f32 v8, v7  }
0x15b: {  	v7 =	vld [tilespmem:s24+$0xF210]  }
0x15c: {  	v8 =	vld [tilespmem:s24+$0xA220];
	v5 =	vadd.f32 v5, v10;
	[tilespmem:s18+$0x14270] =	vst v3;
	s18 =	smov.u32 s24  }
0x15d: {  	v3 =	vld [tilespmem:s18+$0xF220]  }
0x15e: {  	v4 =	vadd.f32 v4, v9;
	v9 =	vld [tilespmem:s18+$0xA230];
	[tilespmem:s18+$0x14600] =	vst v5  }
0x15f: {  	v10 =	vld [tilespmem:s18+$0xF230]  }
0x160: {  	[tilespmem:s18+$0x14200] =	vst v4;
	v4 =	vadd.f32 v7, v6;
	v7 =	vld [tilespmem:s18+$0xA240]  }
0x161: {  	v11 =	vld [tilespmem:s18+$0xF240]  }
0x162: {  	[tilespmem:s18+$0x14210] =	vst v4;
	v4 =	vadd.f32 v3, v8;
	v3 =	vld [tilespmem:s18+$0xA250]  }
.Ltmp1:
0x163: {  	v5 =	vld [tilespmem:s18+$0xF250];
	(pc) =	sbr.rel @p0 .LBB2_5-.Ltmp1, $4  }
0x164: {  	[tilespmem:s18+$0x14220] =	vst v4;
	v8 =	vadd.f32 v10, v9;
	v4 =	vld [tilespmem:s18+$0xA260]  }
0x165: {  	s25 =	sadd.s32 $0x80, s25;
	v6 =	vld [tilespmem:s18+$0xF260]  }
0x166: {  	s26 =	sand.u32 $0x380, s25;
	s24 =	sand.u32 $0x7800, s3;
	[tilespmem:s18+$0x14230] =	vst v8;
	v9 =	vadd.f32 v11, v7;
	v7 =	vld [tilespmem:s18+$0xA270]  }
0x167: {  	s3 =	sadd.s32 $0x100, s3;
	s24 =	sor.u32 s26, s24;
	v8 =	vld [tilespmem:s18+$0xF270]  }
0x168: {  	v10 =	vld [tilespmem:s24+$0xA600];
	[tilespmem:s18+$0x14240] =	vst v9;
	v3 =	vadd.f32 v5, v3  }
0x169: {  	v48 =	vld [tilespmem:s24+$0xF600]  }
0x16a: {  	v9 =	vld [tilespmem:s24+$0xA200];
	[tilespmem:s18+$0x14250] =	vst v3;
	v3 =	vadd.f32 v6, v4  }
0x16b: {  	v49 =	vld [tilespmem:s24+$0xF200]  }
0x16c: {  	v50 =	vld [tilespmem:s24+$0xA210];
	[tilespmem:s18+$0x14260] =	vst v3;
	v3 =	vadd.f32 v8, v7  }
0x16d: {  	v51 =	vld [tilespmem:s24+$0xF210]  }
0x16e: {  	v52 =	vld [tilespmem:s24+$0xA220];
	[tilespmem:s18+$0x14270] =	vst v3  }
0x16f: {  	v53 =	vld [tilespmem:s24+$0xF220]  }
0x170: {  	v3 =	vadd.f32 v48, v10;
	v54 =	vld [tilespmem:s24+$0xA230]  }
0x171: {  	v56 =	vld [tilespmem:s24+$0xA240]  }
0x172: {  	[tilespmem:s24+$0x14600] =	vst v3;
	v3 =	vld [tilespmem:s24+$0xF230]  }
0x173: {  	v57 =	vld [tilespmem:s24+$0xF240]  }
0x174: {  	v59 =	vld [tilespmem:s24+$0xA250]  }
0x175: {  	v60 =	vld [tilespmem:s24+$0xF250]  }
0x176: {  	v61 =	vld [tilespmem:s24+$0xA260]  }
0x177: {  	v62 =	vld [tilespmem:s24+$0xF260];
	v3 =	vadd.f32 v3, v54  }
0x178: {  	v63 =	vld [tilespmem:s24+$0xF270];
	v4 =	vadd.f32 v49, v9  }
0x179: {  	v55 =	vadd.f32 v51, v50;
	[tilespmem:s24+$0x14230] =	vst v3;
	v3 =	vld [tilespmem:s24+$0xA270]  }
0x17a: {  	[tilespmem:s24+$0x14200] =	vst v4;
	v58 =	vadd.f32 v53, v52  }
0x17b: {  	[tilespmem:s24+$0x14210] =	vst v55;
	v6 =	vadd.f32 v57, v56  }
0x17c: {  	v5 =	vadd.f32 v60, v59;
	[tilespmem:s24+$0x14220] =	vst v58  }
0x17d: {  	v4 =	vadd.f32 v62, v61;
	[tilespmem:s24+$0x14240] =	vst v6  }
0x17e: {  	s3 =	sadd.s32 s23, s9;
	s13 =	sadd.s32 $0x1, s13;
	[tilespmem:s24+$0x14250] =	vst v5;
	v3 =	vadd.f32 v63, v3  }
0x17f: {  	s3 =	sshll.u32 s3, $0x5;
	p0 =	sne.s32 s13, $0x3E;
	[tilespmem:s24+$0x14260] =	vst v4  }
.Ltmp2:
0x180: {  	s26 =	simm.s32 $0x0;
	s3 =	sadd.s32 s5, s3;
	[tilespmem:s24+$0x14270] =	vst v3;
	(pc) =	sbr.rel @p0 .LBB2_2-.Ltmp2, $4  }
0x181: {  	[hbm4b:s3+s26] =	stream.linear.scatter [tilespmem:s21], [sflag:$0x4], $0x5000, $0x38;
	[tilespmem:$0x19200] =	vst v63  }
0x182: {  	_ =	swait.ge [sflag:s17], $0x5000  }
0x183: {  	[sflag:s17] =	ssyncset.done $0x0  }
0x184: {  	[sflag:s17] =	ssyncadd.s32 $0xFFFFB000  }
0x185: {  	s13 =	simm.s32 $0x0;
	s3 =	rddreg [dreg:$0x5]  }
0x186: {  	[tilespmem:s13], [sflag:$0x4] =	stream.linear.gather [hbm4b:s3+s13], $0x80, $0x38;
	[tilespmem:$0x19200] =	vst v63  }
0x187: {  	_ =	swait.ge [sflag:s17], $0x80  }
0x188: {  	[sflag:s17] =	ssyncset.done $0x0  }
0x189: {  	s18 =	simm.s32 $0x100;
	s26 =	rddreg [dreg:$0x6];
	[sflag:s17] =	ssyncadd.s32 $0xFFFFFF80  }
0x18a: {  	[tilespmem:s18], [sflag:$0x4] =	stream.linear.gather [hbm4b:s26+s13], $0x80, $0x38;
	[tilespmem:$0x19200] =	vst v63  }
0x18b: {  	_ =	swait.ge [sflag:s17], $0x80  }
0x18c: {  	[sflag:s17] =	ssyncset.done $0x0  }
0x18d: {  	[sflag:s17] =	ssyncadd.s32 $0xFFFFFF80  }
0x18e: {  	v3 =	vld [tilespmem:$0x0];
	_ =	sdelay $0x4  }
0x18f: {  	v4 =	vshll.u32 v3, $0x1  }
0x190: {  	v3 =	vand.u32 $0x7, v3;
	v4 =	vand.u32 $0xFFFFFFF0, v4  }
0x191: {  	v3 =	vor.u32 v3, v4  }
0x192: {  	v4 =	vperm.xlane v3, v0;
	_ =	sdelay $0x1  }
0x193: {  	v3 =	vperm.xlane v3, v2;
	v4 =	vadd.s32 v1, v4;
	_ =	sdelay $0x1  }
0x194: {  	v3 =	vadd.s32 v1, v3;
	_ =	sdelay $0x1  }
0x195: {  	s23 =	simm.s32 $0x200  }
0x196: {  	[tilespmem:s23], [sflag:$0x2] =	stream.indirect_vreg.gather [hbm4b:s1+s13], $0x80, v4, vm0, $0xb8;
	[tilespmem:$0x19200] =	vst v63  }
0x197: {  	s24 =	simm.s32 $0xA00  }
0x198: {  	[tilespmem:s24], [sflag:$0x2] =	stream.indirect_vreg.gather [hbm4b:s1+s13], $0x80, v3, vm0, $0xb8;
	[tilespmem:$0x19200] =	vst v63  }
0x199: {  	v3 =	vld [tilespmem:$0x10];
	_ =	sdelay $0x4  }
0x19a: {  	v4 =	vshll.u32 v3, $0x1  }
0x19b: {  	v3 =	vand.u32 $0x7, v3;
	v4 =	vand.u32 $0xFFFFFFF0, v4  }
0x19c: {  	v3 =	vor.u32 v3, v4  }
0x19d: {  	v4 =	vperm.xlane v3, v0;
	_ =	sdelay $0x1  }
0x19e: {  	v3 =	vperm.xlane v3, v2;
	v4 =	vadd.s32 v1, v4;
	_ =	sdelay $0x1  }
0x19f: {  	v3 =	vadd.s32 v1, v3;
	_ =	sdelay $0x1  }
0x1a0: {  	s25 =	simm.s32 $0x1200  }
0x1a1: {  	[tilespmem:s25], [sflag:$0x2] =	stream.indirect_vreg.gather [hbm4b:s1+s13], $0x80, v4, vm0, $0xb8;
	[tilespmem:$0x19200] =	vst v63  }
0x1a2: {  	s26 =	simm.s32 $0x1A00  }
0x1a3: {  	[tilespmem:s26], [sflag:$0x2] =	stream.indirect_vreg.gather [hbm4b:s1+s13], $0x80, v3, vm0, $0xb8;
	[tilespmem:$0x19200] =	vst v63  }
0x1a4: {  	v3 =	vld [tilespmem:$0x20];
	_ =	sdelay $0x4  }
0x1a5: {  	v4 =	vshll.u32 v3, $0x1  }
0x1a6: {  	v3 =	vand.u32 $0x7, v3;
	v4 =	vand.u32 $0xFFFFFFF0, v4  }
0x1a7: {  	v3 =	vor.u32 v3, v4  }
0x1a8: {  	v4 =	vperm.xlane v3, v0;
	_ =	sdelay $0x1  }
0x1a9: {  	v3 =	vperm.xlane v3, v2;
	v4 =	vadd.s32 v1, v4;
	_ =	sdelay $0x1  }
0x1aa: {  	v3 =	vadd.s32 v1, v3;
	_ =	sdelay $0x1  }
0x1ab: {  	s18 =	simm.s32 $0x2200  }
0x1ac: {  	[tilespmem:s18], [sflag:$0x2] =	stream.indirect_vreg.gather [hbm4b:s1+s13], $0x80, v4, vm0, $0xb8;
	[tilespmem:$0x19200] =	vst v63  }
0x1ad: {  	s23 =	simm.s32 $0x2A00  }
0x1ae: {  	[tilespmem:s23], [sflag:$0x2] =	stream.indirect_vreg.gather [hbm4b:s1+s13], $0x80, v3, vm0, $0xb8;
	[tilespmem:$0x19200] =	vst v63  }
0x1af: {  	v3 =	vld [tilespmem:$0x30];
	_ =	sdelay $0x4  }
0x1b0: {  	v4 =	vshll.u32 v3, $0x1  }
0x1b1: {  	v3 =	vand.u32 $0x7, v3;
	v4 =	vand.u32 $0xFFFFFFF0, v4  }
0x1b2: {  	v3 =	vor.u32 v3, v4  }
0x1b3: {  	v4 =	vperm.xlane v3, v0;
	_ =	sdelay $0x1  }
0x1b4: {  	v3 =	vperm.xlane v3, v2;
	v4 =	vadd.s32 v1, v4;
	_ =	sdelay $0x1  }
0x1b5: {  	v3 =	vadd.s32 v1, v3;
	_ =	sdelay $0x1  }
0x1b6: {  	s24 =	simm.s32 $0x3200  }
0x1b7: {  	[tilespmem:s24], [sflag:$0x2] =	stream.indirect_vreg.gather [hbm4b:s1+s13], $0x80, v4, vm0, $0xb8;
	[tilespmem:$0x19200] =	vst v63  }
0x1b8: {  	s25 =	simm.s32 $0x3A00  }
0x1b9: {  	[tilespmem:s25], [sflag:$0x2] =	stream.indirect_vreg.gather [hbm4b:s1+s13], $0x80, v3, vm0, $0xb8;
	[tilespmem:$0x19200] =	vst v63  }
0x1ba: {  	v3 =	vld [tilespmem:$0x40];
	_ =	sdelay $0x4  }
0x1bb: {  	v4 =	vshll.u32 v3, $0x1  }
0x1bc: {  	v3 =	vand.u32 $0x7, v3;
	v4 =	vand.u32 $0xFFFFFFF0, v4  }
0x1bd: {  	v3 =	vor.u32 v3, v4  }
0x1be: {  	v4 =	vperm.xlane v3, v0;
	_ =	sdelay $0x1  }
0x1bf: {  	v3 =	vperm.xlane v3, v2;
	v4 =	vadd.s32 v1, v4;
	_ =	sdelay $0x1  }
0x1c0: {  	v3 =	vadd.s32 v1, v3;
	_ =	sdelay $0x1  }
0x1c1: {  	s26 =	simm.s32 $0x4200  }
0x1c2: {  	[tilespmem:s26], [sflag:$0x2] =	stream.indirect_vreg.gather [hbm4b:s1+s13], $0x80, v4, vm0, $0xb8;
	[tilespmem:$0x19200] =	vst v63  }
0x1c3: {  	s18 =	simm.s32 $0x4A00  }
0x1c4: {  	[tilespmem:s18], [sflag:$0x2] =	stream.indirect_vreg.gather [hbm4b:s1+s13], $0x80, v3, vm0, $0xb8;
	[tilespmem:$0x19200] =	vst v63  }
0x1c5: {  	v3 =	vld [tilespmem:$0x100];
	_ =	sdelay $0x4  }
0x1c6: {  	v4 =	vshll.u32 v3, $0x1  }
0x1c7: {  	v3 =	vand.u32 $0x7, v3;
	v4 =	vand.u32 $0xFFFFFFF0, v4  }
0x1c8: {  	v3 =	vor.u32 v3, v4  }
0x1c9: {  	v4 =	vperm.xlane v3, v0;
	_ =	sdelay $0x1  }
0x1ca: {  	v3 =	vperm.xlane v3, v2;
	v4 =	vadd.s32 v1, v4;
	_ =	sdelay $0x1  }
0x1cb: {  	v3 =	vadd.s32 v1, v3;
	_ =	sdelay $0x1  }
0x1cc: {  	s23 =	simm.s32 $0x5200  }
0x1cd: {  	[tilespmem:s23], [sflag:$0x2] =	stream.indirect_vreg.gather [hbm4b:s4+s13], $0x80, v4, vm0, $0xb8;
	[tilespmem:$0x19200] =	vst v63  }
0x1ce: {  	_ = 	snop  }
0x1cf: {  	[tilespmem:s28], [sflag:$0x2] =	stream.indirect_vreg.gather [hbm4b:s4+s13], $0x80, v3, vm0, $0xb8;
	[tilespmem:$0x19200] =	vst v63  }
0x1d0: {  	v3 =	vld [tilespmem:$0x110];
	_ =	sdelay $0x4  }
0x1d1: {  	v4 =	vshll.u32 v3, $0x1  }
0x1d2: {  	v3 =	vand.u32 $0x7, v3;
	v4 =	vand.u32 $0xFFFFFFF0, v4  }
0x1d3: {  	v3 =	vor.u32 v3, v4  }
0x1d4: {  	v4 =	vperm.xlane v3, v0;
	_ =	sdelay $0x1  }
0x1d5: {  	v3 =	vperm.xlane v3, v2;
	v4 =	vadd.s32 v1, v4;
	_ =	sdelay $0x1  }
0x1d6: {  	v3 =	vadd.s32 v1, v3;
	_ =	sdelay $0x2  }
0x1d7: {  	[tilespmem:s29], [sflag:$0x2] =	stream.indirect_vreg.gather [hbm4b:s4+s13], $0x80, v4, vm0, $0xb8;
	[tilespmem:$0x19200] =	vst v63  }
0x1d8: {  	_ = 	snop  }
0x1d9: {  	[tilespmem:s30], [sflag:$0x2] =	stream.indirect_vreg.gather [hbm4b:s4+s13], $0x80, v3, vm0, $0xb8;
	[tilespmem:$0x19200] =	vst v63  }
0x1da: {  	v3 =	vld [tilespmem:$0x120];
	_ =	sdelay $0x4  }
0x1db: {  	v4 =	vshll.u32 v3, $0x1  }
0x1dc: {  	v3 =	vand.u32 $0x7, v3;
	v4 =	vand.u32 $0xFFFFFFF0, v4  }
0x1dd: {  	v3 =	vor.u32 v3, v4  }
0x1de: {  	v4 =	vperm.xlane v3, v0;
	_ =	sdelay $0x1  }
0x1df: {  	v3 =	vperm.xlane v3, v2;
	v4 =	vadd.s32 v1, v4;
	_ =	sdelay $0x1  }
0x1e0: {  	v3 =	vadd.s32 v1, v3;
	_ =	sdelay $0x2  }
0x1e1: {  	[tilespmem:s31], [sflag:$0x2] =	stream.indirect_vreg.gather [hbm4b:s4+s13], $0x80, v4, vm0, $0xb8;
	[tilespmem:$0x19200] =	vst v63  }
0x1e2: {  	_ = 	snop  }
0x1e3: {  	[tilespmem:s2], [sflag:$0x2] =	stream.indirect_vreg.gather [hbm4b:s4+s13], $0x80, v3, vm0, $0xb8;
	[tilespmem:$0x19200] =	vst v63  }
0x1e4: {  	v3 =	vld [tilespmem:$0x130];
	_ =	sdelay $0x4  }
0x1e5: {  	v4 =	vshll.u32 v3, $0x1  }
0x1e6: {  	v3 =	vand.u32 $0x7, v3;
	v4 =	vand.u32 $0xFFFFFFF0, v4  }
0x1e7: {  	v3 =	vor.u32 v3, v4  }
0x1e8: {  	v4 =	vperm.xlane v3, v0;
	_ =	sdelay $0x1  }
0x1e9: {  	v3 =	vperm.xlane v3, v2;
	v4 =	vadd.s32 v1, v4;
	_ =	sdelay $0x1  }
0x1ea: {  	v3 =	vadd.s32 v1, v3;
	_ =	sdelay $0x2  }
0x1eb: {  	[tilespmem:s0], [sflag:$0x2] =	stream.indirect_vreg.gather [hbm4b:s4+s13], $0x80, v4, vm0, $0xb8;
	[tilespmem:$0x19200] =	vst v63  }
0x1ec: {  	_ = 	snop  }
0x1ed: {  	[tilespmem:s10], [sflag:$0x2] =	stream.indirect_vreg.gather [hbm4b:s4+s13], $0x80, v3, vm0, $0xb8;
	[tilespmem:$0x19200] =	vst v63  }
0x1ee: {  	v3 =	vld [tilespmem:$0x140];
	_ =	sdelay $0x4  }
0x1ef: {  	v4 =	vshll.u32 v3, $0x1  }
0x1f0: {  	v3 =	vand.u32 $0x7, v3;
	v4 =	vand.u32 $0xFFFFFFF0, v4  }
0x1f1: {  	v3 =	vor.u32 v3, v4  }
0x1f2: {  	v4 =	vperm.xlane v3, v0;
	_ =	sdelay $0x1  }
0x1f3: {  	v3 =	vperm.xlane v3, v2;
	v4 =	vadd.s32 v1, v4;
	_ =	sdelay $0x1  }
0x1f4: {  	v3 =	vadd.s32 v1, v3;
	_ =	sdelay $0x2  }
0x1f5: {  	[tilespmem:s11], [sflag:$0x2] =	stream.indirect_vreg.gather [hbm4b:s4+s13], $0x80, v4, vm0, $0xb8;
	[tilespmem:$0x19200] =	vst v63  }
0x1f6: {  	_ = 	snop  }
0x1f7: {  	[tilespmem:s12], [sflag:$0x2] =	stream.indirect_vreg.gather [hbm4b:s4+s13], $0x80, v3, vm0, $0xb8;
	[tilespmem:$0x19200] =	vst v63  }
0x1f8: {  	_ =	swait.ge [sflag:s14], $0x5000  }
0x1f9: {  	[sflag:s14] =	ssyncset.done $0x0  }
0x1fa: {  	[sflag:s14] =	ssyncadd.s32 $0xFFFFB000  }
0x1fb: {  	_ =	swait.ge [sflag:s14], $0x5000  }
0x1fc: {  	s24 =	sand.u32 $0x7800, s13;
	s13 =	sand.u32 $0x380, s13;
	[sflag:s14] =	ssyncset.done $0x0  }
0x1fd: {  	s13 =	sor.u32 s13, s24;
	[sflag:s14] =	ssyncadd.s32 $0xFFFFB000  }
0x1fe: {  	v3 =	vld [tilespmem:s13+$0x600]  }
0x1ff: {  	v4 =	vld [tilespmem:s13+$0x5600]  }
0x200: {  	v5 =	vld [tilespmem:s13+$0x200]  }
0x201: {  	v6 =	vld [tilespmem:s13+$0x5200]  }
0x202: {  	v7 =	vld [tilespmem:s13+$0x210]  }
0x203: {  	v8 =	vld [tilespmem:s13+$0x5210]  }
0x204: {  	v9 =	vld [tilespmem:s13+$0x220]  }
0x205: {  	v10 =	vld [tilespmem:s13+$0x230]  }
0x206: {  	v3 =	vadd.f32 v4, v3;
	v4 =	vld [tilespmem:s13+$0x5220]  }
0x207: {  	v5 =	vadd.f32 v6, v5;
	v6 =	vld [tilespmem:s13+$0x5230]  }
0x208: {  	v11 =	vld [tilespmem:s13+$0x5240]  }
0x209: {  	[tilespmem:s13+$0x14600] =	vst v3;
	v3 =	vadd.f32 v8, v7;
	v8 =	vld [tilespmem:s13+$0x240]  }
0x20a: {  	[tilespmem:s13+$0x14200] =	vst v5;
	v5 =	vld [tilespmem:s13+$0x5250]  }
0x20b: {  	[tilespmem:s13+$0x14210] =	vst v3;
	v3 =	vld [tilespmem:s13+$0x250];
	v4 =	vadd.f32 v4, v9  }
0x20c: {  	v7 =	vadd.f32 v6, v10;
	v6 =	vld [tilespmem:s13+$0x5260]  }
0x20d: {  	s25 =	simm.s32 $0x100;
	s23 =	simm.s32 $0x80;
	[tilespmem:s13+$0x14220] =	vst v4;
	v4 =	vld [tilespmem:s13+$0x260]  }
0x20e: {  	s3 =	sand.u32 $0x7800, s25;
	s26 =	sand.u32 $0x380, s23;
	[tilespmem:s13+$0x14230] =	vst v7;
	v7 =	vld [tilespmem:s13+$0x270];
	v9 =	vadd.f32 v11, v8  }
0x20f: {  	s18 =	sor.u32 s26, s3;
	s3 =	simm.s32 $0x200;
	v8 =	vld [tilespmem:s13+$0x5270]  }
.LBB2_8:
0x210: {  	p0 =	sne.s32 s3, $0x4F00;
	v10 =	vld [tilespmem:s18+$0x600];
	[tilespmem:s13+$0x14240] =	vst v9;
	v3 =	vadd.f32 v5, v3  }
0x211: {  	v5 =	vld [tilespmem:s18+$0x5600]  }
0x212: {  	v9 =	vld [tilespmem:s18+$0x200];
	[tilespmem:s13+$0x14250] =	vst v3;
	v3 =	vadd.f32 v6, v4  }
0x213: {  	v4 =	vld [tilespmem:s18+$0x5200]  }
0x214: {  	v6 =	vld [tilespmem:s18+$0x210];
	[tilespmem:s13+$0x14260] =	vst v3;
	v3 =	vadd.f32 v8, v7  }
0x215: {  	v7 =	vld [tilespmem:s18+$0x5210]  }
0x216: {  	v8 =	vld [tilespmem:s18+$0x220];
	v5 =	vadd.f32 v5, v10;
	[tilespmem:s13+$0x14270] =	vst v3;
	s13 =	smov.u32 s18  }
0x217: {  	v3 =	vld [tilespmem:s13+$0x5220]  }
0x218: {  	v4 =	vadd.f32 v4, v9;
	v9 =	vld [tilespmem:s13+$0x230];
	[tilespmem:s13+$0x14600] =	vst v5  }
0x219: {  	v10 =	vld [tilespmem:s13+$0x5230]  }
0x21a: {  	[tilespmem:s13+$0x14200] =	vst v4;
	v4 =	vadd.f32 v7, v6;
	v7 =	vld [tilespmem:s13+$0x240]  }
0x21b: {  	v11 =	vld [tilespmem:s13+$0x5240]  }
0x21c: {  	[tilespmem:s13+$0x14210] =	vst v4;
	v4 =	vadd.f32 v3, v8;
	v3 =	vld [tilespmem:s13+$0x250]  }
.Ltmp3:
0x21d: {  	v5 =	vld [tilespmem:s13+$0x5250];
	(pc) =	sbr.rel @p0 .LBB2_8-.Ltmp3, $4  }
0x21e: {  	[tilespmem:s13+$0x14220] =	vst v4;
	v8 =	vadd.f32 v10, v9;
	v4 =	vld [tilespmem:s13+$0x260]  }
0x21f: {  	s23 =	sadd.s32 $0x80, s23;
	v6 =	vld [tilespmem:s13+$0x5260]  }
0x220: {  	s24 =	sand.u32 $0x380, s23;
	s18 =	sand.u32 $0x7800, s3;
	[tilespmem:s13+$0x14230] =	vst v8;
	v9 =	vadd.f32 v11, v7;
	v7 =	vld [tilespmem:s13+$0x270]  }
0x221: {  	s3 =	sadd.s32 $0x100, s3;
	s18 =	sor.u32 s24, s18;
	v8 =	vld [tilespmem:s13+$0x5270]  }
0x222: {  	v10 =	vld [tilespmem:s18+$0x600];
	[tilespmem:s13+$0x14240] =	vst v9;
	v3 =	vadd.f32 v5, v3  }
0x223: {  	v48 =	vld [tilespmem:s18+$0x5600]  }
0x224: {  	v9 =	vld [tilespmem:s18+$0x200];
	[tilespmem:s13+$0x14250] =	vst v3;
	v3 =	vadd.f32 v6, v4  }
0x225: {  	v49 =	vld [tilespmem:s18+$0x5200]  }
0x226: {  	v50 =	vld [tilespmem:s18+$0x210];
	[tilespmem:s13+$0x14260] =	vst v3;
	v3 =	vadd.f32 v8, v7  }
0x227: {  	v51 =	vld [tilespmem:s18+$0x5210]  }
0x228: {  	v52 =	vld [tilespmem:s18+$0x220];
	[tilespmem:s13+$0x14270] =	vst v3  }
0x229: {  	v53 =	vld [tilespmem:s18+$0x5220]  }
0x22a: {  	v3 =	vadd.f32 v48, v10;
	v54 =	vld [tilespmem:s18+$0x230]  }
0x22b: {  	v56 =	vld [tilespmem:s18+$0x240]  }
0x22c: {  	[tilespmem:s18+$0x14600] =	vst v3;
	v3 =	vld [tilespmem:s18+$0x5230]  }
0x22d: {  	v57 =	vld [tilespmem:s18+$0x5240]  }
0x22e: {  	v59 =	vld [tilespmem:s18+$0x250]  }
0x22f: {  	v60 =	vld [tilespmem:s18+$0x5250]  }
0x230: {  	v61 =	vld [tilespmem:s18+$0x260]  }
0x231: {  	v62 =	vld [tilespmem:s18+$0x5260];
	v3 =	vadd.f32 v3, v54  }
0x232: {  	v63 =	vld [tilespmem:s18+$0x5270];
	v4 =	vadd.f32 v49, v9  }
0x233: {  	v55 =	vadd.f32 v51, v50;
	[tilespmem:s18+$0x14230] =	vst v3;
	v3 =	vld [tilespmem:s18+$0x270]  }
0x234: {  	[tilespmem:s18+$0x14200] =	vst v4;
	v58 =	vadd.f32 v53, v52  }
0x235: {  	[tilespmem:s18+$0x14210] =	vst v55;
	v6 =	vadd.f32 v57, v56  }
0x236: {  	v5 =	vadd.f32 v60, v59;
	[tilespmem:s18+$0x14220] =	vst v58  }
0x237: {  	v4 =	vadd.f32 v62, v61;
	[tilespmem:s18+$0x14240] =	vst v6  }
0x238: {  	[tilespmem:s18+$0x14250] =	vst v5;
	v3 =	vadd.f32 v63, v3  }
0x239: {  	[tilespmem:s18+$0x14260] =	vst v4  }
0x23a: {  	s3 =	simm.s32 $0x0;
	s24 =	rddreg [dreg:$0x7];
	[tilespmem:s18+$0x14270] =	vst v3  }
0x23b: {  	[hbm4b:s24+s3] =	stream.linear.scatter [tilespmem:s21], [sflag:$0x4], $0x5000, $0x38;
	[tilespmem:$0x19200] =	vst v63  }
0x23c: {  	_ =	swait.ge [sflag:s17], $0x5000  }
0x23d: {  	s25 =	rddreg [dreg:$0x9]  }
0x23e: {  	s26 =	rddreg [dreg:$0x8];
	s13 =	sadd.s32 $0x1, s25  }
0x23f: {  	p0 =	sne.s32 s13, s26  }
.Ltmp4:
0x240: {  	_ = 	snop;
	(pc) =	sbr.rel @p0 .LBB2_1-.Ltmp4, $3  }
0x241: {  	_ =	sdelay $0x1  }
0x242: {  	[sflag:s17] =	ssyncset.done $0x0  }
0x243: {  	[sflag:s17] =	ssyncadd.s32 $0xFFFFB000  }
0x244: {  	_ =	sfence.sel $0x180000  }
0x245: {  	[bflag:$0x0] =	sbarrier.arrive $0xFFFF  }
0x246: {  	_ =	strace $0x90000047  }
0x247: {  	s0 =	stileid.u32;
	[bflag:$0x2] =	sbarrier.arrive $0xFFFF  }
0x248: {  	p0 =	sne.s32 s0, $0x0;
	s0 =	rddreg [dreg:$0x4]  }
0x249: {  	s0 =	sadd.s32 @!p0 $0x100000, s0  }
0x24a: {  	[sflag:s0] =	ssyncadd.tile.s32 @!p0 $0x1;
	_ =	shalt  }
.Lfunc_end2:
_tile_overlayer_lowered:
.L_overlay_start_2:
0x24b: {  	(tag) =	ssettag $0x2  }
0x24c: {  	s0 =	rddreg [dreg:$0x0];
	s2 =	stileid.u32  }
0x24d: {  	s1 =	rddreg [dreg:$0x1];
	p0 =	sne.s32 s2, $0x0  }
0x24e: {  	s3 =	rddreg [dreg:$0x2];
	[bflag:$0x3] =	sbarrier.arrive $0xFFFF;
	s2 =	simm.s32 @!p0 $0x1C04  }
0x24f: {  	[timem:s3], [sflag:s2] =	dma.local @!p0 [hbm:s0], s1  }
0x250: {  	s0 =	simm.s32 @!p0 $0x4  }
0x251: {  	_ =	swait.ge @!p0 [sflag:s0], s1  }
0x252: {  	s1 =	ssub.s32 @!p0 $0x0, s1;
	[sflag:s0] =	ssyncset.done @!p0 $0x0  }
0x253: {  	[sflag:s0] =	ssyncadd.s32 @!p0 s1  }
0x254: {  	[bflag:$0x3] =	sbarrier.arrive $0xFFFF  }
0x255: {  	_ =	shalt  }

// kernel: scatter_offload_async_start.1
scs
__scs_entry_jumppad:
0x0: {  	(pc) =	sbr.rel $0x88, $3  }
0x1: {  	(tag) =	ssettag $0x0;
	lr =	simm.s32 $0x1  }
0x2: {  	[smem:$0x3F8B] =	sst lr;
	_ =	strace $0xD0000000  }
0x3: {  	_ = 	snop  }
0x4: {  	_ = 	snop  }
0x5: {  	_ = 	snop  }
0x6: {  	_ = 	snop  }
0x7: {  	_ = 	snop  }
__scs_overlays_trampoline_lowered:
0x8: {  	[smem:$0x3F9A] =	sst s0  }
0x9: {  	[smem:$0x3F9B] =	sst s1  }
0xa: {  	[smem:$0x3F9C] =	sst s2  }
0xb: {  	[smem:$0x3F9D] =	sst s3  }
0xc: {  	[smem:$0x3F9E] =	sst s4  }
0xd: {  	[smem:$0x3F9F] =	sst s5  }
0xe: {  	[smem:$0x3FA0] =	sst s6  }
0xf: {  	[smem:$0x3FA1] =	sst s7  }
0x10: {  	[smem:$0x3FA2] =	sst s8  }
0x11: {  	[smem:$0x3FA3] =	sst s9;
	s0 =	simm.s32 @!p0 $0x0  }
0x12: {  	s1 =	sld [smem:$0x3F89];
	s0 =	simm.s32 @p0 $0x1  }
0x13: {  	[smem:$0x3FA4] =	sst s0;
	s0 =	simm.s32 @!p1 $0x0  }
0x14: {  	s2 =	sld [smem:$0x3F88];
	s0 =	simm.s32 @p1 $0x1  }
0x15: {  	[smem:$0x3FA5] =	sst s0;
	s0 =	simm.s32 @!p2 $0x0  }
0x16: {  	s3 =	sld [smem:$0x3FDB];
	s0 =	simm.s32 @p2 $0x1  }
0x17: {  	s4 =	simm.s32 $0x1BF5;
	[smem:$0x3FA7] =	sst s0  }
0x18: {  	s0 =	sld [smem:$0x3F8A];
	_ =	swait.ge [sflag:s4], $0x0  }
0x19: {  	s7 =	sld [smem:$0x3F8B]  }
0x1a: {  	s8 =	sadd.s32 $0xFFFFE003, lr  }
0x1b: {  	s9 =	sadd.s32 $0xFFFFFEF7, lr;
	s5 =	simm.s32 $0xFFFFFFFF;
	p2 =	slt.u32 s8, $0xFFFFF086  }
0x1c: {  	p1 =	slt.u32 s9, $0xF7A;
	s5 =	simm.s32 @!p2 $0x0  }
0x1d: {  	s5 =	simm.s32 @p1 $0x1;
	p0 =	seq.s32 s7, s2  }
0x1e: {  	s7 =	smul.u32 @!p0 $0xF7A, s2;
	p2 =	seq.s32 @!p0 s5, $0x0  }
0x1f: {  	s9 =	smul.u32 $0xF7A, s1;
	s8 =	simm.s32 @!p0 $0x1BF5;
	p2 =	por !p2, p0  }
0x20: {  	[sflag:s8] =	ssyncset.s32 @!p0 $0xFFFFF086;
	s6 =	sadd.s32 @!p0 s3, s7;
	s7 =	simm.s32 @!p0 $0x108  }
0x21: {  	s3 =	sadd.s32 s3, s9;
	s6 =	sadd.s32 @!p0 $0x88, s6;
	s7 =	simm.s32 @p2 $0x1082  }
0x22: {  	[simem:s7], [sflag:s8] =	dma.local @!p0 [hbm:s6], $0xF7A  }
0x23: {  	s9 =	sor.u32 $0xD0000000, s2;
	s6 =	simm.s32 $0x108;
	_ =	swait.ge @!p0 [sflag:s8], $0x0  }
0x24: {  	s3 =	sadd.s32 $0x88, s3;
	s6 =	simm.s32 @!p1 $0x1082;
	[sflag:s4] =	ssyncset.s32 $0xFFFFF086  }
0x25: {  	[simem:s6], [sflag:s4] =	dma.local [hbm:s3], $0xF7A  }
0x26: {  	[smem:$0x3F8B] =	sst s1;
	(tag) =	ssettag s2;
	_ =	strace s9  }
0x27: {  	s1 =	sld [smem:$0x3F9B]  }
0x28: {  	s2 =	sld [smem:$0x3F9C]  }
0x29: {  	s4 =	sld [smem:$0x3F9E]  }
0x2a: {  	p0 =	seq.s32 s5, $0x0;
	s5 =	sld [smem:$0x3F9F]  }
0x2b: {  	s6 =	sld [smem:$0x3FA0]  }
0x2c: {  	s7 =	sld [smem:$0x3FA1]  }
0x2d: {  	s3 =	simm.s32 $0x108;
	s8 =	sld [smem:$0x3FA2]  }
0x2e: {  	s3 =	simm.s32 @!p0 $0x1082;
	s9 =	sld [smem:$0x3FA3]  }
0x2f: {  	lr =	sadd.s32 s0, s3;
	s0 =	sld [smem:$0x3F9A]  }
0x30: {  	s3 =	sld [smem:$0x3F9D]  }
0x31: {  	[smem:$0x3FA6] =	sst s10  }
0x32: {  	s10 =	sld [smem:$0x3FA4];
	_ =	sdelay $0x3  }
0x33: {  	p0 =	seq.s32 s10, $0x1;
	s10 =	sld [smem:$0x3FA6];
	_ =	sdelay $0x3  }
0x34: {  	[smem:$0x3FA6] =	sst s10  }
0x35: {  	s10 =	sld [smem:$0x3FA5];
	_ =	sdelay $0x3  }
0x36: {  	p1 =	seq.s32 s10, $0x1;
	s10 =	sld [smem:$0x3FA6];
	_ =	sdelay $0x3  }
0x37: {  	[smem:$0x3FA6] =	sst s10  }
0x38: {  	s10 =	sld [smem:$0x3FA7]  }
0x39: {  	_ = 	snop;
	(pc) =	sbr.ind lr, $3  }
0x3a: {  	_ = 	snop  }
0x3b: {  	_ = 	snop  }
0x3c: {  	p2 =	seq.s32 s10, $0x1;
	s10 =	sld [smem:$0x3FA6]  }
0x3d: {  	_ =	shalt  }
0x3e: {  	_ =	shalt  }
0x3f: {  	_ =	shalt  }
0x40: {  	_ =	shalt  }
0x41: {  	_ =	shalt  }
0x42: {  	_ =	shalt  }
0x43: {  	_ =	shalt  }
0x44: {  	_ =	shalt  }
0x45: {  	_ =	shalt  }
0x46: {  	_ =	shalt  }
0x47: {  	_ =	shalt  }
0x48: {  	_ =	shalt  }
0x49: {  	_ =	shalt  }
0x4a: {  	_ =	shalt  }
0x4b: {  	_ =	shalt  }
0x4c: {  	_ =	shalt  }
0x4d: {  	_ =	shalt  }
0x4e: {  	_ =	shalt  }
0x4f: {  	_ =	shalt  }
0x50: {  	_ =	shalt  }
0x51: {  	_ =	shalt  }
0x52: {  	_ =	shalt  }
0x53: {  	_ =	shalt  }
0x54: {  	_ =	shalt  }
0x55: {  	_ =	shalt  }
0x56: {  	_ =	shalt  }
0x57: {  	_ =	shalt  }
0x58: {  	_ =	shalt  }
0x59: {  	_ =	shalt  }
0x5a: {  	_ =	shalt  }
0x5b: {  	_ =	shalt  }
0x5c: {  	_ =	shalt  }
0x5d: {  	_ =	shalt  }
0x5e: {  	_ =	shalt  }
0x5f: {  	_ =	shalt  }
0x60: {  	_ =	shalt  }
0x61: {  	_ =	shalt  }
0x62: {  	_ =	shalt  }
0x63: {  	_ =	shalt  }
0x64: {  	_ =	shalt  }
0x65: {  	_ =	shalt  }
0x66: {  	_ =	shalt  }
0x67: {  	_ =	shalt  }
0x68: {  	_ =	shalt  }
0x69: {  	_ =	shalt  }
0x6a: {  	_ =	shalt  }
0x6b: {  	_ =	shalt  }
0x6c: {  	_ =	shalt  }
0x6d: {  	_ =	shalt  }
0x6e: {  	_ =	shalt  }
0x6f: {  	_ =	shalt  }
0x70: {  	_ =	shalt  }
0x71: {  	_ =	shalt  }
0x72: {  	_ =	shalt  }
0x73: {  	_ =	shalt  }
0x74: {  	_ =	shalt  }
0x75: {  	_ =	shalt  }
0x76: {  	_ =	shalt  }
0x77: {  	_ =	shalt  }
0x78: {  	_ =	shalt  }
0x79: {  	_ =	shalt  }
0x7a: {  	_ =	shalt  }
0x7b: {  	_ =	shalt  }
0x7c: {  	_ =	shalt  }
0x7d: {  	_ =	shalt  }
0x7e: {  	_ =	shalt  }
0x7f: {  	_ =	shalt  }
0x80: {  	_ =	shalt  }
0x81: {  	_ =	shalt  }
0x82: {  	_ =	shalt  }
0x83: {  	_ =	shalt  }
0x84: {  	_ =	shalt  }
0x85: {  	_ =	shalt  }
0x86: {  	_ =	shalt  }
0x87: {  	_ =	shalt  }
.Lfunc_end0:
.L_simem_size_0:
called_computation.1_lowered:
.L_overlay_start_0:
0x88: {  	s0 =	sld [smem:$0x3FD9]  }
0x89: {  	s1 =	sld [smem:$0x3FFE];
	_ =	sdelay $0x3  }
0x8a: {  	s0 =	sadd.s32 s1, s0  }
0x8b: {  	[smem:$0x3FB2] =	sst s0  }
0x8c: {  	_ = 	snop  }
0x8d: {  	s0 =	sld [smem:$0x3FD0];
	_ =	sdelay $0x2  }
0x8e: {  	s14 =	simm.s32 $0xB;
	s2 =	simm.s32 $0x10  }
0x8f: {  	[smem:s2], [sflag:s14] =	dma.local [hbm:s0], $0x1  }
0x90: {  	_ =	swait.eq [sflag:s14], $0x1  }
0x91: {  	s15 =	sld [smem:$0x10];
	[sflag:s14] =	ssyncset.done $0x0  }
0x92: {  	s16 =	sld [smem:$0x11];
	[sflag:s14] =	ssyncadd.s32 $0xFFFFFFFF  }
0x93: {  	s17 =	sld [smem:$0x15];
	(tm) =	ssettm $0x1  }
0x94: {  	s3 =	sld [smem:$0x3FFB];
	_ =	sdelay $0x3  }
0x95: {  	_ =	strace s3  }
0x96: {  	s3 =	sld [smem:$0x3FFC];
	_ =	sdelay $0x3  }
0x97: {  	_ =	strace s3  }
0x98: {  	s3 =	sld [smem:$0x3FFD];
	_ =	sdelay $0x3  }
0x99: {  	_ =	strace s3  }
0x9a: {  	_ =	strace $0x8FFFFFFF  }
0x9b: {  	s18 =	sld [smem:$0x3FDB];
	_ =	sdelay $0x1  }
0x9c: {  	s4 =	simm.s32 $_scs_section_size  }
0x9d: {  	s5 =	simm.s32 $_size__tile_overlayer_lowered;
	s6 =	simm.s32 $_tile_overlayer_lowered  }
0x9e: {  	s21 =	simm.s32 $0x1BFF;
	s20 =	sshll.u32 s6, $0x1;
	s3 =	sadd.s32 s4, s18  }
0x9f: {  	s7 =	simm.s32 $0x0;
	s19 =	sshll.u32 s5, $0x1;
	s5 =	sadd.s32 s20, s3  }
0xa0: {  	[timem:s7], [sflag:s21] =	dma.local [hbm:s5], s19  }
0xa1: {  	_ =	swait.ge [sflag:s21], s19  }
0xa2: {  	s4 =	ssub.s32 $0x0, s19;
	[sflag:s21] =	ssyncset.done $0x0  }
0xa3: {  	[sflag:s21] =	ssyncadd.s32 s4;
	_ =	sdelay $0x1  }
0xa4: {  	s22 =	simm.s32 $0x1B8B  }
0xa5: {  	_ =	swait.ge [sflag:s22], $0x1  }
0xa6: {  	[sflag:s22] =	ssyncset.done $0x0  }
0xa7: {  	s23 =	simm.s32 $0x1B8E;
	[sflag:s22] =	ssyncadd.s32 $0xFFFFFFFF  }
0xa8: {  	s24 =	simm.s32 $execute0_lowered;
	[smem:$0x3FD2] =	sst s23  }
0xa9: {  	s4 =	sshll.u32 s24, $0x1;
	_ =	strace $0x8000004C;
	[dreg:$0x1] =	wrdreg $0xFFFFFFFF  }
0xaa: {  	s25 =	simm.s32 $_size_execute0_lowered;
	s3 =	sadd.s32 s3, s4;
	[dreg:$0x0] =	wrdreg $0x0  }
0xab: {  	s4 =	sshll.u32 s25, $0x1;
	[dreg:$0x2] =	wrdreg s3  }
0xac: {  	[dreg:$0x3] =	wrdreg s4  }
0xad: {  	[dreg:$0x4] =	wrdreg $0xC0  }
0xae: {  	_ =	task [dreg:s7], $0x5FFFF  }
0xaf: {  	[dreg:$0x1] =	wrdreg $0xFFFFFFFF  }
0xb0: {  	[dreg:$0x0] =	wrdreg $0x60  }
0xb1: {  	[dreg:$0x2] =	wrdreg s17  }
0xb2: {  	[dreg:$0x3] =	wrdreg s16  }
0xb3: {  	[dreg:$0x4] =	wrdreg s15  }
0xb4: {  	[dreg:$0x5] =	wrdreg $0xA  }
0xb5: {  	_ =	task.clear_ibuf [dreg:s7], $0x6FFFF;
	_ =	strace $0x9000004C  }
0xb6: {  	s26 =	simm.s32 $0xA;
	_ =	strace $0x8000004E  }
0xb7: {  	_ =	swait.ge [sflag:s26], $0x1  }
0xb8: {  	[sflag:s26] =	ssyncadd.s32 $0xFFFFFFFF  }
0xb9: {  	_ =	strace $0x9000004E  }
0xba: {  	_ =	sfence  }
0xbb: {  	s28 =	sld [smem:$0x0];
	_ =	sdelay $0x1  }
0xbc: {  	s29 =	srdreg.scid  }
0xbd: {  	s30 =	sshll.u32 s29, $0xD;
	s31 =	sshrl.u32 s29, $0x2  }
0xbe: {  	s1 =	sand.u32 $0x1, s29;
	s2 =	sand.u32 $0x4000, s30;
	s0 =	sadd.s32 s31, s28  }
0xbf: {  	s1 =	sor.u32 s2, s1;
	s0 =	sshll.u32 s0, $0x11  }
0xc0: {  	s0 =	sor.u32 s0, s1  }
0xc1: {  	s0 =	sadd.s32 $0x8F2B, s0  }
0xc2: {  	[sflag:s0] =	ssyncadd.remote.s32 $0x1  }
0xc3: {  	_ =	sfence.sel $0xFFFF  }
0xc4: {  	[dreg:$0x0] =	wrdreg $0xFFFFFFFF;
	(pc) =	sbr.abs _section_cstart, $3  }
0xc5: {  	[dreg:$0x1] =	wrdreg $0xFFFFFFFF  }
0xc6: {  	_ =	task.clear_ibuf [dreg:s7], $0x2FFFF;
	_ =	strace $0x9FFFFFFF  }
0xc7: {  	(tm) =	ssettm $0x7FFFFFFF  }
tec
execute0_lowered:
.L_overlay_start_1:
0x0: {  	(tag) =	ssettag $0x1  }
0x1: {  	s14 =	stileid.u32  }
0x2: {  	s1 =	rddreg [dreg:$0x0];
	s0 =	smin.u32 s14, $0x9  }
0x3: {  	s3 =	rddreg [dreg:$0x1];
	s0 =	sadd.s32 s14, s0  }
0x4: {  	p0 =	slt.u32 s14, $0x9;
	s5 =	smul.u32 $0x190, s0;
	s0 =	simm.s32 $0x320  }
0x5: {  	_ =	strace $0x8000004D;
	s2 =	simm.s32 $0x1;
	s0 =	simm.s32 @!p0 $0x190  }
0x6: {  	v1 =	vimm.s32 $0xFFFFFFFF;
	[sflag:s2] =	ssyncpa.u1 $0x0;
	s0 =	sadd.s32 s0, s5  }
0x7: {  	[tilespmem:$0x10] =	vst v1;
	s6 =	smin.u32 s0, $0x2710  }
0x8: {  	v0 =	vimm.f32 $0.0e+00;
	[tilespmem:$0x20] =	vst v1;
	s0 =	ssub.s32 s6, s5  }
0x9: {  	[tilespmem:$0x30] =	vst v0;
	p0 =	sgt.s32 s0, $0x0  }
0xa: {  	[tilespmem:$0x40] =	vst v0;
	s0 =	simm.s32 @!p0 $0x0  }
0xb: {  	s7 =	simm.s32 $0x2;
	s8 =	simm.s32 $0x8;
	[tilespmem:$0x50] =	vst v0;
	s4 =	sand.u32 $0xFFF0, s0  }
0xc: {  	s31 =	simm.s32 $0x9;
	s16 =	simm.s32 $0x0;
	[tilespmem:$0x60] =	vst v1;
	s4 =	sshrl.u32 s4, $0x4  }
0xd: {  	s17 =	simm.s32 $0xF0;
	s18 =	simm.s32 $0xFFFFFFFF;
	[tilespmem:$0x70] =	vst v1;
	s4 =	smul.u32 $0xA3E, s4  }
0xe: {  	s19 =	simm.s32 $0xFFFFFDE0;
	s20 =	simm.s32 $0xFFFFFFFE;
	s21 =	simm.s32 $0xF;
	[tilespmem:$0x80] =	vst v1  }
0xf: {  	s25 =	simm.s32 $0x0;
	s10 =	sshll.u32 s14, $0x1;
	v1 =	vimm.s32 $0x0;
	[tilespmem:$0xB0] =	vst v0;
	s4 =	sshrl.u32 s4, $0x10  }
0x10: {  	s24 =	simm.s32 $0x0;
	s13 =	sor.u32 $0x81, s10;
	[tilespmem:$0x90] =	vst v1;
	s9 =	smul.u32 $0x190, s4  }
.Ltmp0:
0x11: {  	[tilespmem:$0xA0] =	vst v1;
	[sflag:s7] =	ssyncpa.u1 $0x0;
	s7 =	simm.s32 $0x7;
	(pc) =	sbr.rel .LBB2_1-.Ltmp0, $4  }
0x12: {  	s14 =	sshllo.u32 s14, $0x1;
	[sflag:s7] =	ssyncpa.u1 $0x0;
	p0 =	sne.s32 s0, s9  }
0x13: {  	s15 =	sor.u32 $0x80, s10;
	[sflag:s8] =	ssyncpa.u1 $0x0;
	s2 =	simm.s32 @!p0 $0x0  }
0x14: {  	vm0 =	vmmov $0xffff;
	v2 =	vlaneseq.u32;
	s23 =	smov.u32 s5;
	[sflag:s31] =	ssyncpa.u1 $0x0;
	s9 =	sadd.s32 s4, s2  }
0x15: {  	vm1 =	vmxor vm1, vm1;
	vm2 =	vmmov $0x1;
	vm3 =	vcmask $0x3F3C;
	p0 =	por $0x0, $0x0;
	s11 =	sadd.s32 $0x1, s9;
	s12 =	sadd.s32 $0x2, s9  }
.LBB2_9:
0x16: {  	p1 =	slt.u32 s24, $0x3  }
0x17: {  	s0 =	simm.s32 @!p1 $0x2  }
0x18: {  	_ =	swait.ge @!p1 [sflag:s0], $0x190  }
0x19: {  	[sflag:s0] =	ssyncset.done @!p1 $0x0  }
0x1a: {  	[sflag:s0] =	ssyncadd.s32 @!p1 $0xFFFFFE70;
	s0 =	simm.s32 @!p1 $0x9  }
0x1b: {  	_ =	swait.ge @!p1 [sflag:s0], $0x10  }
0x1c: {  	[sflag:s0] =	ssyncset.done @!p1 $0x0  }
0x1d: {  	[sflag:s0] =	ssyncadd.s32 @!p1 $0xFFFFFFF0;
	p1 =	sne.s32 s24, s12  }
.Ltmp1:
0x1e: {  	s2 =	sadd.s32 $0x190, s23;
	(pc) =	sbr.rel @!p1 .LBB2_10-.Ltmp1, $4  }
0x1f: {  	s4 =	smov.u32 s5;
	s31 =	sadd.s32 $0x1, s24;
	s17 =	sadd.s32 $0x190, s17  }
0x20: {  	s18 =	sadd.s32 $0x1, s18;
	s25 =	smov.u32 s23;
	p2 =	slt.s32 s2, s6  }
0x21: {  	p0 =	por !p0, !p0;
	s19 =	sadd.s32 $0x190, s19;
	s4 =	smov.u32 @p2 s2  }
0x22: {  	s20 =	sadd.s32 $0x1, s20;
	s23 =	smov.u32 s4;
	s24 =	smov.u32 s31  }
.LBB2_1:
0x23: {  	p1 =	sge.u32 s24, s9  }
0x24: {  	s0 =	smulhi.u32 @!p1 $0xAAAAAAAB, s24;
	_ =	sdelay $0x1  }
0x25: {  	s0 =	sshrl.u32 @!p1 s0, $0x1  }
0x26: {  	s0 =	smul.u32 @!p1 $0x3, s0;
	_ =	sdelay $0x1  }
0x27: {  	s0 =	ssub.s32 @!p1 s24, s0  }
0x28: {  	s0 =	smul.u32 @!p1 $0x640, s0;
	_ =	sdelay $0x1  }
0x29: {  	s2 =	sshrl.u32 @!p1 s23, $0x3;
	s0 =	sshrl.u32 @!p1 s0, $0x2  }
0x2a: {  	s4 =	sand.u32 @!p1 $0x7, s23;
	s2 =	sadd.s32 @!p1 s3, s2;
	s0 =	sadd.s32 @!p1 $0x100, s0  }
0x2b: {  	[tilespmem:s0], [sflag:$0x7] =	stream.linear.gather @!p1 [hbm4b:s2+s4], $0x190, $0x38;
	[tilespmem:$0xF30] =	vst v63  }
0x2c: {  	s0 =	sadd.s32 $0xFFFFFFFF, s24  }
0x2d: {  	p1 =	sge.u32 s0, s9  }
.Ltmp2:
0x2e: {  	_ = 	snop;
	(pc) =	sbr.rel @p1 .LBB2_5-.Ltmp2, $1  }
0x2f: {  	_ =	sdelay $0x3  }
0x30: {  	s2 =	smulhi.u32 $0xAAAAAAAB, s0;
	_ =	sdelay $0x1  }
0x31: {  	s2 =	sshrl.u32 s2, $0x1  }
0x32: {  	s2 =	smul.u32 $0x3, s2;
	_ =	sdelay $0x1  }
0x33: {  	s2 =	ssub.s32 s0, s2  }
0x34: {  	s2 =	smul.u32 $0x640, s2  }
0x35: {  	_ =	swait.ge [sflag:s7], $0x190  }
0x36: {  	[sflag:s7] =	ssyncset.done $0x0;
	s2 =	sshrl.u32 s2, $0x2  }
0x37: {  	[sflag:s7] =	ssyncadd.s32 $0xFFFFFE70;
	(ifvalue) =	ssetifvalue $0xFFFFFFFF;
	v3 =	vld.msk [tilespmem:s2+$0x100 ss:$0x1], $0xffff;
	_ =	sdelay $0x2  }
0x38: {  	s30 =	smulhi.u32 $0xAAAAAAAB, s18;
	p1 =	sne.s32 s24, $0x1  }
0x39: {  	v4 =	vimm.s32 @!p1 $0x0  }
0x3a: {  	s2 =	sshrl.u32 s30, $0x1;
	v4 =	vperm.xlane @!p1 v3, v4  }
0x3b: {  	s4 =	sshll.u32 s24, $0x4;
	s2 =	smul.u32 $0xFFFFED40, s2;
	vm4 =	vlt.u32 v3, $0x80  }
0x3c: {  	s4 =	sand.u32 $0x10, s4;
	v3 =	vnsel vm4, $0xFFFFFFFE, v3;
	vm4 =	vlt.u32 @!p1 v4, $0x80  }
0x3d: {  	s2 =	sshra.s32 s2, $0x2;
	[tilespmem:s4+$0x60] =	vst v3;
	v3 =	vnsel @!p1 vm4, $0xFFFFFFFE, v4  }
0x3e: {  	s28 =	sadd.s32 s2, s17;
	[tilespmem:$0x80] =	vst @!p1 v3  }
0x3f: {  	v3 =	vld.msk [tilespmem:s28+$0x0 ss:$0x1], $0xffff;
	_ =	sdelay $0x4  }
0x40: {  	(xrf1) =	vunique.msk.u32 $0xffff, v3;
	_ =	sdelay $0xd  }
0x41: {  	v4 =	vimm.s32 $0xFFFFFFFF;
	v5, _, _ =	vpop (xrf1)  }
0x42: {  	vm5 =	vne.s32 v3, v4;
	vm4 =	veq.s32 v5, v2  }
0x43: {  	vm6 =	vlt.u32 v3, $0x80;
	vm4 =	vmand vm5, vm4  }
0x44: {  	vm4 =	vmand vm6, vm4  }
0x45: {  	v4 =	vnsel vm4, $0xFFFFFFFF, v3  }
0x46: {  	s31 =	sand.u32 $0x1, s0  }
0x47: {  	s0 =	simm.s32 $0x190;
	p1 =	seq.s32 s31, $0x1  }
0x48: {  	s0 =	simm.s32 @!p1 $0x0  }
0x49: {  	s26 =	sadd.s32 $0x730, s0;
	(ifvalue) =	ssetifvalue $0xFFFFFFFF  }
0x4a: {  	v3 =	vperm.xlane v3, v1;
	[tilespmem:s26], [sflag:$0x8] =	stream.indirect_vreg.gather [hbm4b:s1+s16], $0x1, v4, vm0, $0x4038;
	v4 =	vnsel vm6, $0xFFFFFFFE, v4;
	[tilespmem:$0xF30] =	vst v63  }
0x4b: {  	s2 =	simm.s32 $0x0;
	s4 =	sadd.s32 $0xFFFFFFF0, s28;
	[tilespmem:s28+$0x0] =	vst v4  }
.LBB2_3:
0x4c: {  	v4 =	vld.msk [tilespmem:s4+$0x0 ss:$0x1], $0xffff;
	s2 =	sadd.s32 $0x10, s2;
	v5 =	vmov v3;
	s28 =	smov.u32 s4  }
0x4d: {  	p1 =	slt.u32 s2, $0x180;
	_ =	sdelay $0x4  }
0x4e: {  	v3 =	vperm.xlane v4, v1;
	(xrf1) =	vunique.msk.u32 $0xffff, v4;
	_ =	sdelay $0xd  }
0x4f: {  	v6, _, _ =	vpop (xrf1)  }
0x50: {  	vm5 =	vne.s32 v4, v5;
	vm4 =	veq.s32 v6, v2  }
0x51: {  	vm6 =	vlt.u32 v4, $0x80;
	vm4 =	vmand vm5, vm4  }
0x52: {  	vm4 =	vmand vm6, vm4  }
0x53: {  	v4 =	vnsel vm4, $0xFFFFFFFF, v4  }
.Ltmp3:
0x54: {  	v5 =	vnsel vm6, $0xFFFFFFFE, v4;
	(pc) =	sbr.rel @p1 .LBB2_3-.Ltmp3, $3  }
0x55: {  	_ =	sdelay $0x1  }
0x56: {  	s4 =	sadd.s32 $0xFFFFFFF0, s4;
	s26 =	sadd.s32 $0xFFFFFFF0, s26;
	(ifvalue) =	ssetifvalue $0xFFFFFFFF  }
0x57: {  	[tilespmem:s26], [sflag:$0x8] =	stream.indirect_vreg.gather [hbm4b:s1+s16], $0x1, v4, vm0, $0x4038;
	[tilespmem:s28+$0x0] =	vst v5  }
0x58: {  	s2 =	sshrl.u32 s25, $0x3;
	s4 =	rddreg [dreg:$0x2]  }
0x59: {  	s0 =	sadd.s32 $0x8D0, s0;
	s2 =	sadd.s32 s4, s2  }
0x5a: {  	[tilespmem:s0], [sflag:$0x8] =	stream.linear.gather [hbm:s2], $0x190, $0x38;
	[tilespmem:$0xF30] =	vst v63  }
.LBB2_5:
0x5b: {  	p1 =	slt.u32 s24, $0x2  }
0x5c: {  	p2 =	sge.u32 @!p1 s24, s12  }
0x5d: {  	p1 =	por p1, p2  }
.Ltmp4:
0x5e: {  	_ = 	snop;
	(pc) =	sbr.rel @p1 .LBB2_9-.Ltmp4, $1  }
0x5f: {  	_ =	sdelay $0x3  }
0x60: {  	s0 =	sadd.s32 $0xFFFFFFFE, s24  }
0x61: {  	s2 =	smulhi.u32 $0xAAAAAAAB, s0;
	_ =	sdelay $0x1  }
0x62: {  	s2 =	sshrl.u32 s2, $0x1  }
0x63: {  	s2 =	smul.u32 $0x3, s2;
	_ =	sdelay $0x1  }
0x64: {  	s0 =	ssub.s32 s0, s2  }
0x65: {  	_ =	swait.ge [sflag:s8], $0x320;
	s0 =	smul.u32 $0x190, s0  }
0x66: {  	p1 =	sne.s32 s24, s11;
	[sflag:s8] =	ssyncset.done $0x0  }
0x67: {  	[sflag:s8] =	ssyncadd.s32 $0xFFFFFCE0;
	s2 =	sadd.s32 @!p1 $0x28F, s0  }
0x68: {  	[spmem:s13] =	stream.linear.scatter @!p1 [tilespmem:s2], [sflag:$0x1], $0x1, $0x38;
	[tilespmem:$0xF30] =	vst v63  }
0x69: {  	s2 =	simm.s32 @!p1 $0x1  }
0x6a: {  	_ =	swait.ge @!p1 [sflag:s2], $0x1  }
0x6b: {  	s4 =	sshll.u32 s24, $0x4;
	[sflag:s2] =	ssyncset.done @!p1 $0x0  }
0x6c: {  	s25 =	sand.u32 $0x10, s4;
	[sflag:s2] =	ssyncadd.s32 @!p1 $0xFFFFFFFF  }
0x6d: {  	s2 =	sxor.u32 $0x10, s25;
	v4 =	vld [tilespmem:s25+$0x10]  }
0x6e: {  	v5 =	vld [tilespmem:s2+$0x60]  }
0x6f: {  	v3 =	vld [tilespmem:$0x80];
	_ =	sdelay $0x2  }
0x70: {  	(v2sf) =	vpush v4, $0x0  }
0x71: {  	(v2sf) =	vpush v5, $0x0  }
0x72: {  	(v2sf) =	vpush v3, $0x0;
	_ =	sdelay $0xc  }
0x73: {  	s22 =	spop (v2sf)  }
0x74: {  	s28 =	spop (v2sf)  }
0x75: {  	s26 =	spop (v2sf)  }
0x76: {  	p2 =	seq.s32 s22, s28;
	p3 =	seq.s32 s26, s22  }
0x77: {  	p3 =	por p2, p3  }
0x78: {  	s22 =	sand.u32 $0x1, s24;
	v4 =	vpsel p3, $0xFFFFFFFF, v4  }
0x79: {  	s28 =	smul.u32 $0x190, s22;
	[tilespmem:s25+$0x10] =	vst.msk $0x1, v4  }
0x7a: {  	v4 =	vld [tilespmem:$0x30]  }
0x7b: {  	v5 =	vld [tilespmem:s28+$0x8D0]  }
0x7c: {  	v6 =	vld [tilespmem:s25+$0x40];
	_ =	sdelay $0x3  }
0x7d: {  	vm4 =	vmmov vm1;
	v5 =	vadd.f32 v5, v4  }
0x7e: {  	vm5 =	vmmov vm2;
	vm4 =	vmmov @p2 vm2;
	v4 =	vadd.f32 v6, v4  }
0x7f: {  	s4 =	sshll.u32 s22, $0x4;
	vm5 =	vmmov @p3 vm1;
	[tilespmem:s28+$0x8D0] =	vst.msk vm4, v5  }
0x80: {  	[tilespmem:s4+$0xF10] =	vst.msk vm5, v4  }
0x81: {  	v4 =	vld [tilespmem:s28+$0x730];
	_ =	sdelay $0x3  }
0x82: {  	v5 =	vimm.f32 $0.0e+00  }
0x83: {  	v4 =	vshift.insert v4, v5, s21  }
0x84: {  	s29 =	sor.u32 $0x40, s2  }
0x85: {  	[tilespmem:s29+$0x0] =	vst.msk $0x1, v4  }
0x86: {  	[tilespmem:s28+$0x73F] =	vst.msk $0x1, v5  }
0x87: {  	v4 =	vld [tilespmem:s0+$0x280];
	_ =	sdelay $0x1  }
0x88: {  	s29 =	smulhi.u32 $0xAAAAAAAB, s20;
	s0 =	simm.s32 $0x1  }
0x89: {  	s0 =	simm.s32 @!p0 $0x0  }
0x8a: {  	s29 =	sshrl.u32 s29, $0x1;
	s0 =	smul.u32 $0x640, s0  }
0x8b: {  	s29 =	smul.u32 $0xFFFFED40, s29;
	v4 =	vshift.insert v4, v1, s21  }
0x8c: {  	s0 =	sshrl.u32 s0, $0x2  }
0x8d: {  	s29 =	sshra.s32 s29, $0x2;
	s30 =	sadd.s32 $0x8D0, s0;
	[tilespmem:s2+$0x10] =	vst.msk $0x1, v4  }
0x8e: {  	s22 =	sadd.s32 s29, s19;
	v6 =	vld [tilespmem:s30+$0x0]  }
0x8f: {  	v7 =	vld [tilespmem:s22+$0x0];
	_ =	sdelay $0x3  }
0x90: {  	v5 =	vadd.f32 v6, v5  }
0x91: {  	vm4 =	vne.s32 v7, $0xFFFFFFFF  }
0x92: {  	(xrf2) =	vadd.seg.scan.f32 vm4, v5;
	_ =	sdelay $0x3  }
0x93: {  	s31 =	sadd.s32 $0x5B0, s0;
	v5 =	vperm.xlane v4, v1  }
0x94: {  	v6 =	vld [tilespmem:s31+$0x0]  }
0x95: {  	vm5 =	veq.s32 v7, v3;
	vm6 =	veq.s32 v7, v5  }
0x96: {  	vm7 =	vgt.u32 v7, $0xFFFFFFFD;
	vm6 =	vmor vm6, vm5  }
0x97: {  	vm6 =	vmor vm6, vm7  }
0x98: {  	v9 =	vld [tilespmem:$0xA0];
	v7 =	vsel vm6, $0xFFFFFFFF, v7  }
0x99: {  	v10 =	vld [tilespmem:$0x90];
	v6 =	vsel vm5, $0x0, v6;
	v8, _, _ =	vpop (xrf2)  }
0x9a: {  	v6 =	vadd.f32 v8, v6  }
0x9b: {  	s0 =	sadd.s32 $0xBF0, s0  }
0x9c: {  	vm4 =	vmand vm4, vm3;
	[tilespmem:s0+$0x0] =	vst v6;
	(ifvalue) =	ssetifvalue $0xFFFFFFFF  }
0x9d: {  	vm6 =	veq.s32 v9, $0x1;
	[hbm4b:s1+s16] =	stream.indirect_vreg.scatter [tilespmem:s0], [sflag:$0x2], $0x1, v7, vm0, $0x4038;
	v7 =	vsel vm4, $0x0, v8;
	[tilespmem:$0xF30] =	vst v63  }
0x9e: {  	s29 =	sadd.s32 $0xF10, s4;
	s4 =	sadd.s32 $0x10, s22;
	s2 =	simm.s32 $0x0;
	vm4 =	vmor vm6, vm5;
	v6 =	vsel vm5, v8, v10;
	v7 =	vshift.insert v7, v0, s21  }
.LBB2_7:
0x9f: {  	v8 =	vld [tilespmem:s4+$0x0];
	s30 =	sadd.s32 $0x10, s30  }
0xa0: {  	s31 =	sadd.s32 $0x10, s31;
	v9 =	vld [tilespmem:s30+$0x0]  }
0xa1: {  	s2 =	sadd.s32 $0x10, s2;
	v10 =	vld [tilespmem:s31+$0x0]  }
0xa2: {  	p2 =	slt.u32 s2, $0x180;
	_ =	sdelay $0x2  }
0xa3: {  	v7 =	vadd.f32 v9, v7  }
0xa4: {  	vm5 =	vne.s32 v8, $0xFFFFFFFF  }
0xa5: {  	vm6 =	vmand vm5, vm3;
	(xrf2) =	vadd.seg.scan.f32 vm5, v7;
	_ =	sdelay $0x5  }
0xa6: {  	vm7 =	veq.s32 v8, v5;
	vm5 =	veq.s32 v8, v3  }
0xa7: {  	vm8 =	vgt.u32 v8, $0xFFFFFFFD;
	vm4 =	vmor vm4, vm5;
	vm7 =	vmor vm7, vm5  }
0xa8: {  	vm7 =	vmor vm7, vm8  }
0xa9: {  	v8 =	vsel vm7, $0xFFFFFFFF, v8  }
.Ltmp5:
0xaa: {  	v7 =	vsel vm5, $0x0, v10;
	v9, _, _ =	vpop (xrf2);
	(pc) =	sbr.rel @p2 .LBB2_7-.Ltmp5, $4  }
0xab: {  	v6 =	vsel vm5, v9, v6;
	v10 =	vadd.f32 v9, v7;
	v7 =	vsel vm6, $0x0, v9  }
0xac: {  	s0 =	sadd.s32 $0x10, s0;
	v7 =	vshift.insert v7, v0, s21  }
0xad: {  	s4 =	sadd.s32 $0x10, s4;
	[tilespmem:s0+$0x0] =	vst v10;
	(ifvalue) =	ssetifvalue $0xFFFFFFFF  }
0xae: {  	[hbm4b:s1+s16] =	stream.indirect_vreg.scatter [tilespmem:s0], [sflag:$0x2], $0x1, v8, vm0, $0x4038;
	[tilespmem:$0xF30] =	vst v63  }
0xaf: {  	v3 =	vld [tilespmem:s28+$0xD70];
	_ =	sdelay $0x4  }
0xb0: {  	v3 =	vshift.insert v3, v0, s21  }
0xb1: {  	s0 =	simm.s32 $0x30  }
0xb2: {  	[tilespmem:s0+$0x0] =	vst.msk $0x1, v3  }
0xb3: {  	v3 =	vsel vm4, $0x1, v1;
	[tilespmem:$0x90] =	vst v6  }
0xb4: {  	s0 =	sadd.s32 @!p1 $0xD7F, s28;
	[tilespmem:$0xA0] =	vst v3  }
0xb5: {  	[spmem:s14] =	stream.linear.scatter @!p1 [tilespmem:s0], [sflag:$0x1], $0x1, $0x38;
	[tilespmem:$0xF30] =	vst v63  }
0xb6: {  	s0 =	simm.s32 @!p1 $0x1  }
0xb7: {  	v3 =	vmctz.xlane @!p1 vm4;
	_ =	swait.ge @!p1 [sflag:s0], $0x1  }
0xb8: {  	(v2sf) =	vpush @!p1 v4, $0x0  }
0xb9: {  	(v2sf) =	vpush @!p1 v3, $0x0;
	_ =	sdelay $0xd  }
0xba: {  	s2 =	spop @!p1 (v2sf)  }
0xbb: {  	s4 =	spop @!p1 (v2sf)  }
0xbc: {  	p2 =	sne.s32 @!p1 s26, s2;
	p3 =	slt.s32 @!p1 s4, $0xF  }
0xbd: {  	[sflag:s0] =	ssyncset.done @!p1 $0x0;
	p2 =	por p2, p1;
	p3 =	por !p3, p1  }
0xbe: {  	[sflag:s0] =	ssyncadd.s32 @!p1 $0xFFFFFFFF;
	v3 =	vimm.s32 @!p2 $0xFFFFFFFF;
	s4 =	simm.s32 @p3 $0xF  }
0xbf: {  	[tilespmem:$0x80] =	vst @!p2 v3;
	s2 =	sadd.s32 @!p1 $0x90, s4  }
0xc0: {  	[spmem:s10] =	stream.linear.scatter @!p1 [tilespmem:s2], [sflag:$0x1], $0x1, $0x38;
	[tilespmem:$0xF30] =	vst v63  }
0xc1: {  	_ =	swait.ge @!p1 [sflag:s0], $0x1  }
0xc2: {  	[sflag:s0] =	ssyncset.done @!p1 $0x0  }
0xc3: {  	s2 =	simm.s32 @!p1 $0x80;
	[sflag:s0] =	ssyncadd.s32 @!p1 $0xFFFFFFFF  }
0xc4: {  	[spmem:s15] =	stream.linear.scatter @!p1 [tilespmem:s2], [sflag:$0x1], $0x1, $0x38;
	[tilespmem:$0xF30] =	vst v63  }
0xc5: {  	_ =	swait.ge @!p1 [sflag:s0], $0x1  }
0xc6: {  	[sflag:s0] =	ssyncset.done @!p1 $0x0  }
0xc7: {  	[sflag:s0] =	ssyncadd.s32 @!p1 $0xFFFFFFFF;
	(ifvalue) =	ssetifvalue $0xFFFFFFFF;
	v3 =	vld [tilespmem:s25+$0x10];
	_ =	sdelay $0x3  }
.Ltmp6:
0xc8: {  	_ = 	snop;
	(pc) =	sbr.rel .LBB2_9-.Ltmp6, $3  }
0xc9: {  	_ =	sdelay $0x1  }
0xca: {  	(ifvalue) =	ssetifvalue $0xFFFFFFFF  }
0xcb: {  	[hbm4b:s1+s16] =	stream.indirect_vreg.scatter [tilespmem:s29], [sflag:$0x9], $0x1, v3, vm0, $0x4038;
	[tilespmem:$0xF30] =	vst v63  }
.LBB2_10:
0xcc: {  	_ =	sfence.sel $0x180000  }
0xcd: {  	s0 =	simm.s32 $0x7;
	[bflag:$0x0] =	sbarrier.arrive $0xFFFF  }
0xce: {  	s26 =	simm.s32 $0x8;
	[sflag:s0] =	ssyncpa.u1 $0x1  }
0xcf: {  	s28 =	simm.s32 $0x9;
	[sflag:s26] =	ssyncpa.u1 $0x1  }
0xd0: {  	[sflag:s28] =	ssyncpa.u1 $0x1  }
0xd1: {  	_ =	sfence.stream.spmem  }
0xd2: {  	s29 =	simm.s32 $0x3;
	[bflag:$0x0] =	sbarrier.arrive $0xFFFF  }
0xd3: {  	s30 =	simm.s32 $0x4;
	[sflag:s29] =	ssyncpa.u1 $0x1  }
0xd4: {  	s31 =	simm.s32 $0x3C;
	s2 =	stileid.u32;
	[sflag:s30] =	ssyncpa.u1 $0x1  }
0xd5: {  	p0 =	sne.s32 s2, $0x0;
	[sflag:s31] =	ssyncpa.u1 $0x1  }
0xd6: {  	s0 =	simm.s32 @p0 $0x1;
	_ =	sfence @p0  }
0xd7: {  	[sflag:s0] =	ssyncpa.u1 @p0 $0x1;
	s0 =	simm.s32 @p0 $0x2  }
0xd8: {  	[sflag:s0] =	ssyncpa.u1 @p0 $0x1  }
0xd9: {  	_ =	strace @p0 $0x9000004D  }
0xda: {  	[bflag:$0x2] =	sbarrier.arrive @p0 $0xFFFF  }
0xdb: {  	_ =	shalt @p0  }
.LBB2_11:
0xdc: {  	_ =	sfence.stream.spmem;
	s0 =	simm.s32 $0x5  }
0xdd: {  	s2 =	simm.s32 $0x80;
	s3 =	simm.s32 $0xC0;
	[sflag:s0] =	ssyncpa.u1 $0x0  }
0xde: {  	[tilespmem:s3], [sflag:$0x5] =	stream.linear.gather [spmem:s2], $0x20, $0x38;
	[tilespmem:$0xF30] =	vst v63  }
0xdf: {  	s2 =	simm.s32 $0x0;
	s3 =	simm.s32 $0xE0  }
0xe0: {  	[tilespmem:s3], [sflag:$0x5] =	stream.linear.gather [spmem:s2], $0x20, $0x38;
	[tilespmem:$0xF30] =	vst v63  }
.Ltmp7:
0xe1: {  	_ = 	snop;
	(pc) =	sbr.rel .LBB2_12-.Ltmp7, $4  }
0xe2: {  	_ =	swait.ge [sflag:s0], $0x40  }
0xe3: {  	[sflag:s0] =	ssyncset.done $0x0  }
0xe4: {  	s31 =	simm.s32 $0x6;
	[sflag:s0] =	ssyncadd.s32 $0xFFFFFFC0  }
0xe5: {  	s4 =	simm.s32 $0x0;
	[sflag:s31] =	ssyncpa.u1 $0x0  }
.LBB2_17:
0xe6: {  	p0 =	sgt.u32 s5, $0x7F  }
0xe7: {  	s0 =	sshrl.u32 @!p0 s5, $0x3  }
0xe8: {  	s5 =	sand.u32 @!p0 $0x7, s5;
	s6 =	simm.s32 @!p0 $0xB0;
	s0 =	sadd.s32 @!p0 s1, s0  }
0xe9: {  	[tilespmem:s6], [sflag:$0x6] =	stream.linear.gather @!p0 [hbm4b:s0+s5], $0x1, $0x38;
	[tilespmem:$0xF30] =	vst v63  }
0xea: {  	s0 =	simm.s32 @!p0 $0x6  }
0xeb: {  	_ =	swait.ge @!p0 [sflag:s0], $0x1  }
0xec: {  	[sflag:s0] =	ssyncset.done @!p0 $0x0  }
0xed: {  	[sflag:s0] =	ssyncadd.s32 @!p0 $0xFFFFFFFF  }
0xee: {  	v2 =	vmov @!p0 s4;
	v1 =	vld.msk @!p0 [tilespmem:$0xB0], $0x1;
	_ =	sdelay $0x3  }
0xef: {  	s0 =	simm.s32 @!p0 $0xE0  }
0xf0: {  	[tilespmem:v2+s0+$0x0], v1 =	vst.idx.ret.add.f32.msk @!p0 $0x1, v1  }
0xf1: {  	[tilespmem:s2+$0xC0] =	vst.msk $0x1, v0  }
0xf2: {  	v0 =	vld.msk [tilespmem:s4+$0xE0], $0x1;
	_ =	sdelay $0x4  }
0xf3: {  	[tilespmem:s2+$0xE0] =	vst.msk $0x1, v0;
	s2 =	sadd.s32 $0x1, s2  }
.LBB2_19:
0xf4: {  	s4 =	sadd.s32 $0x1, s4  }
0xf5: {  	p0 =	sne.s32 s4, $0x20  }
.Ltmp8:
0xf6: {  	_ = 	snop;
	(pc) =	sbr.rel @!p0 .LBB2_20-.Ltmp8, $1  }
0xf7: {  	_ =	sdelay $0x3  }
.LBB2_12:
0xf8: {  	v0 =	vld.msk [tilespmem:s4+$0xC0], $0x1;
	_ =	sdelay $0x4  }
0xf9: {  	(v2sf) =	vpush v0, $0x0;
	_ =	sdelay $0xe  }
0xfa: {  	s5 =	spop (v2sf)  }
0xfb: {  	p0 =	seq.s32 s5, $0xFFFFFFFF  }
.Ltmp9:
0xfc: {  	_ = 	snop;
	(pc) =	sbr.rel @p0 .LBB2_19-.Ltmp9, $1  }
0xfd: {  	_ =	sdelay $0x3  }
0xfe: {  	p0 =	slt.s32 s2, $0x1  }
.Ltmp10:
0xff: {  	_ = 	snop;
	(pc) =	sbr.rel @p0 .LBB2_17-.Ltmp10, $1  }
0x100: {  	_ =	sdelay $0x3  }
0x101: {  	s0 =	simm.s32 $0xC0;
	p0 =	por $0x0, $0x0  }
0x102: {  	v1 =	vld.msk @!p0 [tilespmem:s0+$0x0], $0x1;
	_ =	sdelay $0x4  }
0x103: {  	(v2sf) =	vpush @!p0 v1, $0x0;
	_ =	sdelay $0xd  }
0x104: {  	p2 =	sne.s32 s2, $0x1  }
.Ltmp11:
0x105: {  	s6 =	spop @!p0 (v2sf);
	(pc) =	sbr.rel @!p2 .LBB2_16-.Ltmp11, $4  }
0x106: {  	p1 =	seq.s32 @!p0 s5, s6  }
0x107: {  	s6 =	simm.s32 $0x0;
	p1 =	por !p1, p0  }
0x108: {  	s8 =	simm.s32 $0xFFFFFFFF;
	s6 =	simm.s32 @p1 $0xFFFFFFFF  }
0x109: {  	s7 =	simm.s32 $0x1;
	s6 =	smov.u32 @p0 s8  }
.LBB2_15:
0x10a: {  	s8 =	smov.u32 s6;
	p0 =	sne.s32 s6, $0xFFFFFFFF  }
0x10b: {  	s0 =	sadd.s32 $0x1, s0;
	s6 =	smov.u32 s7;
	s7 =	sadd.s32 $0x1, s7  }
0x10c: {  	p1 =	sne.s32 s2, s7;
	v1 =	vld.msk @!p0 [tilespmem:s0+$0x0], $0x1;
	_ =	sdelay $0x4  }
0x10d: {  	(v2sf) =	vpush @!p0 v1, $0x0;
	_ =	sdelay $0xe  }
.Ltmp12:
0x10e: {  	s9 =	spop @!p0 (v2sf);
	(pc) =	sbr.rel @p1 .LBB2_15-.Ltmp12, $4  }
0x10f: {  	p2 =	seq.s32 @!p0 s5, s9  }
0x110: {  	p2 =	por !p2, p0  }
0x111: {  	s6 =	simm.s32 @p2 $0xFFFFFFFF  }
0x112: {  	s6 =	smov.u32 @p0 s8  }
.LBB2_16:
0x113: {  	p0 =	sne.s32 s6, $0xFFFFFFFF  }
.Ltmp13:
0x114: {  	_ = 	snop;
	(pc) =	sbr.rel @!p0 .LBB2_17-.Ltmp13, $1  }
0x115: {  	_ =	sdelay $0x3  }
0x116: {  	v0 =	vld.msk [tilespmem:s4+$0xE0], $0x1;
	v1 =	vmov s6  }
.Ltmp14:
0x117: {  	_ = 	snop;
	(pc) =	sbr.rel .LBB2_19-.Ltmp14, $2  }
0x118: {  	_ =	sdelay $0x2  }
0x119: {  	[tilespmem:v1+s3+$0x0], v0 =	vst.idx.ret.add.f32.msk $0x1, v0  }
.LBB2_20:
0x11a: {  	p0 =	slt.s32 s2, $0x1  }
.Ltmp15:
0x11b: {  	_ = 	snop;
	(pc) =	sbr.rel @p0 .LBB2_24-.Ltmp15, $3  }
0x11c: {  	_ =	sdelay $0x1  }
0x11d: {  	s0 =	simm.s32 $0x6  }
0x11e: {  	s3 =	simm.s32 $0x0;
	[sflag:s0] =	ssyncpa.u1 $0x1  }
0x11f: {  	s0 =	simm.s32 $0xC0  }
0x120: {  	v0 =	vld.msk [tilespmem:s0+$0x0], $0x1;
	_ =	sdelay $0x4  }
0x121: {  	(v2sf) =	vpush v0, $0x0;
	_ =	sdelay $0xe  }
0x122: {  	s2 =	sadd.s32 $0xFFFFFFFF, s2;
	s4 =	spop (v2sf)  }
0x123: {  	p1 =	sne.s32 s2, $0x0;
	p0 =	sgt.u32 s4, $0x7F  }
.Ltmp16:
0x124: {  	s5 =	sshrl.u32 @!p0 s4, $0x3;
	(pc) =	sbr.rel @!p1 .LBB2_23-.Ltmp16, $4  }
0x125: {  	s0 =	simm.s32 $0xE0;
	s4 =	sand.u32 @!p0 $0x7, s4;
	s5 =	sadd.s32 @!p0 s1, s5  }
0x126: {  	[hbm4b:s5+s4] =	stream.linear.scatter @!p0 [tilespmem:s0], [sflag:$0x5], $0x1, $0x38;
	[tilespmem:$0xF30] =	vst v63  }
0x127: {  	s5 =	simm.s32 $0x0  }
0x128: {  	s4 =	simm.s32 $0xC1;
	s5 =	simm.s32 @!p0 $0x4  }
.LBB2_22:
0x129: {  	v0 =	vld.msk [tilespmem:s4+$0x0], $0x1;
	s2 =	sadd.s32 $0xFFFFFFFF, s2;
	s3 =	sadd.s32 s3, s5  }
0x12a: {  	p0 =	sne.s32 s2, $0x0;
	_ =	sdelay $0x3  }
0x12b: {  	(v2sf) =	vpush v0, $0x0;
	_ =	sdelay $0xe  }
.Ltmp17:
0x12c: {  	s6 =	spop (v2sf);
	(pc) =	sbr.rel @p0 .LBB2_22-.Ltmp17, $4  }
0x12d: {  	s5 =	simm.s32 $0x0;
	p1 =	sgt.u32 s6, $0x7F  }
0x12e: {  	s0 =	sadd.s32 $0x1, s0;
	s5 =	simm.s32 @!p1 $0x4;
	s7 =	sshrl.u32 @!p1 s6, $0x3  }
0x12f: {  	s4 =	sadd.s32 $0x1, s4;
	s6 =	sand.u32 @!p1 $0x7, s6;
	s7 =	sadd.s32 @!p1 s1, s7  }
0x130: {  	[hbm4b:s7+s6] =	stream.linear.scatter @!p1 [tilespmem:s0], [sflag:$0x5], $0x1, $0x38;
	[tilespmem:$0xF30] =	vst v63  }
.LBB2_23:
0x131: {  	s0 =	sadd.s32 s3, s5  }
0x132: {  	s3 =	sshrl.u32 s0, $0x2  }
.LBB2_24:
0x133: {  	s0 =	simm.s32 $0x5  }
0x134: {  	_ =	swait.ge [sflag:s0], s3  }
0x135: {  	s1 =	ssub.s32 $0x0, s3;
	[sflag:s0] =	ssyncset.done $0x0  }
0x136: {  	[sflag:s0] =	ssyncadd.s32 s1  }
0x137: {  	[sflag:s0] =	ssyncpa.u1 $0x1  }
0x138: {  	s29 =	simm.s32 $0x1;
	_ =	sfence  }
0x139: {  	s30 =	simm.s32 $0x2;
	[sflag:s29] =	ssyncpa.u1 $0x1  }
0x13a: {  	[sflag:s30] =	ssyncpa.u1 $0x1  }
0x13b: {  	_ =	strace $0x9000004D  }
0x13c: {  	[bflag:$0x2] =	sbarrier.arrive $0xFFFF  }
0x13d: {  	s31 =	rddreg [dreg:$0x3]  }
0x13e: {  	s0 =	sadd.s32 $0x100000, s31  }
0x13f: {  	[sflag:s0] =	ssyncadd.tile.s32 $0x1;
	_ =	shalt  }
.Lfunc_end2:
_tile_overlayer_lowered:
.L_overlay_start_2:
0x140: {  	(tag) =	ssettag $0x2  }
0x141: {  	s0 =	rddreg [dreg:$0x0];
	s2 =	stileid.u32  }
0x142: {  	s1 =	rddreg [dreg:$0x1];
	p0 =	sne.s32 s2, $0x0  }
0x143: {  	s3 =	rddreg [dreg:$0x2];
	[bflag:$0x3] =	sbarrier.arrive $0xFFFF;
	s2 =	simm.s32 @!p0 $0x1C01  }
0x144: {  	[timem:s3], [sflag:s2] =	dma.local @!p0 [hbm:s0], s1  }
0x145: {  	s0 =	simm.s32 @!p0 $0x1  }
0x146: {  	_ =	swait.ge @!p0 [sflag:s0], s1  }
0x147: {  	s1 =	ssub.s32 @!p0 $0x0, s1;
	[sflag:s0] =	ssyncset.done @!p0 $0x0  }
0x148: {  	[sflag:s0] =	ssyncadd.s32 @!p0 s1  }
0x149: {  	[bflag:$0x3] =	sbarrier.arrive $0xFFFF  }
0x14a: {  	_ =	shalt  }

// kernel: scatter_offload_async_start
scs
__scs_entry_jumppad:
0x0: {  	(pc) =	sbr.rel $0x88, $3  }
0x1: {  	(tag) =	ssettag $0x0;
	lr =	simm.s32 $0x1  }
0x2: {  	[smem:$0x3F8B] =	sst lr;
	_ =	strace $0xD0000000  }
0x3: {  	_ = 	snop  }
0x4: {  	_ = 	snop  }
0x5: {  	_ = 	snop  }
0x6: {  	_ = 	snop  }
0x7: {  	_ = 	snop  }
__scs_overlays_trampoline_lowered:
0x8: {  	[smem:$0x3F9A] =	sst s0  }
0x9: {  	[smem:$0x3F9B] =	sst s1  }
0xa: {  	[smem:$0x3F9C] =	sst s2  }
0xb: {  	[smem:$0x3F9D] =	sst s3  }
0xc: {  	[smem:$0x3F9E] =	sst s4  }
0xd: {  	[smem:$0x3F9F] =	sst s5  }
0xe: {  	[smem:$0x3FA0] =	sst s6  }
0xf: {  	[smem:$0x3FA1] =	sst s7  }
0x10: {  	[smem:$0x3FA2] =	sst s8  }
0x11: {  	[smem:$0x3FA3] =	sst s9;
	s0 =	simm.s32 @!p0 $0x0  }
0x12: {  	s1 =	sld [smem:$0x3F89];
	s0 =	simm.s32 @p0 $0x1  }
0x13: {  	[smem:$0x3FA4] =	sst s0;
	s0 =	simm.s32 @!p1 $0x0  }
0x14: {  	s2 =	sld [smem:$0x3F88];
	s0 =	simm.s32 @p1 $0x1  }
0x15: {  	[smem:$0x3FA5] =	sst s0;
	s0 =	simm.s32 @!p2 $0x0  }
0x16: {  	s3 =	sld [smem:$0x3FDB];
	s0 =	simm.s32 @p2 $0x1  }
0x17: {  	s4 =	simm.s32 $0x1BF5;
	[smem:$0x3FA7] =	sst s0  }
0x18: {  	s0 =	sld [smem:$0x3F8A];
	_ =	swait.ge [sflag:s4], $0x0  }
0x19: {  	s7 =	sld [smem:$0x3F8B]  }
0x1a: {  	s8 =	sadd.s32 $0xFFFFE003, lr  }
0x1b: {  	s9 =	sadd.s32 $0xFFFFFEF7, lr;
	s5 =	simm.s32 $0xFFFFFFFF;
	p2 =	slt.u32 s8, $0xFFFFF086  }
0x1c: {  	p1 =	slt.u32 s9, $0xF7A;
	s5 =	simm.s32 @!p2 $0x0  }
0x1d: {  	s5 =	simm.s32 @p1 $0x1;
	p0 =	seq.s32 s7, s2  }
0x1e: {  	s7 =	smul.u32 @!p0 $0xF7A, s2;
	p2 =	seq.s32 @!p0 s5, $0x0  }
0x1f: {  	s9 =	smul.u32 $0xF7A, s1;
	s8 =	simm.s32 @!p0 $0x1BF5;
	p2 =	por !p2, p0  }
0x20: {  	[sflag:s8] =	ssyncset.s32 @!p0 $0xFFFFF086;
	s6 =	sadd.s32 @!p0 s3, s7;
	s7 =	simm.s32 @!p0 $0x108  }
0x21: {  	s3 =	sadd.s32 s3, s9;
	s6 =	sadd.s32 @!p0 $0x88, s6;
	s7 =	simm.s32 @p2 $0x1082  }
0x22: {  	[simem:s7], [sflag:s8] =	dma.local @!p0 [hbm:s6], $0xF7A  }
0x23: {  	s9 =	sor.u32 $0xD0000000, s2;
	s6 =	simm.s32 $0x108;
	_ =	swait.ge @!p0 [sflag:s8], $0x0  }
0x24: {  	s3 =	sadd.s32 $0x88, s3;
	s6 =	simm.s32 @!p1 $0x1082;
	[sflag:s4] =	ssyncset.s32 $0xFFFFF086  }
0x25: {  	[simem:s6], [sflag:s4] =	dma.local [hbm:s3], $0xF7A  }
0x26: {  	[smem:$0x3F8B] =	sst s1;
	(tag) =	ssettag s2;
	_ =	strace s9  }
0x27: {  	s1 =	sld [smem:$0x3F9B]  }
0x28: {  	s2 =	sld [smem:$0x3F9C]  }
0x29: {  	s4 =	sld [smem:$0x3F9E]  }
0x2a: {  	p0 =	seq.s32 s5, $0x0;
	s5 =	sld [smem:$0x3F9F]  }
0x2b: {  	s6 =	sld [smem:$0x3FA0]  }
0x2c: {  	s7 =	sld [smem:$0x3FA1]  }
0x2d: {  	s3 =	simm.s32 $0x108;
	s8 =	sld [smem:$0x3FA2]  }
0x2e: {  	s3 =	simm.s32 @!p0 $0x1082;
	s9 =	sld [smem:$0x3FA3]  }
0x2f: {  	lr =	sadd.s32 s0, s3;
	s0 =	sld [smem:$0x3F9A]  }
0x30: {  	s3 =	sld [smem:$0x3F9D]  }
0x31: {  	[smem:$0x3FA6] =	sst s10  }
0x32: {  	s10 =	sld [smem:$0x3FA4];
	_ =	sdelay $0x3  }
0x33: {  	p0 =	seq.s32 s10, $0x1;
	s10 =	sld [smem:$0x3FA6];
	_ =	sdelay $0x3  }
0x34: {  	[smem:$0x3FA6] =	sst s10  }
0x35: {  	s10 =	sld [smem:$0x3FA5];
	_ =	sdelay $0x3  }
0x36: {  	p1 =	seq.s32 s10, $0x1;
	s10 =	sld [smem:$0x3FA6];
	_ =	sdelay $0x3  }
0x37: {  	[smem:$0x3FA6] =	sst s10  }
0x38: {  	s10 =	sld [smem:$0x3FA7]  }
0x39: {  	_ = 	snop;
	(pc) =	sbr.ind lr, $3  }
0x3a: {  	_ = 	snop  }
0x3b: {  	_ = 	snop  }
0x3c: {  	p2 =	seq.s32 s10, $0x1;
	s10 =	sld [smem:$0x3FA6]  }
0x3d: {  	_ =	shalt  }
0x3e: {  	_ =	shalt  }
0x3f: {  	_ =	shalt  }
0x40: {  	_ =	shalt  }
0x41: {  	_ =	shalt  }
0x42: {  	_ =	shalt  }
0x43: {  	_ =	shalt  }
0x44: {  	_ =	shalt  }
0x45: {  	_ =	shalt  }
0x46: {  	_ =	shalt  }
0x47: {  	_ =	shalt  }
0x48: {  	_ =	shalt  }
0x49: {  	_ =	shalt  }
0x4a: {  	_ =	shalt  }
0x4b: {  	_ =	shalt  }
0x4c: {  	_ =	shalt  }
0x4d: {  	_ =	shalt  }
0x4e: {  	_ =	shalt  }
0x4f: {  	_ =	shalt  }
0x50: {  	_ =	shalt  }
0x51: {  	_ =	shalt  }
0x52: {  	_ =	shalt  }
0x53: {  	_ =	shalt  }
0x54: {  	_ =	shalt  }
0x55: {  	_ =	shalt  }
0x56: {  	_ =	shalt  }
0x57: {  	_ =	shalt  }
0x58: {  	_ =	shalt  }
0x59: {  	_ =	shalt  }
0x5a: {  	_ =	shalt  }
0x5b: {  	_ =	shalt  }
0x5c: {  	_ =	shalt  }
0x5d: {  	_ =	shalt  }
0x5e: {  	_ =	shalt  }
0x5f: {  	_ =	shalt  }
0x60: {  	_ =	shalt  }
0x61: {  	_ =	shalt  }
0x62: {  	_ =	shalt  }
0x63: {  	_ =	shalt  }
0x64: {  	_ =	shalt  }
0x65: {  	_ =	shalt  }
0x66: {  	_ =	shalt  }
0x67: {  	_ =	shalt  }
0x68: {  	_ =	shalt  }
0x69: {  	_ =	shalt  }
0x6a: {  	_ =	shalt  }
0x6b: {  	_ =	shalt  }
0x6c: {  	_ =	shalt  }
0x6d: {  	_ =	shalt  }
0x6e: {  	_ =	shalt  }
0x6f: {  	_ =	shalt  }
0x70: {  	_ =	shalt  }
0x71: {  	_ =	shalt  }
0x72: {  	_ =	shalt  }
0x73: {  	_ =	shalt  }
0x74: {  	_ =	shalt  }
0x75: {  	_ =	shalt  }
0x76: {  	_ =	shalt  }
0x77: {  	_ =	shalt  }
0x78: {  	_ =	shalt  }
0x79: {  	_ =	shalt  }
0x7a: {  	_ =	shalt  }
0x7b: {  	_ =	shalt  }
0x7c: {  	_ =	shalt  }
0x7d: {  	_ =	shalt  }
0x7e: {  	_ =	shalt  }
0x7f: {  	_ =	shalt  }
0x80: {  	_ =	shalt  }
0x81: {  	_ =	shalt  }
0x82: {  	_ =	shalt  }
0x83: {  	_ =	shalt  }
0x84: {  	_ =	shalt  }
0x85: {  	_ =	shalt  }
0x86: {  	_ =	shalt  }
0x87: {  	_ =	shalt  }
.Lfunc_end0:
.L_simem_size_0:
called_computation_lowered:
.L_overlay_start_0:
0x88: {  	s0 =	sld [smem:$0x3FD9]  }
0x89: {  	s1 =	sld [smem:$0x3FFE];
	_ =	sdelay $0x3  }
0x8a: {  	s0 =	sadd.s32 s1, s0  }
0x8b: {  	[smem:$0x3FB2] =	sst s0  }
0x8c: {  	_ = 	snop  }
0x8d: {  	s0 =	sld [smem:$0x3FD0];
	_ =	sdelay $0x2  }
0x8e: {  	s13 =	simm.s32 $0xB;
	s2 =	simm.s32 $0x10  }
0x8f: {  	[smem:s2], [sflag:s13] =	dma.local [hbm:s0], $0x1  }
0x90: {  	_ =	swait.eq [sflag:s13], $0x1  }
0x91: {  	[sflag:s13] =	ssyncset.done $0x0  }
0x92: {  	[sflag:s13] =	ssyncadd.s32 $0xFFFFFFFF  }
0x93: {  	s14 =	sld [smem:$0x12];
	(tm) =	ssettm $0x1  }
0x94: {  	s15 =	sld [smem:$0x3FFB];
	_ =	sdelay $0x3  }
0x95: {  	_ =	strace s15  }
0x96: {  	s1 =	sld [smem:$0x3FFC];
	_ =	sdelay $0x3  }
0x97: {  	_ =	strace s1  }
0x98: {  	s1 =	sld [smem:$0x3FFD];
	_ =	sdelay $0x3  }
0x99: {  	_ =	strace s1  }
0x9a: {  	_ =	strace $0x8FFFFFFF  }
0x9b: {  	s16 =	sld [smem:$0x3FDB];
	_ =	sdelay $0x1  }
0x9c: {  	s17 =	simm.s32 $_scs_section_size  }
0x9d: {  	s3 =	simm.s32 $_size__tile_overlayer_lowered;
	s4 =	simm.s32 $_tile_overlayer_lowered  }
0x9e: {  	s20 =	simm.s32 $0x1BFF;
	s19 =	sshll.u32 s4, $0x1;
	s1 =	sadd.s32 s17, s16  }
0x9f: {  	s5 =	simm.s32 $0x0;
	s18 =	sshll.u32 s3, $0x1;
	s3 =	sadd.s32 s19, s1  }
0xa0: {  	[timem:s5], [sflag:s20] =	dma.local [hbm:s3], s18  }
0xa1: {  	_ =	swait.ge [sflag:s20], s18  }
0xa2: {  	s2 =	ssub.s32 $0x0, s18;
	[sflag:s20] =	ssyncset.done $0x0  }
0xa3: {  	[sflag:s20] =	ssyncadd.s32 s2;
	_ =	sdelay $0x1  }
0xa4: {  	s21 =	simm.s32 $0x1B8B  }
0xa5: {  	_ =	swait.ge [sflag:s21], $0x1  }
0xa6: {  	[sflag:s21] =	ssyncset.done $0x0  }
0xa7: {  	s23 =	simm.s32 $0x1B8E;
	s22 =	sld [smem:$0x3FFE];
	[sflag:s21] =	ssyncadd.s32 $0xFFFFFFFF  }
0xa8: {  	s24 =	simm.s32 $execute0_lowered;
	[smem:$0x3FD2] =	sst s23  }
0xa9: {  	s3 =	sshll.u32 s24, $0x1;
	_ =	strace $0x8000004F;
	[dreg:$0x1] =	wrdreg $0xFFFFFFFF  }
0xaa: {  	s25 =	simm.s32 $_size_execute0_lowered;
	s1 =	sadd.s32 s1, s3;
	[dreg:$0x0] =	wrdreg $0x0  }
0xab: {  	s3 =	sshll.u32 s25, $0x1;
	[dreg:$0x2] =	wrdreg s1  }
0xac: {  	[dreg:$0x3] =	wrdreg s3  }
0xad: {  	[dreg:$0x4] =	wrdreg $0xC0  }
0xae: {  	_ =	task [dreg:s5], $0x5FFFF  }
0xaf: {  	[dreg:$0x1] =	wrdreg $0xFFFFFFFF  }
0xb0: {  	[dreg:$0x0] =	wrdreg $0x60  }
0xb1: {  	[dreg:$0x2] =	wrdreg s22  }
0xb2: {  	[dreg:$0x3] =	wrdreg s14  }
0xb3: {  	[dreg:$0x4] =	wrdreg $0x9  }
0xb4: {  	_ =	task.clear_ibuf [dreg:s5], $0x5FFFF;
	_ =	strace $0x9000004F  }
0xb5: {  	s26 =	simm.s32 $0x9;
	_ =	strace $0x80000051  }
0xb6: {  	_ =	swait.ge [sflag:s26], $0x1  }
0xb7: {  	[sflag:s26] =	ssyncadd.s32 $0xFFFFFFFF  }
0xb8: {  	_ =	strace $0x90000051  }
0xb9: {  	_ =	sfence  }
0xba: {  	s28 =	sld [smem:$0x0];
	_ =	sdelay $0x1  }
0xbb: {  	s29 =	srdreg.scid  }
0xbc: {  	s30 =	sshll.u32 s29, $0xD;
	s31 =	sshrl.u32 s29, $0x2  }
0xbd: {  	s2 =	sand.u32 $0x4000, s30;
	s1 =	sand.u32 $0x1, s29;
	s0 =	sadd.s32 s31, s28  }
0xbe: {  	s1 =	sor.u32 s2, s1;
	s0 =	sshll.u32 s0, $0x11  }
0xbf: {  	s0 =	sor.u32 s0, s1  }
0xc0: {  	s0 =	sadd.s32 $0x8F2B, s0  }
0xc1: {  	[sflag:s0] =	ssyncadd.remote.s32 $0x1  }
0xc2: {  	_ =	sfence.sel $0xFFFF  }
0xc3: {  	[dreg:$0x0] =	wrdreg $0xFFFFFFFF;
	(pc) =	sbr.abs _section_cstart, $3  }
0xc4: {  	[dreg:$0x1] =	wrdreg $0xFFFFFFFF  }
0xc5: {  	_ =	task.clear_ibuf [dreg:s5], $0x2FFFF;
	_ =	strace $0x9FFFFFFF  }
0xc6: {  	(tm) =	ssettm $0x7FFFFFFF  }
0xc7: {  	_ =	shalt  }
tec
execute0_lowered:
.L_overlay_start_1:
0x0: {  	(tag) =	ssettag $0x1  }
0x1: {  	s0 =	rddreg [dreg:$0x0]  }
0x2: {  	s30 =	rddreg [dreg:$0x1];
	_ =	strace $0x80000050;
	s1 =	simm.s32 $0x1  }
0x3: {  	s9 =	simm.s32 $0x108;
	v0 =	vimm.s32 $0x0;
	[sflag:s1] =	ssyncpa.u1 $0x0  }
0x4: {  	[tilespmem:s9+$0x70] =	vst v0  }
0x5: {  	[tilespmem:s9+$0x60] =	vst v0  }
0x6: {  	[tilespmem:s9+$0x50] =	vst v0  }
0x7: {  	[tilespmem:s9+$0x40] =	vst v0  }
0x8: {  	[tilespmem:s9+$0x30] =	vst v0  }
0x9: {  	s1 =	sadd.s32 $0x2200, s0;
	[tilespmem:s9+$0x20] =	vst v0  }
0xa: {  	s5 =	sadd.s32 $0x4A00, s0;
	s6 =	sadd.s32 $0x5000, s0;
	s0 =	simm.s32 $0x40;
	[tilespmem:s9+$0x10] =	vst v0  }
.LBB2_1:
0xb: {  	s0 =	sadd.s32 $0x40, s0;
	[tilespmem:s9+$0x0] =	vst v0;
	s9 =	sadd.s32 $0x80, s9  }
0xc: {  	p0 =	slt.u32 s0, $0x3C40;
	[tilespmem:s9+$0x70] =	vst v0  }
0xd: {  	[tilespmem:s9+$0x60] =	vst v0  }
.Ltmp0:
0xe: {  	[tilespmem:s9+$0x50] =	vst v0;
	(pc) =	sbr.rel @p0 .LBB2_1-.Ltmp0, $4  }
0xf: {  	[tilespmem:s9+$0x40] =	vst v0  }
0x10: {  	[tilespmem:s9+$0x30] =	vst v0  }
0x11: {  	[tilespmem:s9+$0x20] =	vst v0  }
0x12: {  	[tilespmem:s9+$0x10] =	vst v0  }
0x13: {  	s3 =	stileid.u32  }
0x14: {  	s2 =	sshll.u32 s3, $0x1;
	s0 =	smin.u32 s3, $0xA  }
0x15: {  	s0 =	sadd.s32 s0, s2  }
0x16: {  	p0 =	slt.u32 s3, $0xA;
	s7 =	smul.u32 $0xF0, s0;
	s0 =	simm.s32 $0x2D0  }
0x17: {  	s0 =	simm.s32 @!p0 $0x1E0  }
0x18: {  	s0 =	sadd.s32 s0, s7  }
0x19: {  	s8 =	smin.u32 s0, $0x2710  }
0x1a: {  	s0 =	ssub.s32 s8, s7  }
0x1b: {  	p0 =	sgt.s32 s0, $0x0  }
0x1c: {  	s0 =	simm.s32 @!p0 $0x0  }
0x1d: {  	s4 =	simm.s32 $0x2;
	s29 =	smul.u32 $0x8889, s0  }
0x1e: {  	s10 =	simm.s32 $0x7;
	s31 =	simm.s32 $0x8;
	s11 =	simm.s32 $0x9  }
0x1f: {  	s20 =	simm.s32 $0x0;
	[dreg:$0x3] =	wrdreg s2;
	s2 =	sshrl.u32 s29, $0x17  }
0x20: {  	s16 =	simm.s32 $0xA;
	s18 =	simm.s32 $0x0;
	s12 =	smul.u32 $0xF0, s2  }
.Ltmp1:
0x21: {  	[tilespmem:s9+$0x0] =	vst v0;
	v0 =	vimm.s32 $0xFFFFFFFF;
	s19 =	simm.s32 $0x0;
	[sflag:s4] =	ssyncpa.u1 $0x0;
	(pc) =	sbr.rel .LBB2_3-.Ltmp1, $4  }
0x22: {  	[tilespmem:$0xF208] =	vst v0;
	[sflag:s10] =	ssyncpa.u1 $0x0;
	p0 =	sne.s32 s0, s12;
	s0 =	simm.s32 $0x1  }
0x23: {  	s14 =	sshll.u32 s3, $0x8;
	[sflag:s31] =	ssyncpa.u1 $0x0;
	s0 =	simm.s32 @!p0 $0x0  }
0x24: {  	[sflag:s11] =	ssyncpa.u1 $0x0;
	s17 =	smov.u32 s7;
	s13 =	sadd.s32 s2, s0  }
0x25: {  	v0 =	vlaneseq.u32;
	s12 =	simm.s32 $0x1;
	p0 =	por $0x0, $0x0;
	s15 =	sadd.s32 $0x1, s13  }
.LBB2_18:
0x26: {  	s0 =	sshrl.u32 s29, $0x2  }
.LBB2_20:
0x27: {  	_ =	swait.ge [sflag:s16], s0  }
0x28: {  	s31 =	ssub.s32 $0x0, s0;
	v1 =	vmov s22;
	vm0 =	veq.s32 v0, $0x0;
	[sflag:s16] =	ssyncset.done $0x0  }
0x29: {  	vm15 =	veq.s32 v0, $0x2;
	v1 =	vsel vm0, s28, v1;
	[sflag:s16] =	ssyncadd.s32 s31  }
0x2a: {  	v1 =	vsel vm15, s20, v1;
	[sflag:s16] =	ssyncpa.u1 $0x1  }
0x2b: {  	[tilespmem:$0xF208] =	vst v1  }
.LBB2_21:
0x2c: {  	s0 =	sadd.s32 $0xF0, s17  }
0x2d: {  	s2 =	smov.u32 s7;
	p1 =	slt.s32 s0, s8  }
0x2e: {  	s2 =	smov.u32 @p1 s0;
	p1 =	sne.s32 s19, s15  }
.Ltmp2:
0x2f: {  	_ = 	snop;
	(pc) =	sbr.rel @!p1 .LBB2_22-.Ltmp2, $3  }
0x30: {  	_ =	sdelay $0x1  }
0x31: {  	s20 =	smov.u32 s18;
	s31 =	sadd.s32 $0x1, s19;
	s18 =	smov.u32 s17  }
0x32: {  	p0 =	por !p0, !p0;
	s19 =	smov.u32 s31;
	s17 =	smov.u32 s2  }
.LBB2_3:
0x33: {  	p1 =	sge.u32 s19, s13  }
0x34: {  	s0 =	smulhi.u32 @!p1 $0xAAAAAAAB, s19  }
0x35: {  	s2 =	smov.u32 s17;
	p2 =	sgt.s32 @!p1 s17, $0x2620  }
0x36: {  	s4 =	sshra.s32 @!p1 s17, $0x1F;
	p2 =	por !p2, p1;
	s0 =	sshrl.u32 @!p1 s0, $0x1  }
0x37: {  	s4 =	sand.u32 @!p1 s4, s17;
	s2 =	simm.s32 @p2 $0x2620;
	s0 =	smul.u32 @!p1 $0x3, s0  }
0x38: {  	s2 =	ssub.s32 @!p1 s2, s4  }
0x39: {  	s2 =	sadd.s32 @!p1 $0xFFFFD9E0, s2;
	s0 =	ssub.s32 @!p1 s19, s0  }
0x3a: {  	s4 =	sshll.u32 @!p1 s2, $0x2;
	p2 =	sgt.s32 @!p1 s2, $0xEF;
	s0 =	smul.u32 @!p1 $0x3C0, s0  }
0x3b: {  	s21 =	sand.u32 @!p1 $0x7, s17;
	s2 =	ssub.s32 @!p1 $0x3C0, s4;
	p2 =	por !p2, p1  }
0x3c: {  	s4 =	sshrl.u32 @!p1 s17, $0x3;
	s2 =	sshrl.u32 @!p1 s2, $0x2;
	s0 =	sshrl.u32 @!p1 s0, $0x2  }
0x3d: {  	s4 =	sadd.s32 @!p1 s6, s4;
	s2 =	simm.s32 @!p2 $0x0;
	s0 =	sadd.s32 @!p1 $0x10238, s0  }
0x3e: {  	[tilespmem:s0], [sflag:$0x8] =	stream.linear.gather @!p1 [hbm4b:s4+s21], s2, $0x38;
	[tilespmem:$0x1F6E8] =	vst v63  }
0x3f: {  	s0 =	sadd.s32 $0xFFFFFFFF, s19  }
0x40: {  	p1 =	sge.u32 s0, s13  }
0x41: {  	p2 =	sgt.s32 @!p1 s18, $0x2620  }
0x42: {  	s2 =	smov.u32 s18;
	s4 =	sshra.s32 @!p1 s18, $0x1F;
	p2 =	por !p2, p1  }
0x43: {  	s4 =	sand.u32 @!p1 s4, s18;
	s2 =	simm.s32 @p2 $0x2620  }
0x44: {  	s2 =	ssub.s32 @!p1 s2, s4  }
0x45: {  	s2 =	sadd.s32 @!p1 $0xFFFFD9E0, s2  }
0x46: {  	s21 =	sand.u32 @!p1 $0x1, s0;
	s4 =	sshll.u32 @!p1 s2, $0x2  }
0x47: {  	p2 =	sgt.s32 @!p1 s2, $0xEF;
	s2 =	ssub.s32 @!p1 $0x3C0, s4;
	s4 =	smulhi.u32 @!p1 $0xAAAAAAAB, s0  }
0x48: {  	s23 =	smul.u32 @!p1 $0x3C0, s21;
	p2 =	por !p2, p1;
	s2 =	sshrl.u32 @!p1 s2, $0x2  }
0x49: {  	s22 =	simm.s32 @!p1 $0x8;
	s2 =	simm.s32 @!p2 $0x0;
	s4 =	sshrl.u32 @!p1 s4, $0x1  }
0x4a: {  	s23 =	sshrl.u32 @!p1 s23, $0x2;
	_ =	swait.ge @!p1 [sflag:s22], s2;
	s4 =	smul.u32 @!p1 $0x3, s4  }
0x4b: {  	s23 =	sor.u32 @!p1 $0x10508, s23;
	s24 =	ssub.s32 @!p1 $0x0, s2;
	[sflag:s22] =	ssyncset.done @!p1 $0x0  }
0x4c: {  	[sflag:s22] =	ssyncadd.s32 @!p1 s24;
	s22 =	sshrl.u32 @!p1 s18, $0x3;
	s0 =	ssub.s32 @!p1 s0, s4  }
0x4d: {  	s24 =	sand.u32 @!p1 $0x7, s18;
	s22 =	sadd.s32 @!p1 s5, s22;
	s0 =	smul.u32 @!p1 $0x3C0, s0  }
0x4e: {  	[tilespmem:s23], [sflag:$0x9] =	stream.linear.gather @!p1 [hbm4b:s22+s24], s2, $0x38;
	[tilespmem:$0x1F6E8] =	vst v63  }
0x4f: {  	s4 =	ssub.s32 @!p1 $0x2710, s18;
	s2 =	smul.u32 @!p1 $0x1E000, s21  }
0x50: {  	p2 =	slt.s32 @!p1 s4, $0xF0  }
0x51: {  	p2 =	por !p2, p1;
	s0 =	sshrl.u32 @!p1 s0, $0x2;
	s2 =	sshrl.u32 @!p1 s2, $0x2  }
0x52: {  	s4 =	simm.s32 @p2 $0xF0;
	s0 =	sadd.s32 @!p1 $0x10238, s0;
	s2 =	sor.u32 @!p1 $0x106E8, s2  }
0x53: {  	[tilespmem:s2], [sflag:$0x7] =	stream.indirect.gather @!p1 [hbm4b:s30+s4], $0x80, s0, s4, $0xb8;
	[tilespmem:$0x1F6E8] =	vst v63  }
0x54: {  	p1 =	slt.u32 s19, $0x2  }
.Ltmp3:
0x55: {  	_ = 	snop;
	(pc) =	sbr.rel @p1 .LBB2_21-.Ltmp3, $1  }
0x56: {  	_ =	sdelay $0x3  }
0x57: {  	p1 =	sgt.s32 s20, $0x2620;
	s0 =	smov.u32 s20  }
0x58: {  	s2 =	sshra.s32 s20, $0x1F;
	s4 =	ssub.s32 $0x2710, s20;
	s0 =	simm.s32 @!p1 $0x2620  }
0x59: {  	s2 =	sand.u32 s2, s20;
	p1 =	slt.s32 s4, $0xF0;
	s21 =	smov.u32 s4  }
0x5a: {  	s0 =	ssub.s32 s0, s2;
	s21 =	simm.s32 @!p1 $0xF0  }
0x5b: {  	s0 =	sadd.s32 $0xFFFFD9E0, s0;
	s25 =	sshll.u32 s21, $0x7  }
0x5c: {  	s26 =	sshll.u32 s0, $0x2;
	s2 =	sand.u32 $0x3FFFFF80, s25  }
0x5d: {  	p1 =	sgt.s32 s0, $0xEF;
	s29 =	ssub.s32 $0x3C0, s26;
	_ =	swait.ge [sflag:s10], s2  }
0x5e: {  	s2 =	ssub.s32 $0x0, s2;
	[sflag:s10] =	ssyncset.done $0x0;
	s0 =	sshrl.u32 s29, $0x2  }
0x5f: {  	[sflag:s10] =	ssyncadd.s32 s2;
	s0 =	simm.s32 @p1 $0x0  }
0x60: {  	_ =	swait.ge [sflag:s11], s0  }
0x61: {  	s0 =	ssub.s32 $0x0, s0;
	[sflag:s11] =	ssyncset.done $0x0  }
0x62: {  	[sflag:s11] =	ssyncadd.s32 s0  }
0x63: {  	v1 =	vld [tilespmem:$0xF208];
	_ =	sdelay $0x4  }
0x64: {  	(v2sf) =	vpush v1, $0x0  }
0x65: {  	(v2sf) =	vpush v1, $0x1  }
0x66: {  	(v2sf) =	vpush v1, $0x2;
	_ =	sdelay $0x3  }
0x67: {  	s0 =	sadd.s32 $0xF0, s20  }
0x68: {  	p1 =	slt.s32 s8, s0  }
0x69: {  	s0 =	smov.u32 @p1 s8;
	p1 =	sgt.s32 s4, $0x0  }
0x6a: {  	s24 =	ssub.s32 s0, s20;
	s4 =	simm.s32 @!p1 $0x0  }
0x6b: {  	p1 =	slt.s32 s4, s24  }
0x6c: {  	s24 =	smov.u32 @p1 s4  }
0x6d: {  	s23 =	simm.s32 $0x1;
	p1 =	slt.s32 s24, $0x1  }
.Ltmp4:
0x6e: {  	s23 =	simm.s32 @!p0 $0x0;
	(pc) =	sbr.rel @p1 .LBB2_8-.Ltmp4, $4  }
0x6f: {  	s31 =	smul.u32 $0x3C0, s23  }
0x70: {  	s25 =	spop (v2sf)  }
0x71: {  	s0 =	sshrl.u32 s31, $0x2;
	s28 =	spop (v2sf)  }
0x72: {  	s21 =	sor.u32 $0x10508, s0;
	s20 =	spop (v2sf)  }
0x73: {  	s0 =	smin.u32 s24, $0x10  }
0x74: {  	v1 =	vmov s0  }
0x75: {  	p2 =	sgt.s32 s24, $0x10;
	vm1 =	vgt.u32 v1, v0  }
.Ltmp5:
0x76: {  	_ = 	snop;
	(pc) =	sbr.rel @!p2 .LBB2_7-.Ltmp5, $2  }
0x77: {  	_ =	sdelay $0x2  }
0x78: {  	s26 =	simm.s32 $0x10;
	s29 =	sadd.s32 $0xFFFFFFF0, s24;
	s22 =	smov.u32 s21;
	vm0 =	vmmov vm1  }
.LBB2_6:
0x79: {  	s0 =	smin.u32 s29, $0x10;
	s26 =	sadd.s32 $0x10, s26;
	v1 =	vld.msk [tilespmem:s22+$0x0 ss:$0x1], vm1  }
0x7a: {  	v2 =	vmov s0;
	p2 =	slt.s32 s26, s24  }
0x7b: {  	vm1 =	vgt.u32 v2, v0  }
.Ltmp6:
0x7c: {  	(pc) =	sbr.rel @p2 .LBB2_6-.Ltmp6, $3  }
0x7d: {  	_ =	sdelay $0x1  }
0x7e: {  	v1 =	vshll.u32 v1, $0x4  }
0x7f: {  	s29 =	sadd.s32 $0xFFFFFFF0, s29;
	[tilespmem:s22+$0x0] =	vst.msk vm0, v1;
	s22 =	sadd.s32 $0x10, s22;
	vm0 =	vmmov vm1  }
.LBB2_7:
0x80: {  	_ =	sdelay $0x4  }
0x81: {  	v1 =	vld.msk [tilespmem:s22+$0x0 ss:$0x1], vm1;
	_ =	sdelay $0x4  }
0x82: {  	v1 =	vshll.u32 v1, $0x4  }
0x83: {  	[tilespmem:s22+$0x0] =	vst.msk vm0, v1  }
.LBB2_8:
0x84: {  	s0 =	sand.u32 $0x1, s19  }
0x85: {  	s0 =	smul.u32 $0xF0, s0  }
0x86: {  	p2 =	sne.s32 s28, $0xFFFFFFFF  }
0x87: {  	v1 =	vld.msk @!p2 [tilespmem:s0+$0x10508], $0x1;
	_ =	sdelay $0x4  }
0x88: {  	(v2sf) =	vpush @!p2 v1, $0x0;
	_ =	sdelay $0xc  }
.Ltmp7:
0x89: {  	_ = 	snop;
	(pc) =	sbr.rel @p1 .LBB2_19-.Ltmp7, $4  }
0x8a: {  	_ = 	snop  }
0x8b: {  	s26 =	spop @!p2 (v2sf)  }
0x8c: {  	s20 =	simm.s32 @!p2 $0x0;
	s22 =	smov.u32 s26  }
0x8d: {  	[sflag:s16] =	ssyncpa.u1 $0x0;
	s26 =	smov.u32 @p2 s25;
	s22 =	smov.u32 @p2 s28  }
0x8e: {  	v1 =	vld.msk [tilespmem:s21+$0x0], $0x1;
	_ =	sdelay $0x4  }
0x8f: {  	(v2sf) =	vpush v1, $0x0;
	_ =	sdelay $0xe  }
0x90: {  	s9 =	smov.u32 s30;
	s0 =	smul.u32 $0x1E000, s23;
	s30 =	spop (v2sf)  }
0x91: {  	s24 =	ssub.s32 $0x0, s24;
	p1 =	seq.s32 s26, s30  }
0x92: {  	s28 =	sadd.s32 $0x1, s24;
	s0 =	sshrl.u32 s0, $0x2;
	p2 =	sgt.s32 @!p1 s26, $0x0  }
0x93: {  	s23 =	sor.u32 $0x10728, s0;
	s0 =	smov.u32 s26;
	p2 =	por !p2, p1  }
0x94: {  	s0 =	simm.s32 @p2 $0x0;
	p2 =	seq.s32 s28, $0x0  }
.Ltmp8:
0x95: {  	_ = 	snop;
	(pc) =	sbr.rel @p2 .LBB2_11-.Ltmp8, $4  }
0x96: {  	_ = 	snop  }
0x97: {  	s25 =	simm.s32 $0x0;
	s31 =	simm.s32 @!p1 $0x1;
	s2 =	smin.u32 @!p1 s0, $0x3F0  }
0x98: {  	s29 =	sadd.s32 $0x1, s21;
	s31 =	smov.u32 @p1 s25;
	s4 =	sand.u32 @!p1 $0x3F8, s2  }
0x99: {  	s0 =	simm.s32 @!p1 $0x7988;
	s2 =	sand.u32 @!p1 $0x7, s2;
	s4 =	sadd.s32 @!p1 s1, s4  }
.LBB2_10:
0x9a: {  	s3 =	smov.u32 s31  }
0x9b: {  	[tilespmem:s0], [sflag:$0x2] =	stream.linear.gather @!p1 [hbm4b:s4+s2], $0x80, $0x38;
	[tilespmem:$0x1F6E8] =	vst v63  }
0x9c: {  	s28 =	sadd.s32 $0x1, s28;
	s2 =	smov.u32 s30;
	v1 =	vld.msk [tilespmem:s29+$0x0], $0x1  }
0x9d: {  	p2 =	seq.s32 s28, $0x0;
	_ =	sdelay $0x3  }
0x9e: {  	(v2sf) =	vpush v1, $0x0;
	_ =	sdelay $0xe  }
0x9f: {  	s30 =	spop (v2sf)  }
0xa0: {  	p1 =	seq.s32 s2, s30  }
0xa1: {  	p3 =	sgt.s32 @!p1 s2, $0x0;
	s0 =	sshll.u32 @!p1 s31, $0x9;
	s31 =	sadd.s32 @!p1 $0x1, s31  }
.Ltmp9:
0xa2: {  	p3 =	por !p3, p1;
	s0 =	sshra.s32 @!p1 s0, $0x2;
	(pc) =	sbr.rel @!p2 .LBB2_10-.Ltmp9, $4  }
0xa3: {  	s31 =	smov.u32 @p1 s3;
	s2 =	simm.s32 @p3 $0x0;
	s0 =	sadd.s32 @!p1 $0x7988, s0  }
0xa4: {  	s2 =	smin.u32 @!p1 s2, $0x3F0  }
0xa5: {  	s3 =	sand.u32 @!p1 $0x3F8, s2;
	s2 =	sand.u32 @!p1 $0x7, s2  }
0xa6: {  	s29 =	sadd.s32 $0x1, s29;
	s4 =	sadd.s32 @!p1 s1, s3  }
.LBB2_11:
0xa7: {  	[tilespmem:s0], [sflag:$0x2] =	stream.linear.gather @!p1 [hbm4b:s4+s2], $0x80, $0x38;
	[tilespmem:$0x1F6E8] =	vst v63  }
.Ltmp10:
0xa8: {  	s28 =	sshll.u32 s31, $0x7;
	(pc) =	sbr.rel .LBB2_12-.Ltmp10, $4  }
0xa9: {  	s31 =	simm.s32 $0x2;
	s0 =	sand.u32 $0x3FFFFF80, s28  }
0xaa: {  	_ =	swait.ge [sflag:s31], s0  }
0xab: {  	s0 =	ssub.s32 $0x0, s0;
	[sflag:s31] =	ssyncset.done $0x0  }
0xac: {  	s29 =	simm.s32 $0x0;
	s30 =	smov.u32 s9;
	[sflag:s31] =	ssyncadd.s32 s0  }
.LBB2_13:
0xad: {  	v1 =	vld [tilespmem:s23+$0xFFFFFFC0];
	_ =	sdelay $0x3  }
0xae: {  	s0 =	sshra.s32 s0, $0x2  }
0xaf: {  	[tilespmem:s0+$0x108] =	vst.add.f32.msk $0xffff, v1  }
0xb0: {  	v1 =	vld [tilespmem:s23+$0xFFFFFFD0];
	_ =	sdelay $0x4  }
0xb1: {  	[tilespmem:s0+$0x118] =	vst.add.f32.msk $0xffff, v1  }
0xb2: {  	v1 =	vld [tilespmem:s23+$0xFFFFFFE0];
	_ =	sdelay $0x4  }
0xb3: {  	[tilespmem:s0+$0x128] =	vst.add.f32.msk $0xffff, v1  }
0xb4: {  	v1 =	vld [tilespmem:s23+$0xFFFFFFF0];
	_ =	sdelay $0x4  }
0xb5: {  	[tilespmem:s0+$0x138] =	vst.add.f32.msk $0xffff, v1  }
0xb6: {  	v1 =	vld [tilespmem:s23+$0x0];
	_ =	sdelay $0x4  }
0xb7: {  	[tilespmem:s0+$0x148] =	vst.add.f32.msk $0xffff, v1  }
0xb8: {  	v1 =	vld [tilespmem:s23+$0x10];
	_ =	sdelay $0x4  }
0xb9: {  	[tilespmem:s0+$0x158] =	vst.add.f32.msk $0xffff, v1  }
0xba: {  	v1 =	vld [tilespmem:s23+$0x20];
	_ =	sdelay $0x4  }
0xbb: {  	[tilespmem:s0+$0x168] =	vst.add.f32.msk $0xffff, v1  }
0xbc: {  	v1 =	vld [tilespmem:s23+$0x30];
	_ =	sdelay $0x4  }
0xbd: {  	[tilespmem:s0+$0x178] =	vst.add.f32.msk $0xffff, v1  }
.LBB2_17:
0xbe: {  	s24 =	sadd.s32 $0x1, s24  }
0xbf: {  	p1 =	seq.s32 s24, $0x0  }
.Ltmp11:
0xc0: {  	_ = 	snop;
	(pc) =	sbr.rel @p1 .LBB2_18-.Ltmp11, $2  }
0xc1: {  	_ =	sdelay $0x2  }
0xc2: {  	s21 =	sadd.s32 $0x1, s21;
	s23 =	sadd.s32 $0x80, s23;
	s26 =	smov.u32 s28  }
.LBB2_12:
0xc3: {  	v1 =	vld.msk [tilespmem:s21+$0x0], $0x1;
	_ =	sdelay $0x4  }
0xc4: {  	(v2sf) =	vpush v1, $0x0;
	_ =	sdelay $0xe  }
0xc5: {  	s28 =	spop (v2sf)  }
0xc6: {  	p1 =	sne.s32 s26, s28  }
.Ltmp12:
0xc7: {  	_ = 	snop;
	(pc) =	sbr.rel @!p1 .LBB2_13-.Ltmp12, $2  }
0xc8: {  	_ =	sdelay $0x2  }
0xc9: {  	s0 =	sshll.u32 s20, $0x9  }
0xca: {  	p1 =	seq.s32 s26, s22  }
.Ltmp13:
0xcb: {  	_ = 	snop;
	(pc) =	sbr.rel @!p1 .LBB2_15-.Ltmp13, $1  }
0xcc: {  	_ =	sdelay $0x3  }
0xcd: {  	s0 =	sshra.s32 s0, $0x2  }
.Ltmp14:
0xce: {  	s0 =	sadd.s32 $0x108, s0;
	(pc) =	sbr.rel .LBB2_16-.Ltmp14, $4  }
0xcf: {  	[spmem:s14] =	stream.linear.scatter [tilespmem:s0], [sflag:$0x1], $0x80, $0x38;
	[tilespmem:$0x1F6E8] =	vst v63  }
0xd0: {  	_ =	swait.ge [sflag:s12], $0x80  }
0xd1: {  	[sflag:s12] =	ssyncset.done $0x0  }
0xd2: {  	[sflag:s12] =	ssyncadd.s32 $0xFFFFFF80  }
.LBB2_15:
0xd3: {  	s2 =	sshll.u32 s25, $0x9  }
0xd4: {  	s2 =	sshra.s32 s2, $0x2  }
0xd5: {  	v1 =	vld [tilespmem:s2+$0x7988];
	_ =	sdelay $0x3  }
0xd6: {  	s0 =	sshra.s32 s0, $0x2  }
0xd7: {  	[tilespmem:s0+$0x108] =	vst.add.f32.msk $0xffff, v1  }
0xd8: {  	v1 =	vld [tilespmem:s2+$0x7998];
	_ =	sdelay $0x4  }
0xd9: {  	[tilespmem:s0+$0x118] =	vst.add.f32.msk $0xffff, v1  }
0xda: {  	v1 =	vld [tilespmem:s2+$0x79A8];
	_ =	sdelay $0x4  }
0xdb: {  	[tilespmem:s0+$0x128] =	vst.add.f32.msk $0xffff, v1  }
0xdc: {  	v1 =	vld [tilespmem:s2+$0x79B8];
	_ =	sdelay $0x4  }
0xdd: {  	[tilespmem:s0+$0x138] =	vst.add.f32.msk $0xffff, v1  }
0xde: {  	v1 =	vld [tilespmem:s2+$0x79C8];
	_ =	sdelay $0x4  }
0xdf: {  	[tilespmem:s0+$0x148] =	vst.add.f32.msk $0xffff, v1  }
0xe0: {  	v1 =	vld [tilespmem:s2+$0x79D8];
	_ =	sdelay $0x4  }
0xe1: {  	[tilespmem:s0+$0x158] =	vst.add.f32.msk $0xffff, v1  }
0xe2: {  	v1 =	vld [tilespmem:s2+$0x79E8];
	_ =	sdelay $0x4  }
0xe3: {  	[tilespmem:s0+$0x168] =	vst.add.f32.msk $0xffff, v1  }
0xe4: {  	v1 =	vld [tilespmem:s2+$0x79F8];
	_ =	sdelay $0x2  }
0xe5: {  	p1 =	sgt.u32 s26, $0x3F0  }
0xe6: {  	s2 =	sand.u32 @!p1 $0x3F8, s26  }
0xe7: {  	s3 =	sadd.s32 $0x108, s0;
	[tilespmem:s0+$0x178] =	vst.add.f32.msk $0xffff, v1;
	s0 =	sadd.s32 @!p1 s1, s2;
	s2 =	sand.u32 @!p1 $0x7, s26  }
0xe8: {  	[hbm4b:s0+s2] =	stream.linear.scatter @!p1 [tilespmem:s3], [sflag:$0xA], $0x80, $0x38;
	[tilespmem:$0x1F6E8] =	vst v63  }
0xe9: {  	s0 =	simm.s32 $0x0  }
0xea: {  	s0 =	simm.s32 @!p1 $0x200  }
0xeb: {  	s29 =	sadd.s32 s0, s29  }
.LBB2_16:
0xec: {  	s0 =	sadd.s32 $0x1, s20  }
0xed: {  	s2 =	smulhi.u32 $0x88888889, s0;
	_ =	sdelay $0x1  }
0xee: {  	v1 =	vld [tilespmem:s23+$0xFFFFFFC0];
	s2 =	sshrl.u32 s2, $0x7  }
0xef: {  	s2 =	smul.u32 $0xF0, s2;
	_ =	sdelay $0x1  }
0xf0: {  	s20 =	ssub.s32 s0, s2  }
0xf1: {  	s0 =	sshll.u32 s20, $0x7  }
0xf2: {  	[tilespmem:s0+$0x108] =	vst v1  }
0xf3: {  	v1 =	vld [tilespmem:s23+$0xFFFFFFD0];
	_ =	sdelay $0x4  }
0xf4: {  	[tilespmem:s0+$0x118] =	vst v1  }
0xf5: {  	v1 =	vld [tilespmem:s23+$0xFFFFFFE0];
	_ =	sdelay $0x4  }
0xf6: {  	[tilespmem:s0+$0x128] =	vst v1  }
0xf7: {  	v1 =	vld [tilespmem:s23+$0xFFFFFFF0];
	_ =	sdelay $0x4  }
0xf8: {  	[tilespmem:s0+$0x138] =	vst v1  }
0xf9: {  	v1 =	vld [tilespmem:s23+$0x0];
	_ =	sdelay $0x4  }
0xfa: {  	[tilespmem:s0+$0x148] =	vst v1  }
0xfb: {  	v1 =	vld [tilespmem:s23+$0x10];
	_ =	sdelay $0x4  }
0xfc: {  	[tilespmem:s0+$0x158] =	vst v1  }
0xfd: {  	v1 =	vld [tilespmem:s23+$0x20];
	_ =	sdelay $0x4  }
0xfe: {  	[tilespmem:s0+$0x168] =	vst v1  }
0xff: {  	v1 =	vld [tilespmem:s23+$0x30]  }
.Ltmp15:
0x100: {  	_ = 	snop;
	(pc) =	sbr.rel .LBB2_17-.Ltmp15, $2  }
0x101: {  	_ =	sdelay $0x2  }
0x102: {  	s25 =	sadd.s32 $0x1, s25;
	[tilespmem:s0+$0x178] =	vst v1  }
.LBB2_19:
.Ltmp16:
0x103: {  	(pc) =	sbr.rel .LBB2_20-.Ltmp16, $4  }
0x104: {  	_ = 	snop  }
0x105: {  	s0 =	simm.s32 $0x2  }
0x106: {  	_ =	swait.ge [sflag:s0], $0x0  }
0x107: {  	s28 =	smov.u32 s26;
	[sflag:s0] =	ssyncset.done $0x0;
	s0 =	simm.s32 $0x0  }
.LBB2_22:
0x108: {  	_ =	sfence.sel $0x180000  }
0x109: {  	s0 =	simm.s32 $0x7;
	[bflag:$0x0] =	sbarrier.arrive $0xFFFF  }
0x10a: {  	s24 =	simm.s32 $0x8;
	[sflag:s0] =	ssyncpa.u1 $0x1  }
0x10b: {  	s25 =	simm.s32 $0x9;
	[sflag:s24] =	ssyncpa.u1 $0x1  }
0x10c: {  	s26 =	simm.s32 $0x2;
	[sflag:s25] =	ssyncpa.u1 $0x1  }
0x10d: {  	[sflag:s26] =	ssyncpa.u1 $0x1  }
0x10e: {  	v0 =	vld [tilespmem:$0xF208];
	_ =	sdelay $0x4  }
0x10f: {  	(v2sf) =	vpush v0, $0x0  }
0x110: {  	(v2sf) =	vpush v0, $0x1;
	_ =	sdelay $0x2  }
0x111: {  	(v2sf) =	vpush v0, $0x2;
	_ =	sdelay $0xa  }
0x112: {  	s0 =	spop (v2sf)  }
0x113: {  	s2 =	spop (v2sf)  }
0x114: {  	s3 =	smov.u32 s0;
	p0 =	sne.s32 s0, s2  }
0x115: {  	s3 =	simm.s32 @!p0 $0xFFFFFFFF  }
0x116: {  	v2 =	vimm.s32 $0x1;
	v3 =	vlaneseq.u32;
	v1 =	vmov s3;
	s3 =	spop (v2sf)  }
0x117: {  	v0 =	vperm.xlane v0, v2;
	v1 =	vperm.xlane v1, v3;
	p0 =	seq.s32 s3, $0xFFFFFFFF  }
0x118: {  	vm0 =	vcmask $0x3F04;
	s5 =	simm.s32 $0xF208;
	p1 =	sne.s32 @!p0 s0, s2  }
0x119: {  	s6 =	rddreg [dreg:$0x3];
	s0 =	simm.s32 @!p0 $0x1;
	v0 =	vsel vm0, v1, v0;
	p1 =	por !p1, p0  }
0x11a: {  	s4 =	sor.u32 $0x1000, s6;
	s2 =	sshll.u32 @!p0 s3, $0x9;
	[tilespmem:$0xF208] =	vst v0;
	s0 =	simm.s32 @p1 $0x0  }
0x11b: {  	[spmem:s4] =	stream.linear.scatter [tilespmem:s5], [sflag:$0x1], $0x2, $0x38;
	[tilespmem:$0x1F6E8] =	vst v63  }
0x11c: {  	s2 =	sshra.s32 @!p0 s2, $0x2;
	s0 =	sor.u32 @!p0 s0, s6  }
0x11d: {  	s2 =	sadd.s32 @!p0 $0x108, s2;
	s0 =	sshll.u32 @!p0 s0, $0x7  }
0x11e: {  	[spmem:s0] =	stream.linear.scatter @!p0 [tilespmem:s2], [sflag:$0x1], $0x80, $0x38;
	[tilespmem:$0x1F6E8] =	vst v63  }
0x11f: {  	s2 =	simm.s32 @!p0 $0x82  }
0x120: {  	s0 =	simm.s32 $0x1;
	s2 =	simm.s32 @p0 $0x2  }
0x121: {  	_ =	swait.ge [sflag:s0], s2  }
0x122: {  	s2 =	ssub.s32 $0x0, s2;
	[sflag:s0] =	ssyncset.done $0x0  }
0x123: {  	[sflag:s0] =	ssyncadd.s32 s2  }
0x124: {  	_ =	sfence.stream.spmem  }
0x125: {  	s28 =	simm.s32 $0x3;
	[bflag:$0x0] =	sbarrier.arrive $0xFFFF  }
0x126: {  	s29 =	simm.s32 $0x4;
	[sflag:s28] =	ssyncpa.u1 $0x1  }
0x127: {  	s30 =	simm.s32 $0x3C;
	s31 =	stileid.u32;
	[sflag:s29] =	ssyncpa.u1 $0x1  }
0x128: {  	p0 =	sne.s32 s31, $0x0;
	[sflag:s30] =	ssyncpa.u1 $0x1  }
0x129: {  	_ =	sfence @p0  }
0x12a: {  	[sflag:s0] =	ssyncpa.u1 @p0 $0x1  }
0x12b: {  	_ =	strace @p0 $0x90000050  }
0x12c: {  	[bflag:$0x2] =	sbarrier.arrive @p0 $0xFFFF  }
0x12d: {  	_ =	shalt @p0  }
.LBB2_23:
0x12e: {  	_ =	sfence.stream.spmem;
	s0 =	simm.s32 $0x5  }
0x12f: {  	s2 =	simm.s32 $0x1000;
	s3 =	simm.s32 $0xF218;
	[sflag:s0] =	ssyncpa.u1 $0x0  }
0x130: {  	[tilespmem:s3], [sflag:$0x5] =	stream.linear.gather [spmem:s2], $0x20, $0x38;
	[tilespmem:$0x1F6E8] =	vst v63  }
0x131: {  	s30 =	simm.s32 $0xF238;
	s2 =	simm.s32 $0x0  }
0x132: {  	[tilespmem:s30], [sflag:$0x5] =	stream.linear.gather [spmem:s2], $0x1000, $0x38;
	[tilespmem:$0x1F6E8] =	vst v63  }
.Ltmp17:
0x133: {  	_ = 	snop;
	(pc) =	sbr.rel .LBB2_24-.Ltmp17, $4  }
0x134: {  	_ =	swait.ge [sflag:s0], $0x1020  }
0x135: {  	[sflag:s0] =	ssyncset.done $0x0  }
0x136: {  	s31 =	simm.s32 $0x6;
	[sflag:s0] =	ssyncadd.s32 $0xFFFFEFE0  }
0x137: {  	s3 =	simm.s32 $0x0;
	[sflag:s31] =	ssyncpa.u1 $0x0  }
.LBB2_30:
0x138: {  	p0 =	slt.u32 s4, $0x3F1  }
0x139: {  	s0 =	sand.u32 @p0 $0x3F8, s4  }
0x13a: {  	s4 =	sand.u32 @p0 $0x7, s4;
	s5 =	simm.s32 @p0 $0xF188;
	s0 =	sadd.s32 @p0 s1, s0  }
0x13b: {  	[tilespmem:s5], [sflag:$0x6] =	stream.linear.gather @p0 [hbm4b:s0+s4], $0x80, $0x38;
	[tilespmem:$0x1F6E8] =	vst v63  }
0x13c: {  	s0 =	simm.s32 @p0 $0x6  }
0x13d: {  	_ =	swait.ge @p0 [sflag:s0], $0x80  }
0x13e: {  	[sflag:s0] =	ssyncset.done @p0 $0x0  }
0x13f: {  	[sflag:s0] =	ssyncadd.s32 @p0 $0xFFFFFF80  }
0x140: {  	v1 =	vld @p0 [tilespmem:$0xF188];
	_ =	sdelay $0x2  }
0x141: {  	s0 =	sshll.u32 @p0 s3, $0x9  }
0x142: {  	s4 =	sshrl.u32 @p0 s0, $0x2  }
0x143: {  	[tilespmem:s4+$0xF238] =	vst.add.f32.msk @p0 $0xffff, v1  }
0x144: {  	v1 =	vld @p0 [tilespmem:$0xF198];
	_ =	sdelay $0x4  }
0x145: {  	[tilespmem:s4+$0xF248] =	vst.add.f32.msk @p0 $0xffff, v1  }
0x146: {  	v1 =	vld @p0 [tilespmem:$0xF1A8];
	_ =	sdelay $0x4  }
0x147: {  	[tilespmem:s4+$0xF258] =	vst.add.f32.msk @p0 $0xffff, v1  }
0x148: {  	v1 =	vld @p0 [tilespmem:$0xF1B8];
	_ =	sdelay $0x4  }
0x149: {  	[tilespmem:s4+$0xF268] =	vst.add.f32.msk @p0 $0xffff, v1  }
0x14a: {  	v1 =	vld @p0 [tilespmem:$0xF1C8];
	_ =	sdelay $0x4  }
0x14b: {  	[tilespmem:s4+$0xF278] =	vst.add.f32.msk @p0 $0xffff, v1  }
0x14c: {  	v1 =	vld @p0 [tilespmem:$0xF1D8];
	_ =	sdelay $0x4  }
0x14d: {  	[tilespmem:s4+$0xF288] =	vst.add.f32.msk @p0 $0xffff, v1  }
0x14e: {  	v1 =	vld @p0 [tilespmem:$0xF1E8];
	_ =	sdelay $0x4  }
0x14f: {  	[tilespmem:s4+$0xF298] =	vst.add.f32.msk @p0 $0xffff, v1  }
0x150: {  	v1 =	vld @p0 [tilespmem:$0xF1F8];
	_ =	sdelay $0x3  }
0x151: {  	s5 =	sshll.u32 @!p0 s3, $0x9  }
0x152: {  	s5 =	smov.u32 @p0 s0;
	[tilespmem:s4+$0xF2A8] =	vst.add.f32.msk @p0 $0xffff, v1  }
0x153: {  	s0 =	sshrl.u32 s5, $0x2;
	[tilespmem:s2+$0xF218] =	vst.msk $0x1, v0  }
0x154: {  	v0 =	vld [tilespmem:s0+$0xF238];
	_ =	sdelay $0x2  }
0x155: {  	s31 =	sshll.u32 s2, $0x9  }
0x156: {  	s4 =	sshra.s32 s31, $0x2  }
0x157: {  	[tilespmem:s4+$0xF238] =	vst v0  }
0x158: {  	v0 =	vld [tilespmem:s0+$0xF248];
	_ =	sdelay $0x4  }
0x159: {  	[tilespmem:s4+$0xF248] =	vst v0  }
0x15a: {  	v0 =	vld [tilespmem:s0+$0xF258];
	_ =	sdelay $0x4  }
0x15b: {  	[tilespmem:s4+$0xF258] =	vst v0  }
0x15c: {  	v0 =	vld [tilespmem:s0+$0xF268];
	_ =	sdelay $0x4  }
0x15d: {  	[tilespmem:s4+$0xF268] =	vst v0  }
0x15e: {  	v0 =	vld [tilespmem:s0+$0xF278];
	_ =	sdelay $0x4  }
0x15f: {  	[tilespmem:s4+$0xF278] =	vst v0  }
0x160: {  	v0 =	vld [tilespmem:s0+$0xF288];
	_ =	sdelay $0x4  }
0x161: {  	[tilespmem:s4+$0xF288] =	vst v0  }
0x162: {  	v0 =	vld [tilespmem:s0+$0xF298];
	_ =	sdelay $0x4  }
0x163: {  	[tilespmem:s4+$0xF298] =	vst v0  }
0x164: {  	v0 =	vld [tilespmem:s0+$0xF2A8];
	_ =	sdelay $0x4  }
0x165: {  	s2 =	sadd.s32 $0x1, s2;
	[tilespmem:s4+$0xF2A8] =	vst v0  }
.LBB2_31:
0x166: {  	s3 =	sadd.s32 $0x1, s3  }
0x167: {  	p0 =	sne.s32 s3, $0x20  }
.Ltmp18:
0x168: {  	_ = 	snop;
	(pc) =	sbr.rel @!p0 .LBB2_32-.Ltmp18, $1  }
0x169: {  	_ =	sdelay $0x3  }
.LBB2_24:
0x16a: {  	v0 =	vld.msk [tilespmem:s3+$0xF218], $0x1;
	_ =	sdelay $0x4  }
0x16b: {  	(v2sf) =	vpush v0, $0x0;
	_ =	sdelay $0xe  }
0x16c: {  	s4 =	spop (v2sf)  }
0x16d: {  	p0 =	seq.s32 s4, $0xFFFFFFFF  }
.Ltmp19:
0x16e: {  	_ = 	snop;
	(pc) =	sbr.rel @p0 .LBB2_31-.Ltmp19, $1  }
0x16f: {  	_ =	sdelay $0x3  }
0x170: {  	p0 =	slt.s32 s2, $0x1  }
.Ltmp20:
0x171: {  	_ = 	snop;
	(pc) =	sbr.rel @p0 .LBB2_30-.Ltmp20, $1  }
0x172: {  	_ =	sdelay $0x3  }
0x173: {  	s5 =	simm.s32 $0xF218;
	p0 =	por $0x0, $0x0  }
0x174: {  	v1 =	vld.msk @!p0 [tilespmem:s5+$0x0], $0x1;
	_ =	sdelay $0x4  }
0x175: {  	(v2sf) =	vpush @!p0 v1, $0x0;
	_ =	sdelay $0xd  }
0x176: {  	p2 =	sne.s32 s2, $0x1  }
.Ltmp21:
0x177: {  	s0 =	spop @!p0 (v2sf);
	(pc) =	sbr.rel @!p2 .LBB2_28-.Ltmp21, $4  }
0x178: {  	p1 =	seq.s32 @!p0 s4, s0  }
0x179: {  	s6 =	simm.s32 $0x0;
	p1 =	por !p1, p0  }
0x17a: {  	s0 =	simm.s32 $0xFFFFFFFF;
	s6 =	simm.s32 @p1 $0xFFFFFFFF  }
0x17b: {  	s7 =	simm.s32 $0x1;
	s6 =	smov.u32 @p0 s0  }
.LBB2_27:
0x17c: {  	s0 =	smov.u32 s6;
	p0 =	sne.s32 s6, $0xFFFFFFFF  }
0x17d: {  	s5 =	sadd.s32 $0x1, s5;
	s6 =	smov.u32 s7;
	s7 =	sadd.s32 $0x1, s7  }
0x17e: {  	p1 =	sne.s32 s2, s7;
	v1 =	vld.msk @!p0 [tilespmem:s5+$0x0], $0x1;
	_ =	sdelay $0x4  }
0x17f: {  	(v2sf) =	vpush @!p0 v1, $0x0;
	_ =	sdelay $0xe  }
.Ltmp22:
0x180: {  	s8 =	spop @!p0 (v2sf);
	(pc) =	sbr.rel @p1 .LBB2_27-.Ltmp22, $4  }
0x181: {  	p2 =	seq.s32 @!p0 s4, s8  }
0x182: {  	p2 =	por !p2, p0  }
0x183: {  	s6 =	simm.s32 @p2 $0xFFFFFFFF  }
0x184: {  	s6 =	smov.u32 @p0 s0  }
.LBB2_28:
0x185: {  	p0 =	seq.s32 s6, $0xFFFFFFFF  }
.Ltmp23:
0x186: {  	_ = 	snop;
	(pc) =	sbr.rel @p0 .LBB2_30-.Ltmp23, $1  }
0x187: {  	_ =	sdelay $0x3  }
0x188: {  	s0 =	sshll.u32 s3, $0x7  }
0x189: {  	s0 =	sand.u32 $0x3FFFFF80, s0  }
0x18a: {  	v0 =	vld [tilespmem:s0+$0xF238];
	_ =	sdelay $0x2  }
0x18b: {  	s4 =	sshll.u32 s6, $0x9  }
0x18c: {  	s4 =	sshra.s32 s4, $0x2  }
0x18d: {  	[tilespmem:s4+$0xF238] =	vst.add.f32.msk $0xffff, v0  }
0x18e: {  	v0 =	vld [tilespmem:s0+$0xF248];
	_ =	sdelay $0x4  }
0x18f: {  	[tilespmem:s4+$0xF248] =	vst.add.f32.msk $0xffff, v0  }
0x190: {  	v0 =	vld [tilespmem:s0+$0xF258];
	_ =	sdelay $0x4  }
0x191: {  	[tilespmem:s4+$0xF258] =	vst.add.f32.msk $0xffff, v0  }
0x192: {  	v0 =	vld [tilespmem:s0+$0xF268];
	_ =	sdelay $0x4  }
0x193: {  	[tilespmem:s4+$0xF268] =	vst.add.f32.msk $0xffff, v0  }
0x194: {  	v0 =	vld [tilespmem:s0+$0xF278];
	_ =	sdelay $0x4  }
0x195: {  	[tilespmem:s4+$0xF278] =	vst.add.f32.msk $0xffff, v0  }
0x196: {  	v0 =	vld [tilespmem:s0+$0xF288];
	_ =	sdelay $0x4  }
0x197: {  	[tilespmem:s4+$0xF288] =	vst.add.f32.msk $0xffff, v0  }
0x198: {  	v0 =	vld [tilespmem:s0+$0xF298];
	_ =	sdelay $0x4  }
0x199: {  	[tilespmem:s4+$0xF298] =	vst.add.f32.msk $0xffff, v0  }
0x19a: {  	v0 =	vld [tilespmem:s0+$0xF2A8]  }
.Ltmp24:
0x19b: {  	_ = 	snop;
	(pc) =	sbr.rel .LBB2_31-.Ltmp24, $2  }
0x19c: {  	_ =	sdelay $0x2  }
0x19d: {  	[tilespmem:s4+$0xF2A8] =	vst.add.f32.msk $0xffff, v0  }
.LBB2_32:
0x19e: {  	p0 =	slt.s32 s2, $0x1  }
.Ltmp25:
0x19f: {  	_ = 	snop;
	(pc) =	sbr.rel @p0 .LBB2_36-.Ltmp25, $3  }
0x1a0: {  	_ =	sdelay $0x1  }
0x1a1: {  	s0 =	simm.s32 $0x6  }
0x1a2: {  	s3 =	simm.s32 $0x0;
	[sflag:s0] =	ssyncpa.u1 $0x1  }
0x1a3: {  	s0 =	simm.s32 $0xF218  }
0x1a4: {  	v0 =	vld.msk [tilespmem:s0+$0x0], $0x1;
	_ =	sdelay $0x4  }
0x1a5: {  	(v2sf) =	vpush v0, $0x0;
	_ =	sdelay $0xe  }
0x1a6: {  	s2 =	sadd.s32 $0xFFFFFFFF, s2;
	s0 =	spop (v2sf)  }
0x1a7: {  	p1 =	sne.s32 s2, $0x0;
	p0 =	sgt.u32 s0, $0x3F0  }
.Ltmp26:
0x1a8: {  	s5 =	sand.u32 @!p0 $0x3F8, s0;
	(pc) =	sbr.rel @!p1 .LBB2_35-.Ltmp26, $4  }
0x1a9: {  	s4 =	simm.s32 $0xF238;
	s0 =	sand.u32 @!p0 $0x7, s0;
	s5 =	sadd.s32 @!p0 s1, s5  }
0x1aa: {  	[hbm4b:s5+s0] =	stream.linear.scatter @!p0 [tilespmem:s4], [sflag:$0x5], $0x80, $0x38;
	[tilespmem:$0x1F6E8] =	vst v63  }
0x1ab: {  	s0 =	simm.s32 $0x0  }
0x1ac: {  	s5 =	simm.s32 $0xF219;
	s0 =	simm.s32 @!p0 $0x200  }
.LBB2_34:
0x1ad: {  	v0 =	vld.msk [tilespmem:s5+$0x0], $0x1;
	s2 =	sadd.s32 $0xFFFFFFFF, s2;
	s3 =	sadd.s32 s3, s0  }
0x1ae: {  	p0 =	sne.s32 s2, $0x0;
	_ =	sdelay $0x3  }
0x1af: {  	(v2sf) =	vpush v0, $0x0;
	_ =	sdelay $0xe  }
.Ltmp27:
0x1b0: {  	s6 =	spop (v2sf);
	(pc) =	sbr.rel @p0 .LBB2_34-.Ltmp27, $4  }
0x1b1: {  	s0 =	simm.s32 $0x0;
	p1 =	sgt.u32 s6, $0x3F0  }
0x1b2: {  	s4 =	sadd.s32 $0x80, s4;
	s0 =	simm.s32 @!p1 $0x200;
	s7 =	sand.u32 @!p1 $0x3F8, s6  }
0x1b3: {  	s5 =	sadd.s32 $0x1, s5;
	s6 =	sand.u32 @!p1 $0x7, s6;
	s7 =	sadd.s32 @!p1 s1, s7  }
0x1b4: {  	[hbm4b:s7+s6] =	stream.linear.scatter @!p1 [tilespmem:s4], [sflag:$0x5], $0x80, $0x38;
	[tilespmem:$0x1F6E8] =	vst v63  }
.LBB2_35:
0x1b5: {  	s0 =	sadd.s32 s3, s0  }
0x1b6: {  	s3 =	sshrl.u32 s0, $0x2  }
.LBB2_36:
0x1b7: {  	s0 =	simm.s32 $0x5  }
0x1b8: {  	_ =	swait.ge [sflag:s0], s3  }
0x1b9: {  	s1 =	ssub.s32 $0x0, s3;
	[sflag:s0] =	ssyncset.done $0x0  }
0x1ba: {  	[sflag:s0] =	ssyncadd.s32 s1  }
0x1bb: {  	[sflag:s0] =	ssyncpa.u1 $0x1  }
0x1bc: {  	s30 =	simm.s32 $0x1;
	_ =	sfence  }
0x1bd: {  	[sflag:s30] =	ssyncpa.u1 $0x1  }
0x1be: {  	_ =	strace $0x90000050  }
0x1bf: {  	[bflag:$0x2] =	sbarrier.arrive $0xFFFF  }
0x1c0: {  	s31 =	rddreg [dreg:$0x2]  }
0x1c1: {  	s0 =	sadd.s32 $0x100000, s31  }
0x1c2: {  	[sflag:s0] =	ssyncadd.tile.s32 $0x1;
	_ =	shalt  }
.Lfunc_end2:
_tile_overlayer_lowered:
.L_overlay_start_2:
0x1c3: {  	(tag) =	ssettag $0x2  }
0x1c4: {  	s0 =	rddreg [dreg:$0x0];
	s2 =	stileid.u32  }
0x1c5: {  	s1 =	rddreg [dreg:$0x1];
	p0 =	sne.s32 s2, $0x0  }
0x1c6: {  	s3 =	rddreg [dreg:$0x2];
	[bflag:$0x3] =	sbarrier.arrive $0xFFFF;
	s2 =	simm.s32 @!p0 $0x1C01  }
0x1c7: {  	[timem:s3], [sflag:s2] =	dma.local @!p0 [hbm:s0], s1  }
0x1c8: {  	s0 =	simm.s32 @!p0 $0x1  }
0x1c9: {  	_ =	swait.ge @!p0 [sflag:s0], s1  }
0x1ca: {  	s1 =	ssub.s32 @!p0 $0x0, s1;
	[sflag:s0] =	ssyncset.done @!p0 $0x0  }
0x1cb: {  	[sflag:s0] =	ssyncadd.s32 @!p0 s1  }
0x1cc: {  	[bflag:$0x3] =	sbarrier.arrive $0xFFFF  }
0x1cd: {  	_ =	shalt  }

</sc_bundles>
